<compile_context>
chip_gen: v7x
topology: tpu7x:2x2x1
jax: 0.10.2.dev20260603
libtpu: 0.0.44.dev20260713+nightly
codegen_flags: <defaults>
</compile_context>

<pallas_src>
import jax
import jax.numpy as jnp
from jax import lax
from jax.experimental import pallas as pl
from jax.experimental.pallas import tpu as pltpu
from jax.experimental.pallas import tpu_sc as plsc

F32 = jnp.float32
I32 = jnp.int32

NC, NS, L = 2, 16, 16
NW = NC * NS

NB = 16
KC = 100
CC = NB * KC
KM_IT = 5

EW = 80


def _mesh():
    return plsc.VectorSubcoreMesh(core_axis_name="c", subcore_axis_name="s")


def _worker_id():
    return lax.axis_index("s") * NC + lax.axis_index("c")


def _sc_deg(n_nodes, n_edges):
    ept = n_edges // NW
    rpt = ept // EW

    def body(dst_hbm, out_hbm, stage, hist):
        w = _worker_id()
        zero = jnp.zeros((L,), F32)

        def zr(i, _):
            hist[pl.ds(i * L, L)] = zero
            return 0

        lax.fori_loop(0, n_nodes // L, zr, 0)
        pltpu.sync_copy(dst_hbm.at[w], stage)
        ones = jnp.ones((L,), F32)

        def row(r, _):
            for g in range(EW // L):
                idx = stage[r, pl.ds(g * L, L)]
                plsc.addupdate_scatter(hist, [idx], ones)
            return 0

        lax.fori_loop(0, rpt, row, 0)
        pltpu.sync_copy(hist, out_hbm.at[pl.ds(w * n_nodes, n_nodes)])

    return pl.kernel(
        body,
        out_type=jax.ShapeDtypeStruct((NW * n_nodes,), F32),
        mesh=_mesh(),
        compiler_params=pltpu.CompilerParams(needs_layout_passes=False),
        scratch_types=[
            pltpu.VMEM((rpt, EW), I32),
            pltpu.VMEM((n_nodes,), F32),
        ],
    )


def _sc_msg(n_nodes, n_edges, d):
    CH = 50
    SB = 40
    ept = n_edges // NW
    rpt = ept // CH
    nsb = rpt // SB
    ZB = 8
    nblk = n_nodes // ZB
    kmax = (nblk + NS - 1) // NS

    def body(y_hbm, src_hbm, dst_hbm, out_hbm,
             sidx, didx, rows0, rows1, rows2, rows3, zbuf, acc,
             sem0, sem1, sem2, sem3):
        cid = lax.axis_index("c")
        sid = lax.axis_index("s")
        w = sid * NC + cid
        zero = jnp.zeros((L,), F32)
        dl = d // L

        def zb(i, _):
            zbuf[i // dl, pl.ds((i % dl) * L, L)] = zero
            return 0

        lax.fori_loop(0, ZB * dl, zb, 0)

        def zblk(k, _):
            b = k * NS + sid

            @pl.when(b < nblk)
            def _():
                pltpu.sync_copy(zbuf, acc.at[pl.ds(b * ZB, ZB)])
            return 0

        lax.fori_loop(0, kmax, zblk, 0)
        plsc.subcore_barrier()

        bufs = (rows0, rows1, rows2, rows3)
        sems = (sem0, sem1, sem2, sem3)

        def sblk(k, _):
            pltpu.sync_copy(src_hbm.at[w, pl.ds(k * SB, SB)], sidx)
            pltpu.sync_copy(dst_hbm.at[w, pl.ds(k * SB, SB)], didx)
            for j in range(4):
                pltpu.async_copy(y_hbm.at[sidx.at[j]], bufs[j], sems[j])

            def quad(i, _):
                for j in range(4):
                    g = i * 4 + j
                    pltpu.make_async_copy(y_hbm.at[sidx.at[g]], bufs[j],
                                          sems[j]).wait()
                    pltpu.sync_copy(bufs[j], acc.at[didx.at[g]], add=True)

                    @pl.when(g + 4 < SB)
                    def _():
                        pltpu.async_copy(y_hbm.at[sidx.at[g + 4]], bufs[j],
                                         sems[j])
                return 0

            lax.fori_loop(0, SB // 4, quad, 0)
            return 0

        lax.fori_loop(0, nsb, sblk, 0)
        plsc.subcore_barrier()

        def dblk(k, _):
            b = k * NS + sid

            @pl.when(b < nblk)
            def _():
                pltpu.sync_copy(acc.at[pl.ds(b * ZB, ZB)],
                                out_hbm.at[cid, pl.ds(b * ZB, ZB)])
            return 0

        lax.fori_loop(0, kmax, dblk, 0)

    return pl.kernel(
        body,
        out_type=jax.ShapeDtypeStruct((NC, n_nodes, d), F32),
        mesh=_mesh(),
        compiler_params=pltpu.CompilerParams(needs_layout_passes=False),
        scratch_types=[
            pltpu.VMEM((SB, CH), I32),
            pltpu.VMEM((SB, CH), I32),
            pltpu.VMEM((CH, d), F32),
            pltpu.VMEM((CH, d), F32),
            pltpu.VMEM((CH, d), F32),
            pltpu.VMEM((CH, d), F32),
            pltpu.VMEM((ZB, d), F32),
            pltpu.VMEM_SHARED((n_nodes, d), F32),
            pltpu.SemaphoreType.DMA,
            pltpu.SemaphoreType.DMA,
            pltpu.SemaphoreType.DMA,
            pltpu.SemaphoreType.DMA,
        ],
    )


def _sc_stats(n_nodes, d, n_clusters, n_edges):
    nrow = n_nodes // EW
    ept = n_edges // NW
    erpt = ept // EW
    ZB = 80
    nblk = n_clusters // ZB
    kmax = (nblk + NS - 1) // NS

    def body(h_hbm, clu_hbm, srcg, dstg,
             out_hbm, cnt_hbm, eid_hbm,
             cstage, rowbuf, hist, clu_v, sstage, dstage, zbuf, acc):
        cid = lax.axis_index("c")
        sid = lax.axis_index("s")
        w = sid * NC + cid
        zero = jnp.zeros((L,), F32)
        dl = d // L

        def zb(i, _):
            zbuf[i // dl, pl.ds((i % dl) * L, L)] = zero
            return 0

        lax.fori_loop(0, ZB * dl, zb, 0)

        def zblk(k, _):
            b = k * NS + sid

            @pl.when(b < nblk)
            def _():
                pltpu.sync_copy(zbuf, acc.at[pl.ds(b * ZB, ZB)])
            return 0

        lax.fori_loop(0, kmax, zblk, 0)

        def zh(i, _):
            hist[pl.ds(i * L, L)] = zero
            return 0

        lax.fori_loop(0, n_clusters // L, zh, 0)
        pltpu.sync_copy(clu_hbm, clu_v)
        plsc.subcore_barrier()

        ones = jnp.ones((L,), F32)
        lo = (w * nrow) // NW
        hi = ((w + 1) * nrow) // NW

        def row(r, _):
            for g in range(EW // L):
                v = clu_v[pl.ds(r * EW + g * L, L)]
                cstage[pl.ds(g * L, L)] = v
                plsc.addupdate_scatter(hist, [v], ones)
            pltpu.sync_copy(h_hbm.at[pl.ds(r * EW, EW)], rowbuf)
            pltpu.sync_copy(rowbuf, acc.at[cstage], add=True)
            return 0

        lax.fori_loop(lo, hi, row, 0)

        pltpu.sync_copy(srcg.at[w], sstage)
        pltpu.sync_copy(dstg.at[w], dstage)

        def erowf(r, _):
            for g in range(EW // L):
                sv = sstage[r, pl.ds(g * L, L)]
                dv = dstage[r, pl.ds(g * L, L)]
                cs = plsc.load_gather(clu_v, [sv])
                cd = plsc.load_gather(clu_v, [dv])
                sstage[r, pl.ds(g * L, L)] = cs * n_clusters + cd
            return 0

        lax.fori_loop(0, erpt, erowf, 0)
        pltpu.sync_copy(sstage, eid_hbm.at[w])
        pltpu.sync_copy(hist, cnt_hbm.at[pl.ds(w * n_clusters, n_clusters)])
        plsc.subcore_barrier()

        def dblk(k, _):
            b = k * NS + sid

            @pl.when(b < nblk)
            def _():
                pltpu.sync_copy(acc.at[pl.ds(b * ZB, ZB)],
                                out_hbm.at[cid, pl.ds(b * ZB, ZB)])
            return 0

        lax.fori_loop(0, kmax, dblk, 0)

    return pl.kernel(
        body,
        out_type=[
            jax.ShapeDtypeStruct((NC, n_clusters, d), F32),
            jax.ShapeDtypeStruct((NW * n_clusters,), F32),
            jax.ShapeDtypeStruct((NW, n_edges // NW // EW, EW), I32),
        ],
        mesh=_mesh(),
        compiler_params=pltpu.CompilerParams(needs_layout_passes=False),
        scratch_types=[
            pltpu.VMEM((EW,), I32),
            pltpu.VMEM((EW, d), F32),
            pltpu.VMEM((n_clusters,), F32),
            pltpu.VMEM((n_nodes,), I32),
            pltpu.VMEM((erpt, EW), I32),
            pltpu.VMEM((erpt, EW), I32),
            pltpu.VMEM((ZB, d), F32),
            pltpu.VMEM_SHARED((n_clusters, d), F32),
        ],
    )


def _sc_ahist(n_clusters, n_edges):
    bins = n_clusters * n_clusters // NW
    chunk = n_edges // NW

    def body(eidf, out_hbm, estageA, estageB, hist, semA, semB):
        w = _worker_id()
        lo_bin = w * bins
        zero = jnp.zeros((L,), F32)
        ones = jnp.ones((L,), F32)

        def zr(i, _):
            hist[pl.ds(i * L, L)] = zero
            return 0

        lax.fori_loop(0, bins // L, zr, 0)
        stages = (estageA, estageB)
        sems = (semA, semB)
        pltpu.async_copy(eidf.at[pl.ds(0, chunk)], estageA, semA)

        def ch2(cp, _):
            for b in range(2):
                ci = cp * 2 + b
                stage = stages[b]
                pltpu.make_async_copy(eidf.at[pl.ds(0, chunk)], stage,
                                      sems[b]).wait()

                @pl.when(ci + 1 < NW)
                def _():
                    pltpu.async_copy(eidf.at[pl.ds((ci + 1) * chunk, chunk)],
                                     stages[1 - b], sems[1 - b])

                def grp(g, _):
                    for u in range(5):
                        e = stage[pl.ds(g * (5 * L) + u * L, L)]
                        loc = e - lo_bin
                        m = loc.astype(jnp.uint32) < jnp.uint32(bins)
                        locc = jnp.clip(loc, 0, bins - 1)
                        plsc.addupdate_scatter(hist, [locc], ones, mask=m)
                    return 0

                lax.fori_loop(0, chunk // (5 * L), grp, 0)
            return 0

        lax.fori_loop(0, NW // 2, ch2, 0)
        pltpu.sync_copy(hist, out_hbm.at[pl.ds(w * bins, bins)])

    return pl.kernel(
        body,
        out_type=jax.ShapeDtypeStruct((NW * bins,), F32),
        mesh=_mesh(),
        compiler_params=pltpu.CompilerParams(needs_layout_passes=False),
        scratch_types=[
            pltpu.VMEM((chunk,), I32),
            pltpu.VMEM((chunk,), I32),
            pltpu.VMEM((bins,), F32),
            pltpu.SemaphoreType.DMA,
            pltpu.SemaphoreType.DMA,
        ],
    )


def _tc_prep(n, d, h):
    def body(part, x, w, dinv_ref, y_ref):
        deg = lax.dot_general(part[...], jnp.ones((NW, 1), F32),
                              (((0,), (0,)), ((), ())),
                              preferred_element_type=F32) + 1.0
        dv = lax.rsqrt(deg)
        dinv_ref[...] = dv
        y_ref[...] = jnp.dot(x[...], w[...], preferred_element_type=F32) * dv

    return pl.pallas_call(
        body,
        out_shape=[jax.ShapeDtypeStruct((n, 1), F32),
                   jax.ShapeDtypeStruct((n, h), F32)],
    )


def _tc_layer2(n, h):
    def body(acc, y1, dinv, b1, w2, y2_ref):
        h1 = jnp.maximum(dinv[...] * (acc[0] + acc[1] + y1[...]) + b1[...], 0.0)
        y2_ref[...] = jnp.dot(h1, w2[...], preferred_element_type=F32) * dinv[...]

    return pl.pallas_call(
        body,
        out_shape=jax.ShapeDtypeStruct((n, h), F32),
    )


def _tc_kmeans(n, d):
    PAD = 1024
    NP = n + PAD
    BLK = 768

    def body(acc, y2, dinv, b2, batch, h_ref, clu_ref, hpad, bpad, clpad):
        hh = dinv[...] * (acc[0] + acc[1] + y2[...]) + b2[...]
        h_ref[...] = hh
        hpad[0:n, :] = hh
        hpad[n:NP, :] = jnp.zeros((PAD, d), F32)
        bv = batch[...]
        bpad[0:n, :] = bv
        bpad[n:NP, :] = jnp.full((PAD, 1), NB, I32)

        brow = lax.broadcasted_iota(I32, (1, NB + 1), 1)
        srow = jnp.sum((bv < brow).astype(I32), axis=0, keepdims=True)

        def bloop(bi, _):
            start = jnp.sum(jnp.where(brow == bi, srow, 0))
            n_end = jnp.sum(jnp.where(brow == bi + 1, srow, 0))
            ws = pl.multiple_of((start // 8) * 8, 8)
            nblk = (n_end - ws + BLK - 1) // BLK
            c = hpad[pl.ds(start, KC), :]
            iota_k = lax.broadcasted_iota(I32, (BLK, KC), 1)
            onesd = jnp.ones((1, d), F32)
            onesb = jnp.ones((BLK, 1), F32)
            for it in range(KM_IT):
                csq = lax.dot_general(onesd, c * c, (((1,), (1,)), ((), ())),
                                      preferred_element_type=F32)
                last = it == KM_IT - 1

                def blk(j, carry):
                    r0 = ws + j * BLK
                    hb = hpad[pl.ds(r0, BLK), :]
                    valid = bpad[pl.ds(r0, BLK), :] == bi
                    xsq = jnp.sum(hb * hb, axis=1, keepdims=True)
                    d2 = xsq + csq - 2.0 * lax.dot_general(
                        hb, c, (((1,), (1,)), ((), ())),
                        preferred_element_type=F32)
                    mn = jnp.min(d2, axis=1, keepdims=True)
                    ass = jnp.min(jnp.where(d2 <= mn, iota_k, KC),
                                  axis=1, keepdims=True)
                    if last:
                        old = clpad[pl.ds(r0, BLK), :]
                        clpad[pl.ds(r0, BLK), :] = jnp.where(valid, ass + bi * KC, old)
                        return carry
                    oneh = ((iota_k == ass) & valid).astype(F32)
                    cs_, cn_ = carry
                    cs_ = cs_ + lax.dot_general(oneh, hb, (((0,), (0,)), ((), ())),
                                                preferred_element_type=F32)
                    cn_ = cn_ + lax.dot_general(oneh, onesb, (((0,), (0,)), ((), ())),
                                                preferred_element_type=F32)
                    return cs_, cn_

                if last:
                    lax.fori_loop(0, nblk, blk, 0)
                else:
                    cs_, cn_ = lax.fori_loop(
                        0, nblk, blk,
                        (jnp.zeros((KC, d), F32), jnp.zeros((KC, 1), F32)))
                    c = cs_ / jnp.maximum(cn_, 1.0)
            return 0

        lax.fori_loop(0, NB, bloop, 0)
        clu_ref[...] = clpad[0:n, :]

    return pl.pallas_call(
        body,
        out_shape=[jax.ShapeDtypeStruct((n, d), F32),
                   jax.ShapeDtypeStruct((n, 1), I32)],
        compiler_params=pltpu.CompilerParams(vmem_limit_bytes=63 * 1024 * 1024),
        scratch_shapes=[
            pltpu.VMEM((NP, d), F32),
            pltpu.VMEM((NP, 1), I32),
            pltpu.VMEM((NP, 1), I32),
        ],
    )


def _tc_final(d, out_dim):
    def body(A, cxs, cntp, wpr, bpr, w1, b1, w2, b2, wm1, bm1, wm2, bm2, out_ref):
        cnt = lax.dot_general(cntp[...], jnp.ones((NW, 1), F32),
                              (((0,), (0,)), ((), ())),
                              preferred_element_type=F32)
        cx = (cxs[0] + cxs[1]) / jnp.maximum(cnt, 1.0)
        cx = jnp.dot(cx, wpr[...], preferred_element_type=F32) + bpr[...]
        rr = lax.broadcasted_iota(I32, (CC, 1), 0)
        ccol = lax.broadcasted_iota(I32, (1, CC), 1)
        ind = jnp.where((A[...] > 0.0) & (rr != ccol), 1.0, 0.0)
        degc = lax.dot_general(ind, jnp.ones((CC, 1), F32),
                               (((0,), (0,)), ((), ())),
                               preferred_element_type=F32) + 1.0
        dinvc = lax.rsqrt(degc)

        def conv(xin, w, bias):
            z = jnp.dot(xin, w[...], preferred_element_type=F32) * dinvc
            t = lax.dot_general(ind, z, (((0,), (0,)), ((), ())),
                                preferred_element_type=F32)
            return dinvc * (t + z) + bias[...]

        h1 = jnp.maximum(conv(cx, w1, b1), 0.0)
        h2 = conv(h1, w2, b2)
        gi = lax.broadcasted_iota(I32, (NB, CC), 0)
        ci = lax.broadcasted_iota(I32, (NB, CC), 1)
        P = (ci // KC == gi).astype(F32)
        pooled = jnp.dot(P, h2, preferred_element_type=F32) / float(KC)
        hm = jnp.dot(pooled, wm1[...], preferred_element_type=F32) + bm1[...]
        hm = 0.5 * hm * (1.0 + lax.erf(hm * (2.0 ** -0.5)))
        out_ref[...] = jnp.dot(hm, wm2[...], preferred_element_type=F32) + bm2[...]

    return pl.pallas_call(
        body,
        out_shape=jax.ShapeDtypeStruct((NB, out_dim), F32),
    )


def kernel(x, edge_index, batch, W_g1, b_g1, W_g2, b_g2, W_proj, b_proj,
           W_p1, b_p1, W_p2, b_p2, W_m1, b_m1, W_m2, b_m2):
    n, d = x.shape
    e = edge_index.shape[1]
    h = W_g1.shape[1]
    out_dim = W_m2.shape[1]
    ept = e // NW

    src = edge_index[0]
    dst = edge_index[1]
    src3 = src.reshape(NW, ept // EW, EW)
    dst3 = dst.reshape(NW, ept // EW, EW)

    degp = _sc_deg(n, e)(dst3).reshape(NW, n)
    dinv, y1 = _tc_prep(n, d, h)(degp, x, W_g1)
    src4 = src.reshape(NW, ept // 50, 50)
    dst4 = dst.reshape(NW, ept // 50, 50)
    acc1 = _sc_msg(n, e, h)(y1, src4, dst4)
    y2 = _tc_layer2(n, h)(acc1, y1, dinv, b_g1.reshape(1, h), W_g2)
    acc2 = _sc_msg(n, e, h)(y2, src4, dst4)
    hfeat, clu2d = _tc_kmeans(n, h)(acc2, y2, dinv, b_g2.reshape(1, h),
                                    batch.reshape(n, 1))
    clu = clu2d.reshape(n)
    cxs, cntf, eid3 = _sc_stats(n, h, CC, e)(hfeat, clu, src3, dst3)
    cntp = cntf.reshape(NW, CC)
    acnt = _sc_ahist(CC, e)(eid3.reshape(e))
    A2 = acnt.reshape(CC, CC)
    return _tc_final(h, out_dim)(
        A2, cxs, cntp, W_proj, b_proj.reshape(1, h), W_p1, b_p1.reshape(1, h),
        W_p2, b_p2.reshape(1, h), W_m1, b_m1.reshape(1, h),
        W_m2, b_m2.reshape(1, out_dim))

# --- scband reference (transcript-rebuilt; emitter-appended) ---
"""Pipeline reference for scband-gcnwith-coarsening-83416854822922 (READ-ONLY COPY).

The authoritative reference and input builder live on the scoring server;
editing this copy changes nothing except your own understanding.
"""

import jax, jax.numpy as jnp
import numpy as np

N = 10000
E = 320000
D = 128
H = 128
OUT = 16
B = 16
K = 100
C = B * K
KM_ITERS = 5


def gcn_conv(x, src, dst, ew, W, b, n):
    loop = jnp.arange(n, dtype=src.dtype)
    s = jnp.concatenate([src, loop])
    d = jnp.concatenate([dst, loop])
    w = jnp.concatenate([ew, jnp.ones((n,), x.dtype)])
    deg = jax.ops.segment_sum(w, d, num_segments=n)
    dinv = jnp.where(deg > 0, 1.0 / jnp.sqrt(jnp.maximum(deg, 1e-12)), 0.0)
    norm = dinv[s] * dinv[d] * w
    xw = x @ W
    out = jax.ops.segment_sum(xw[s] * norm[:, None], d, num_segments=n)
    return out + b


def gcn2(x, src, dst, ew, W1, b1, W2, b2, n):
    h = jax.nn.relu(gcn_conv(x, src, dst, ew, W1, b1, n))
    return gcn_conv(h, src, dst, ew, W2, b2, n)


def kmeans_masked(x, mask):
    idx = jnp.argsort(jnp.where(mask, 0, 1))
    c = x[idx[:K]]
    maskf = mask.astype(x.dtype)
    xsq = (x * x).sum(-1)
    assign = jnp.zeros((x.shape[0],), jnp.int32)
    for _ in range(KM_ITERS):
        d2 = xsq[:, None] + (c * c).sum(-1)[None, :] - 2.0 * (x @ c.T)
        d2 = jnp.where(mask[:, None], d2, jnp.inf)
        assign = jnp.argmin(d2, axis=1).astype(jnp.int32)
        oneh = jax.nn.one_hot(assign, K, dtype=x.dtype) * maskf[:, None]
        cnt = oneh.sum(0)
        c = (oneh.T @ x) / jnp.maximum(cnt, 1.0)[:, None]
    return assign


def _forward(x, edge_index, batch, W_g1, b_g1, W_g2, b_g2, W_proj, b_proj, W_p1, b_p1, W_p2, b_p2, W_m1, b_m1, W_m2, b_m2):
    src = edge_index[0]
    dst = edge_index[1]
    ew = jnp.ones((src.shape[0],), jnp.float32)
    h = gcn2(x, src, dst, ew, W_g1, b_g1, W_g2, b_g2, N)
    hs = jax.lax.stop_gradient(h)
    cluster = jnp.zeros((N,), jnp.int32)
    for bi in range(B):
        mask = (batch == bi)
        assign = kmeans_masked(hs, mask)
        cluster = jnp.where(mask, assign + bi * K, cluster)
    cnt = jax.ops.segment_sum(jnp.ones((N,), jnp.float32), cluster, num_segments=C)
    cx = jax.ops.segment_sum(h, cluster, num_segments=C) / jnp.maximum(cnt, 1.0)[:, None]
    csrc = cluster[src]
    cdst = cluster[dst]
    eid = csrc * C + cdst
    order = jnp.argsort(eid)
    se = eid[order]
    keep = jnp.concatenate([jnp.ones((1,), bool), se[1:] != se[:-1]])
    s2 = csrc[order]
    d2 = cdst[order]
    w2 = (keep & (s2 != d2)).astype(jnp.float32)
    cx = cx @ W_proj + b_proj
    h2 = gcn2(cx, s2, d2, w2, W_p1, b_p1, W_p2, b_p2, C)
    batch_c = jnp.arange(C, dtype=jnp.int32) // K
    pooled = jax.ops.segment_sum(h2, batch_c, num_segments=B) / float(K)
    hm = jax.nn.gelu(pooled @ W_m1 + b_m1, approximate=False)
    return hm @ W_m2 + b_m2


def setup_inputs(seed: int = 0):
    key = jax.random.key(seed)
    ks = jax.random.split(key, 20)

    def p(k, shape):
        return jax.random.normal(k, shape, jnp.float32) * 0.05

    x = jax.random.normal(ks[0], (N, D), jnp.float32)
    edge_index = jax.random.randint(ks[1], (2, E), 0, N, dtype=jnp.int32)
    batch = jnp.sort(jax.random.randint(ks[2], (N,), 0, B, dtype=jnp.int32))
    return {
        "x": x,
        "edge_index": edge_index,
        "batch": batch,
        "W_g1": p(ks[3], (D, H)), "b_g1": jnp.zeros((H,), jnp.float32),
        "W_g2": p(ks[4], (H, H)), "b_g2": jnp.zeros((H,), jnp.float32),
        "W_proj": p(ks[5], (H, H)), "b_proj": jnp.zeros((H,), jnp.float32),
        "W_p1": p(ks[6], (H, H)), "b_p1": jnp.zeros((H,), jnp.float32),
        "W_p2": p(ks[7], (H, H)), "b_p2": jnp.zeros((H,), jnp.float32),
        "W_m1": p(ks[8], (H, H)), "b_m1": jnp.zeros((H,), jnp.float32),
        "W_m2": p(ks[9], (H, OUT)), "b_m2": jnp.zeros((OUT,), jnp.float32),
    }


def reference(x, edge_index, batch, W_g1, b_g1, W_g2, b_g2, W_proj, b_proj, W_p1, b_p1, W_p2, b_p2, W_m1, b_m1, W_m2, b_m2):
    return _forward(x, edge_index, batch, W_g1, b_g1, W_g2, b_g2, W_proj, b_proj, W_p1, b_p1, W_p2, b_p2, W_m1, b_m1, W_m2, b_m2)

if __name__ == "__main__":
    import jax
    _d = setup_inputs()
    print(jax.jit(kernel)(*tuple(_d.values())))

</pallas_src>

<mosaic_0001>
#map = affine_map<(d0, d1) -> (0, 0)>
#map1 = affine_map<(d0, d1) -> (0, 0, 0)>
module attributes {stable_mosaic.version = 14 : i64} {
  func.func @body(%arg0: i32, %arg1: i32, %arg2: memref<10000x128xf32, #tpu.memory_space<hbm>>, %arg3: memref<32x200x50xi32, #tpu.memory_space<hbm>>, %arg4: memref<32x200x50xi32, #tpu.memory_space<hbm>>, %arg5: memref<2x10000x128xf32, #tpu.memory_space<hbm>>, %arg6: memref<40x50xi32, #tpu.memory_space<vmem>>, %arg7: memref<40x50xi32, #tpu.memory_space<vmem>>, %arg8: memref<50x128xf32, #tpu.memory_space<vmem>>, %arg9: memref<50x128xf32, #tpu.memory_space<vmem>>, %arg10: memref<50x128xf32, #tpu.memory_space<vmem>>, %arg11: memref<50x128xf32, #tpu.memory_space<vmem>>, %arg12: memref<8x128xf32, #tpu.memory_space<vmem>>, %arg13: memref<10000x128xf32, #tpu.memory_space<vmem_shared>>, %arg14: memref<!tpu.dma_semaphore, #tpu.memory_space<semaphore_mem>>, %arg15: memref<!tpu.dma_semaphore, #tpu.memory_space<semaphore_mem>>, %arg16: memref<!tpu.dma_semaphore, #tpu.memory_space<semaphore_mem>>, %arg17: memref<!tpu.dma_semaphore, #tpu.memory_space<semaphore_mem>>) attributes {dimension_semantics = [#tpu.dimension_semantics<core_parallel>, #tpu.dimension_semantics<subcore_parallel>], iteration_bounds = array<i64: 2, 16>, scalar_prefetch = 0 : i64, scratch_operands = 12 : i64, tpu.core_type = #tpu.core_type<sc_vector_subcore>, window_params = [{transform_indices = #map}, {transform_indices = #map1}, {transform_indices = #map1}, {transform_indices = #map1}]} {
    %mul3A = arith.constant 2 : i32
    %mul3A_0 = arith.muli %arg1, %mul3A : i32
    %add3A = arith.addi %mul3A_0, %arg0 : i32
    %broadcast_in_dim3A = arith.constant 0.000000e+00 : f32
    %broadcast_in_dim3A_1 = vector.broadcast %broadcast_in_dim3A : f32 to vector<16xf32>
    %scan3A = arith.constant 0 : i32
    %scan3A_2 = arith.constant 0 : i32
    %scan3A_3 = arith.constant 64 : i32
    %scan3A_4 = arith.addi %scan3A_2, %scan3A_3 : i32
    %scan3A_5 = arith.constant 1 : i32
    %scan3A_6 = scf.for %scan3A_30 = %scan3A_2 to %scan3A_4 step %scan3A_5 iter_args(%scan3A_31 = %scan3A) -> (i32)  : i32 {
      %jit3A = arith.constant 8 : i32
      %div3A = arith.divsi %scan3A_30, %jit3A : i32
      %sign3A = arith.constant 0 : i32
      %sign3A_32 = arith.cmpi sgt, %scan3A_30, %sign3A : i32
      %sign3A_33 = arith.extui %sign3A_32 : i1 to i32
      %sign3A_34 = arith.constant 0 : i32
      %sign3A_35 = arith.cmpi slt, %scan3A_30, %sign3A_34 : i32
      %sign3A_36 = arith.extui %sign3A_35 : i1 to i32
      %sign3A_37 = arith.subi %sign3A_33, %sign3A_36 : i32
      %sign3A_38 = arith.constant 0 : i32
      %sign3A_39 = arith.cmpi sgt, %jit3A, %sign3A_38 : i32
      %sign3A_40 = arith.extui %sign3A_39 : i1 to i32
      %sign3A_41 = arith.constant 0 : i32
      %sign3A_42 = arith.cmpi slt, %jit3A, %sign3A_41 : i32
      %sign3A_43 = arith.extui %sign3A_42 : i1 to i32
      %sign3A_44 = arith.subi %sign3A_40, %sign3A_43 : i32
      %ne3A = arith.cmpi ne, %sign3A_37, %sign3A_44 : i32
      %rem3A = arith.remsi %scan3A_30, %jit3A : i32
      %ne3A_45 = arith.constant 0 : i32
      %ne3A_46 = arith.cmpi ne, %rem3A, %ne3A_45 : i32
      %and3A = arith.andi %ne3A, %ne3A_46 : i1
      %sub3A = arith.constant 1 : i32
      %sub3A_47 = arith.subi %div3A, %sub3A : i32
      %select_n3A = arith.select %and3A, %sub3A_47, %div3A : i32
      %jit3A_48 = arith.constant 8 : i32
      %eq3A = arith.constant 0 : i32
      %eq3A_49 = arith.cmpi eq, %jit3A_48, %eq3A : i32
      %jit3A_50 = arith.constant 1 : i32
      %select_n3A_51 = arith.select %eq3A_49, %jit3A_50, %jit3A_48 : i32
      %rem3A_52 = arith.remsi %scan3A_30, %select_n3A_51 : i32
      %ne3A_53 = arith.constant 0 : i32
      %ne3A_54 = arith.cmpi ne, %rem3A_52, %ne3A_53 : i32
      %lt3A = arith.constant 0 : i32
      %lt3A_55 = arith.cmpi slt, %rem3A_52, %lt3A : i32
      %lt3A_56 = arith.constant 0 : i32
      %lt3A_57 = arith.cmpi slt, %select_n3A_51, %lt3A_56 : i32
      %ne3A_58 = arith.xori %lt3A_55, %lt3A_57 : i1
      %and3A_59 = arith.andi %ne3A_58, %ne3A_54 : i1
      %add3A_60 = arith.addi %rem3A_52, %select_n3A_51 : i32
      %select_n3A_61 = arith.select %and3A_59, %add3A_60, %rem3A_52 : i32
      %mul3A_62 = arith.constant 16 : i32
      %mul3A_63 = arith.muli %select_n3A_61, %mul3A_62 : i32
      %swap3A = arith.index_cast %select_n3A : i32 to index
      %swap3A_64 = arith.index_cast %mul3A_63 : i32 to index
      %swap3A_65 = tpu.vector_load %arg12[%swap3A, %swap3A_64] {strides = array<i32>} : memref<8x128xf32, #tpu.memory_space<vmem>>, vector<16xf32>,
      tpu.vector_store %arg12[%swap3A, %swap3A_64], %broadcast_in_dim3A_1 {strides = array<i32>} : memref<8x128xf32, #tpu.memory_space<vmem>>, vector<16xf32>,
      %scan3A_66 = arith.constant 0 : i32
      scf.yield %scan3A_66 : i32
    }
    %scan3A_7 = arith.constant 64 : i32
    %scan3A_8 = arith.constant 0 : i32
    %scan3A_9 = arith.constant 0 : i32
    %scan3A_10 = arith.constant 79 : i32
    %scan3A_11 = arith.addi %scan3A_9, %scan3A_10 : i32
    %scan3A_12 = arith.constant 1 : i32
    %scan3A_13 = scf.for %scan3A_30 = %scan3A_9 to %scan3A_11 step %scan3A_12 iter_args(%scan3A_31 = %scan3A_8) -> (i32)  : i32 {
      %mul3A_32 = arith.constant 16 : i32
      %mul3A_33 = arith.muli %scan3A_30, %mul3A_32 : i32
      %add3A_34 = arith.addi %mul3A_33, %arg1 : i32
      %lt3A = arith.constant 1250 : i32
      %lt3A_35 = arith.cmpi slt, %add3A_34, %lt3A : i32
      %convert_element_type3A = arith.extui %lt3A_35 : i1 to i32
      %cond3A = arith.constant 0 : i32
      %cond3A_36 = arith.cmpi ne, %convert_element_type3A, %cond3A : i32
      scf.if %cond3A_36 {
        %mul3A_38 = arith.constant 8 : i32
        %mul3A_39 = arith.muli %add3A_34, %mul3A_38 : i32
        "tpu.region"() ({
          %run_scoped3A = tpu.sem_alloc : memref<!tpu.dma_semaphore, #tpu.memory_space<semaphore_mem>>
          %dma_start3A = arith.constant 0 : i32
          %dma_start3A_40 = tpu.memref_slice %arg13[%mul3A_39, %dma_start3A] : memref<10000x128xf32, #tpu.memory_space<vmem_shared>> -> memref<8x128xf32, #tpu.memory_space<vmem_shared>>
          %dma_start3A_41 = arith.constant 0 : i32
          %dma_start3A_42 = tpu.memref_slice %arg13[%mul3A_39, %dma_start3A_41] : memref<10000x128xf32, #tpu.memory_space<vmem_shared>> -> memref<8x128xf32, #tpu.memory_space<vmem_shared>>
          tpu.enqueue_dma source(%arg12 : memref<8x128xf32, #tpu.memory_space<vmem>>) target(%dma_start3A_42 : memref<8x128xf32, #tpu.memory_space<vmem_shared>>) target_semaphore(%run_scoped3A : memref<!tpu.dma_semaphore, #tpu.memory_space<semaphore_mem>>)
          %dma_wait3A = arith.constant 0 : i32
          %dma_wait3A_43 = tpu.memref_slice %arg13[%mul3A_39, %dma_wait3A] : memref<10000x128xf32, #tpu.memory_space<vmem_shared>> -> memref<8x128xf32, #tpu.memory_space<vmem_shared>>
          %dma_wait3A_44 = arith.constant 0 : i32
          %dma_wait3A_45 = tpu.memref_slice %arg13[%mul3A_39, %dma_wait3A_44] : memref<10000x128xf32, #tpu.memory_space<vmem_shared>> -> memref<8x128xf32, #tpu.memory_space<vmem_shared>>
          tpu.wait_dma2 semaphore(%run_scoped3A : memref<!tpu.dma_semaphore, #tpu.memory_space<semaphore_mem>>) src(%arg12 : memref<8x128xf32, #tpu.memory_space<vmem>>) dst(%dma_wait3A_45 : memref<8x128xf32, #tpu.memory_space<vmem_shared>>)
          tpu.yield
        }) : () -> ()
      } else {
      }
      %scan3A_37 = arith.constant 0 : i32
      scf.yield %scan3A_37 : i32
    }
    %scan3A_14 = arith.constant 79 : i32
    %barrier3A = arith.constant 0 : index
    tpu.barrier barrier_id(%barrier3A)
    %scan3A_15 = arith.constant 0 : i32
    %scan3A_16 = arith.constant 0 : i32
    %scan3A_17 = arith.constant 5 : i32
    %scan3A_18 = arith.addi %scan3A_16, %scan3A_17 : i32
    %scan3A_19 = arith.constant 1 : i32
    %scan3A_20 = scf.for %scan3A_30 = %scan3A_16 to %scan3A_18 step %scan3A_19 iter_args(%scan3A_31 = %scan3A_15) -> (i32)  : i32 {
      %mul3A_32 = arith.constant 40 : i32
      %mul3A_33 = arith.muli %scan3A_30, %mul3A_32 : i32
      "tpu.region"() ({
        %run_scoped3A = tpu.sem_alloc : memref<!tpu.dma_semaphore, #tpu.memory_space<semaphore_mem>>
        %dma_start3A_71 = arith.constant 0 : i32
        %dma_start3A_72 = tpu.memref_slice %arg3[%add3A, %mul3A_33, %dma_start3A_71] : memref<32x200x50xi32, #tpu.memory_space<hbm>> -> memref<1x40x50xi32, #tpu.memory_space<hbm>>
        %dma_start3A_73 = tpu.memref_squeeze %dma_start3A_72 : memref<1x40x50xi32, #tpu.memory_space<hbm>> -> memref<40x50xi32, #tpu.memory_space<hbm>>
        %dma_start3A_74 = arith.constant 0 : i32
        %dma_start3A_75 = tpu.memref_slice %arg3[%add3A, %mul3A_33, %dma_start3A_74] : memref<32x200x50xi32, #tpu.memory_space<hbm>> -> memref<1x40x50xi32, #tpu.memory_space<hbm>>
        %dma_start3A_76 = tpu.memref_squeeze %dma_start3A_75 : memref<1x40x50xi32, #tpu.memory_space<hbm>> -> memref<40x50xi32, #tpu.memory_space<hbm>>
        tpu.enqueue_dma source(%dma_start3A_76 : memref<40x50xi32, #tpu.memory_space<hbm>>) target(%arg6 : memref<40x50xi32, #tpu.memory_space<vmem>>) target_semaphore(%run_scoped3A : memref<!tpu.dma_semaphore, #tpu.memory_space<semaphore_mem>>)
        %dma_wait3A = arith.constant 0 : i32
        %dma_wait3A_77 = tpu.memref_slice %arg3[%add3A, %mul3A_33, %dma_wait3A] : memref<32x200x50xi32, #tpu.memory_space<hbm>> -> memref<1x40x50xi32, #tpu.memory_space<hbm>>
        %dma_wait3A_78 = tpu.memref_squeeze %dma_wait3A_77 : memref<1x40x50xi32, #tpu.memory_space<hbm>> -> memref<40x50xi32, #tpu.memory_space<hbm>>
        %dma_wait3A_79 = arith.constant 0 : i32
        %dma_wait3A_80 = tpu.memref_slice %arg3[%add3A, %mul3A_33, %dma_wait3A_79] : memref<32x200x50xi32, #tpu.memory_space<hbm>> -> memref<1x40x50xi32, #tpu.memory_space<hbm>>
        %dma_wait3A_81 = tpu.memref_squeeze %dma_wait3A_80 : memref<1x40x50xi32, #tpu.memory_space<hbm>> -> memref<40x50xi32, #tpu.memory_space<hbm>>
        tpu.wait_dma2 semaphore(%run_scoped3A : memref<!tpu.dma_semaphore, #tpu.memory_space<semaphore_mem>>) src(%dma_wait3A_81 : memref<40x50xi32, #tpu.memory_space<hbm>>) dst(%arg6 : memref<40x50xi32, #tpu.memory_space<vmem>>)
        tpu.yield
      }) : () -> ()
      %mul3A_34 = arith.constant 40 : i32
      %mul3A_35 = arith.muli %scan3A_30, %mul3A_34 : i32
      "tpu.region"() ({
        %run_scoped3A = tpu.sem_alloc : memref<!tpu.dma_semaphore, #tpu.memory_space<semaphore_mem>>
        %dma_start3A_71 = arith.constant 0 : i32
        %dma_start3A_72 = tpu.memref_slice %arg4[%add3A, %mul3A_35, %dma_start3A_71] : memref<32x200x50xi32, #tpu.memory_space<hbm>> -> memref<1x40x50xi32, #tpu.memory_space<hbm>>
        %dma_start3A_73 = tpu.memref_squeeze %dma_start3A_72 : memref<1x40x50xi32, #tpu.memory_space<hbm>> -> memref<40x50xi32, #tpu.memory_space<hbm>>
        %dma_start3A_74 = arith.constant 0 : i32
        %dma_start3A_75 = tpu.memref_slice %arg4[%add3A, %mul3A_35, %dma_start3A_74] : memref<32x200x50xi32, #tpu.memory_space<hbm>> -> memref<1x40x50xi32, #tpu.memory_space<hbm>>
        %dma_start3A_76 = tpu.memref_squeeze %dma_start3A_75 : memref<1x40x50xi32, #tpu.memory_space<hbm>> -> memref<40x50xi32, #tpu.memory_space<hbm>>
        tpu.enqueue_dma source(%dma_start3A_76 : memref<40x50xi32, #tpu.memory_space<hbm>>) target(%arg7 : memref<40x50xi32, #tpu.memory_space<vmem>>) target_semaphore(%run_scoped3A : memref<!tpu.dma_semaphore, #tpu.memory_space<semaphore_mem>>)
        %dma_wait3A = arith.constant 0 : i32
        %dma_wait3A_77 = tpu.memref_slice %arg4[%add3A, %mul3A_35, %dma_wait3A] : memref<32x200x50xi32, #tpu.memory_space<hbm>> -> memref<1x40x50xi32, #tpu.memory_space<hbm>>
        %dma_wait3A_78 = tpu.memref_squeeze %dma_wait3A_77 : memref<1x40x50xi32, #tpu.memory_space<hbm>> -> memref<40x50xi32, #tpu.memory_space<hbm>>
        %dma_wait3A_79 = arith.constant 0 : i32
        %dma_wait3A_80 = tpu.memref_slice %arg4[%add3A, %mul3A_35, %dma_wait3A_79] : memref<32x200x50xi32, #tpu.memory_space<hbm>> -> memref<1x40x50xi32, #tpu.memory_space<hbm>>
        %dma_wait3A_81 = tpu.memref_squeeze %dma_wait3A_80 : memref<1x40x50xi32, #tpu.memory_space<hbm>> -> memref<40x50xi32, #tpu.memory_space<hbm>>
        tpu.wait_dma2 semaphore(%run_scoped3A : memref<!tpu.dma_semaphore, #tpu.memory_space<semaphore_mem>>) src(%dma_wait3A_81 : memref<40x50xi32, #tpu.memory_space<hbm>>) dst(%arg7 : memref<40x50xi32, #tpu.memory_space<vmem>>)
        tpu.yield
      }) : () -> ()
      %dma_start3A = arith.constant 0 : i32
      %dma_start3A_36 = arith.constant 0 : i32
      %dma_start3A_37 = tpu.memref_slice %arg6[%dma_start3A, %dma_start3A_36] : memref<40x50xi32, #tpu.memory_space<vmem>> -> memref<1x50xi32, #tpu.memory_space<vmem>>
      %dma_start3A_38 = tpu.memref_squeeze %dma_start3A_37 : memref<1x50xi32, #tpu.memory_space<vmem>> -> memref<50xi32, #tpu.memory_space<vmem>>
      %dma_start3A_39 = arith.constant 0 : i32
      %dma_start3A_40 = arith.constant 0 : i32
      %dma_start3A_41 = tpu.memref_slice %arg2[%dma_start3A_39, %dma_start3A_40] : memref<10000x128xf32, #tpu.memory_space<hbm>> -> memref<10000x128xf32, #tpu.memory_space<hbm>>
      tpu.enqueue_indirect_dma source(%dma_start3A_41 : memref<10000x128xf32, #tpu.memory_space<hbm>>) target(%arg8 : memref<50x128xf32, #tpu.memory_space<vmem>>) offsets(%dma_start3A_38 : memref<50xi32, #tpu.memory_space<vmem>>) semaphore(%arg14 : memref<!tpu.dma_semaphore, #tpu.memory_space<semaphore_mem>>)
      %dma_start3A_42 = arith.constant 1 : i32
      %dma_start3A_43 = arith.constant 0 : i32
      %dma_start3A_44 = tpu.memref_slice %arg6[%dma_start3A_42, %dma_start3A_43] : memref<40x50xi32, #tpu.memory_space<vmem>> -> memref<1x50xi32, #tpu.memory_space<vmem>>
      %dma_start3A_45 = tpu.memref_squeeze %dma_start3A_44 : memref<1x50xi32, #tpu.memory_space<vmem>> -> memref<50xi32, #tpu.memory_space<vmem>>
      %dma_start3A_46 = arith.constant 0 : i32
      %dma_start3A_47 = arith.constant 0 : i32
      %dma_start3A_48 = tpu.memref_slice %arg2[%dma_start3A_46, %dma_start3A_47] : memref<10000x128xf32, #tpu.memory_space<hbm>> -> memref<10000x128xf32, #tpu.memory_space<hbm>>
      tpu.enqueue_indirect_dma source(%dma_start3A_48 : memref<10000x128xf32, #tpu.memory_space<hbm>>) target(%arg9 : memref<50x128xf32, #tpu.memory_space<vmem>>) offsets(%dma_start3A_45 : memref<50xi32, #tpu.memory_space<vmem>>) semaphore(%arg15 : memref<!tpu.dma_semaphore, #tpu.memory_space<semaphore_mem>>)
      %dma_start3A_49 = arith.constant 2 : i32
      %dma_start3A_50 = arith.constant 0 : i32
      %dma_start3A_51 = tpu.memref_slice %arg6[%dma_start3A_49, %dma_start3A_50] : memref<40x50xi32, #tpu.memory_space<vmem>> -> memref<1x50xi32, #tpu.memory_space<vmem>>
      %dma_start3A_52 = tpu.memref_squeeze %dma_start3A_51 : memref<1x50xi32, #tpu.memory_space<vmem>> -> memref<50xi32, #tpu.memory_space<vmem>>
      %dma_start3A_53 = arith.constant 0 : i32
      %dma_start3A_54 = arith.constant 0 : i32
      %dma_start3A_55 = tpu.memref_slice %arg2[%dma_start3A_53, %dma_start3A_54] : memref<10000x128xf32, #tpu.memory_space<hbm>> -> memref<10000x128xf32, #tpu.memory_space<hbm>>
      tpu.enqueue_indirect_dma source(%dma_start3A_55 : memref<10000x128xf32, #tpu.memory_space<hbm>>) target(%arg10 : memref<50x128xf32, #tpu.memory_space<vmem>>) offsets(%dma_start3A_52 : memref<50xi32, #tpu.memory_space<vmem>>) semaphore(%arg16 : memref<!tpu.dma_semaphore, #tpu.memory_space<semaphore_mem>>)
      %dma_start3A_56 = arith.constant 3 : i32
      %dma_start3A_57 = arith.constant 0 : i32
      %dma_start3A_58 = tpu.memref_slice %arg6[%dma_start3A_56, %dma_start3A_57] : memref<40x50xi32, #tpu.memory_space<vmem>> -> memref<1x50xi32, #tpu.memory_space<vmem>>
      %dma_start3A_59 = tpu.memref_squeeze %dma_start3A_58 : memref<1x50xi32, #tpu.memory_space<vmem>> -> memref<50xi32, #tpu.memory_space<vmem>>
      %dma_start3A_60 = arith.constant 0 : i32
      %dma_start3A_61 = arith.constant 0 : i32
      %dma_start3A_62 = tpu.memref_slice %arg2[%dma_start3A_60, %dma_start3A_61] : memref<10000x128xf32, #tpu.memory_space<hbm>> -> memref<10000x128xf32, #tpu.memory_space<hbm>>
      tpu.enqueue_indirect_dma source(%dma_start3A_62 : memref<10000x128xf32, #tpu.memory_space<hbm>>) target(%arg11 : memref<50x128xf32, #tpu.memory_space<vmem>>) offsets(%dma_start3A_59 : memref<50xi32, #tpu.memory_space<vmem>>) semaphore(%arg17 : memref<!tpu.dma_semaphore, #tpu.memory_space<semaphore_mem>>)
      %scan3A_63 = arith.constant 0 : i32
      %scan3A_64 = arith.constant 0 : i32
      %scan3A_65 = arith.constant 10 : i32
      %scan3A_66 = arith.addi %scan3A_64, %scan3A_65 : i32
      %scan3A_67 = arith.constant 1 : i32
      %scan3A_68 = scf.for %scan3A_71 = %scan3A_64 to %scan3A_66 step %scan3A_67 iter_args(%scan3A_72 = %scan3A_63) -> (i32)  : i32 {
        %mul3A_73 = arith.constant 4 : i32
        %mul3A_74 = arith.muli %scan3A_71, %mul3A_73 : i32
        %add3A_75 = arith.constant 0 : i32
        %add3A_76 = arith.addi %mul3A_74, %add3A_75 : i32
        %dma_wait3A = arith.constant 0 : i32
        %dma_wait3A_77 = tpu.memref_slice %arg6[%add3A_76, %dma_wait3A] : memref<40x50xi32, #tpu.memory_space<vmem>> -> memref<1x50xi32, #tpu.memory_space<vmem>>
        %dma_wait3A_78 = tpu.memref_squeeze %dma_wait3A_77 : memref<1x50xi32, #tpu.memory_space<vmem>> -> memref<50xi32, #tpu.memory_space<vmem>>
        %dma_wait3A_79 = arith.constant 0 : i32
        %dma_wait3A_80 = arith.constant 0 : i32
        %dma_wait3A_81 = tpu.memref_slice %arg2[%dma_wait3A_79, %dma_wait3A_80] : memref<10000x128xf32, #tpu.memory_space<hbm>> -> memref<10000x128xf32, #tpu.memory_space<hbm>>
        tpu.wait_indirect_dma semaphore(%arg14 : memref<!tpu.dma_semaphore, #tpu.memory_space<semaphore_mem>>) src(%dma_wait3A_81 : memref<10000x128xf32, #tpu.memory_space<hbm>>) dst(%arg8 : memref<50x128xf32, #tpu.memory_space<vmem>>)
        "tpu.region"() ({
          %run_scoped3A = tpu.sem_alloc : memref<!tpu.dma_semaphore, #tpu.memory_space<semaphore_mem>>
          %dma_start3A_138 = arith.constant 0 : i32
          %dma_start3A_139 = tpu.memref_slice %arg7[%add3A_76, %dma_start3A_138] : memref<40x50xi32, #tpu.memory_space<vmem>> -> memref<1x50xi32, #tpu.memory_space<vmem>>
          %dma_start3A_140 = tpu.memref_squeeze %dma_start3A_139 : memref<1x50xi32, #tpu.memory_space<vmem>> -> memref<50xi32, #tpu.memory_space<vmem>>
          %dma_start3A_141 = arith.constant 0 : i32
          %dma_start3A_142 = arith.constant 0 : i32
          %dma_start3A_143 = tpu.memref_slice %arg13[%dma_start3A_141, %dma_start3A_142] : memref<10000x128xf32, #tpu.memory_space<vmem_shared>> -> memref<10000x128xf32, #tpu.memory_space<vmem_shared>>
          tpu.enqueue_indirect_dma source(%arg8 : memref<50x128xf32, #tpu.memory_space<vmem>>) target(%dma_start3A_143 : memref<10000x128xf32, #tpu.memory_space<vmem_shared>>) offsets(%dma_start3A_140 : memref<50xi32, #tpu.memory_space<vmem>>) semaphore(%run_scoped3A : memref<!tpu.dma_semaphore, #tpu.memory_space<semaphore_mem>>) {add = true}
          %dma_wait3A_144 = arith.constant 0 : i32
          %dma_wait3A_145 = tpu.memref_slice %arg7[%add3A_76, %dma_wait3A_144] : memref<40x50xi32, #tpu.memory_space<vmem>> -> memref<1x50xi32, #tpu.memory_space<vmem>>
          %dma_wait3A_146 = tpu.memref_squeeze %dma_wait3A_145 : memref<1x50xi32, #tpu.memory_space<vmem>> -> memref<50xi32, #tpu.memory_space<vmem>>
          %dma_wait3A_147 = arith.constant 0 : i32
          %dma_wait3A_148 = arith.constant 0 : i32
          %dma_wait3A_149 = tpu.memref_slice %arg13[%dma_wait3A_147, %dma_wait3A_148] : memref<10000x128xf32, #tpu.memory_space<vmem_shared>> -> memref<10000x128xf32, #tpu.memory_space<vmem_shared>>
          tpu.wait_indirect_dma semaphore(%run_scoped3A : memref<!tpu.dma_semaphore, #tpu.memory_space<semaphore_mem>>) src(%arg8 : memref<50x128xf32, #tpu.memory_space<vmem>>) dst(%dma_wait3A_149 : memref<10000x128xf32, #tpu.memory_space<vmem_shared>>)
          tpu.yield
        }) : () -> ()
        %add3A_82 = arith.constant 4 : i32
        %add3A_83 = arith.addi %add3A_76, %add3A_82 : i32
        %lt3A = arith.constant 40 : i32
        %lt3A_84 = arith.cmpi slt, %add3A_83, %lt3A : i32
        %convert_element_type3A = arith.extui %lt3A_84 : i1 to i32
        %cond3A = arith.constant 0 : i32
        %cond3A_85 = arith.cmpi ne, %convert_element_type3A, %cond3A : i32
        scf.if %cond3A_85 {
          %add3A_138 = arith.constant 4 : i32
          %add3A_139 = arith.addi %add3A_76, %add3A_138 : i32
          %dma_start3A_140 = arith.constant 0 : i32
          %dma_start3A_141 = tpu.memref_slice %arg6[%add3A_139, %dma_start3A_140] : memref<40x50xi32, #tpu.memory_space<vmem>> -> memref<1x50xi32, #tpu.memory_space<vmem>>
          %dma_start3A_142 = tpu.memref_squeeze %dma_start3A_141 : memref<1x50xi32, #tpu.memory_space<vmem>> -> memref<50xi32, #tpu.memory_space<vmem>>
          %dma_start3A_143 = arith.constant 0 : i32
          %dma_start3A_144 = arith.constant 0 : i32
          %dma_start3A_145 = tpu.memref_slice %arg2[%dma_start3A_143, %dma_start3A_144] : memref<10000x128xf32, #tpu.memory_space<hbm>> -> memref<10000x128xf32, #tpu.memory_space<hbm>>
          tpu.enqueue_indirect_dma source(%dma_start3A_145 : memref<10000x128xf32, #tpu.memory_space<hbm>>) target(%arg8 : memref<50x128xf32, #tpu.memory_space<vmem>>) offsets(%dma_start3A_142 : memref<50xi32, #tpu.memory_space<vmem>>) semaphore(%arg14 : memref<!tpu.dma_semaphore, #tpu.memory_space<semaphore_mem>>)
        } else {
        }
        %mul3A_86 = arith.constant 4 : i32
        %mul3A_87 = arith.muli %scan3A_71, %mul3A_86 : i32
        %add3A_88 = arith.constant 1 : i32
        %add3A_89 = arith.addi %mul3A_87, %add3A_88 : i32
        %dma_wait3A_90 = arith.constant 0 : i32
        %dma_wait3A_91 = tpu.memref_slice %arg6[%add3A_89, %dma_wait3A_90] : memref<40x50xi32, #tpu.memory_space<vmem>> -> memref<1x50xi32, #tpu.memory_space<vmem>>
        %dma_wait3A_92 = tpu.memref_squeeze %dma_wait3A_91 : memref<1x50xi32, #tpu.memory_space<vmem>> -> memref<50xi32, #tpu.memory_space<vmem>>
        %dma_wait3A_93 = arith.constant 0 : i32
        %dma_wait3A_94 = arith.constant 0 : i32
        %dma_wait3A_95 = tpu.memref_slice %arg2[%dma_wait3A_93, %dma_wait3A_94] : memref<10000x128xf32, #tpu.memory_space<hbm>> -> memref<10000x128xf32, #tpu.memory_space<hbm>>
        tpu.wait_indirect_dma semaphore(%arg15 : memref<!tpu.dma_semaphore, #tpu.memory_space<semaphore_mem>>) src(%dma_wait3A_95 : memref<10000x128xf32, #tpu.memory_space<hbm>>) dst(%arg9 : memref<50x128xf32, #tpu.memory_space<vmem>>)
        "tpu.region"() ({
          %run_scoped3A = tpu.sem_alloc : memref<!tpu.dma_semaphore, #tpu.memory_space<semaphore_mem>>
          %dma_start3A_138 = arith.constant 0 : i32
          %dma_start3A_139 = tpu.memref_slice %arg7[%add3A_89, %dma_start3A_138] : memref<40x50xi32, #tpu.memory_space<vmem>> -> memref<1x50xi32, #tpu.memory_space<vmem>>
          %dma_start3A_140 = tpu.memref_squeeze %dma_start3A_139 : memref<1x50xi32, #tpu.memory_space<vmem>> -> memref<50xi32, #tpu.memory_space<vmem>>
          %dma_start3A_141 = arith.constant 0 : i32
          %dma_start3A_142 = arith.constant 0 : i32
          %dma_start3A_143 = tpu.memref_slice %arg13[%dma_start3A_141, %dma_start3A_142] : memref<10000x128xf32, #tpu.memory_space<vmem_shared>> -> memref<10000x128xf32, #tpu.memory_space<vmem_shared>>
          tpu.enqueue_indirect_dma source(%arg9 : memref<50x128xf32, #tpu.memory_space<vmem>>) target(%dma_start3A_143 : memref<10000x128xf32, #tpu.memory_space<vmem_shared>>) offsets(%dma_start3A_140 : memref<50xi32, #tpu.memory_space<vmem>>) semaphore(%run_scoped3A : memref<!tpu.dma_semaphore, #tpu.memory_space<semaphore_mem>>) {add = true}
          %dma_wait3A_144 = arith.constant 0 : i32
          %dma_wait3A_145 = tpu.memref_slice %arg7[%add3A_89, %dma_wait3A_144] : memref<40x50xi32, #tpu.memory_space<vmem>> -> memref<1x50xi32, #tpu.memory_space<vmem>>
          %dma_wait3A_146 = tpu.memref_squeeze %dma_wait3A_145 : memref<1x50xi32, #tpu.memory_space<vmem>> -> memref<50xi32, #tpu.memory_space<vmem>>
          %dma_wait3A_147 = arith.constant 0 : i32
          %dma_wait3A_148 = arith.constant 0 : i32
          %dma_wait3A_149 = tpu.memref_slice %arg13[%dma_wait3A_147, %dma_wait3A_148] : memref<10000x128xf32, #tpu.memory_space<vmem_shared>> -> memref<10000x128xf32, #tpu.memory_space<vmem_shared>>
          tpu.wait_indirect_dma semaphore(%run_scoped3A : memref<!tpu.dma_semaphore, #tpu.memory_space<semaphore_mem>>) src(%arg9 : memref<50x128xf32, #tpu.memory_space<vmem>>) dst(%dma_wait3A_149 : memref<10000x128xf32, #tpu.memory_space<vmem_shared>>)
          tpu.yield
        }) : () -> ()
        %add3A_96 = arith.constant 4 : i32
        %add3A_97 = arith.addi %add3A_89, %add3A_96 : i32
        %lt3A_98 = arith.constant 40 : i32
        %lt3A_99 = arith.cmpi slt, %add3A_97, %lt3A_98 : i32
        %convert_element_type3A_100 = arith.extui %lt3A_99 : i1 to i32
        %cond3A_101 = arith.constant 0 : i32
        %cond3A_102 = arith.cmpi ne, %convert_element_type3A_100, %cond3A_101 : i32
        scf.if %cond3A_102 {
          %add3A_138 = arith.constant 4 : i32
          %add3A_139 = arith.addi %add3A_89, %add3A_138 : i32
          %dma_start3A_140 = arith.constant 0 : i32
          %dma_start3A_141 = tpu.memref_slice %arg6[%add3A_139, %dma_start3A_140] : memref<40x50xi32, #tpu.memory_space<vmem>> -> memref<1x50xi32, #tpu.memory_space<vmem>>
          %dma_start3A_142 = tpu.memref_squeeze %dma_start3A_141 : memref<1x50xi32, #tpu.memory_space<vmem>> -> memref<50xi32, #tpu.memory_space<vmem>>
          %dma_start3A_143 = arith.constant 0 : i32
          %dma_start3A_144 = arith.constant 0 : i32
          %dma_start3A_145 = tpu.memref_slice %arg2[%dma_start3A_143, %dma_start3A_144] : memref<10000x128xf32, #tpu.memory_space<hbm>> -> memref<10000x128xf32, #tpu.memory_space<hbm>>
          tpu.enqueue_indirect_dma source(%dma_start3A_145 : memref<10000x128xf32, #tpu.memory_space<hbm>>) target(%arg9 : memref<50x128xf32, #tpu.memory_space<vmem>>) offsets(%dma_start3A_142 : memref<50xi32, #tpu.memory_space<vmem>>) semaphore(%arg15 : memref<!tpu.dma_semaphore, #tpu.memory_space<semaphore_mem>>)
        } else {
        }
        %mul3A_103 = arith.constant 4 : i32
        %mul3A_104 = arith.muli %scan3A_71, %mul3A_103 : i32
        %add3A_105 = arith.constant 2 : i32
        %add3A_106 = arith.addi %mul3A_104, %add3A_105 : i32
        %dma_wait3A_107 = arith.constant 0 : i32
        %dma_wait3A_108 = tpu.memref_slice %arg6[%add3A_106, %dma_wait3A_107] : memref<40x50xi32, #tpu.memory_space<vmem>> -> memref<1x50xi32, #tpu.memory_space<vmem>>
        %dma_wait3A_109 = tpu.memref_squeeze %dma_wait3A_108 : memref<1x50xi32, #tpu.memory_space<vmem>> -> memref<50xi32, #tpu.memory_space<vmem>>
        %dma_wait3A_110 = arith.constant 0 : i32
        %dma_wait3A_111 = arith.constant 0 : i32
        %dma_wait3A_112 = tpu.memref_slice %arg2[%dma_wait3A_110, %dma_wait3A_111] : memref<10000x128xf32, #tpu.memory_space<hbm>> -> memref<10000x128xf32, #tpu.memory_space<hbm>>
        tpu.wait_indirect_dma semaphore(%arg16 : memref<!tpu.dma_semaphore, #tpu.memory_space<semaphore_mem>>) src(%dma_wait3A_112 : memref<10000x128xf32, #tpu.memory_space<hbm>>) dst(%arg10 : memref<50x128xf32, #tpu.memory_space<vmem>>)
        "tpu.region"() ({
          %run_scoped3A = tpu.sem_alloc : memref<!tpu.dma_semaphore, #tpu.memory_space<semaphore_mem>>
          %dma_start3A_138 = arith.constant 0 : i32
          %dma_start3A_139 = tpu.memref_slice %arg7[%add3A_106, %dma_start3A_138] : memref<40x50xi32, #tpu.memory_space<vmem>> -> memref<1x50xi32, #tpu.memory_space<vmem>>
          %dma_start3A_140 = tpu.memref_squeeze %dma_start3A_139 : memref<1x50xi32, #tpu.memory_space<vmem>> -> memref<50xi32, #tpu.memory_space<vmem>>
          %dma_start3A_141 = arith.constant 0 : i32
          %dma_start3A_142 = arith.constant 0 : i32
          %dma_start3A_143 = tpu.memref_slice %arg13[%dma_start3A_141, %dma_start3A_142] : memref<10000x128xf32, #tpu.memory_space<vmem_shared>> -> memref<10000x128xf32, #tpu.memory_space<vmem_shared>>
          tpu.enqueue_indirect_dma source(%arg10 : memref<50x128xf32, #tpu.memory_space<vmem>>) target(%dma_start3A_143 : memref<10000x128xf32, #tpu.memory_space<vmem_shared>>) offsets(%dma_start3A_140 : memref<50xi32, #tpu.memory_space<vmem>>) semaphore(%run_scoped3A : memref<!tpu.dma_semaphore, #tpu.memory_space<semaphore_mem>>) {add = true}
          %dma_wait3A_144 = arith.constant 0 : i32
          %dma_wait3A_145 = tpu.memref_slice %arg7[%add3A_106, %dma_wait3A_144] : memref<40x50xi32, #tpu.memory_space<vmem>> -> memref<1x50xi32, #tpu.memory_space<vmem>>
          %dma_wait3A_146 = tpu.memref_squeeze %dma_wait3A_145 : memref<1x50xi32, #tpu.memory_space<vmem>> -> memref<50xi32, #tpu.memory_space<vmem>>
          %dma_wait3A_147 = arith.constant 0 : i32
          %dma_wait3A_148 = arith.constant 0 : i32
          %dma_wait3A_149 = tpu.memref_slice %arg13[%dma_wait3A_147, %dma_wait3A_148] : memref<10000x128xf32, #tpu.memory_space<vmem_shared>> -> memref<10000x128xf32, #tpu.memory_space<vmem_shared>>
          tpu.wait_indirect_dma semaphore(%run_scoped3A : memref<!tpu.dma_semaphore, #tpu.memory_space<semaphore_mem>>) src(%arg10 : memref<50x128xf32, #tpu.memory_space<vmem>>) dst(%dma_wait3A_149 : memref<10000x128xf32, #tpu.memory_space<vmem_shared>>)
          tpu.yield
        }) : () -> ()
        %add3A_113 = arith.constant 4 : i32
        %add3A_114 = arith.addi %add3A_106, %add3A_113 : i32
        %lt3A_115 = arith.constant 40 : i32
        %lt3A_116 = arith.cmpi slt, %add3A_114, %lt3A_115 : i32
        %convert_element_type3A_117 = arith.extui %lt3A_116 : i1 to i32
        %cond3A_118 = arith.constant 0 : i32
        %cond3A_119 = arith.cmpi ne, %convert_element_type3A_117, %cond3A_118 : i32
        scf.if %cond3A_119 {
          %add3A_138 = arith.constant 4 : i32
          %add3A_139 = arith.addi %add3A_106, %add3A_138 : i32
          %dma_start3A_140 = arith.constant 0 : i32
          %dma_start3A_141 = tpu.memref_slice %arg6[%add3A_139, %dma_start3A_140] : memref<40x50xi32, #tpu.memory_space<vmem>> -> memref<1x50xi32, #tpu.memory_space<vmem>>
          %dma_start3A_142 = tpu.memref_squeeze %dma_start3A_141 : memref<1x50xi32, #tpu.memory_space<vmem>> -> memref<50xi32, #tpu.memory_space<vmem>>
          %dma_start3A_143 = arith.constant 0 : i32
          %dma_start3A_144 = arith.constant 0 : i32
          %dma_start3A_145 = tpu.memref_slice %arg2[%dma_start3A_143, %dma_start3A_144] : memref<10000x128xf32, #tpu.memory_space<hbm>> -> memref<10000x128xf32, #tpu.memory_space<hbm>>
          tpu.enqueue_indirect_dma source(%dma_start3A_145 : memref<10000x128xf32, #tpu.memory_space<hbm>>) target(%arg10 : memref<50x128xf32, #tpu.memory_space<vmem>>) offsets(%dma_start3A_142 : memref<50xi32, #tpu.memory_space<vmem>>) semaphore(%arg16 : memref<!tpu.dma_semaphore, #tpu.memory_space<semaphore_mem>>)
        } else {
        }
        %mul3A_120 = arith.constant 4 : i32
        %mul3A_121 = arith.muli %scan3A_71, %mul3A_120 : i32
        %add3A_122 = arith.constant 3 : i32
        %add3A_123 = arith.addi %mul3A_121, %add3A_122 : i32
        %dma_wait3A_124 = arith.constant 0 : i32
        %dma_wait3A_125 = tpu.memref_slice %arg6[%add3A_123, %dma_wait3A_124] : memref<40x50xi32, #tpu.memory_space<vmem>> -> memref<1x50xi32, #tpu.memory_space<vmem>>
        %dma_wait3A_126 = tpu.memref_squeeze %dma_wait3A_125 : memref<1x50xi32, #tpu.memory_space<vmem>> -> memref<50xi32, #tpu.memory_space<vmem>>
        %dma_wait3A_127 = arith.constant 0 : i32
        %dma_wait3A_128 = arith.constant 0 : i32
        %dma_wait3A_129 = tpu.memref_slice %arg2[%dma_wait3A_127, %dma_wait3A_128] : memref<10000x128xf32, #tpu.memory_space<hbm>> -> memref<10000x128xf32, #tpu.memory_space<hbm>>
        tpu.wait_indirect_dma semaphore(%arg17 : memref<!tpu.dma_semaphore, #tpu.memory_space<semaphore_mem>>) src(%dma_wait3A_129 : memref<10000x128xf32, #tpu.memory_space<hbm>>) dst(%arg11 : memref<50x128xf32, #tpu.memory_space<vmem>>)
        "tpu.region"() ({
          %run_scoped3A = tpu.sem_alloc : memref<!tpu.dma_semaphore, #tpu.memory_space<semaphore_mem>>
          %dma_start3A_138 = arith.constant 0 : i32
          %dma_start3A_139 = tpu.memref_slice %arg7[%add3A_123, %dma_start3A_138] : memref<40x50xi32, #tpu.memory_space<vmem>> -> memref<1x50xi32, #tpu.memory_space<vmem>>
          %dma_start3A_140 = tpu.memref_squeeze %dma_start3A_139 : memref<1x50xi32, #tpu.memory_space<vmem>> -> memref<50xi32, #tpu.memory_space<vmem>>
          %dma_start3A_141 = arith.constant 0 : i32
          %dma_start3A_142 = arith.constant 0 : i32
          %dma_start3A_143 = tpu.memref_slice %arg13[%dma_start3A_141, %dma_start3A_142] : memref<10000x128xf32, #tpu.memory_space<vmem_shared>> -> memref<10000x128xf32, #tpu.memory_space<vmem_shared>>
          tpu.enqueue_indirect_dma source(%arg11 : memref<50x128xf32, #tpu.memory_space<vmem>>) target(%dma_start3A_143 : memref<10000x128xf32, #tpu.memory_space<vmem_shared>>) offsets(%dma_start3A_140 : memref<50xi32, #tpu.memory_space<vmem>>) semaphore(%run_scoped3A : memref<!tpu.dma_semaphore, #tpu.memory_space<semaphore_mem>>) {add = true}
          %dma_wait3A_144 = arith.constant 0 : i32
          %dma_wait3A_145 = tpu.memref_slice %arg7[%add3A_123, %dma_wait3A_144] : memref<40x50xi32, #tpu.memory_space<vmem>> -> memref<1x50xi32, #tpu.memory_space<vmem>>
          %dma_wait3A_146 = tpu.memref_squeeze %dma_wait3A_145 : memref<1x50xi32, #tpu.memory_space<vmem>> -> memref<50xi32, #tpu.memory_space<vmem>>
          %dma_wait3A_147 = arith.constant 0 : i32
          %dma_wait3A_148 = arith.constant 0 : i32
          %dma_wait3A_149 = tpu.memref_slice %arg13[%dma_wait3A_147, %dma_wait3A_148] : memref<10000x128xf32, #tpu.memory_space<vmem_shared>> -> memref<10000x128xf32, #tpu.memory_space<vmem_shared>>
          tpu.wait_indirect_dma semaphore(%run_scoped3A : memref<!tpu.dma_semaphore, #tpu.memory_space<semaphore_mem>>) src(%arg11 : memref<50x128xf32, #tpu.memory_space<vmem>>) dst(%dma_wait3A_149 : memref<10000x128xf32, #tpu.memory_space<vmem_shared>>)
          tpu.yield
        }) : () -> ()
        %add3A_130 = arith.constant 4 : i32
        %add3A_131 = arith.addi %add3A_123, %add3A_130 : i32
        %lt3A_132 = arith.constant 40 : i32
        %lt3A_133 = arith.cmpi slt, %add3A_131, %lt3A_132 : i32
        %convert_element_type3A_134 = arith.extui %lt3A_133 : i1 to i32
        %cond3A_135 = arith.constant 0 : i32
        %cond3A_136 = arith.cmpi ne, %convert_element_type3A_134, %cond3A_135 : i32
        scf.if %cond3A_136 {
          %add3A_138 = arith.constant 4 : i32
          %add3A_139 = arith.addi %add3A_123, %add3A_138 : i32
          %dma_start3A_140 = arith.constant 0 : i32
          %dma_start3A_141 = tpu.memref_slice %arg6[%add3A_139, %dma_start3A_140] : memref<40x50xi32, #tpu.memory_space<vmem>> -> memref<1x50xi32, #tpu.memory_space<vmem>>
          %dma_start3A_142 = tpu.memref_squeeze %dma_start3A_141 : memref<1x50xi32, #tpu.memory_space<vmem>> -> memref<50xi32, #tpu.memory_space<vmem>>
          %dma_start3A_143 = arith.constant 0 : i32
          %dma_start3A_144 = arith.constant 0 : i32
          %dma_start3A_145 = tpu.memref_slice %arg2[%dma_start3A_143, %dma_start3A_144] : memref<10000x128xf32, #tpu.memory_space<hbm>> -> memref<10000x128xf32, #tpu.memory_space<hbm>>
          tpu.enqueue_indirect_dma source(%dma_start3A_145 : memref<10000x128xf32, #tpu.memory_space<hbm>>) target(%arg11 : memref<50x128xf32, #tpu.memory_space<vmem>>) offsets(%dma_start3A_142 : memref<50xi32, #tpu.memory_space<vmem>>) semaphore(%arg17 : memref<!tpu.dma_semaphore, #tpu.memory_space<semaphore_mem>>)
        } else {
        }
        %scan3A_137 = arith.constant 0 : i32
        scf.yield %scan3A_137 : i32
      }
      %scan3A_69 = arith.constant 10 : i32
      %scan3A_70 = arith.constant 0 : i32
      scf.yield %scan3A_70 : i32
    }
    %scan3A_21 = arith.constant 5 : i32
    %barrier3A_22 = arith.constant 0 : index
    tpu.barrier barrier_id(%barrier3A_22)
    %scan3A_23 = arith.constant 0 : i32
    %scan3A_24 = arith.constant 0 : i32
    %scan3A_25 = arith.constant 79 : i32
    %scan3A_26 = arith.addi %scan3A_24, %scan3A_25 : i32
    %scan3A_27 = arith.constant 1 : i32
    %scan3A_28 = scf.for %scan3A_30 = %scan3A_24 to %scan3A_26 step %scan3A_27 iter_args(%scan3A_31 = %scan3A_23) -> (i32)  : i32 {
      %mul3A_32 = arith.constant 16 : i32
      %mul3A_33 = arith.muli %scan3A_30, %mul3A_32 : i32
      %add3A_34 = arith.addi %mul3A_33, %arg1 : i32
      %lt3A = arith.constant 1250 : i32
      %lt3A_35 = arith.cmpi slt, %add3A_34, %lt3A : i32
      %convert_element_type3A = arith.extui %lt3A_35 : i1 to i32
      %cond3A = arith.constant 0 : i32
      %cond3A_36 = arith.cmpi ne, %convert_element_type3A, %cond3A : i32
      scf.if %cond3A_36 {
        %mul3A_38 = arith.constant 8 : i32
        %mul3A_39 = arith.muli %add3A_34, %mul3A_38 : i32
        %mul3A_40 = arith.constant 8 : i32
        %mul3A_41 = arith.muli %add3A_34, %mul3A_40 : i32
        "tpu.region"() ({
          %run_scoped3A = tpu.sem_alloc : memref<!tpu.dma_semaphore, #tpu.memory_space<semaphore_mem>>
          %dma_start3A = arith.constant 0 : i32
          %dma_start3A_42 = tpu.memref_slice %arg5[%arg0, %mul3A_41, %dma_start3A] : memref<2x10000x128xf32, #tpu.memory_space<hbm>> -> memref<1x8x128xf32, #tpu.memory_space<hbm>>
          %dma_start3A_43 = tpu.memref_squeeze %dma_start3A_42 : memref<1x8x128xf32, #tpu.memory_space<hbm>> -> memref<8x128xf32, #tpu.memory_space<hbm>>
          %dma_start3A_44 = arith.constant 0 : i32
          %dma_start3A_45 = tpu.memref_slice %arg13[%mul3A_39, %dma_start3A_44] : memref<10000x128xf32, #tpu.memory_space<vmem_shared>> -> memref<8x128xf32, #tpu.memory_space<vmem_shared>>
          tpu.enqueue_dma source(%dma_start3A_45 : memref<8x128xf32, #tpu.memory_space<vmem_shared>>) target(%dma_start3A_43 : memref<8x128xf32, #tpu.memory_space<hbm>>) target_semaphore(%run_scoped3A : memref<!tpu.dma_semaphore, #tpu.memory_space<semaphore_mem>>)
          %dma_wait3A = arith.constant 0 : i32
          %dma_wait3A_46 = tpu.memref_slice %arg5[%arg0, %mul3A_41, %dma_wait3A] : memref<2x10000x128xf32, #tpu.memory_space<hbm>> -> memref<1x8x128xf32, #tpu.memory_space<hbm>>
          %dma_wait3A_47 = tpu.memref_squeeze %dma_wait3A_46 : memref<1x8x128xf32, #tpu.memory_space<hbm>> -> memref<8x128xf32, #tpu.memory_space<hbm>>
          %dma_wait3A_48 = arith.constant 0 : i32
          %dma_wait3A_49 = tpu.memref_slice %arg13[%mul3A_39, %dma_wait3A_48] : memref<10000x128xf32, #tpu.memory_space<vmem_shared>> -> memref<8x128xf32, #tpu.memory_space<vmem_shared>>
          tpu.wait_dma2 semaphore(%run_scoped3A : memref<!tpu.dma_semaphore, #tpu.memory_space<semaphore_mem>>) src(%dma_wait3A_49 : memref<8x128xf32, #tpu.memory_space<vmem_shared>>) dst(%dma_wait3A_47 : memref<8x128xf32, #tpu.memory_space<hbm>>)
          tpu.yield
        }) : () -> ()
      } else {
      }
      %scan3A_37 = arith.constant 0 : i32
      scf.yield %scan3A_37 : i32
    }
    %scan3A_29 = arith.constant 79 : i32
    return
  }
}

#map = affine_map<(d0, d1) -> (0, 0, 0)>
#map1 = affine_map<(d0, d1) -> (0)>
module attributes {stable_mosaic.version = 14 : i64} {
  func.func @body(%arg0: i32, %arg1: i32, %arg2: memref<32x125x80xi32, #tpu.memory_space<hbm>>, %arg3: memref<320000xf32, #tpu.memory_space<hbm>>, %arg4: memref<125x80xi32, #tpu.memory_space<vmem>>, %arg5: memref<10000xf32, #tpu.memory_space<vmem>>) attributes {dimension_semantics = [#tpu.dimension_semantics<core_parallel>, #tpu.dimension_semantics<subcore_parallel>], iteration_bounds = array<i64: 2, 16>, scalar_prefetch = 0 : i64, scratch_operands = 2 : i64, tpu.core_type = #tpu.core_type<sc_vector_subcore>, window_params = [{transform_indices = #map}, {transform_indices = #map1}]} {
    %mul3A = arith.constant 2 : i32
    %mul3A_0 = arith.muli %arg1, %mul3A : i32
    %add3A = arith.addi %mul3A_0, %arg0 : i32
    %broadcast_in_dim3A = arith.constant 0.000000e+00 : f32
    %broadcast_in_dim3A_1 = vector.broadcast %broadcast_in_dim3A : f32 to vector<16xf32>
    %scan3A = arith.constant 0 : i32
    %scan3A_2 = arith.constant 0 : i32
    %scan3A_3 = arith.constant 625 : i32
    %scan3A_4 = arith.addi %scan3A_2, %scan3A_3 : i32
    %scan3A_5 = arith.constant 1 : i32
    %scan3A_6 = scf.for %scan3A_19 = %scan3A_2 to %scan3A_4 step %scan3A_5 iter_args(%scan3A_20 = %scan3A) -> (i32)  : i32 {
      %mul3A_21 = arith.constant 16 : i32
      %mul3A_22 = arith.muli %scan3A_19, %mul3A_21 : i32
      %swap3A = arith.index_cast %mul3A_22 : i32 to index
      %swap3A_23 = tpu.vector_load %arg5[%swap3A] {strides = array<i32>} : memref<10000xf32, #tpu.memory_space<vmem>>, vector<16xf32>,
      tpu.vector_store %arg5[%swap3A], %broadcast_in_dim3A_1 {strides = array<i32>} : memref<10000xf32, #tpu.memory_space<vmem>>, vector<16xf32>,
      %scan3A_24 = arith.constant 0 : i32
      scf.yield %scan3A_24 : i32
    }
    %scan3A_7 = arith.constant 625 : i32
    "tpu.region"() ({
      %run_scoped3A = tpu.sem_alloc : memref<!tpu.dma_semaphore, #tpu.memory_space<semaphore_mem>>
      %dma_start3A = arith.constant 0 : i32
      %dma_start3A_19 = arith.constant 0 : i32
      %dma_start3A_20 = tpu.memref_slice %arg2[%add3A, %dma_start3A, %dma_start3A_19] : memref<32x125x80xi32, #tpu.memory_space<hbm>> -> memref<1x125x80xi32, #tpu.memory_space<hbm>>
      %dma_start3A_21 = tpu.memref_squeeze %dma_start3A_20 : memref<1x125x80xi32, #tpu.memory_space<hbm>> -> memref<125x80xi32, #tpu.memory_space<hbm>>
      %dma_start3A_22 = arith.constant 0 : i32
      %dma_start3A_23 = arith.constant 0 : i32
      %dma_start3A_24 = tpu.memref_slice %arg2[%add3A, %dma_start3A_22, %dma_start3A_23] : memref<32x125x80xi32, #tpu.memory_space<hbm>> -> memref<1x125x80xi32, #tpu.memory_space<hbm>>
      %dma_start3A_25 = tpu.memref_squeeze %dma_start3A_24 : memref<1x125x80xi32, #tpu.memory_space<hbm>> -> memref<125x80xi32, #tpu.memory_space<hbm>>
      tpu.enqueue_dma source(%dma_start3A_25 : memref<125x80xi32, #tpu.memory_space<hbm>>) target(%arg4 : memref<125x80xi32, #tpu.memory_space<vmem>>) target_semaphore(%run_scoped3A : memref<!tpu.dma_semaphore, #tpu.memory_space<semaphore_mem>>)
      %dma_wait3A = arith.constant 0 : i32
      %dma_wait3A_26 = arith.constant 0 : i32
      %dma_wait3A_27 = tpu.memref_slice %arg2[%add3A, %dma_wait3A, %dma_wait3A_26] : memref<32x125x80xi32, #tpu.memory_space<hbm>> -> memref<1x125x80xi32, #tpu.memory_space<hbm>>
      %dma_wait3A_28 = tpu.memref_squeeze %dma_wait3A_27 : memref<1x125x80xi32, #tpu.memory_space<hbm>> -> memref<125x80xi32, #tpu.memory_space<hbm>>
      %dma_wait3A_29 = arith.constant 0 : i32
      %dma_wait3A_30 = arith.constant 0 : i32
      %dma_wait3A_31 = tpu.memref_slice %arg2[%add3A, %dma_wait3A_29, %dma_wait3A_30] : memref<32x125x80xi32, #tpu.memory_space<hbm>> -> memref<1x125x80xi32, #tpu.memory_space<hbm>>
      %dma_wait3A_32 = tpu.memref_squeeze %dma_wait3A_31 : memref<1x125x80xi32, #tpu.memory_space<hbm>> -> memref<125x80xi32, #tpu.memory_space<hbm>>
      tpu.wait_dma2 semaphore(%run_scoped3A : memref<!tpu.dma_semaphore, #tpu.memory_space<semaphore_mem>>) src(%dma_wait3A_32 : memref<125x80xi32, #tpu.memory_space<hbm>>) dst(%arg4 : memref<125x80xi32, #tpu.memory_space<vmem>>)
      tpu.yield
    }) : () -> ()
    %broadcast_in_dim3A_8 = arith.constant 1.000000e+00 : f32
    %broadcast_in_dim3A_9 = vector.broadcast %broadcast_in_dim3A_8 : f32 to vector<16xf32>
    %scan3A_10 = arith.constant 0 : i32
    %scan3A_11 = arith.constant 0 : i32
    %scan3A_12 = arith.constant 125 : i32
    %scan3A_13 = arith.addi %scan3A_11, %scan3A_12 : i32
    %scan3A_14 = arith.constant 1 : i32
    %scan3A_15 = scf.for %scan3A_19 = %scan3A_11 to %scan3A_13 step %scan3A_14 iter_args(%scan3A_20 = %scan3A_10) -> (i32)  : i32 {
      %get3A = arith.index_cast %scan3A_19 : i32 to index
      %get3A_21 = arith.constant 0 : index
      %get3A_22 = tpu.vector_load %arg4[%get3A, %get3A_21] {strides = array<i32>} : memref<125x80xi32, #tpu.memory_space<vmem>>, vector<16xi32>,
      tpu.vector_store_idx %arg5[%get3A_22], %broadcast_in_dim3A_9 {add = true} : memref<10000xf32, #tpu.memory_space<vmem>>[vector<16xi32>], vector<16xf32>,
      %get3A_23 = arith.index_cast %scan3A_19 : i32 to index
      %get3A_24 = arith.constant 16 : index
      %get3A_25 = tpu.vector_load %arg4[%get3A_23, %get3A_24] {strides = array<i32>} : memref<125x80xi32, #tpu.memory_space<vmem>>, vector<16xi32>,
      tpu.vector_store_idx %arg5[%get3A_25], %broadcast_in_dim3A_9 {add = true} : memref<10000xf32, #tpu.memory_space<vmem>>[vector<16xi32>], vector<16xf32>,
      %get3A_26 = arith.index_cast %scan3A_19 : i32 to index
      %get3A_27 = arith.constant 32 : index
      %get3A_28 = tpu.vector_load %arg4[%get3A_26, %get3A_27] {strides = array<i32>} : memref<125x80xi32, #tpu.memory_space<vmem>>, vector<16xi32>,
      tpu.vector_store_idx %arg5[%get3A_28], %broadcast_in_dim3A_9 {add = true} : memref<10000xf32, #tpu.memory_space<vmem>>[vector<16xi32>], vector<16xf32>,
      %get3A_29 = arith.index_cast %scan3A_19 : i32 to index
      %get3A_30 = arith.constant 48 : index
      %get3A_31 = tpu.vector_load %arg4[%get3A_29, %get3A_30] {strides = array<i32>} : memref<125x80xi32, #tpu.memory_space<vmem>>, vector<16xi32>,
      tpu.vector_store_idx %arg5[%get3A_31], %broadcast_in_dim3A_9 {add = true} : memref<10000xf32, #tpu.memory_space<vmem>>[vector<16xi32>], vector<16xf32>,
      %get3A_32 = arith.index_cast %scan3A_19 : i32 to index
      %get3A_33 = arith.constant 64 : index
      %get3A_34 = tpu.vector_load %arg4[%get3A_32, %get3A_33] {strides = array<i32>} : memref<125x80xi32, #tpu.memory_space<vmem>>, vector<16xi32>,
      tpu.vector_store_idx %arg5[%get3A_34], %broadcast_in_dim3A_9 {add = true} : memref<10000xf32, #tpu.memory_space<vmem>>[vector<16xi32>], vector<16xf32>,
      %scan3A_35 = arith.constant 0 : i32
      scf.yield %scan3A_35 : i32
    }
    %scan3A_16 = arith.constant 125 : i32
    %mul3A_17 = arith.constant 10000 : i32
    %mul3A_18 = arith.muli %add3A, %mul3A_17 : i32
    "tpu.region"() ({
      %run_scoped3A = tpu.sem_alloc : memref<!tpu.dma_semaphore, #tpu.memory_space<semaphore_mem>>
      %dma_start3A = tpu.memref_slice %arg3[%mul3A_18] : memref<320000xf32, #tpu.memory_space<hbm>> -> memref<10000xf32, #tpu.memory_space<hbm>>
      %dma_start3A_19 = tpu.memref_slice %arg3[%mul3A_18] : memref<320000xf32, #tpu.memory_space<hbm>> -> memref<10000xf32, #tpu.memory_space<hbm>>
      tpu.enqueue_dma source(%arg5 : memref<10000xf32, #tpu.memory_space<vmem>>) target(%dma_start3A_19 : memref<10000xf32, #tpu.memory_space<hbm>>) target_semaphore(%run_scoped3A : memref<!tpu.dma_semaphore, #tpu.memory_space<semaphore_mem>>)
      %dma_wait3A = tpu.memref_slice %arg3[%mul3A_18] : memref<320000xf32, #tpu.memory_space<hbm>> -> memref<10000xf32, #tpu.memory_space<hbm>>
      %dma_wait3A_20 = tpu.memref_slice %arg3[%mul3A_18] : memref<320000xf32, #tpu.memory_space<hbm>> -> memref<10000xf32, #tpu.memory_space<hbm>>
      tpu.wait_dma2 semaphore(%run_scoped3A : memref<!tpu.dma_semaphore, #tpu.memory_space<semaphore_mem>>) src(%arg5 : memref<10000xf32, #tpu.memory_space<vmem>>) dst(%dma_wait3A_20 : memref<10000xf32, #tpu.memory_space<hbm>>)
      tpu.yield
    }) : () -> ()
    return
  }
}

#map = affine_map<(d0, d1) -> (0, 0)>
#map1 = affine_map<(d0, d1) -> (0, 0, 0)>
module attributes {stable_mosaic.version = 14 : i64} {
  func.func @body(%arg0: i32, %arg1: i32, %arg2: memref<10000x128xf32, #tpu.memory_space<hbm>>, %arg3: memref<32x200x50xi32, #tpu.memory_space<hbm>>, %arg4: memref<32x200x50xi32, #tpu.memory_space<hbm>>, %arg5: memref<2x10000x128xf32, #tpu.memory_space<hbm>>, %arg6: memref<40x50xi32, #tpu.memory_space<vmem>>, %arg7: memref<40x50xi32, #tpu.memory_space<vmem>>, %arg8: memref<50x128xf32, #tpu.memory_space<vmem>>, %arg9: memref<50x128xf32, #tpu.memory_space<vmem>>, %arg10: memref<50x128xf32, #tpu.memory_space<vmem>>, %arg11: memref<50x128xf32, #tpu.memory_space<vmem>>, %arg12: memref<8x128xf32, #tpu.memory_space<vmem>>, %arg13: memref<10000x128xf32, #tpu.memory_space<vmem_shared>>, %arg14: memref<!tpu.dma_semaphore, #tpu.memory_space<semaphore_mem>>, %arg15: memref<!tpu.dma_semaphore, #tpu.memory_space<semaphore_mem>>, %arg16: memref<!tpu.dma_semaphore, #tpu.memory_space<semaphore_mem>>, %arg17: memref<!tpu.dma_semaphore, #tpu.memory_space<semaphore_mem>>) attributes {dimension_semantics = [#tpu.dimension_semantics<core_parallel>, #tpu.dimension_semantics<subcore_parallel>], iteration_bounds = array<i64: 2, 16>, scalar_prefetch = 0 : i64, scratch_operands = 12 : i64, tpu.core_type = #tpu.core_type<sc_vector_subcore>, window_params = [{transform_indices = #map}, {transform_indices = #map1}, {transform_indices = #map1}, {transform_indices = #map1}]} {
    %mul3A = arith.constant 2 : i32
    %mul3A_0 = arith.muli %arg1, %mul3A : i32
    %add3A = arith.addi %mul3A_0, %arg0 : i32
    %broadcast_in_dim3A = arith.constant 0.000000e+00 : f32
    %broadcast_in_dim3A_1 = vector.broadcast %broadcast_in_dim3A : f32 to vector<16xf32>
    %scan3A = arith.constant 0 : i32
    %scan3A_2 = arith.constant 0 : i32
    %scan3A_3 = arith.constant 64 : i32
    %scan3A_4 = arith.addi %scan3A_2, %scan3A_3 : i32
    %scan3A_5 = arith.constant 1 : i32
    %scan3A_6 = scf.for %scan3A_30 = %scan3A_2 to %scan3A_4 step %scan3A_5 iter_args(%scan3A_31 = %scan3A) -> (i32)  : i32 {
      %jit3A = arith.constant 8 : i32
      %div3A = arith.divsi %scan3A_30, %jit3A : i32
      %sign3A = arith.constant 0 : i32
      %sign3A_32 = arith.cmpi sgt, %scan3A_30, %sign3A : i32
      %sign3A_33 = arith.extui %sign3A_32 : i1 to i32
      %sign3A_34 = arith.constant 0 : i32
      %sign3A_35 = arith.cmpi slt, %scan3A_30, %sign3A_34 : i32
      %sign3A_36 = arith.extui %sign3A_35 : i1 to i32
      %sign3A_37 = arith.subi %sign3A_33, %sign3A_36 : i32
      %sign3A_38 = arith.constant 0 : i32
      %sign3A_39 = arith.cmpi sgt, %jit3A, %sign3A_38 : i32
      %sign3A_40 = arith.extui %sign3A_39 : i1 to i32
      %sign3A_41 = arith.constant 0 : i32
      %sign3A_42 = arith.cmpi slt, %jit3A, %sign3A_41 : i32
      %sign3A_43 = arith.extui %sign3A_42 : i1 to i32
      %sign3A_44 = arith.subi %sign3A_40, %sign3A_43 : i32
      %ne3A = arith.cmpi ne, %sign3A_37, %sign3A_44 : i32
      %rem3A = arith.remsi %scan3A_30, %jit3A : i32
      %ne3A_45 = arith.constant 0 : i32
      %ne3A_46 = arith.cmpi ne, %rem3A, %ne3A_45 : i32
      %and3A = arith.andi %ne3A, %ne3A_46 : i1
      %sub3A = arith.constant 1 : i32
      %sub3A_47 = arith.subi %div3A, %sub3A : i32
      %select_n3A = arith.select %and3A, %sub3A_47, %div3A : i32
      %jit3A_48 = arith.constant 8 : i32
      %eq3A = arith.constant 0 : i32
      %eq3A_49 = arith.cmpi eq, %jit3A_48, %eq3A : i32
      %jit3A_50 = arith.constant 1 : i32
      %select_n3A_51 = arith.select %eq3A_49, %jit3A_50, %jit3A_48 : i32
      %rem3A_52 = arith.remsi %scan3A_30, %select_n3A_51 : i32
      %ne3A_53 = arith.constant 0 : i32
      %ne3A_54 = arith.cmpi ne, %rem3A_52, %ne3A_53 : i32
      %lt3A = arith.constant 0 : i32
      %lt3A_55 = arith.cmpi slt, %rem3A_52, %lt3A : i32
      %lt3A_56 = arith.constant 0 : i32
      %lt3A_57 = arith.cmpi slt, %select_n3A_51, %lt3A_56 : i32
      %ne3A_58 = arith.xori %lt3A_55, %lt3A_57 : i1
      %and3A_59 = arith.andi %ne3A_58, %ne3A_54 : i1
      %add3A_60 = arith.addi %rem3A_52, %select_n3A_51 : i32
      %select_n3A_61 = arith.select %and3A_59, %add3A_60, %rem3A_52 : i32
      %mul3A_62 = arith.constant 16 : i32
      %mul3A_63 = arith.muli %select_n3A_61, %mul3A_62 : i32
      %swap3A = arith.index_cast %select_n3A : i32 to index
      %swap3A_64 = arith.index_cast %mul3A_63 : i32 to index
      %swap3A_65 = tpu.vector_load %arg12[%swap3A, %swap3A_64] {strides = array<i32>} : memref<8x128xf32, #tpu.memory_space<vmem>>, vector<16xf32>,
      tpu.vector_store %arg12[%swap3A, %swap3A_64], %broadcast_in_dim3A_1 {strides = array<i32>} : memref<8x128xf32, #tpu.memory_space<vmem>>, vector<16xf32>,
      %scan3A_66 = arith.constant 0 : i32
      scf.yield %scan3A_66 : i32
    }
    %scan3A_7 = arith.constant 64 : i32
    %scan3A_8 = arith.constant 0 : i32
    %scan3A_9 = arith.constant 0 : i32
    %scan3A_10 = arith.constant 79 : i32
    %scan3A_11 = arith.addi %scan3A_9, %scan3A_10 : i32
    %scan3A_12 = arith.constant 1 : i32
    %scan3A_13 = scf.for %scan3A_30 = %scan3A_9 to %scan3A_11 step %scan3A_12 iter_args(%scan3A_31 = %scan3A_8) -> (i32)  : i32 {
      %mul3A_32 = arith.constant 16 : i32
      %mul3A_33 = arith.muli %scan3A_30, %mul3A_32 : i32
      %add3A_34 = arith.addi %mul3A_33, %arg1 : i32
      %lt3A = arith.constant 1250 : i32
      %lt3A_35 = arith.cmpi slt, %add3A_34, %lt3A : i32
      %convert_element_type3A = arith.extui %lt3A_35 : i1 to i32
      %cond3A = arith.constant 0 : i32
      %cond3A_36 = arith.cmpi ne, %convert_element_type3A, %cond3A : i32
      scf.if %cond3A_36 {
        %mul3A_38 = arith.constant 8 : i32
        %mul3A_39 = arith.muli %add3A_34, %mul3A_38 : i32
        "tpu.region"() ({
          %run_scoped3A = tpu.sem_alloc : memref<!tpu.dma_semaphore, #tpu.memory_space<semaphore_mem>>
          %dma_start3A = arith.constant 0 : i32
          %dma_start3A_40 = tpu.memref_slice %arg13[%mul3A_39, %dma_start3A] : memref<10000x128xf32, #tpu.memory_space<vmem_shared>> -> memref<8x128xf32, #tpu.memory_space<vmem_shared>>
          %dma_start3A_41 = arith.constant 0 : i32
          %dma_start3A_42 = tpu.memref_slice %arg13[%mul3A_39, %dma_start3A_41] : memref<10000x128xf32, #tpu.memory_space<vmem_shared>> -> memref<8x128xf32, #tpu.memory_space<vmem_shared>>
          tpu.enqueue_dma source(%arg12 : memref<8x128xf32, #tpu.memory_space<vmem>>) target(%dma_start3A_42 : memref<8x128xf32, #tpu.memory_space<vmem_shared>>) target_semaphore(%run_scoped3A : memref<!tpu.dma_semaphore, #tpu.memory_space<semaphore_mem>>)
          %dma_wait3A = arith.constant 0 : i32
          %dma_wait3A_43 = tpu.memref_slice %arg13[%mul3A_39, %dma_wait3A] : memref<10000x128xf32, #tpu.memory_space<vmem_shared>> -> memref<8x128xf32, #tpu.memory_space<vmem_shared>>
          %dma_wait3A_44 = arith.constant 0 : i32
          %dma_wait3A_45 = tpu.memref_slice %arg13[%mul3A_39, %dma_wait3A_44] : memref<10000x128xf32, #tpu.memory_space<vmem_shared>> -> memref<8x128xf32, #tpu.memory_space<vmem_shared>>
          tpu.wait_dma2 semaphore(%run_scoped3A : memref<!tpu.dma_semaphore, #tpu.memory_space<semaphore_mem>>) src(%arg12 : memref<8x128xf32, #tpu.memory_space<vmem>>) dst(%dma_wait3A_45 : memref<8x128xf32, #tpu.memory_space<vmem_shared>>)
          tpu.yield
        }) : () -> ()
      } else {
      }
      %scan3A_37 = arith.constant 0 : i32
      scf.yield %scan3A_37 : i32
    }
    %scan3A_14 = arith.constant 79 : i32
    %barrier3A = arith.constant 0 : index
    tpu.barrier barrier_id(%barrier3A)
    %scan3A_15 = arith.constant 0 : i32
    %scan3A_16 = arith.constant 0 : i32
    %scan3A_17 = arith.constant 5 : i32
    %scan3A_18 = arith.addi %scan3A_16, %scan3A_17 : i32
    %scan3A_19 = arith.constant 1 : i32
    %scan3A_20 = scf.for %scan3A_30 = %scan3A_16 to %scan3A_18 step %scan3A_19 iter_args(%scan3A_31 = %scan3A_15) -> (i32)  : i32 {
      %mul3A_32 = arith.constant 40 : i32
      %mul3A_33 = arith.muli %scan3A_30, %mul3A_32 : i32
      "tpu.region"() ({
        %run_scoped3A = tpu.sem_alloc : memref<!tpu.dma_semaphore, #tpu.memory_space<semaphore_mem>>
        %dma_start3A_71 = arith.constant 0 : i32
        %dma_start3A_72 = tpu.memref_slice %arg3[%add3A, %mul3A_33, %dma_start3A_71] : memref<32x200x50xi32, #tpu.memory_space<hbm>> -> memref<1x40x50xi32, #tpu.memory_space<hbm>>
        %dma_start3A_73 = tpu.memref_squeeze %dma_start3A_72 : memref<1x40x50xi32, #tpu.memory_space<hbm>> -> memref<40x50xi32, #tpu.memory_space<hbm>>
        %dma_start3A_74 = arith.constant 0 : i32
        %dma_start3A_75 = tpu.memref_slice %arg3[%add3A, %mul3A_33, %dma_start3A_74] : memref<32x200x50xi32, #tpu.memory_space<hbm>> -> memref<1x40x50xi32, #tpu.memory_space<hbm>>
        %dma_start3A_76 = tpu.memref_squeeze %dma_start3A_75 : memref<1x40x50xi32, #tpu.memory_space<hbm>> -> memref<40x50xi32, #tpu.memory_space<hbm>>
        tpu.enqueue_dma source(%dma_start3A_76 : memref<40x50xi32, #tpu.memory_space<hbm>>) target(%arg6 : memref<40x50xi32, #tpu.memory_space<vmem>>) target_semaphore(%run_scoped3A : memref<!tpu.dma_semaphore, #tpu.memory_space<semaphore_mem>>)
        %dma_wait3A = arith.constant 0 : i32
        %dma_wait3A_77 = tpu.memref_slice %arg3[%add3A, %mul3A_33, %dma_wait3A] : memref<32x200x50xi32, #tpu.memory_space<hbm>> -> memref<1x40x50xi32, #tpu.memory_space<hbm>>
        %dma_wait3A_78 = tpu.memref_squeeze %dma_wait3A_77 : memref<1x40x50xi32, #tpu.memory_space<hbm>> -> memref<40x50xi32, #tpu.memory_space<hbm>>
        %dma_wait3A_79 = arith.constant 0 : i32
        %dma_wait3A_80 = tpu.memref_slice %arg3[%add3A, %mul3A_33, %dma_wait3A_79] : memref<32x200x50xi32, #tpu.memory_space<hbm>> -> memref<1x40x50xi32, #tpu.memory_space<hbm>>
        %dma_wait3A_81 = tpu.memref_squeeze %dma_wait3A_80 : memref<1x40x50xi32, #tpu.memory_space<hbm>> -> memref<40x50xi32, #tpu.memory_space<hbm>>
        tpu.wait_dma2 semaphore(%run_scoped3A : memref<!tpu.dma_semaphore, #tpu.memory_space<semaphore_mem>>) src(%dma_wait3A_81 : memref<40x50xi32, #tpu.memory_space<hbm>>) dst(%arg6 : memref<40x50xi32, #tpu.memory_space<vmem>>)
        tpu.yield
      }) : () -> ()
      %mul3A_34 = arith.constant 40 : i32
      %mul3A_35 = arith.muli %scan3A_30, %mul3A_34 : i32
      "tpu.region"() ({
        %run_scoped3A = tpu.sem_alloc : memref<!tpu.dma_semaphore, #tpu.memory_space<semaphore_mem>>
        %dma_start3A_71 = arith.constant 0 : i32
        %dma_start3A_72 = tpu.memref_slice %arg4[%add3A, %mul3A_35, %dma_start3A_71] : memref<32x200x50xi32, #tpu.memory_space<hbm>> -> memref<1x40x50xi32, #tpu.memory_space<hbm>>
        %dma_start3A_73 = tpu.memref_squeeze %dma_start3A_72 : memref<1x40x50xi32, #tpu.memory_space<hbm>> -> memref<40x50xi32, #tpu.memory_space<hbm>>
        %dma_start3A_74 = arith.constant 0 : i32
        %dma_start3A_75 = tpu.memref_slice %arg4[%add3A, %mul3A_35, %dma_start3A_74] : memref<32x200x50xi32, #tpu.memory_space<hbm>> -> memref<1x40x50xi32, #tpu.memory_space<hbm>>
        %dma_start3A_76 = tpu.memref_squeeze %dma_start3A_75 : memref<1x40x50xi32, #tpu.memory_space<hbm>> -> memref<40x50xi32, #tpu.memory_space<hbm>>
        tpu.enqueue_dma source(%dma_start3A_76 : memref<40x50xi32, #tpu.memory_space<hbm>>) target(%arg7 : memref<40x50xi32, #tpu.memory_space<vmem>>) target_semaphore(%run_scoped3A : memref<!tpu.dma_semaphore, #tpu.memory_space<semaphore_mem>>)
        %dma_wait3A = arith.constant 0 : i32
        %dma_wait3A_77 = tpu.memref_slice %arg4[%add3A, %mul3A_35, %dma_wait3A] : memref<32x200x50xi32, #tpu.memory_space<hbm>> -> memref<1x40x50xi32, #tpu.memory_space<hbm>>
        %dma_wait3A_78 = tpu.memref_squeeze %dma_wait3A_77 : memref<1x40x50xi32, #tpu.memory_space<hbm>> -> memref<40x50xi32, #tpu.memory_space<hbm>>
        %dma_wait3A_79 = arith.constant 0 : i32
        %dma_wait3A_80 = tpu.memref_slice %arg4[%add3A, %mul3A_35, %dma_wait3A_79] : memref<32x200x50xi32, #tpu.memory_space<hbm>> -> memref<1x40x50xi32, #tpu.memory_space<hbm>>
        %dma_wait3A_81 = tpu.memref_squeeze %dma_wait3A_80 : memref<1x40x50xi32, #tpu.memory_space<hbm>> -> memref<40x50xi32, #tpu.memory_space<hbm>>
        tpu.wait_dma2 semaphore(%run_scoped3A : memref<!tpu.dma_semaphore, #tpu.memory_space<semaphore_mem>>) src(%dma_wait3A_81 : memref<40x50xi32, #tpu.memory_space<hbm>>) dst(%arg7 : memref<40x50xi32, #tpu.memory_space<vmem>>)
        tpu.yield
      }) : () -> ()
      %dma_start3A = arith.constant 0 : i32
      %dma_start3A_36 = arith.constant 0 : i32
      %dma_start3A_37 = tpu.memref_slice %arg6[%dma_start3A, %dma_start3A_36] : memref<40x50xi32, #tpu.memory_space<vmem>> -> memref<1x50xi32, #tpu.memory_space<vmem>>
      %dma_start3A_38 = tpu.memref_squeeze %dma_start3A_37 : memref<1x50xi32, #tpu.memory_space<vmem>> -> memref<50xi32, #tpu.memory_space<vmem>>
      %dma_start3A_39 = arith.constant 0 : i32
      %dma_start3A_40 = arith.constant 0 : i32
      %dma_start3A_41 = tpu.memref_slice %arg2[%dma_start3A_39, %dma_start3A_40] : memref<10000x128xf32, #tpu.memory_space<hbm>> -> memref<10000x128xf32, #tpu.memory_space<hbm>>
      tpu.enqueue_indirect_dma source(%dma_start3A_41 : memref<10000x128xf32, #tpu.memory_space<hbm>>) target(%arg8 : memref<50x128xf32, #tpu.memory_space<vmem>>) offsets(%dma_start3A_38 : memref<50xi32, #tpu.memory_space<vmem>>) semaphore(%arg14 : memref<!tpu.dma_semaphore, #tpu.memory_space<semaphore_mem>>)
      %dma_start3A_42 = arith.constant 1 : i32
      %dma_start3A_43 = arith.constant 0 : i32
      %dma_start3A_44 = tpu.memref_slice %arg6[%dma_start3A_42, %dma_start3A_43] : memref<40x50xi32, #tpu.memory_space<vmem>> -> memref<1x50xi32, #tpu.memory_space<vmem>>
      %dma_start3A_45 = tpu.memref_squeeze %dma_start3A_44 : memref<1x50xi32, #tpu.memory_space<vmem>> -> memref<50xi32, #tpu.memory_space<vmem>>
      %dma_start3A_46 = arith.constant 0 : i32
      %dma_start3A_47 = arith.constant 0 : i32
      %dma_start3A_48 = tpu.memref_slice %arg2[%dma_start3A_46, %dma_start3A_47] : memref<10000x128xf32, #tpu.memory_space<hbm>> -> memref<10000x128xf32, #tpu.memory_space<hbm>>
      tpu.enqueue_indirect_dma source(%dma_start3A_48 : memref<10000x128xf32, #tpu.memory_space<hbm>>) target(%arg9 : memref<50x128xf32, #tpu.memory_space<vmem>>) offsets(%dma_start3A_45 : memref<50xi32, #tpu.memory_space<vmem>>) semaphore(%arg15 : memref<!tpu.dma_semaphore, #tpu.memory_space<semaphore_mem>>)
      %dma_start3A_49 = arith.constant 2 : i32
      %dma_start3A_50 = arith.constant 0 : i32
      %dma_start3A_51 = tpu.memref_slice %arg6[%dma_start3A_49, %dma_start3A_50] : memref<40x50xi32, #tpu.memory_space<vmem>> -> memref<1x50xi32, #tpu.memory_space<vmem>>
      %dma_start3A_52 = tpu.memref_squeeze %dma_start3A_51 : memref<1x50xi32, #tpu.memory_space<vmem>> -> memref<50xi32, #tpu.memory_space<vmem>>
      %dma_start3A_53 = arith.constant 0 : i32
      %dma_start3A_54 = arith.constant 0 : i32
      %dma_start3A_55 = tpu.memref_slice %arg2[%dma_start3A_53, %dma_start3A_54] : memref<10000x128xf32, #tpu.memory_space<hbm>> -> memref<10000x128xf32, #tpu.memory_space<hbm>>
      tpu.enqueue_indirect_dma source(%dma_start3A_55 : memref<10000x128xf32, #tpu.memory_space<hbm>>) target(%arg10 : memref<50x128xf32, #tpu.memory_space<vmem>>) offsets(%dma_start3A_52 : memref<50xi32, #tpu.memory_space<vmem>>) semaphore(%arg16 : memref<!tpu.dma_semaphore, #tpu.memory_space<semaphore_mem>>)
      %dma_start3A_56 = arith.constant 3 : i32
      %dma_start3A_57 = arith.constant 0 : i32
      %dma_start3A_58 = tpu.memref_slice %arg6[%dma_start3A_56, %dma_start3A_57] : memref<40x50xi32, #tpu.memory_space<vmem>> -> memref<1x50xi32, #tpu.memory_space<vmem>>
      %dma_start3A_59 = tpu.memref_squeeze %dma_start3A_58 : memref<1x50xi32, #tpu.memory_space<vmem>> -> memref<50xi32, #tpu.memory_space<vmem>>
      %dma_start3A_60 = arith.constant 0 : i32
      %dma_start3A_61 = arith.constant 0 : i32
      %dma_start3A_62 = tpu.memref_slice %arg2[%dma_start3A_60, %dma_start3A_61] : memref<10000x128xf32, #tpu.memory_space<hbm>> -> memref<10000x128xf32, #tpu.memory_space<hbm>>
      tpu.enqueue_indirect_dma source(%dma_start3A_62 : memref<10000x128xf32, #tpu.memory_space<hbm>>) target(%arg11 : memref<50x128xf32, #tpu.memory_space<vmem>>) offsets(%dma_start3A_59 : memref<50xi32, #tpu.memory_space<vmem>>) semaphore(%arg17 : memref<!tpu.dma_semaphore, #tpu.memory_space<semaphore_mem>>)
      %scan3A_63 = arith.constant 0 : i32
      %scan3A_64 = arith.constant 0 : i32
      %scan3A_65 = arith.constant 10 : i32
      %scan3A_66 = arith.addi %scan3A_64, %scan3A_65 : i32
      %scan3A_67 = arith.constant 1 : i32
      %scan3A_68 = scf.for %scan3A_71 = %scan3A_64 to %scan3A_66 step %scan3A_67 iter_args(%scan3A_72 = %scan3A_63) -> (i32)  : i32 {
        %mul3A_73 = arith.constant 4 : i32
        %mul3A_74 = arith.muli %scan3A_71, %mul3A_73 : i32
        %add3A_75 = arith.constant 0 : i32
        %add3A_76 = arith.addi %mul3A_74, %add3A_75 : i32
        %dma_wait3A = arith.constant 0 : i32
        %dma_wait3A_77 = tpu.memref_slice %arg6[%add3A_76, %dma_wait3A] : memref<40x50xi32, #tpu.memory_space<vmem>> -> memref<1x50xi32, #tpu.memory_space<vmem>>
        %dma_wait3A_78 = tpu.memref_squeeze %dma_wait3A_77 : memref<1x50xi32, #tpu.memory_space<vmem>> -> memref<50xi32, #tpu.memory_space<vmem>>
        %dma_wait3A_79 = arith.constant 0 : i32
        %dma_wait3A_80 = arith.constant 0 : i32
        %dma_wait3A_81 = tpu.memref_slice %arg2[%dma_wait3A_79, %dma_wait3A_80] : memref<10000x128xf32, #tpu.memory_space<hbm>> -> memref<10000x128xf32, #tpu.memory_space<hbm>>
        tpu.wait_indirect_dma semaphore(%arg14 : memref<!tpu.dma_semaphore, #tpu.memory_space<semaphore_mem>>) src(%dma_wait3A_81 : memref<10000x128xf32, #tpu.memory_space<hbm>>) dst(%arg8 : memref<50x128xf32, #tpu.memory_space<vmem>>)
        "tpu.region"() ({
          %run_scoped3A = tpu.sem_alloc : memref<!tpu.dma_semaphore, #tpu.memory_space<semaphore_mem>>
          %dma_start3A_138 = arith.constant 0 : i32
          %dma_start3A_139 = tpu.memref_slice %arg7[%add3A_76, %dma_start3A_138] : memref<40x50xi32, #tpu.memory_space<vmem>> -> memref<1x50xi32, #tpu.memory_space<vmem>>
          %dma_start3A_140 = tpu.memref_squeeze %dma_start3A_139 : memref<1x50xi32, #tpu.memory_space<vmem>> -> memref<50xi32, #tpu.memory_space<vmem>>
          %dma_start3A_141 = arith.constant 0 : i32
          %dma_start3A_142 = arith.constant 0 : i32
          %dma_start3A_143 = tpu.memref_slice %arg13[%dma_start3A_141, %dma_start3A_142] : memref<10000x128xf32, #tpu.memory_space<vmem_shared>> -> memref<10000x128xf32, #tpu.memory_space<vmem_shared>>
          tpu.enqueue_indirect_dma source(%arg8 : memref<50x128xf32, #tpu.memory_space<vmem>>) target(%dma_start3A_143 : memref<10000x128xf32, #tpu.memory_space<vmem_shared>>) offsets(%dma_start3A_140 : memref<50xi32, #tpu.memory_space<vmem>>) semaphore(%run_scoped3A : memref<!tpu.dma_semaphore, #tpu.memory_space<semaphore_mem>>) {add = true}
          %dma_wait3A_144 = arith.constant 0 : i32
          %dma_wait3A_145 = tpu.memref_slice %arg7[%add3A_76, %dma_wait3A_144] : memref<40x50xi32, #tpu.memory_space<vmem>> -> memref<1x50xi32, #tpu.memory_space<vmem>>
          %dma_wait3A_146 = tpu.memref_squeeze %dma_wait3A_145 : memref<1x50xi32, #tpu.memory_space<vmem>> -> memref<50xi32, #tpu.memory_space<vmem>>
          %dma_wait3A_147 = arith.constant 0 : i32
          %dma_wait3A_148 = arith.constant 0 : i32
          %dma_wait3A_149 = tpu.memref_slice %arg13[%dma_wait3A_147, %dma_wait3A_148] : memref<10000x128xf32, #tpu.memory_space<vmem_shared>> -> memref<10000x128xf32, #tpu.memory_space<vmem_shared>>
          tpu.wait_indirect_dma semaphore(%run_scoped3A : memref<!tpu.dma_semaphore, #tpu.memory_space<semaphore_mem>>) src(%arg8 : memref<50x128xf32, #tpu.memory_space<vmem>>) dst(%dma_wait3A_149 : memref<10000x128xf32, #tpu.memory_space<vmem_shared>>)
          tpu.yield
        }) : () -> ()
        %add3A_82 = arith.constant 4 : i32
        %add3A_83 = arith.addi %add3A_76, %add3A_82 : i32
        %lt3A = arith.constant 40 : i32
        %lt3A_84 = arith.cmpi slt, %add3A_83, %lt3A : i32
        %convert_element_type3A = arith.extui %lt3A_84 : i1 to i32
        %cond3A = arith.constant 0 : i32
        %cond3A_85 = arith.cmpi ne, %convert_element_type3A, %cond3A : i32
        scf.if %cond3A_85 {
          %add3A_138 = arith.constant 4 : i32
          %add3A_139 = arith.addi %add3A_76, %add3A_138 : i32
          %dma_start3A_140 = arith.constant 0 : i32
          %dma_start3A_141 = tpu.memref_slice %arg6[%add3A_139, %dma_start3A_140] : memref<40x50xi32, #tpu.memory_space<vmem>> -> memref<1x50xi32, #tpu.memory_space<vmem>>
          %dma_start3A_142 = tpu.memref_squeeze %dma_start3A_141 : memref<1x50xi32, #tpu.memory_space<vmem>> -> memref<50xi32, #tpu.memory_space<vmem>>
          %dma_start3A_143 = arith.constant 0 : i32
          %dma_start3A_144 = arith.constant 0 : i32
          %dma_start3A_145 = tpu.memref_slice %arg2[%dma_start3A_143, %dma_start3A_144] : memref<10000x128xf32, #tpu.memory_space<hbm>> -> memref<10000x128xf32, #tpu.memory_space<hbm>>
          tpu.enqueue_indirect_dma source(%dma_start3A_145 : memref<10000x128xf32, #tpu.memory_space<hbm>>) target(%arg8 : memref<50x128xf32, #tpu.memory_space<vmem>>) offsets(%dma_start3A_142 : memref<50xi32, #tpu.memory_space<vmem>>) semaphore(%arg14 : memref<!tpu.dma_semaphore, #tpu.memory_space<semaphore_mem>>)
        } else {
        }
        %mul3A_86 = arith.constant 4 : i32
        %mul3A_87 = arith.muli %scan3A_71, %mul3A_86 : i32
        %add3A_88 = arith.constant 1 : i32
        %add3A_89 = arith.addi %mul3A_87, %add3A_88 : i32
        %dma_wait3A_90 = arith.constant 0 : i32
        %dma_wait3A_91 = tpu.memref_slice %arg6[%add3A_89, %dma_wait3A_90] : memref<40x50xi32, #tpu.memory_space<vmem>> -> memref<1x50xi32, #tpu.memory_space<vmem>>
        %dma_wait3A_92 = tpu.memref_squeeze %dma_wait3A_91 : memref<1x50xi32, #tpu.memory_space<vmem>> -> memref<50xi32, #tpu.memory_space<vmem>>
        %dma_wait3A_93 = arith.constant 0 : i32
        %dma_wait3A_94 = arith.constant 0 : i32
        %dma_wait3A_95 = tpu.memref_slice %arg2[%dma_wait3A_93, %dma_wait3A_94] : memref<10000x128xf32, #tpu.memory_space<hbm>> -> memref<10000x128xf32, #tpu.memory_space<hbm>>
        tpu.wait_indirect_dma semaphore(%arg15 : memref<!tpu.dma_semaphore, #tpu.memory_space<semaphore_mem>>) src(%dma_wait3A_95 : memref<10000x128xf32, #tpu.memory_space<hbm>>) dst(%arg9 : memref<50x128xf32, #tpu.memory_space<vmem>>)
        "tpu.region"() ({
          %run_scoped3A = tpu.sem_alloc : memref<!tpu.dma_semaphore, #tpu.memory_space<semaphore_mem>>
          %dma_start3A_138 = arith.constant 0 : i32
          %dma_start3A_139 = tpu.memref_slice %arg7[%add3A_89, %dma_start3A_138] : memref<40x50xi32, #tpu.memory_space<vmem>> -> memref<1x50xi32, #tpu.memory_space<vmem>>
          %dma_start3A_140 = tpu.memref_squeeze %dma_start3A_139 : memref<1x50xi32, #tpu.memory_space<vmem>> -> memref<50xi32, #tpu.memory_space<vmem>>
          %dma_start3A_141 = arith.constant 0 : i32
          %dma_start3A_142 = arith.constant 0 : i32
          %dma_start3A_143 = tpu.memref_slice %arg13[%dma_start3A_141, %dma_start3A_142] : memref<10000x128xf32, #tpu.memory_space<vmem_shared>> -> memref<10000x128xf32, #tpu.memory_space<vmem_shared>>
          tpu.enqueue_indirect_dma source(%arg9 : memref<50x128xf32, #tpu.memory_space<vmem>>) target(%dma_start3A_143 : memref<10000x128xf32, #tpu.memory_space<vmem_shared>>) offsets(%dma_start3A_140 : memref<50xi32, #tpu.memory_space<vmem>>) semaphore(%run_scoped3A : memref<!tpu.dma_semaphore, #tpu.memory_space<semaphore_mem>>) {add = true}
          %dma_wait3A_144 = arith.constant 0 : i32
          %dma_wait3A_145 = tpu.memref_slice %arg7[%add3A_89, %dma_wait3A_144] : memref<40x50xi32, #tpu.memory_space<vmem>> -> memref<1x50xi32, #tpu.memory_space<vmem>>
          %dma_wait3A_146 = tpu.memref_squeeze %dma_wait3A_145 : memref<1x50xi32, #tpu.memory_space<vmem>> -> memref<50xi32, #tpu.memory_space<vmem>>
          %dma_wait3A_147 = arith.constant 0 : i32
          %dma_wait3A_148 = arith.constant 0 : i32
          %dma_wait3A_149 = tpu.memref_slice %arg13[%dma_wait3A_147, %dma_wait3A_148] : memref<10000x128xf32, #tpu.memory_space<vmem_shared>> -> memref<10000x128xf32, #tpu.memory_space<vmem_shared>>
          tpu.wait_indirect_dma semaphore(%run_scoped3A : memref<!tpu.dma_semaphore, #tpu.memory_space<semaphore_mem>>) src(%arg9 : memref<50x128xf32, #tpu.memory_space<vmem>>) dst(%dma_wait3A_149 : memref<10000x128xf32, #tpu.memory_space<vmem_shared>>)
          tpu.yield
        }) : () -> ()
        %add3A_96 = arith.constant 4 : i32
        %add3A_97 = arith.addi %add3A_89, %add3A_96 : i32
        %lt3A_98 = arith.constant 40 : i32
        %lt3A_99 = arith.cmpi slt, %add3A_97, %lt3A_98 : i32
        %convert_element_type3A_100 = arith.extui %lt3A_99 : i1 to i32
        %cond3A_101 = arith.constant 0 : i32
        %cond3A_102 = arith.cmpi ne, %convert_element_type3A_100, %cond3A_101 : i32
        scf.if %cond3A_102 {
          %add3A_138 = arith.constant 4 : i32
          %add3A_139 = arith.addi %add3A_89, %add3A_138 : i32
          %dma_start3A_140 = arith.constant 0 : i32
          %dma_start3A_141 = tpu.memref_slice %arg6[%add3A_139, %dma_start3A_140] : memref<40x50xi32, #tpu.memory_space<vmem>> -> memref<1x50xi32, #tpu.memory_space<vmem>>
          %dma_start3A_142 = tpu.memref_squeeze %dma_start3A_141 : memref<1x50xi32, #tpu.memory_space<vmem>> -> memref<50xi32, #tpu.memory_space<vmem>>
          %dma_start3A_143 = arith.constant 0 : i32
          %dma_start3A_144 = arith.constant 0 : i32
          %dma_start3A_145 = tpu.memref_slice %arg2[%dma_start3A_143, %dma_start3A_144] : memref<10000x128xf32, #tpu.memory_space<hbm>> -> memref<10000x128xf32, #tpu.memory_space<hbm>>
          tpu.enqueue_indirect_dma source(%dma_start3A_145 : memref<10000x128xf32, #tpu.memory_space<hbm>>) target(%arg9 : memref<50x128xf32, #tpu.memory_space<vmem>>) offsets(%dma_start3A_142 : memref<50xi32, #tpu.memory_space<vmem>>) semaphore(%arg15 : memref<!tpu.dma_semaphore, #tpu.memory_space<semaphore_mem>>)
        } else {
        }
        %mul3A_103 = arith.constant 4 : i32
        %mul3A_104 = arith.muli %scan3A_71, %mul3A_103 : i32
        %add3A_105 = arith.constant 2 : i32
        %add3A_106 = arith.addi %mul3A_104, %add3A_105 : i32
        %dma_wait3A_107 = arith.constant 0 : i32
        %dma_wait3A_108 = tpu.memref_slice %arg6[%add3A_106, %dma_wait3A_107] : memref<40x50xi32, #tpu.memory_space<vmem>> -> memref<1x50xi32, #tpu.memory_space<vmem>>
        %dma_wait3A_109 = tpu.memref_squeeze %dma_wait3A_108 : memref<1x50xi32, #tpu.memory_space<vmem>> -> memref<50xi32, #tpu.memory_space<vmem>>
        %dma_wait3A_110 = arith.constant 0 : i32
        %dma_wait3A_111 = arith.constant 0 : i32
        %dma_wait3A_112 = tpu.memref_slice %arg2[%dma_wait3A_110, %dma_wait3A_111] : memref<10000x128xf32, #tpu.memory_space<hbm>> -> memref<10000x128xf32, #tpu.memory_space<hbm>>
        tpu.wait_indirect_dma semaphore(%arg16 : memref<!tpu.dma_semaphore, #tpu.memory_space<semaphore_mem>>) src(%dma_wait3A_112 : memref<10000x128xf32, #tpu.memory_space<hbm>>) dst(%arg10 : memref<50x128xf32, #tpu.memory_space<vmem>>)
        "tpu.region"() ({
          %run_scoped3A = tpu.sem_alloc : memref<!tpu.dma_semaphore, #tpu.memory_space<semaphore_mem>>
          %dma_start3A_138 = arith.constant 0 : i32
          %dma_start3A_139 = tpu.memref_slice %arg7[%add3A_106, %dma_start3A_138] : memref<40x50xi32, #tpu.memory_space<vmem>> -> memref<1x50xi32, #tpu.memory_space<vmem>>
          %dma_start3A_140 = tpu.memref_squeeze %dma_start3A_139 : memref<1x50xi32, #tpu.memory_space<vmem>> -> memref<50xi32, #tpu.memory_space<vmem>>
          %dma_start3A_141 = arith.constant 0 : i32
          %dma_start3A_142 = arith.constant 0 : i32
          %dma_start3A_143 = tpu.memref_slice %arg13[%dma_start3A_141, %dma_start3A_142] : memref<10000x128xf32, #tpu.memory_space<vmem_shared>> -> memref<10000x128xf32, #tpu.memory_space<vmem_shared>>
          tpu.enqueue_indirect_dma source(%arg10 : memref<50x128xf32, #tpu.memory_space<vmem>>) target(%dma_start3A_143 : memref<10000x128xf32, #tpu.memory_space<vmem_shared>>) offsets(%dma_start3A_140 : memref<50xi32, #tpu.memory_space<vmem>>) semaphore(%run_scoped3A : memref<!tpu.dma_semaphore, #tpu.memory_space<semaphore_mem>>) {add = true}
          %dma_wait3A_144 = arith.constant 0 : i32
          %dma_wait3A_145 = tpu.memref_slice %arg7[%add3A_106, %dma_wait3A_144] : memref<40x50xi32, #tpu.memory_space<vmem>> -> memref<1x50xi32, #tpu.memory_space<vmem>>
          %dma_wait3A_146 = tpu.memref_squeeze %dma_wait3A_145 : memref<1x50xi32, #tpu.memory_space<vmem>> -> memref<50xi32, #tpu.memory_space<vmem>>
          %dma_wait3A_147 = arith.constant 0 : i32
          %dma_wait3A_148 = arith.constant 0 : i32
          %dma_wait3A_149 = tpu.memref_slice %arg13[%dma_wait3A_147, %dma_wait3A_148] : memref<10000x128xf32, #tpu.memory_space<vmem_shared>> -> memref<10000x128xf32, #tpu.memory_space<vmem_shared>>
          tpu.wait_indirect_dma semaphore(%run_scoped3A : memref<!tpu.dma_semaphore, #tpu.memory_space<semaphore_mem>>) src(%arg10 : memref<50x128xf32, #tpu.memory_space<vmem>>) dst(%dma_wait3A_149 : memref<10000x128xf32, #tpu.memory_space<vmem_shared>>)
          tpu.yield
        }) : () -> ()
        %add3A_113 = arith.constant 4 : i32
        %add3A_114 = arith.addi %add3A_106, %add3A_113 : i32
        %lt3A_115 = arith.constant 40 : i32
        %lt3A_116 = arith.cmpi slt, %add3A_114, %lt3A_115 : i32
        %convert_element_type3A_117 = arith.extui %lt3A_116 : i1 to i32
        %cond3A_118 = arith.constant 0 : i32
        %cond3A_119 = arith.cmpi ne, %convert_element_type3A_117, %cond3A_118 : i32
        scf.if %cond3A_119 {
          %add3A_138 = arith.constant 4 : i32
          %add3A_139 = arith.addi %add3A_106, %add3A_138 : i32
          %dma_start3A_140 = arith.constant 0 : i32
          %dma_start3A_141 = tpu.memref_slice %arg6[%add3A_139, %dma_start3A_140] : memref<40x50xi32, #tpu.memory_space<vmem>> -> memref<1x50xi32, #tpu.memory_space<vmem>>
          %dma_start3A_142 = tpu.memref_squeeze %dma_start3A_141 : memref<1x50xi32, #tpu.memory_space<vmem>> -> memref<50xi32, #tpu.memory_space<vmem>>
          %dma_start3A_143 = arith.constant 0 : i32
          %dma_start3A_144 = arith.constant 0 : i32
          %dma_start3A_145 = tpu.memref_slice %arg2[%dma_start3A_143, %dma_start3A_144] : memref<10000x128xf32, #tpu.memory_space<hbm>> -> memref<10000x128xf32, #tpu.memory_space<hbm>>
          tpu.enqueue_indirect_dma source(%dma_start3A_145 : memref<10000x128xf32, #tpu.memory_space<hbm>>) target(%arg10 : memref<50x128xf32, #tpu.memory_space<vmem>>) offsets(%dma_start3A_142 : memref<50xi32, #tpu.memory_space<vmem>>) semaphore(%arg16 : memref<!tpu.dma_semaphore, #tpu.memory_space<semaphore_mem>>)
        } else {
        }
        %mul3A_120 = arith.constant 4 : i32
        %mul3A_121 = arith.muli %scan3A_71, %mul3A_120 : i32
        %add3A_122 = arith.constant 3 : i32
        %add3A_123 = arith.addi %mul3A_121, %add3A_122 : i32
        %dma_wait3A_124 = arith.constant 0 : i32
        %dma_wait3A_125 = tpu.memref_slice %arg6[%add3A_123, %dma_wait3A_124] : memref<40x50xi32, #tpu.memory_space<vmem>> -> memref<1x50xi32, #tpu.memory_space<vmem>>
        %dma_wait3A_126 = tpu.memref_squeeze %dma_wait3A_125 : memref<1x50xi32, #tpu.memory_space<vmem>> -> memref<50xi32, #tpu.memory_space<vmem>>
        %dma_wait3A_127 = arith.constant 0 : i32
        %dma_wait3A_128 = arith.constant 0 : i32
        %dma_wait3A_129 = tpu.memref_slice %arg2[%dma_wait3A_127, %dma_wait3A_128] : memref<10000x128xf32, #tpu.memory_space<hbm>> -> memref<10000x128xf32, #tpu.memory_space<hbm>>
        tpu.wait_indirect_dma semaphore(%arg17 : memref<!tpu.dma_semaphore, #tpu.memory_space<semaphore_mem>>) src(%dma_wait3A_129 : memref<10000x128xf32, #tpu.memory_space<hbm>>) dst(%arg11 : memref<50x128xf32, #tpu.memory_space<vmem>>)
        "tpu.region"() ({
          %run_scoped3A = tpu.sem_alloc : memref<!tpu.dma_semaphore, #tpu.memory_space<semaphore_mem>>
          %dma_start3A_138 = arith.constant 0 : i32
          %dma_start3A_139 = tpu.memref_slice %arg7[%add3A_123, %dma_start3A_138] : memref<40x50xi32, #tpu.memory_space<vmem>> -> memref<1x50xi32, #tpu.memory_space<vmem>>
          %dma_start3A_140 = tpu.memref_squeeze %dma_start3A_139 : memref<1x50xi32, #tpu.memory_space<vmem>> -> memref<50xi32, #tpu.memory_space<vmem>>
          %dma_start3A_141 = arith.constant 0 : i32
          %dma_start3A_142 = arith.constant 0 : i32
          %dma_start3A_143 = tpu.memref_slice %arg13[%dma_start3A_141, %dma_start3A_142] : memref<10000x128xf32, #tpu.memory_space<vmem_shared>> -> memref<10000x128xf32, #tpu.memory_space<vmem_shared>>
          tpu.enqueue_indirect_dma source(%arg11 : memref<50x128xf32, #tpu.memory_space<vmem>>) target(%dma_start3A_143 : memref<10000x128xf32, #tpu.memory_space<vmem_shared>>) offsets(%dma_start3A_140 : memref<50xi32, #tpu.memory_space<vmem>>) semaphore(%run_scoped3A : memref<!tpu.dma_semaphore, #tpu.memory_space<semaphore_mem>>) {add = true}
          %dma_wait3A_144 = arith.constant 0 : i32
          %dma_wait3A_145 = tpu.memref_slice %arg7[%add3A_123, %dma_wait3A_144] : memref<40x50xi32, #tpu.memory_space<vmem>> -> memref<1x50xi32, #tpu.memory_space<vmem>>
          %dma_wait3A_146 = tpu.memref_squeeze %dma_wait3A_145 : memref<1x50xi32, #tpu.memory_space<vmem>> -> memref<50xi32, #tpu.memory_space<vmem>>
          %dma_wait3A_147 = arith.constant 0 : i32
          %dma_wait3A_148 = arith.constant 0 : i32
          %dma_wait3A_149 = tpu.memref_slice %arg13[%dma_wait3A_147, %dma_wait3A_148] : memref<10000x128xf32, #tpu.memory_space<vmem_shared>> -> memref<10000x128xf32, #tpu.memory_space<vmem_shared>>
          tpu.wait_indirect_dma semaphore(%run_scoped3A : memref<!tpu.dma_semaphore, #tpu.memory_space<semaphore_mem>>) src(%arg11 : memref<50x128xf32, #tpu.memory_space<vmem>>) dst(%dma_wait3A_149 : memref<10000x128xf32, #tpu.memory_space<vmem_shared>>)
          tpu.yield
        }) : () -> ()
        %add3A_130 = arith.constant 4 : i32
        %add3A_131 = arith.addi %add3A_123, %add3A_130 : i32
        %lt3A_132 = arith.constant 40 : i32
        %lt3A_133 = arith.cmpi slt, %add3A_131, %lt3A_132 : i32
        %convert_element_type3A_134 = arith.extui %lt3A_133 : i1 to i32
        %cond3A_135 = arith.constant 0 : i32
        %cond3A_136 = arith.cmpi ne, %convert_element_type3A_134, %cond3A_135 : i32
        scf.if %cond3A_136 {
          %add3A_138 = arith.constant 4 : i32
          %add3A_139 = arith.addi %add3A_123, %add3A_138 : i32
          %dma_start3A_140 = arith.constant 0 : i32
          %dma_start3A_141 = tpu.memref_slice %arg6[%add3A_139, %dma_start3A_140] : memref<40x50xi32, #tpu.memory_space<vmem>> -> memref<1x50xi32, #tpu.memory_space<vmem>>
          %dma_start3A_142 = tpu.memref_squeeze %dma_start3A_141 : memref<1x50xi32, #tpu.memory_space<vmem>> -> memref<50xi32, #tpu.memory_space<vmem>>
          %dma_start3A_143 = arith.constant 0 : i32
          %dma_start3A_144 = arith.constant 0 : i32
          %dma_start3A_145 = tpu.memref_slice %arg2[%dma_start3A_143, %dma_start3A_144] : memref<10000x128xf32, #tpu.memory_space<hbm>> -> memref<10000x128xf32, #tpu.memory_space<hbm>>
          tpu.enqueue_indirect_dma source(%dma_start3A_145 : memref<10000x128xf32, #tpu.memory_space<hbm>>) target(%arg11 : memref<50x128xf32, #tpu.memory_space<vmem>>) offsets(%dma_start3A_142 : memref<50xi32, #tpu.memory_space<vmem>>) semaphore(%arg17 : memref<!tpu.dma_semaphore, #tpu.memory_space<semaphore_mem>>)
        } else {
        }
        %scan3A_137 = arith.constant 0 : i32
        scf.yield %scan3A_137 : i32
      }
      %scan3A_69 = arith.constant 10 : i32
      %scan3A_70 = arith.constant 0 : i32
      scf.yield %scan3A_70 : i32
    }
    %scan3A_21 = arith.constant 5 : i32
    %barrier3A_22 = arith.constant 0 : index
    tpu.barrier barrier_id(%barrier3A_22)
    %scan3A_23 = arith.constant 0 : i32
    %scan3A_24 = arith.constant 0 : i32
    %scan3A_25 = arith.constant 79 : i32
    %scan3A_26 = arith.addi %scan3A_24, %scan3A_25 : i32
    %scan3A_27 = arith.constant 1 : i32
    %scan3A_28 = scf.for %scan3A_30 = %scan3A_24 to %scan3A_26 step %scan3A_27 iter_args(%scan3A_31 = %scan3A_23) -> (i32)  : i32 {
      %mul3A_32 = arith.constant 16 : i32
      %mul3A_33 = arith.muli %scan3A_30, %mul3A_32 : i32
      %add3A_34 = arith.addi %mul3A_33, %arg1 : i32
      %lt3A = arith.constant 1250 : i32
      %lt3A_35 = arith.cmpi slt, %add3A_34, %lt3A : i32
      %convert_element_type3A = arith.extui %lt3A_35 : i1 to i32
      %cond3A = arith.constant 0 : i32
      %cond3A_36 = arith.cmpi ne, %convert_element_type3A, %cond3A : i32
      scf.if %cond3A_36 {
        %mul3A_38 = arith.constant 8 : i32
        %mul3A_39 = arith.muli %add3A_34, %mul3A_38 : i32
        %mul3A_40 = arith.constant 8 : i32
        %mul3A_41 = arith.muli %add3A_34, %mul3A_40 : i32
        "tpu.region"() ({
          %run_scoped3A = tpu.sem_alloc : memref<!tpu.dma_semaphore, #tpu.memory_space<semaphore_mem>>
          %dma_start3A = arith.constant 0 : i32
          %dma_start3A_42 = tpu.memref_slice %arg5[%arg0, %mul3A_41, %dma_start3A] : memref<2x10000x128xf32, #tpu.memory_space<hbm>> -> memref<1x8x128xf32, #tpu.memory_space<hbm>>
          %dma_start3A_43 = tpu.memref_squeeze %dma_start3A_42 : memref<1x8x128xf32, #tpu.memory_space<hbm>> -> memref<8x128xf32, #tpu.memory_space<hbm>>
          %dma_start3A_44 = arith.constant 0 : i32
          %dma_start3A_45 = tpu.memref_slice %arg13[%mul3A_39, %dma_start3A_44] : memref<10000x128xf32, #tpu.memory_space<vmem_shared>> -> memref<8x128xf32, #tpu.memory_space<vmem_shared>>
          tpu.enqueue_dma source(%dma_start3A_45 : memref<8x128xf32, #tpu.memory_space<vmem_shared>>) target(%dma_start3A_43 : memref<8x128xf32, #tpu.memory_space<hbm>>) target_semaphore(%run_scoped3A : memref<!tpu.dma_semaphore, #tpu.memory_space<semaphore_mem>>)
          %dma_wait3A = arith.constant 0 : i32
          %dma_wait3A_46 = tpu.memref_slice %arg5[%arg0, %mul3A_41, %dma_wait3A] : memref<2x10000x128xf32, #tpu.memory_space<hbm>> -> memref<1x8x128xf32, #tpu.memory_space<hbm>>
          %dma_wait3A_47 = tpu.memref_squeeze %dma_wait3A_46 : memref<1x8x128xf32, #tpu.memory_space<hbm>> -> memref<8x128xf32, #tpu.memory_space<hbm>>
          %dma_wait3A_48 = arith.constant 0 : i32
          %dma_wait3A_49 = tpu.memref_slice %arg13[%mul3A_39, %dma_wait3A_48] : memref<10000x128xf32, #tpu.memory_space<vmem_shared>> -> memref<8x128xf32, #tpu.memory_space<vmem_shared>>
          tpu.wait_dma2 semaphore(%run_scoped3A : memref<!tpu.dma_semaphore, #tpu.memory_space<semaphore_mem>>) src(%dma_wait3A_49 : memref<8x128xf32, #tpu.memory_space<vmem_shared>>) dst(%dma_wait3A_47 : memref<8x128xf32, #tpu.memory_space<hbm>>)
          tpu.yield
        }) : () -> ()
      } else {
      }
      %scan3A_37 = arith.constant 0 : i32
      scf.yield %scan3A_37 : i32
    }
    %scan3A_29 = arith.constant 79 : i32
    return
  }
}

#map = affine_map<(d0, d1) -> (0, 0)>
#map1 = affine_map<(d0, d1) -> (0)>
#map2 = affine_map<(d0, d1) -> (0, 0, 0)>
module attributes {stable_mosaic.version = 14 : i64} {
  func.func @body(%arg0: i32, %arg1: i32, %arg2: memref<10000x128xf32, #tpu.memory_space<hbm>>, %arg3: memref<10000xi32, #tpu.memory_space<hbm>>, %arg4: memref<32x125x80xi32, #tpu.memory_space<hbm>>, %arg5: memref<32x125x80xi32, #tpu.memory_space<hbm>>, %arg6: memref<2x1600x128xf32, #tpu.memory_space<hbm>>, %arg7: memref<51200xf32, #tpu.memory_space<hbm>>, %arg8: memref<32x125x80xi32, #tpu.memory_space<hbm>>, %arg9: memref<80xi32, #tpu.memory_space<vmem>>, %arg10: memref<80x128xf32, #tpu.memory_space<vmem>>, %arg11: memref<1600xf32, #tpu.memory_space<vmem>>, %arg12: memref<10000xi32, #tpu.memory_space<vmem>>, %arg13: memref<125x80xi32, #tpu.memory_space<vmem>>, %arg14: memref<125x80xi32, #tpu.memory_space<vmem>>, %arg15: memref<80x128xf32, #tpu.memory_space<vmem>>, %arg16: memref<1600x128xf32, #tpu.memory_space<vmem_shared>>) attributes {dimension_semantics = [#tpu.dimension_semantics<core_parallel>, #tpu.dimension_semantics<subcore_parallel>], iteration_bounds = array<i64: 2, 16>, scalar_prefetch = 0 : i64, scratch_operands = 8 : i64, tpu.core_type = #tpu.core_type<sc_vector_subcore>, window_params = [{transform_indices = #map}, {transform_indices = #map1}, {transform_indices = #map2}, {transform_indices = #map2}, {transform_indices = #map2}, {transform_indices = #map1}, {transform_indices = #map2}]} {
    %mul3A = arith.constant 2 : i32
    %mul3A_0 = arith.muli %arg1, %mul3A : i32
    %add3A = arith.addi %mul3A_0, %arg0 : i32
    %broadcast_in_dim3A = arith.constant 0.000000e+00 : f32
    %broadcast_in_dim3A_1 = vector.broadcast %broadcast_in_dim3A : f32 to vector<16xf32>
    %scan3A = arith.constant 0 : i32
    %scan3A_2 = arith.constant 0 : i32
    %scan3A_3 = arith.constant 640 : i32
    %scan3A_4 = arith.addi %scan3A_2, %scan3A_3 : i32
    %scan3A_5 = arith.constant 1 : i32
    %scan3A_6 = scf.for %scan3A_97 = %scan3A_2 to %scan3A_4 step %scan3A_5 iter_args(%scan3A_98 = %scan3A) -> (i32)  : i32 {
      %jit3A_99 = arith.constant 8 : i32
      %div3A_100 = arith.divsi %scan3A_97, %jit3A_99 : i32
      %sign3A_101 = arith.constant 0 : i32
      %sign3A_102 = arith.cmpi sgt, %scan3A_97, %sign3A_101 : i32
      %sign3A_103 = arith.extui %sign3A_102 : i1 to i32
      %sign3A_104 = arith.constant 0 : i32
      %sign3A_105 = arith.cmpi slt, %scan3A_97, %sign3A_104 : i32
      %sign3A_106 = arith.extui %sign3A_105 : i1 to i32
      %sign3A_107 = arith.subi %sign3A_103, %sign3A_106 : i32
      %sign3A_108 = arith.constant 0 : i32
      %sign3A_109 = arith.cmpi sgt, %jit3A_99, %sign3A_108 : i32
      %sign3A_110 = arith.extui %sign3A_109 : i1 to i32
      %sign3A_111 = arith.constant 0 : i32
      %sign3A_112 = arith.cmpi slt, %jit3A_99, %sign3A_111 : i32
      %sign3A_113 = arith.extui %sign3A_112 : i1 to i32
      %sign3A_114 = arith.subi %sign3A_110, %sign3A_113 : i32
      %ne3A_115 = arith.cmpi ne, %sign3A_107, %sign3A_114 : i32
      %rem3A_116 = arith.remsi %scan3A_97, %jit3A_99 : i32
      %ne3A_117 = arith.constant 0 : i32
      %ne3A_118 = arith.cmpi ne, %rem3A_116, %ne3A_117 : i32
      %and3A_119 = arith.andi %ne3A_115, %ne3A_118 : i1
      %sub3A_120 = arith.constant 1 : i32
      %sub3A_121 = arith.subi %div3A_100, %sub3A_120 : i32
      %select_n3A_122 = arith.select %and3A_119, %sub3A_121, %div3A_100 : i32
      %jit3A_123 = arith.constant 8 : i32
      %eq3A = arith.constant 0 : i32
      %eq3A_124 = arith.cmpi eq, %jit3A_123, %eq3A : i32
      %jit3A_125 = arith.constant 1 : i32
      %select_n3A_126 = arith.select %eq3A_124, %jit3A_125, %jit3A_123 : i32
      %rem3A_127 = arith.remsi %scan3A_97, %select_n3A_126 : i32
      %ne3A_128 = arith.constant 0 : i32
      %ne3A_129 = arith.cmpi ne, %rem3A_127, %ne3A_128 : i32
      %lt3A = arith.constant 0 : i32
      %lt3A_130 = arith.cmpi slt, %rem3A_127, %lt3A : i32
      %lt3A_131 = arith.constant 0 : i32
      %lt3A_132 = arith.cmpi slt, %select_n3A_126, %lt3A_131 : i32
      %ne3A_133 = arith.xori %lt3A_130, %lt3A_132 : i1
      %and3A_134 = arith.andi %ne3A_133, %ne3A_129 : i1
      %add3A_135 = arith.addi %rem3A_127, %select_n3A_126 : i32
      %select_n3A_136 = arith.select %and3A_134, %add3A_135, %rem3A_127 : i32
      %mul3A_137 = arith.constant 16 : i32
      %mul3A_138 = arith.muli %select_n3A_136, %mul3A_137 : i32
      %swap3A = arith.index_cast %select_n3A_122 : i32 to index
      %swap3A_139 = arith.index_cast %mul3A_138 : i32 to index
      %swap3A_140 = tpu.vector_load %arg15[%swap3A, %swap3A_139] {strides = array<i32>} : memref<80x128xf32, #tpu.memory_space<vmem>>, vector<16xf32>,
      tpu.vector_store %arg15[%swap3A, %swap3A_139], %broadcast_in_dim3A_1 {strides = array<i32>} : memref<80x128xf32, #tpu.memory_space<vmem>>, vector<16xf32>,
      %scan3A_141 = arith.constant 0 : i32
      scf.yield %scan3A_141 : i32
    }
    %scan3A_7 = arith.constant 640 : i32
    %scan3A_8 = arith.constant 0 : i32
    %scan3A_9 = arith.constant 0 : i32
    %scan3A_10 = arith.constant 2 : i32
    %scan3A_11 = arith.addi %scan3A_9, %scan3A_10 : i32
    %scan3A_12 = arith.constant 1 : i32
    %scan3A_13 = scf.for %scan3A_97 = %scan3A_9 to %scan3A_11 step %scan3A_12 iter_args(%scan3A_98 = %scan3A_8) -> (i32)  : i32 {
      %mul3A_99 = arith.constant 16 : i32
      %mul3A_100 = arith.muli %scan3A_97, %mul3A_99 : i32
      %add3A_101 = arith.addi %mul3A_100, %arg1 : i32
      %lt3A = arith.constant 20 : i32
      %lt3A_102 = arith.cmpi slt, %add3A_101, %lt3A : i32
      %convert_element_type3A = arith.extui %lt3A_102 : i1 to i32
      %cond3A = arith.constant 0 : i32
      %cond3A_103 = arith.cmpi ne, %convert_element_type3A, %cond3A : i32
      scf.if %cond3A_103 {
        %mul3A_105 = arith.constant 80 : i32
        %mul3A_106 = arith.muli %add3A_101, %mul3A_105 : i32
        "tpu.region"() ({
          %run_scoped3A = tpu.sem_alloc : memref<!tpu.dma_semaphore, #tpu.memory_space<semaphore_mem>>
          %dma_start3A = arith.constant 0 : i32
          %dma_start3A_107 = tpu.memref_slice %arg16[%mul3A_106, %dma_start3A] : memref<1600x128xf32, #tpu.memory_space<vmem_shared>> -> memref<80x128xf32, #tpu.memory_space<vmem_shared>>
          %dma_start3A_108 = arith.constant 0 : i32
          %dma_start3A_109 = tpu.memref_slice %arg16[%mul3A_106, %dma_start3A_108] : memref<1600x128xf32, #tpu.memory_space<vmem_shared>> -> memref<80x128xf32, #tpu.memory_space<vmem_shared>>
          tpu.enqueue_dma source(%arg15 : memref<80x128xf32, #tpu.memory_space<vmem>>) target(%dma_start3A_109 : memref<80x128xf32, #tpu.memory_space<vmem_shared>>) target_semaphore(%run_scoped3A : memref<!tpu.dma_semaphore, #tpu.memory_space<semaphore_mem>>)
          %dma_wait3A = arith.constant 0 : i32
          %dma_wait3A_110 = tpu.memref_slice %arg16[%mul3A_106, %dma_wait3A] : memref<1600x128xf32, #tpu.memory_space<vmem_shared>> -> memref<80x128xf32, #tpu.memory_space<vmem_shared>>
          %dma_wait3A_111 = arith.constant 0 : i32
          %dma_wait3A_112 = tpu.memref_slice %arg16[%mul3A_106, %dma_wait3A_111] : memref<1600x128xf32, #tpu.memory_space<vmem_shared>> -> memref<80x128xf32, #tpu.memory_space<vmem_shared>>
          tpu.wait_dma2 semaphore(%run_scoped3A : memref<!tpu.dma_semaphore, #tpu.memory_space<semaphore_mem>>) src(%arg15 : memref<80x128xf32, #tpu.memory_space<vmem>>) dst(%dma_wait3A_112 : memref<80x128xf32, #tpu.memory_space<vmem_shared>>)
          tpu.yield
        }) : () -> ()
      } else {
      }
      %scan3A_104 = arith.constant 0 : i32
      scf.yield %scan3A_104 : i32
    }
    %scan3A_14 = arith.constant 2 : i32
    %scan3A_15 = arith.constant 0 : i32
    %scan3A_16 = arith.constant 0 : i32
    %scan3A_17 = arith.constant 100 : i32
    %scan3A_18 = arith.addi %scan3A_16, %scan3A_17 : i32
    %scan3A_19 = arith.constant 1 : i32
    %scan3A_20 = scf.for %scan3A_97 = %scan3A_16 to %scan3A_18 step %scan3A_19 iter_args(%scan3A_98 = %scan3A_15) -> (i32)  : i32 {
      %mul3A_99 = arith.constant 16 : i32
      %mul3A_100 = arith.muli %scan3A_97, %mul3A_99 : i32
      %swap3A = arith.index_cast %mul3A_100 : i32 to index
      %swap3A_101 = tpu.vector_load %arg11[%swap3A] {strides = array<i32>} : memref<1600xf32, #tpu.memory_space<vmem>>, vector<16xf32>,
      tpu.vector_store %arg11[%swap3A], %broadcast_in_dim3A_1 {strides = array<i32>} : memref<1600xf32, #tpu.memory_space<vmem>>, vector<16xf32>,
      %scan3A_102 = arith.constant 0 : i32
      scf.yield %scan3A_102 : i32
    }
    %scan3A_21 = arith.constant 100 : i32
    "tpu.region"() ({
      %run_scoped3A = tpu.sem_alloc : memref<!tpu.dma_semaphore, #tpu.memory_space<semaphore_mem>>
      tpu.enqueue_dma source(%arg3 : memref<10000xi32, #tpu.memory_space<hbm>>) target(%arg12 : memref<10000xi32, #tpu.memory_space<vmem>>) target_semaphore(%run_scoped3A : memref<!tpu.dma_semaphore, #tpu.memory_space<semaphore_mem>>)
      tpu.wait_dma2 semaphore(%run_scoped3A : memref<!tpu.dma_semaphore, #tpu.memory_space<semaphore_mem>>) src(%arg3 : memref<10000xi32, #tpu.memory_space<hbm>>) dst(%arg12 : memref<10000xi32, #tpu.memory_space<vmem>>)
      tpu.yield
    }) : () -> ()
    %barrier3A = arith.constant 0 : index
    tpu.barrier barrier_id(%barrier3A)
    %broadcast_in_dim3A_22 = arith.constant 1.000000e+00 : f32
    %broadcast_in_dim3A_23 = vector.broadcast %broadcast_in_dim3A_22 : f32 to vector<16xf32>
    %mul3A_24 = arith.constant 125 : i32
    %mul3A_25 = arith.muli %add3A, %mul3A_24 : i32
    %jit3A = arith.constant 32 : i32
    %div3A = arith.divsi %mul3A_25, %jit3A : i32
    %sign3A = arith.constant 0 : i32
    %sign3A_26 = arith.cmpi sgt, %mul3A_25, %sign3A : i32
    %sign3A_27 = arith.extui %sign3A_26 : i1 to i32
    %sign3A_28 = arith.constant 0 : i32
    %sign3A_29 = arith.cmpi slt, %mul3A_25, %sign3A_28 : i32
    %sign3A_30 = arith.extui %sign3A_29 : i1 to i32
    %sign3A_31 = arith.subi %sign3A_27, %sign3A_30 : i32
    %sign3A_32 = arith.constant 0 : i32
    %sign3A_33 = arith.cmpi sgt, %jit3A, %sign3A_32 : i32
    %sign3A_34 = arith.extui %sign3A_33 : i1 to i32
    %sign3A_35 = arith.constant 0 : i32
    %sign3A_36 = arith.cmpi slt, %jit3A, %sign3A_35 : i32
    %sign3A_37 = arith.extui %sign3A_36 : i1 to i32
    %sign3A_38 = arith.subi %sign3A_34, %sign3A_37 : i32
    %ne3A = arith.cmpi ne, %sign3A_31, %sign3A_38 : i32
    %rem3A = arith.remsi %mul3A_25, %jit3A : i32
    %ne3A_39 = arith.constant 0 : i32
    %ne3A_40 = arith.cmpi ne, %rem3A, %ne3A_39 : i32
    %and3A = arith.andi %ne3A, %ne3A_40 : i1
    %sub3A = arith.constant 1 : i32
    %sub3A_41 = arith.subi %div3A, %sub3A : i32
    %select_n3A = arith.select %and3A, %sub3A_41, %div3A : i32
    %add3A_42 = arith.constant 1 : i32
    %add3A_43 = arith.addi %add3A, %add3A_42 : i32
    %mul3A_44 = arith.constant 125 : i32
    %mul3A_45 = arith.muli %add3A_43, %mul3A_44 : i32
    %jit3A_46 = arith.constant 32 : i32
    %div3A_47 = arith.divsi %mul3A_45, %jit3A_46 : i32
    %sign3A_48 = arith.constant 0 : i32
    %sign3A_49 = arith.cmpi sgt, %mul3A_45, %sign3A_48 : i32
    %sign3A_50 = arith.extui %sign3A_49 : i1 to i32
    %sign3A_51 = arith.constant 0 : i32
    %sign3A_52 = arith.cmpi slt, %mul3A_45, %sign3A_51 : i32
    %sign3A_53 = arith.extui %sign3A_52 : i1 to i32
    %sign3A_54 = arith.subi %sign3A_50, %sign3A_53 : i32
    %sign3A_55 = arith.constant 0 : i32
    %sign3A_56 = arith.cmpi sgt, %jit3A_46, %sign3A_55 : i32
    %sign3A_57 = arith.extui %sign3A_56 : i1 to i32
    %sign3A_58 = arith.constant 0 : i32
    %sign3A_59 = arith.cmpi slt, %jit3A_46, %sign3A_58 : i32
    %sign3A_60 = arith.extui %sign3A_59 : i1 to i32
    %sign3A_61 = arith.subi %sign3A_57, %sign3A_60 : i32
    %ne3A_62 = arith.cmpi ne, %sign3A_54, %sign3A_61 : i32
    %rem3A_63 = arith.remsi %mul3A_45, %jit3A_46 : i32
    %ne3A_64 = arith.constant 0 : i32
    %ne3A_65 = arith.cmpi ne, %rem3A_63, %ne3A_64 : i32
    %and3A_66 = arith.andi %ne3A_62, %ne3A_65 : i1
    %sub3A_67 = arith.constant 1 : i32
    %sub3A_68 = arith.subi %div3A_47, %sub3A_67 : i32
    %select_n3A_69 = arith.select %and3A_66, %sub3A_68, %div3A_47 : i32
    %while3A = arith.constant 0 : i32
    %while3A_70 = arith.subi %select_n3A_69, %select_n3A : i32
    %while3A_71 = arith.addi %select_n3A, %while3A_70 : i32
    %while3A_72 = arith.constant 1 : i32
    %while3A_73 = arith.divsi %while3A_70, %while3A_72 : i32
    %while3A_74 = arith.muli %while3A_73, %while3A_72 : i32
    %while3A_75 = arith.addi %select_n3A, %while3A_74 : i32
    %while3A_76 = arith.constant 1 : i32
    %while3A_77 = scf.for %while3A_97 = %select_n3A to %while3A_75 step %while3A_76 iter_args(%while3A_98 = %while3A) -> (i32)  : i32 {
      %mul3A_99 = arith.constant 80 : i32
      %mul3A_100 = arith.muli %while3A_97, %mul3A_99 : i32
      %add3A_101 = arith.constant 0 : i32
      %add3A_102 = arith.addi %mul3A_100, %add3A_101 : i32
      %get3A = arith.index_cast %add3A_102 : i32 to index
      %get3A_103 = tpu.vector_load %arg12[%get3A] {strides = array<i32>} : memref<10000xi32, #tpu.memory_space<vmem>>, vector<16xi32>,
      %swap3A = arith.constant 0 : index
      %swap3A_104 = tpu.vector_load %arg9[%swap3A] {strides = array<i32>} : memref<80xi32, #tpu.memory_space<vmem>>, vector<16xi32>,
      tpu.vector_store %arg9[%swap3A], %get3A_103 {strides = array<i32>} : memref<80xi32, #tpu.memory_space<vmem>>, vector<16xi32>,
      tpu.vector_store_idx %arg11[%get3A_103], %broadcast_in_dim3A_23 {add = true} : memref<1600xf32, #tpu.memory_space<vmem>>[vector<16xi32>], vector<16xf32>,
      %mul3A_105 = arith.constant 80 : i32
      %mul3A_106 = arith.muli %while3A_97, %mul3A_105 : i32
      %add3A_107 = arith.constant 16 : i32
      %add3A_108 = arith.addi %mul3A_106, %add3A_107 : i32
      %get3A_109 = arith.index_cast %add3A_108 : i32 to index
      %get3A_110 = tpu.vector_load %arg12[%get3A_109] {strides = array<i32>} : memref<10000xi32, #tpu.memory_space<vmem>>, vector<16xi32>,
      %swap3A_111 = arith.constant 16 : index
      %swap3A_112 = tpu.vector_load %arg9[%swap3A_111] {strides = array<i32>} : memref<80xi32, #tpu.memory_space<vmem>>, vector<16xi32>,
      tpu.vector_store %arg9[%swap3A_111], %get3A_110 {strides = array<i32>} : memref<80xi32, #tpu.memory_space<vmem>>, vector<16xi32>,
      tpu.vector_store_idx %arg11[%get3A_110], %broadcast_in_dim3A_23 {add = true} : memref<1600xf32, #tpu.memory_space<vmem>>[vector<16xi32>], vector<16xf32>,
      %mul3A_113 = arith.constant 80 : i32
      %mul3A_114 = arith.muli %while3A_97, %mul3A_113 : i32
      %add3A_115 = arith.constant 32 : i32
      %add3A_116 = arith.addi %mul3A_114, %add3A_115 : i32
      %get3A_117 = arith.index_cast %add3A_116 : i32 to index
      %get3A_118 = tpu.vector_load %arg12[%get3A_117] {strides = array<i32>} : memref<10000xi32, #tpu.memory_space<vmem>>, vector<16xi32>,
      %swap3A_119 = arith.constant 32 : index
      %swap3A_120 = tpu.vector_load %arg9[%swap3A_119] {strides = array<i32>} : memref<80xi32, #tpu.memory_space<vmem>>, vector<16xi32>,
      tpu.vector_store %arg9[%swap3A_119], %get3A_118 {strides = array<i32>} : memref<80xi32, #tpu.memory_space<vmem>>, vector<16xi32>,
      tpu.vector_store_idx %arg11[%get3A_118], %broadcast_in_dim3A_23 {add = true} : memref<1600xf32, #tpu.memory_space<vmem>>[vector<16xi32>], vector<16xf32>,
      %mul3A_121 = arith.constant 80 : i32
      %mul3A_122 = arith.muli %while3A_97, %mul3A_121 : i32
      %add3A_123 = arith.constant 48 : i32
      %add3A_124 = arith.addi %mul3A_122, %add3A_123 : i32
      %get3A_125 = arith.index_cast %add3A_124 : i32 to index
      %get3A_126 = tpu.vector_load %arg12[%get3A_125] {strides = array<i32>} : memref<10000xi32, #tpu.memory_space<vmem>>, vector<16xi32>,
      %swap3A_127 = arith.constant 48 : index
      %swap3A_128 = tpu.vector_load %arg9[%swap3A_127] {strides = array<i32>} : memref<80xi32, #tpu.memory_space<vmem>>, vector<16xi32>,
      tpu.vector_store %arg9[%swap3A_127], %get3A_126 {strides = array<i32>} : memref<80xi32, #tpu.memory_space<vmem>>, vector<16xi32>,
      tpu.vector_store_idx %arg11[%get3A_126], %broadcast_in_dim3A_23 {add = true} : memref<1600xf32, #tpu.memory_space<vmem>>[vector<16xi32>], vector<16xf32>,
      %mul3A_129 = arith.constant 80 : i32
      %mul3A_130 = arith.muli %while3A_97, %mul3A_129 : i32
      %add3A_131 = arith.constant 64 : i32
      %add3A_132 = arith.addi %mul3A_130, %add3A_131 : i32
      %get3A_133 = arith.index_cast %add3A_132 : i32 to index
      %get3A_134 = tpu.vector_load %arg12[%get3A_133] {strides = array<i32>} : memref<10000xi32, #tpu.memory_space<vmem>>, vector<16xi32>,
      %swap3A_135 = arith.constant 64 : index
      %swap3A_136 = tpu.vector_load %arg9[%swap3A_135] {strides = array<i32>} : memref<80xi32, #tpu.memory_space<vmem>>, vector<16xi32>,
      tpu.vector_store %arg9[%swap3A_135], %get3A_134 {strides = array<i32>} : memref<80xi32, #tpu.memory_space<vmem>>, vector<16xi32>,
      tpu.vector_store_idx %arg11[%get3A_134], %broadcast_in_dim3A_23 {add = true} : memref<1600xf32, #tpu.memory_space<vmem>>[vector<16xi32>], vector<16xf32>,
      %mul3A_137 = arith.constant 80 : i32
      %mul3A_138 = arith.muli %while3A_97, %mul3A_137 : i32
      "tpu.region"() ({
        %run_scoped3A = tpu.sem_alloc : memref<!tpu.dma_semaphore, #tpu.memory_space<semaphore_mem>>
        %dma_start3A = arith.constant 0 : i32
        %dma_start3A_140 = tpu.memref_slice %arg2[%mul3A_138, %dma_start3A] : memref<10000x128xf32, #tpu.memory_space<hbm>> -> memref<80x128xf32, #tpu.memory_space<hbm>>
        %dma_start3A_141 = arith.constant 0 : i32
        %dma_start3A_142 = tpu.memref_slice %arg2[%mul3A_138, %dma_start3A_141] : memref<10000x128xf32, #tpu.memory_space<hbm>> -> memref<80x128xf32, #tpu.memory_space<hbm>>
        tpu.enqueue_dma source(%dma_start3A_142 : memref<80x128xf32, #tpu.memory_space<hbm>>) target(%arg10 : memref<80x128xf32, #tpu.memory_space<vmem>>) target_semaphore(%run_scoped3A : memref<!tpu.dma_semaphore, #tpu.memory_space<semaphore_mem>>)
        %dma_wait3A = arith.constant 0 : i32
        %dma_wait3A_143 = tpu.memref_slice %arg2[%mul3A_138, %dma_wait3A] : memref<10000x128xf32, #tpu.memory_space<hbm>> -> memref<80x128xf32, #tpu.memory_space<hbm>>
        %dma_wait3A_144 = arith.constant 0 : i32
        %dma_wait3A_145 = tpu.memref_slice %arg2[%mul3A_138, %dma_wait3A_144] : memref<10000x128xf32, #tpu.memory_space<hbm>> -> memref<80x128xf32, #tpu.memory_space<hbm>>
        tpu.wait_dma2 semaphore(%run_scoped3A : memref<!tpu.dma_semaphore, #tpu.memory_space<semaphore_mem>>) src(%dma_wait3A_145 : memref<80x128xf32, #tpu.memory_space<hbm>>) dst(%arg10 : memref<80x128xf32, #tpu.memory_space<vmem>>)
        tpu.yield
      }) : () -> ()
      "tpu.region"() ({
        %run_scoped3A = tpu.sem_alloc : memref<!tpu.dma_semaphore, #tpu.memory_space<semaphore_mem>>
        %dma_start3A = arith.constant 0 : i32
        %dma_start3A_140 = arith.constant 0 : i32
        %dma_start3A_141 = tpu.memref_slice %arg16[%dma_start3A, %dma_start3A_140] : memref<1600x128xf32, #tpu.memory_space<vmem_shared>> -> memref<1600x128xf32, #tpu.memory_space<vmem_shared>>
        tpu.enqueue_indirect_dma source(%arg10 : memref<80x128xf32, #tpu.memory_space<vmem>>) target(%dma_start3A_141 : memref<1600x128xf32, #tpu.memory_space<vmem_shared>>) offsets(%arg9 : memref<80xi32, #tpu.memory_space<vmem>>) semaphore(%run_scoped3A : memref<!tpu.dma_semaphore, #tpu.memory_space<semaphore_mem>>) {add = true}
        %dma_wait3A = arith.constant 0 : i32
        %dma_wait3A_142 = arith.constant 0 : i32
        %dma_wait3A_143 = tpu.memref_slice %arg16[%dma_wait3A, %dma_wait3A_142] : memref<1600x128xf32, #tpu.memory_space<vmem_shared>> -> memref<1600x128xf32, #tpu.memory_space<vmem_shared>>
        tpu.wait_indirect_dma semaphore(%run_scoped3A : memref<!tpu.dma_semaphore, #tpu.memory_space<semaphore_mem>>) src(%arg10 : memref<80x128xf32, #tpu.memory_space<vmem>>) dst(%dma_wait3A_143 : memref<1600x128xf32, #tpu.memory_space<vmem_shared>>)
        tpu.yield
      }) : () -> ()
      %while3A_139 = arith.constant 0 : i32
      scf.yield %while3A_139 : i32
    }
    %while3A_78 = arith.constant 1 : i32
    %while3A_79 = scf.for %while3A_97 = %while3A_75 to %while3A_71 step %while3A_78 iter_args(%while3A_98 = %while3A_77) -> (i32)  : i32 {
      %mul3A_99 = arith.constant 80 : i32
      %mul3A_100 = arith.muli %while3A_97, %mul3A_99 : i32
      %add3A_101 = arith.constant 0 : i32
      %add3A_102 = arith.addi %mul3A_100, %add3A_101 : i32
      %get3A = arith.index_cast %add3A_102 : i32 to index
      %get3A_103 = tpu.vector_load %arg12[%get3A] {strides = array<i32>} : memref<10000xi32, #tpu.memory_space<vmem>>, vector<16xi32>,
      %swap3A = arith.constant 0 : index
      %swap3A_104 = tpu.vector_load %arg9[%swap3A] {strides = array<i32>} : memref<80xi32, #tpu.memory_space<vmem>>, vector<16xi32>,
      tpu.vector_store %arg9[%swap3A], %get3A_103 {strides = array<i32>} : memref<80xi32, #tpu.memory_space<vmem>>, vector<16xi32>,
      tpu.vector_store_idx %arg11[%get3A_103], %broadcast_in_dim3A_23 {add = true} : memref<1600xf32, #tpu.memory_space<vmem>>[vector<16xi32>], vector<16xf32>,
      %mul3A_105 = arith.constant 80 : i32
      %mul3A_106 = arith.muli %while3A_97, %mul3A_105 : i32
      %add3A_107 = arith.constant 16 : i32
      %add3A_108 = arith.addi %mul3A_106, %add3A_107 : i32
      %get3A_109 = arith.index_cast %add3A_108 : i32 to index
      %get3A_110 = tpu.vector_load %arg12[%get3A_109] {strides = array<i32>} : memref<10000xi32, #tpu.memory_space<vmem>>, vector<16xi32>,
      %swap3A_111 = arith.constant 16 : index
      %swap3A_112 = tpu.vector_load %arg9[%swap3A_111] {strides = array<i32>} : memref<80xi32, #tpu.memory_space<vmem>>, vector<16xi32>,
      tpu.vector_store %arg9[%swap3A_111], %get3A_110 {strides = array<i32>} : memref<80xi32, #tpu.memory_space<vmem>>, vector<16xi32>,
      tpu.vector_store_idx %arg11[%get3A_110], %broadcast_in_dim3A_23 {add = true} : memref<1600xf32, #tpu.memory_space<vmem>>[vector<16xi32>], vector<16xf32>,
      %mul3A_113 = arith.constant 80 : i32
      %mul3A_114 = arith.muli %while3A_97, %mul3A_113 : i32
      %add3A_115 = arith.constant 32 : i32
      %add3A_116 = arith.addi %mul3A_114, %add3A_115 : i32
      %get3A_117 = arith.index_cast %add3A_116 : i32 to index
      %get3A_118 = tpu.vector_load %arg12[%get3A_117] {strides = array<i32>} : memref<10000xi32, #tpu.memory_space<vmem>>, vector<16xi32>,
      %swap3A_119 = arith.constant 32 : index
      %swap3A_120 = tpu.vector_load %arg9[%swap3A_119] {strides = array<i32>} : memref<80xi32, #tpu.memory_space<vmem>>, vector<16xi32>,
      tpu.vector_store %arg9[%swap3A_119], %get3A_118 {strides = array<i32>} : memref<80xi32, #tpu.memory_space<vmem>>, vector<16xi32>,
      tpu.vector_store_idx %arg11[%get3A_118], %broadcast_in_dim3A_23 {add = true} : memref<1600xf32, #tpu.memory_space<vmem>>[vector<16xi32>], vector<16xf32>,
      %mul3A_121 = arith.constant 80 : i32
      %mul3A_122 = arith.muli %while3A_97, %mul3A_121 : i32
      %add3A_123 = arith.constant 48 : i32
      %add3A_124 = arith.addi %mul3A_122, %add3A_123 : i32
      %get3A_125 = arith.index_cast %add3A_124 : i32 to index
      %get3A_126 = tpu.vector_load %arg12[%get3A_125] {strides = array<i32>} : memref<10000xi32, #tpu.memory_space<vmem>>, vector<16xi32>,
      %swap3A_127 = arith.constant 48 : index
      %swap3A_128 = tpu.vector_load %arg9[%swap3A_127] {strides = array<i32>} : memref<80xi32, #tpu.memory_space<vmem>>, vector<16xi32>,
      tpu.vector_store %arg9[%swap3A_127], %get3A_126 {strides = array<i32>} : memref<80xi32, #tpu.memory_space<vmem>>, vector<16xi32>,
      tpu.vector_store_idx %arg11[%get3A_126], %broadcast_in_dim3A_23 {add = true} : memref<1600xf32, #tpu.memory_space<vmem>>[vector<16xi32>], vector<16xf32>,
      %mul3A_129 = arith.constant 80 : i32
      %mul3A_130 = arith.muli %while3A_97, %mul3A_129 : i32
      %add3A_131 = arith.constant 64 : i32
      %add3A_132 = arith.addi %mul3A_130, %add3A_131 : i32
      %get3A_133 = arith.index_cast %add3A_132 : i32 to index
      %get3A_134 = tpu.vector_load %arg12[%get3A_133] {strides = array<i32>} : memref<10000xi32, #tpu.memory_space<vmem>>, vector<16xi32>,
      %swap3A_135 = arith.constant 64 : index
      %swap3A_136 = tpu.vector_load %arg9[%swap3A_135] {strides = array<i32>} : memref<80xi32, #tpu.memory_space<vmem>>, vector<16xi32>,
      tpu.vector_store %arg9[%swap3A_135], %get3A_134 {strides = array<i32>} : memref<80xi32, #tpu.memory_space<vmem>>, vector<16xi32>,
      tpu.vector_store_idx %arg11[%get3A_134], %broadcast_in_dim3A_23 {add = true} : memref<1600xf32, #tpu.memory_space<vmem>>[vector<16xi32>], vector<16xf32>,
      %mul3A_137 = arith.constant 80 : i32
      %mul3A_138 = arith.muli %while3A_97, %mul3A_137 : i32
      "tpu.region"() ({
        %run_scoped3A = tpu.sem_alloc : memref<!tpu.dma_semaphore, #tpu.memory_space<semaphore_mem>>
        %dma_start3A = arith.constant 0 : i32
        %dma_start3A_140 = tpu.memref_slice %arg2[%mul3A_138, %dma_start3A] : memref<10000x128xf32, #tpu.memory_space<hbm>> -> memref<80x128xf32, #tpu.memory_space<hbm>>
        %dma_start3A_141 = arith.constant 0 : i32
        %dma_start3A_142 = tpu.memref_slice %arg2[%mul3A_138, %dma_start3A_141] : memref<10000x128xf32, #tpu.memory_space<hbm>> -> memref<80x128xf32, #tpu.memory_space<hbm>>
        tpu.enqueue_dma source(%dma_start3A_142 : memref<80x128xf32, #tpu.memory_space<hbm>>) target(%arg10 : memref<80x128xf32, #tpu.memory_space<vmem>>) target_semaphore(%run_scoped3A : memref<!tpu.dma_semaphore, #tpu.memory_space<semaphore_mem>>)
        %dma_wait3A = arith.constant 0 : i32
        %dma_wait3A_143 = tpu.memref_slice %arg2[%mul3A_138, %dma_wait3A] : memref<10000x128xf32, #tpu.memory_space<hbm>> -> memref<80x128xf32, #tpu.memory_space<hbm>>
        %dma_wait3A_144 = arith.constant 0 : i32
        %dma_wait3A_145 = tpu.memref_slice %arg2[%mul3A_138, %dma_wait3A_144] : memref<10000x128xf32, #tpu.memory_space<hbm>> -> memref<80x128xf32, #tpu.memory_space<hbm>>
        tpu.wait_dma2 semaphore(%run_scoped3A : memref<!tpu.dma_semaphore, #tpu.memory_space<semaphore_mem>>) src(%dma_wait3A_145 : memref<80x128xf32, #tpu.memory_space<hbm>>) dst(%arg10 : memref<80x128xf32, #tpu.memory_space<vmem>>)
        tpu.yield
      }) : () -> ()
      "tpu.region"() ({
        %run_scoped3A = tpu.sem_alloc : memref<!tpu.dma_semaphore, #tpu.memory_space<semaphore_mem>>
        %dma_start3A = arith.constant 0 : i32
        %dma_start3A_140 = arith.constant 0 : i32
        %dma_start3A_141 = tpu.memref_slice %arg16[%dma_start3A, %dma_start3A_140] : memref<1600x128xf32, #tpu.memory_space<vmem_shared>> -> memref<1600x128xf32, #tpu.memory_space<vmem_shared>>
        tpu.enqueue_indirect_dma source(%arg10 : memref<80x128xf32, #tpu.memory_space<vmem>>) target(%dma_start3A_141 : memref<1600x128xf32, #tpu.memory_space<vmem_shared>>) offsets(%arg9 : memref<80xi32, #tpu.memory_space<vmem>>) semaphore(%run_scoped3A : memref<!tpu.dma_semaphore, #tpu.memory_space<semaphore_mem>>) {add = true}
        %dma_wait3A = arith.constant 0 : i32
        %dma_wait3A_142 = arith.constant 0 : i32
        %dma_wait3A_143 = tpu.memref_slice %arg16[%dma_wait3A, %dma_wait3A_142] : memref<1600x128xf32, #tpu.memory_space<vmem_shared>> -> memref<1600x128xf32, #tpu.memory_space<vmem_shared>>
        tpu.wait_indirect_dma semaphore(%run_scoped3A : memref<!tpu.dma_semaphore, #tpu.memory_space<semaphore_mem>>) src(%arg10 : memref<80x128xf32, #tpu.memory_space<vmem>>) dst(%dma_wait3A_143 : memref<1600x128xf32, #tpu.memory_space<vmem_shared>>)
        tpu.yield
      }) : () -> ()
      %while3A_139 = arith.constant 0 : i32
      scf.yield %while3A_139 : i32
    }
    "tpu.region"() ({
      %run_scoped3A = tpu.sem_alloc : memref<!tpu.dma_semaphore, #tpu.memory_space<semaphore_mem>>
      %dma_start3A = arith.constant 0 : i32
      %dma_start3A_97 = arith.constant 0 : i32
      %dma_start3A_98 = tpu.memref_slice %arg4[%add3A, %dma_start3A, %dma_start3A_97] : memref<32x125x80xi32, #tpu.memory_space<hbm>> -> memref<1x125x80xi32, #tpu.memory_space<hbm>>
      %dma_start3A_99 = tpu.memref_squeeze %dma_start3A_98 : memref<1x125x80xi32, #tpu.memory_space<hbm>> -> memref<125x80xi32, #tpu.memory_space<hbm>>
      %dma_start3A_100 = arith.constant 0 : i32
      %dma_start3A_101 = arith.constant 0 : i32
      %dma_start3A_102 = tpu.memref_slice %arg4[%add3A, %dma_start3A_100, %dma_start3A_101] : memref<32x125x80xi32, #tpu.memory_space<hbm>> -> memref<1x125x80xi32, #tpu.memory_space<hbm>>
      %dma_start3A_103 = tpu.memref_squeeze %dma_start3A_102 : memref<1x125x80xi32, #tpu.memory_space<hbm>> -> memref<125x80xi32, #tpu.memory_space<hbm>>
      tpu.enqueue_dma source(%dma_start3A_103 : memref<125x80xi32, #tpu.memory_space<hbm>>) target(%arg13 : memref<125x80xi32, #tpu.memory_space<vmem>>) target_semaphore(%run_scoped3A : memref<!tpu.dma_semaphore, #tpu.memory_space<semaphore_mem>>)
      %dma_wait3A = arith.constant 0 : i32
      %dma_wait3A_104 = arith.constant 0 : i32
      %dma_wait3A_105 = tpu.memref_slice %arg4[%add3A, %dma_wait3A, %dma_wait3A_104] : memref<32x125x80xi32, #tpu.memory_space<hbm>> -> memref<1x125x80xi32, #tpu.memory_space<hbm>>
      %dma_wait3A_106 = tpu.memref_squeeze %dma_wait3A_105 : memref<1x125x80xi32, #tpu.memory_space<hbm>> -> memref<125x80xi32, #tpu.memory_space<hbm>>
      %dma_wait3A_107 = arith.constant 0 : i32
      %dma_wait3A_108 = arith.constant 0 : i32
      %dma_wait3A_109 = tpu.memref_slice %arg4[%add3A, %dma_wait3A_107, %dma_wait3A_108] : memref<32x125x80xi32, #tpu.memory_space<hbm>> -> memref<1x125x80xi32, #tpu.memory_space<hbm>>
      %dma_wait3A_110 = tpu.memref_squeeze %dma_wait3A_109 : memref<1x125x80xi32, #tpu.memory_space<hbm>> -> memref<125x80xi32, #tpu.memory_space<hbm>>
      tpu.wait_dma2 semaphore(%run_scoped3A : memref<!tpu.dma_semaphore, #tpu.memory_space<semaphore_mem>>) src(%dma_wait3A_110 : memref<125x80xi32, #tpu.memory_space<hbm>>) dst(%arg13 : memref<125x80xi32, #tpu.memory_space<vmem>>)
      tpu.yield
    }) : () -> ()
    "tpu.region"() ({
      %run_scoped3A = tpu.sem_alloc : memref<!tpu.dma_semaphore, #tpu.memory_space<semaphore_mem>>
      %dma_start3A = arith.constant 0 : i32
      %dma_start3A_97 = arith.constant 0 : i32
      %dma_start3A_98 = tpu.memref_slice %arg5[%add3A, %dma_start3A, %dma_start3A_97] : memref<32x125x80xi32, #tpu.memory_space<hbm>> -> memref<1x125x80xi32, #tpu.memory_space<hbm>>
      %dma_start3A_99 = tpu.memref_squeeze %dma_start3A_98 : memref<1x125x80xi32, #tpu.memory_space<hbm>> -> memref<125x80xi32, #tpu.memory_space<hbm>>
      %dma_start3A_100 = arith.constant 0 : i32
      %dma_start3A_101 = arith.constant 0 : i32
      %dma_start3A_102 = tpu.memref_slice %arg5[%add3A, %dma_start3A_100, %dma_start3A_101] : memref<32x125x80xi32, #tpu.memory_space<hbm>> -> memref<1x125x80xi32, #tpu.memory_space<hbm>>
      %dma_start3A_103 = tpu.memref_squeeze %dma_start3A_102 : memref<1x125x80xi32, #tpu.memory_space<hbm>> -> memref<125x80xi32, #tpu.memory_space<hbm>>
      tpu.enqueue_dma source(%dma_start3A_103 : memref<125x80xi32, #tpu.memory_space<hbm>>) target(%arg14 : memref<125x80xi32, #tpu.memory_space<vmem>>) target_semaphore(%run_scoped3A : memref<!tpu.dma_semaphore, #tpu.memory_space<semaphore_mem>>)
      %dma_wait3A = arith.constant 0 : i32
      %dma_wait3A_104 = arith.constant 0 : i32
      %dma_wait3A_105 = tpu.memref_slice %arg5[%add3A, %dma_wait3A, %dma_wait3A_104] : memref<32x125x80xi32, #tpu.memory_space<hbm>> -> memref<1x125x80xi32, #tpu.memory_space<hbm>>
      %dma_wait3A_106 = tpu.memref_squeeze %dma_wait3A_105 : memref<1x125x80xi32, #tpu.memory_space<hbm>> -> memref<125x80xi32, #tpu.memory_space<hbm>>
      %dma_wait3A_107 = arith.constant 0 : i32
      %dma_wait3A_108 = arith.constant 0 : i32
      %dma_wait3A_109 = tpu.memref_slice %arg5[%add3A, %dma_wait3A_107, %dma_wait3A_108] : memref<32x125x80xi32, #tpu.memory_space<hbm>> -> memref<1x125x80xi32, #tpu.memory_space<hbm>>
      %dma_wait3A_110 = tpu.memref_squeeze %dma_wait3A_109 : memref<1x125x80xi32, #tpu.memory_space<hbm>> -> memref<125x80xi32, #tpu.memory_space<hbm>>
      tpu.wait_dma2 semaphore(%run_scoped3A : memref<!tpu.dma_semaphore, #tpu.memory_space<semaphore_mem>>) src(%dma_wait3A_110 : memref<125x80xi32, #tpu.memory_space<hbm>>) dst(%arg14 : memref<125x80xi32, #tpu.memory_space<vmem>>)
      tpu.yield
    }) : () -> ()
    %scan3A_80 = arith.constant 0 : i32
    %scan3A_81 = arith.constant 0 : i32
    %scan3A_82 = arith.constant 125 : i32
    %scan3A_83 = arith.addi %scan3A_81, %scan3A_82 : i32
    %scan3A_84 = arith.constant 1 : i32
    %scan3A_85 = scf.for %scan3A_97 = %scan3A_81 to %scan3A_83 step %scan3A_84 iter_args(%scan3A_98 = %scan3A_80) -> (i32)  : i32 {
      %get3A = arith.index_cast %scan3A_97 : i32 to index
      %get3A_99 = arith.constant 0 : index
      %get3A_100 = tpu.vector_load %arg13[%get3A, %get3A_99] {strides = array<i32>} : memref<125x80xi32, #tpu.memory_space<vmem>>, vector<16xi32>,
      %get3A_101 = arith.index_cast %scan3A_97 : i32 to index
      %get3A_102 = arith.constant 0 : index
      %get3A_103 = tpu.vector_load %arg14[%get3A_101, %get3A_102] {strides = array<i32>} : memref<125x80xi32, #tpu.memory_space<vmem>>, vector<16xi32>,
      %gather3A = tpu.vector_load_idx %arg12[%get3A_100] : memref<10000xi32, #tpu.memory_space<vmem>>[vector<16xi32>], vector<16xi32>,
      %gather3A_104 = tpu.vector_load_idx %arg12[%get3A_103] : memref<10000xi32, #tpu.memory_space<vmem>>[vector<16xi32>], vector<16xi32>,
      %mul3A_105 = arith.constant 1600 : i32
      %mul3A_106 = vector.broadcast %mul3A_105 : i32 to vector<16xi32>
      %mul3A_107 = arith.muli %gather3A, %mul3A_106 : vector<16xi32>
      %add3A_108 = arith.addi %mul3A_107, %gather3A_104 : vector<16xi32>
      %swap3A = arith.index_cast %scan3A_97 : i32 to index
      %swap3A_109 = arith.constant 0 : index
      %swap3A_110 = tpu.vector_load %arg13[%swap3A, %swap3A_109] {strides = array<i32>} : memref<125x80xi32, #tpu.memory_space<vmem>>, vector<16xi32>,
      tpu.vector_store %arg13[%swap3A, %swap3A_109], %add3A_108 {strides = array<i32>} : memref<125x80xi32, #tpu.memory_space<vmem>>, vector<16xi32>,
      %get3A_111 = arith.index_cast %scan3A_97 : i32 to index
      %get3A_112 = arith.constant 16 : index
      %get3A_113 = tpu.vector_load %arg13[%get3A_111, %get3A_112] {strides = array<i32>} : memref<125x80xi32, #tpu.memory_space<vmem>>, vector<16xi32>,
      %get3A_114 = arith.index_cast %scan3A_97 : i32 to index
      %get3A_115 = arith.constant 16 : index
      %get3A_116 = tpu.vector_load %arg14[%get3A_114, %get3A_115] {strides = array<i32>} : memref<125x80xi32, #tpu.memory_space<vmem>>, vector<16xi32>,
      %gather3A_117 = tpu.vector_load_idx %arg12[%get3A_113] : memref<10000xi32, #tpu.memory_space<vmem>>[vector<16xi32>], vector<16xi32>,
      %gather3A_118 = tpu.vector_load_idx %arg12[%get3A_116] : memref<10000xi32, #tpu.memory_space<vmem>>[vector<16xi32>], vector<16xi32>,
      %mul3A_119 = arith.constant 1600 : i32
      %mul3A_120 = vector.broadcast %mul3A_119 : i32 to vector<16xi32>
      %mul3A_121 = arith.muli %gather3A_117, %mul3A_120 : vector<16xi32>
      %add3A_122 = arith.addi %mul3A_121, %gather3A_118 : vector<16xi32>
      %swap3A_123 = arith.index_cast %scan3A_97 : i32 to index
      %swap3A_124 = arith.constant 16 : index
      %swap3A_125 = tpu.vector_load %arg13[%swap3A_123, %swap3A_124] {strides = array<i32>} : memref<125x80xi32, #tpu.memory_space<vmem>>, vector<16xi32>,
      tpu.vector_store %arg13[%swap3A_123, %swap3A_124], %add3A_122 {strides = array<i32>} : memref<125x80xi32, #tpu.memory_space<vmem>>, vector<16xi32>,
      %get3A_126 = arith.index_cast %scan3A_97 : i32 to index
      %get3A_127 = arith.constant 32 : index
      %get3A_128 = tpu.vector_load %arg13[%get3A_126, %get3A_127] {strides = array<i32>} : memref<125x80xi32, #tpu.memory_space<vmem>>, vector<16xi32>,
      %get3A_129 = arith.index_cast %scan3A_97 : i32 to index
      %get3A_130 = arith.constant 32 : index
      %get3A_131 = tpu.vector_load %arg14[%get3A_129, %get3A_130] {strides = array<i32>} : memref<125x80xi32, #tpu.memory_space<vmem>>, vector<16xi32>,
      %gather3A_132 = tpu.vector_load_idx %arg12[%get3A_128] : memref<10000xi32, #tpu.memory_space<vmem>>[vector<16xi32>], vector<16xi32>,
      %gather3A_133 = tpu.vector_load_idx %arg12[%get3A_131] : memref<10000xi32, #tpu.memory_space<vmem>>[vector<16xi32>], vector<16xi32>,
      %mul3A_134 = arith.constant 1600 : i32
      %mul3A_135 = vector.broadcast %mul3A_134 : i32 to vector<16xi32>
      %mul3A_136 = arith.muli %gather3A_132, %mul3A_135 : vector<16xi32>
      %add3A_137 = arith.addi %mul3A_136, %gather3A_133 : vector<16xi32>
      %swap3A_138 = arith.index_cast %scan3A_97 : i32 to index
      %swap3A_139 = arith.constant 32 : index
      %swap3A_140 = tpu.vector_load %arg13[%swap3A_138, %swap3A_139] {strides = array<i32>} : memref<125x80xi32, #tpu.memory_space<vmem>>, vector<16xi32>,
      tpu.vector_store %arg13[%swap3A_138, %swap3A_139], %add3A_137 {strides = array<i32>} : memref<125x80xi32, #tpu.memory_space<vmem>>, vector<16xi32>,
      %get3A_141 = arith.index_cast %scan3A_97 : i32 to index
      %get3A_142 = arith.constant 48 : index
      %get3A_143 = tpu.vector_load %arg13[%get3A_141, %get3A_142] {strides = array<i32>} : memref<125x80xi32, #tpu.memory_space<vmem>>, vector<16xi32>,
      %get3A_144 = arith.index_cast %scan3A_97 : i32 to index
      %get3A_145 = arith.constant 48 : index
      %get3A_146 = tpu.vector_load %arg14[%get3A_144, %get3A_145] {strides = array<i32>} : memref<125x80xi32, #tpu.memory_space<vmem>>, vector<16xi32>,
      %gather3A_147 = tpu.vector_load_idx %arg12[%get3A_143] : memref<10000xi32, #tpu.memory_space<vmem>>[vector<16xi32>], vector<16xi32>,
      %gather3A_148 = tpu.vector_load_idx %arg12[%get3A_146] : memref<10000xi32, #tpu.memory_space<vmem>>[vector<16xi32>], vector<16xi32>,
      %mul3A_149 = arith.constant 1600 : i32
      %mul3A_150 = vector.broadcast %mul3A_149 : i32 to vector<16xi32>
      %mul3A_151 = arith.muli %gather3A_147, %mul3A_150 : vector<16xi32>
      %add3A_152 = arith.addi %mul3A_151, %gather3A_148 : vector<16xi32>
      %swap3A_153 = arith.index_cast %scan3A_97 : i32 to index
      %swap3A_154 = arith.constant 48 : index
      %swap3A_155 = tpu.vector_load %arg13[%swap3A_153, %swap3A_154] {strides = array<i32>} : memref<125x80xi32, #tpu.memory_space<vmem>>, vector<16xi32>,
      tpu.vector_store %arg13[%swap3A_153, %swap3A_154], %add3A_152 {strides = array<i32>} : memref<125x80xi32, #tpu.memory_space<vmem>>, vector<16xi32>,
      %get3A_156 = arith.index_cast %scan3A_97 : i32 to index
      %get3A_157 = arith.constant 64 : index
      %get3A_158 = tpu.vector_load %arg13[%get3A_156, %get3A_157] {strides = array<i32>} : memref<125x80xi32, #tpu.memory_space<vmem>>, vector<16xi32>,
      %get3A_159 = arith.index_cast %scan3A_97 : i32 to index
      %get3A_160 = arith.constant 64 : index
      %get3A_161 = tpu.vector_load %arg14[%get3A_159, %get3A_160] {strides = array<i32>} : memref<125x80xi32, #tpu.memory_space<vmem>>, vector<16xi32>,
      %gather3A_162 = tpu.vector_load_idx %arg12[%get3A_158] : memref<10000xi32, #tpu.memory_space<vmem>>[vector<16xi32>], vector<16xi32>,
      %gather3A_163 = tpu.vector_load_idx %arg12[%get3A_161] : memref<10000xi32, #tpu.memory_space<vmem>>[vector<16xi32>], vector<16xi32>,
      %mul3A_164 = arith.constant 1600 : i32
      %mul3A_165 = vector.broadcast %mul3A_164 : i32 to vector<16xi32>
      %mul3A_166 = arith.muli %gather3A_162, %mul3A_165 : vector<16xi32>
      %add3A_167 = arith.addi %mul3A_166, %gather3A_163 : vector<16xi32>
      %swap3A_168 = arith.index_cast %scan3A_97 : i32 to index
      %swap3A_169 = arith.constant 64 : index
      %swap3A_170 = tpu.vector_load %arg13[%swap3A_168, %swap3A_169] {strides = array<i32>} : memref<125x80xi32, #tpu.memory_space<vmem>>, vector<16xi32>,
      tpu.vector_store %arg13[%swap3A_168, %swap3A_169], %add3A_167 {strides = array<i32>} : memref<125x80xi32, #tpu.memory_space<vmem>>, vector<16xi32>,
      %scan3A_171 = arith.constant 0 : i32
      scf.yield %scan3A_171 : i32
    }
    %scan3A_86 = arith.constant 125 : i32
    "tpu.region"() ({
      %run_scoped3A = tpu.sem_alloc : memref<!tpu.dma_semaphore, #tpu.memory_space<semaphore_mem>>
      %dma_start3A = arith.constant 0 : i32
      %dma_start3A_97 = arith.constant 0 : i32
      %dma_start3A_98 = tpu.memref_slice %arg8[%add3A, %dma_start3A, %dma_start3A_97] : memref<32x125x80xi32, #tpu.memory_space<hbm>> -> memref<1x125x80xi32, #tpu.memory_space<hbm>>
      %dma_start3A_99 = tpu.memref_squeeze %dma_start3A_98 : memref<1x125x80xi32, #tpu.memory_space<hbm>> -> memref<125x80xi32, #tpu.memory_space<hbm>>
      %dma_start3A_100 = arith.constant 0 : i32
      %dma_start3A_101 = arith.constant 0 : i32
      %dma_start3A_102 = tpu.memref_slice %arg8[%add3A, %dma_start3A_100, %dma_start3A_101] : memref<32x125x80xi32, #tpu.memory_space<hbm>> -> memref<1x125x80xi32, #tpu.memory_space<hbm>>
      %dma_start3A_103 = tpu.memref_squeeze %dma_start3A_102 : memref<1x125x80xi32, #tpu.memory_space<hbm>> -> memref<125x80xi32, #tpu.memory_space<hbm>>
      tpu.enqueue_dma source(%arg13 : memref<125x80xi32, #tpu.memory_space<vmem>>) target(%dma_start3A_103 : memref<125x80xi32, #tpu.memory_space<hbm>>) target_semaphore(%run_scoped3A : memref<!tpu.dma_semaphore, #tpu.memory_space<semaphore_mem>>)
      %dma_wait3A = arith.constant 0 : i32
      %dma_wait3A_104 = arith.constant 0 : i32
      %dma_wait3A_105 = tpu.memref_slice %arg8[%add3A, %dma_wait3A, %dma_wait3A_104] : memref<32x125x80xi32, #tpu.memory_space<hbm>> -> memref<1x125x80xi32, #tpu.memory_space<hbm>>
      %dma_wait3A_106 = tpu.memref_squeeze %dma_wait3A_105 : memref<1x125x80xi32, #tpu.memory_space<hbm>> -> memref<125x80xi32, #tpu.memory_space<hbm>>
      %dma_wait3A_107 = arith.constant 0 : i32
      %dma_wait3A_108 = arith.constant 0 : i32
      %dma_wait3A_109 = tpu.memref_slice %arg8[%add3A, %dma_wait3A_107, %dma_wait3A_108] : memref<32x125x80xi32, #tpu.memory_space<hbm>> -> memref<1x125x80xi32, #tpu.memory_space<hbm>>
      %dma_wait3A_110 = tpu.memref_squeeze %dma_wait3A_109 : memref<1x125x80xi32, #tpu.memory_space<hbm>> -> memref<125x80xi32, #tpu.memory_space<hbm>>
      tpu.wait_dma2 semaphore(%run_scoped3A : memref<!tpu.dma_semaphore, #tpu.memory_space<semaphore_mem>>) src(%arg13 : memref<125x80xi32, #tpu.memory_space<vmem>>) dst(%dma_wait3A_110 : memref<125x80xi32, #tpu.memory_space<hbm>>)
      tpu.yield
    }) : () -> ()
    %mul3A_87 = arith.constant 1600 : i32
    %mul3A_88 = arith.muli %add3A, %mul3A_87 : i32
    "tpu.region"() ({
      %run_scoped3A = tpu.sem_alloc : memref<!tpu.dma_semaphore, #tpu.memory_space<semaphore_mem>>
      %dma_start3A = tpu.memref_slice %arg7[%mul3A_88] : memref<51200xf32, #tpu.memory_space<hbm>> -> memref<1600xf32, #tpu.memory_space<hbm>>
      %dma_start3A_97 = tpu.memref_slice %arg7[%mul3A_88] : memref<51200xf32, #tpu.memory_space<hbm>> -> memref<1600xf32, #tpu.memory_space<hbm>>
      tpu.enqueue_dma source(%arg11 : memref<1600xf32, #tpu.memory_space<vmem>>) target(%dma_start3A_97 : memref<1600xf32, #tpu.memory_space<hbm>>) target_semaphore(%run_scoped3A : memref<!tpu.dma_semaphore, #tpu.memory_space<semaphore_mem>>)
      %dma_wait3A = tpu.memref_slice %arg7[%mul3A_88] : memref<51200xf32, #tpu.memory_space<hbm>> -> memref<1600xf32, #tpu.memory_space<hbm>>
      %dma_wait3A_98 = tpu.memref_slice %arg7[%mul3A_88] : memref<51200xf32, #tpu.memory_space<hbm>> -> memref<1600xf32, #tpu.memory_space<hbm>>
      tpu.wait_dma2 semaphore(%run_scoped3A : memref<!tpu.dma_semaphore, #tpu.memory_space<semaphore_mem>>) src(%arg11 : memref<1600xf32, #tpu.memory_space<vmem>>) dst(%dma_wait3A_98 : memref<1600xf32, #tpu.memory_space<hbm>>)
      tpu.yield
    }) : () -> ()
    %barrier3A_89 = arith.constant 0 : index
    tpu.barrier barrier_id(%barrier3A_89)
    %scan3A_90 = arith.constant 0 : i32
    %scan3A_91 = arith.constant 0 : i32
    %scan3A_92 = arith.constant 2 : i32
    %scan3A_93 = arith.addi %scan3A_91, %scan3A_92 : i32
    %scan3A_94 = arith.constant 1 : i32
    %scan3A_95 = scf.for %scan3A_97 = %scan3A_91 to %scan3A_93 step %scan3A_94 iter_args(%scan3A_98 = %scan3A_90) -> (i32)  : i32 {
      %mul3A_99 = arith.constant 16 : i32
      %mul3A_100 = arith.muli %scan3A_97, %mul3A_99 : i32
      %add3A_101 = arith.addi %mul3A_100, %arg1 : i32
      %lt3A = arith.constant 20 : i32
      %lt3A_102 = arith.cmpi slt, %add3A_101, %lt3A : i32
      %convert_element_type3A = arith.extui %lt3A_102 : i1 to i32
      %cond3A = arith.constant 0 : i32
      %cond3A_103 = arith.cmpi ne, %convert_element_type3A, %cond3A : i32
      scf.if %cond3A_103 {
        %mul3A_105 = arith.constant 80 : i32
        %mul3A_106 = arith.muli %add3A_101, %mul3A_105 : i32
        %mul3A_107 = arith.constant 80 : i32
        %mul3A_108 = arith.muli %add3A_101, %mul3A_107 : i32
        "tpu.region"() ({
          %run_scoped3A = tpu.sem_alloc : memref<!tpu.dma_semaphore, #tpu.memory_space<semaphore_mem>>
          %dma_start3A = arith.constant 0 : i32
          %dma_start3A_109 = tpu.memref_slice %arg6[%arg0, %mul3A_108, %dma_start3A] : memref<2x1600x128xf32, #tpu.memory_space<hbm>> -> memref<1x80x128xf32, #tpu.memory_space<hbm>>
          %dma_start3A_110 = tpu.memref_squeeze %dma_start3A_109 : memref<1x80x128xf32, #tpu.memory_space<hbm>> -> memref<80x128xf32, #tpu.memory_space<hbm>>
          %dma_start3A_111 = arith.constant 0 : i32
          %dma_start3A_112 = tpu.memref_slice %arg16[%mul3A_106, %dma_start3A_111] : memref<1600x128xf32, #tpu.memory_space<vmem_shared>> -> memref<80x128xf32, #tpu.memory_space<vmem_shared>>
          tpu.enqueue_dma source(%dma_start3A_112 : memref<80x128xf32, #tpu.memory_space<vmem_shared>>) target(%dma_start3A_110 : memref<80x128xf32, #tpu.memory_space<hbm>>) target_semaphore(%run_scoped3A : memref<!tpu.dma_semaphore, #tpu.memory_space<semaphore_mem>>)
          %dma_wait3A = arith.constant 0 : i32
          %dma_wait3A_113 = tpu.memref_slice %arg6[%arg0, %mul3A_108, %dma_wait3A] : memref<2x1600x128xf32, #tpu.memory_space<hbm>> -> memref<1x80x128xf32, #tpu.memory_space<hbm>>
          %dma_wait3A_114 = tpu.memref_squeeze %dma_wait3A_113 : memref<1x80x128xf32, #tpu.memory_space<hbm>> -> memref<80x128xf32, #tpu.memory_space<hbm>>
          %dma_wait3A_115 = arith.constant 0 : i32
          %dma_wait3A_116 = tpu.memref_slice %arg16[%mul3A_106, %dma_wait3A_115] : memref<1600x128xf32, #tpu.memory_space<vmem_shared>> -> memref<80x128xf32, #tpu.memory_space<vmem_shared>>
          tpu.wait_dma2 semaphore(%run_scoped3A : memref<!tpu.dma_semaphore, #tpu.memory_space<semaphore_mem>>) src(%dma_wait3A_116 : memref<80x128xf32, #tpu.memory_space<vmem_shared>>) dst(%dma_wait3A_114 : memref<80x128xf32, #tpu.memory_space<hbm>>)
          tpu.yield
        }) : () -> ()
      } else {
      }
      %scan3A_104 = arith.constant 0 : i32
      scf.yield %scan3A_104 : i32
    }
    %scan3A_96 = arith.constant 2 : i32
    return
  }
}

#map = affine_map<(d0, d1) -> (0)>
module attributes {stable_mosaic.version = 14 : i64} {
  func.func @body(%arg0: i32, %arg1: i32, %arg2: memref<320000xi32, #tpu.memory_space<hbm>>, %arg3: memref<2560000xf32, #tpu.memory_space<hbm>>, %arg4: memref<10000xi32, #tpu.memory_space<vmem>>, %arg5: memref<10000xi32, #tpu.memory_space<vmem>>, %arg6: memref<80000xf32, #tpu.memory_space<vmem>>, %arg7: memref<!tpu.dma_semaphore, #tpu.memory_space<semaphore_mem>>, %arg8: memref<!tpu.dma_semaphore, #tpu.memory_space<semaphore_mem>>) attributes {dimension_semantics = [#tpu.dimension_semantics<core_parallel>, #tpu.dimension_semantics<subcore_parallel>], iteration_bounds = array<i64: 2, 16>, scalar_prefetch = 0 : i64, scratch_operands = 5 : i64, tpu.core_type = #tpu.core_type<sc_vector_subcore>, window_params = [{transform_indices = #map}, {transform_indices = #map}]} {
    %mul3A = arith.constant 2 : i32
    %mul3A_0 = arith.muli %arg1, %mul3A : i32
    %add3A = arith.addi %mul3A_0, %arg0 : i32
    %mul3A_1 = arith.constant 80000 : i32
    %mul3A_2 = arith.muli %add3A, %mul3A_1 : i32
    %broadcast_in_dim3A = arith.constant 0.000000e+00 : f32
    %broadcast_in_dim3A_3 = vector.broadcast %broadcast_in_dim3A : f32 to vector<16xf32>
    %broadcast_in_dim3A_4 = arith.constant 1.000000e+00 : f32
    %broadcast_in_dim3A_5 = vector.broadcast %broadcast_in_dim3A_4 : f32 to vector<16xf32>
    %scan3A = arith.constant 0 : i32
    %scan3A_6 = arith.constant 0 : i32
    %scan3A_7 = arith.constant 5000 : i32
    %scan3A_8 = arith.addi %scan3A_6, %scan3A_7 : i32
    %scan3A_9 = arith.constant 1 : i32
    %scan3A_10 = scf.for %scan3A_24 = %scan3A_6 to %scan3A_8 step %scan3A_9 iter_args(%scan3A_25 = %scan3A) -> (i32)  : i32 {
      %mul3A_26 = arith.constant 16 : i32
      %mul3A_27 = arith.muli %scan3A_24, %mul3A_26 : i32
      %swap3A = arith.index_cast %mul3A_27 : i32 to index
      %swap3A_28 = tpu.vector_load %arg6[%swap3A] {strides = array<i32>} : memref<80000xf32, #tpu.memory_space<vmem>>, vector<16xf32>,
      tpu.vector_store %arg6[%swap3A], %broadcast_in_dim3A_3 {strides = array<i32>} : memref<80000xf32, #tpu.memory_space<vmem>>, vector<16xf32>,
      %scan3A_29 = arith.constant 0 : i32
      scf.yield %scan3A_29 : i32
    }
    %scan3A_11 = arith.constant 5000 : i32
    %dma_start3A = arith.constant 0 : i32
    %dma_start3A_12 = tpu.memref_slice %arg2[%dma_start3A] : memref<320000xi32, #tpu.memory_space<hbm>> -> memref<10000xi32, #tpu.memory_space<hbm>>
    %dma_start3A_13 = arith.constant 0 : i32
    %dma_start3A_14 = tpu.memref_slice %arg2[%dma_start3A_13] : memref<320000xi32, #tpu.memory_space<hbm>> -> memref<10000xi32, #tpu.memory_space<hbm>>
    tpu.enqueue_dma source(%dma_start3A_14 : memref<10000xi32, #tpu.memory_space<hbm>>) target(%arg4 : memref<10000xi32, #tpu.memory_space<vmem>>) target_semaphore(%arg7 : memref<!tpu.dma_semaphore, #tpu.memory_space<semaphore_mem>>)
    %scan3A_15 = arith.constant 0 : i32
    %scan3A_16 = arith.constant 0 : i32
    %scan3A_17 = arith.constant 16 : i32
    %scan3A_18 = arith.addi %scan3A_16, %scan3A_17 : i32
    %scan3A_19 = arith.constant 1 : i32
    %scan3A_20 = scf.for %scan3A_24 = %scan3A_16 to %scan3A_18 step %scan3A_19 iter_args(%scan3A_25 = %scan3A_15) -> (i32)  : i32 {
      %mul3A_26 = arith.constant 2 : i32
      %mul3A_27 = arith.muli %scan3A_24, %mul3A_26 : i32
      %add3A_28 = arith.constant 0 : i32
      %add3A_29 = arith.addi %mul3A_27, %add3A_28 : i32
      %dma_wait3A = arith.constant 0 : i32
      %dma_wait3A_30 = tpu.memref_slice %arg2[%dma_wait3A] : memref<320000xi32, #tpu.memory_space<hbm>> -> memref<10000xi32, #tpu.memory_space<hbm>>
      %dma_wait3A_31 = arith.constant 0 : i32
      %dma_wait3A_32 = tpu.memref_slice %arg2[%dma_wait3A_31] : memref<320000xi32, #tpu.memory_space<hbm>> -> memref<10000xi32, #tpu.memory_space<hbm>>
      tpu.wait_dma2 semaphore(%arg7 : memref<!tpu.dma_semaphore, #tpu.memory_space<semaphore_mem>>) src(%dma_wait3A_32 : memref<10000xi32, #tpu.memory_space<hbm>>) dst(%arg4 : memref<10000xi32, #tpu.memory_space<vmem>>)
      %add3A_33 = arith.constant 1 : i32
      %add3A_34 = arith.addi %add3A_29, %add3A_33 : i32
      %lt3A = arith.constant 32 : i32
      %lt3A_35 = arith.cmpi slt, %add3A_34, %lt3A : i32
      %convert_element_type3A = arith.extui %lt3A_35 : i1 to i32
      %cond3A = arith.constant 0 : i32
      %cond3A_36 = arith.cmpi ne, %convert_element_type3A, %cond3A : i32
      scf.if %cond3A_36 {
        %add3A_67 = arith.constant 1 : i32
        %add3A_68 = arith.addi %add3A_29, %add3A_67 : i32
        %mul3A_69 = arith.constant 10000 : i32
        %mul3A_70 = arith.muli %add3A_68, %mul3A_69 : i32
        %dma_start3A_71 = tpu.memref_slice %arg2[%mul3A_70] : memref<320000xi32, #tpu.memory_space<hbm>> -> memref<10000xi32, #tpu.memory_space<hbm>>
        %dma_start3A_72 = tpu.memref_slice %arg2[%mul3A_70] : memref<320000xi32, #tpu.memory_space<hbm>> -> memref<10000xi32, #tpu.memory_space<hbm>>
        tpu.enqueue_dma source(%dma_start3A_72 : memref<10000xi32, #tpu.memory_space<hbm>>) target(%arg5 : memref<10000xi32, #tpu.memory_space<vmem>>) target_semaphore(%arg8 : memref<!tpu.dma_semaphore, #tpu.memory_space<semaphore_mem>>)
      } else {
      }
      %scan3A_37 = arith.constant 0 : i32
      %scan3A_38 = arith.constant 0 : i32
      %scan3A_39 = arith.constant 125 : i32
      %scan3A_40 = arith.addi %scan3A_38, %scan3A_39 : i32
      %scan3A_41 = arith.constant 1 : i32
      %scan3A_42 = scf.for %scan3A_67 = %scan3A_38 to %scan3A_40 step %scan3A_41 iter_args(%scan3A_68 = %scan3A_37) -> (i32)  : i32 {
        %mul3A_69 = arith.constant 80 : i32
        %mul3A_70 = arith.muli %scan3A_67, %mul3A_69 : i32
        %add3A_71 = arith.constant 0 : i32
        %add3A_72 = arith.addi %mul3A_70, %add3A_71 : i32
        %get3A = arith.index_cast %add3A_72 : i32 to index
        %get3A_73 = tpu.vector_load %arg4[%get3A] {strides = array<i32>} : memref<10000xi32, #tpu.memory_space<vmem>>, vector<16xi32>,
        %sub3A = vector.broadcast %mul3A_2 : i32 to vector<16xi32>
        %sub3A_74 = arith.subi %get3A_73, %sub3A : vector<16xi32>
        %lt3A_75 = arith.constant 80000 : i32
        %lt3A_76 = vector.broadcast %lt3A_75 : i32 to vector<16xi32>
        %lt3A_77 = arith.cmpi ult, %sub3A_74, %lt3A_76 : vector<16xi32>
        %jit3A = arith.constant 0 : i32
        %jit3A_78 = arith.constant 79999 : i32
        %max3A = vector.broadcast %jit3A : i32 to vector<16xi32>
        %max3A_79 = arith.maxsi %max3A, %sub3A_74 : vector<16xi32>
        %min3A = vector.broadcast %jit3A_78 : i32 to vector<16xi32>
        %min3A_80 = arith.minsi %min3A, %max3A_79 : vector<16xi32>
        tpu.vector_store_idx %arg6[%min3A_80], %broadcast_in_dim3A_5 masked %lt3A_77 {add = true} : memref<80000xf32, #tpu.memory_space<vmem>>[vector<16xi32>], vector<16xf32>, vector<16xi1>
        %mul3A_81 = arith.constant 80 : i32
        %mul3A_82 = arith.muli %scan3A_67, %mul3A_81 : i32
        %add3A_83 = arith.constant 16 : i32
        %add3A_84 = arith.addi %mul3A_82, %add3A_83 : i32
        %get3A_85 = arith.index_cast %add3A_84 : i32 to index
        %get3A_86 = tpu.vector_load %arg4[%get3A_85] {strides = array<i32>} : memref<10000xi32, #tpu.memory_space<vmem>>, vector<16xi32>,
        %sub3A_87 = vector.broadcast %mul3A_2 : i32 to vector<16xi32>
        %sub3A_88 = arith.subi %get3A_86, %sub3A_87 : vector<16xi32>
        %lt3A_89 = arith.constant 80000 : i32
        %lt3A_90 = vector.broadcast %lt3A_89 : i32 to vector<16xi32>
        %lt3A_91 = arith.cmpi ult, %sub3A_88, %lt3A_90 : vector<16xi32>
        %jit3A_92 = arith.constant 0 : i32
        %jit3A_93 = arith.constant 79999 : i32
        %max3A_94 = vector.broadcast %jit3A_92 : i32 to vector<16xi32>
        %max3A_95 = arith.maxsi %max3A_94, %sub3A_88 : vector<16xi32>
        %min3A_96 = vector.broadcast %jit3A_93 : i32 to vector<16xi32>
        %min3A_97 = arith.minsi %min3A_96, %max3A_95 : vector<16xi32>
        tpu.vector_store_idx %arg6[%min3A_97], %broadcast_in_dim3A_5 masked %lt3A_91 {add = true} : memref<80000xf32, #tpu.memory_space<vmem>>[vector<16xi32>], vector<16xf32>, vector<16xi1>
        %mul3A_98 = arith.constant 80 : i32
        %mul3A_99 = arith.muli %scan3A_67, %mul3A_98 : i32
        %add3A_100 = arith.constant 32 : i32
        %add3A_101 = arith.addi %mul3A_99, %add3A_100 : i32
        %get3A_102 = arith.index_cast %add3A_101 : i32 to index
        %get3A_103 = tpu.vector_load %arg4[%get3A_102] {strides = array<i32>} : memref<10000xi32, #tpu.memory_space<vmem>>, vector<16xi32>,
        %sub3A_104 = vector.broadcast %mul3A_2 : i32 to vector<16xi32>
        %sub3A_105 = arith.subi %get3A_103, %sub3A_104 : vector<16xi32>
        %lt3A_106 = arith.constant 80000 : i32
        %lt3A_107 = vector.broadcast %lt3A_106 : i32 to vector<16xi32>
        %lt3A_108 = arith.cmpi ult, %sub3A_105, %lt3A_107 : vector<16xi32>
        %jit3A_109 = arith.constant 0 : i32
        %jit3A_110 = arith.constant 79999 : i32
        %max3A_111 = vector.broadcast %jit3A_109 : i32 to vector<16xi32>
        %max3A_112 = arith.maxsi %max3A_111, %sub3A_105 : vector<16xi32>
        %min3A_113 = vector.broadcast %jit3A_110 : i32 to vector<16xi32>
        %min3A_114 = arith.minsi %min3A_113, %max3A_112 : vector<16xi32>
        tpu.vector_store_idx %arg6[%min3A_114], %broadcast_in_dim3A_5 masked %lt3A_108 {add = true} : memref<80000xf32, #tpu.memory_space<vmem>>[vector<16xi32>], vector<16xf32>, vector<16xi1>
        %mul3A_115 = arith.constant 80 : i32
        %mul3A_116 = arith.muli %scan3A_67, %mul3A_115 : i32
        %add3A_117 = arith.constant 48 : i32
        %add3A_118 = arith.addi %mul3A_116, %add3A_117 : i32
        %get3A_119 = arith.index_cast %add3A_118 : i32 to index
        %get3A_120 = tpu.vector_load %arg4[%get3A_119] {strides = array<i32>} : memref<10000xi32, #tpu.memory_space<vmem>>, vector<16xi32>,
        %sub3A_121 = vector.broadcast %mul3A_2 : i32 to vector<16xi32>
        %sub3A_122 = arith.subi %get3A_120, %sub3A_121 : vector<16xi32>
        %lt3A_123 = arith.constant 80000 : i32
        %lt3A_124 = vector.broadcast %lt3A_123 : i32 to vector<16xi32>
        %lt3A_125 = arith.cmpi ult, %sub3A_122, %lt3A_124 : vector<16xi32>
        %jit3A_126 = arith.constant 0 : i32
        %jit3A_127 = arith.constant 79999 : i32
        %max3A_128 = vector.broadcast %jit3A_126 : i32 to vector<16xi32>
        %max3A_129 = arith.maxsi %max3A_128, %sub3A_122 : vector<16xi32>
        %min3A_130 = vector.broadcast %jit3A_127 : i32 to vector<16xi32>
        %min3A_131 = arith.minsi %min3A_130, %max3A_129 : vector<16xi32>
        tpu.vector_store_idx %arg6[%min3A_131], %broadcast_in_dim3A_5 masked %lt3A_125 {add = true} : memref<80000xf32, #tpu.memory_space<vmem>>[vector<16xi32>], vector<16xf32>, vector<16xi1>
        %mul3A_132 = arith.constant 80 : i32
        %mul3A_133 = arith.muli %scan3A_67, %mul3A_132 : i32
        %add3A_134 = arith.constant 64 : i32
        %add3A_135 = arith.addi %mul3A_133, %add3A_134 : i32
        %get3A_136 = arith.index_cast %add3A_135 : i32 to index
        %get3A_137 = tpu.vector_load %arg4[%get3A_136] {strides = array<i32>} : memref<10000xi32, #tpu.memory_space<vmem>>, vector<16xi32>,
        %sub3A_138 = vector.broadcast %mul3A_2 : i32 to vector<16xi32>
        %sub3A_139 = arith.subi %get3A_137, %sub3A_138 : vector<16xi32>
        %lt3A_140 = arith.constant 80000 : i32
        %lt3A_141 = vector.broadcast %lt3A_140 : i32 to vector<16xi32>
        %lt3A_142 = arith.cmpi ult, %sub3A_139, %lt3A_141 : vector<16xi32>
        %jit3A_143 = arith.constant 0 : i32
        %jit3A_144 = arith.constant 79999 : i32
        %max3A_145 = vector.broadcast %jit3A_143 : i32 to vector<16xi32>
        %max3A_146 = arith.maxsi %max3A_145, %sub3A_139 : vector<16xi32>
        %min3A_147 = vector.broadcast %jit3A_144 : i32 to vector<16xi32>
        %min3A_148 = arith.minsi %min3A_147, %max3A_146 : vector<16xi32>
        tpu.vector_store_idx %arg6[%min3A_148], %broadcast_in_dim3A_5 masked %lt3A_142 {add = true} : memref<80000xf32, #tpu.memory_space<vmem>>[vector<16xi32>], vector<16xf32>, vector<16xi1>
        %scan3A_149 = arith.constant 0 : i32
        scf.yield %scan3A_149 : i32
      }
      %scan3A_43 = arith.constant 125 : i32
      %mul3A_44 = arith.constant 2 : i32
      %mul3A_45 = arith.muli %scan3A_24, %mul3A_44 : i32
      %add3A_46 = arith.constant 1 : i32
      %add3A_47 = arith.addi %mul3A_45, %add3A_46 : i32
      %dma_wait3A_48 = arith.constant 0 : i32
      %dma_wait3A_49 = tpu.memref_slice %arg2[%dma_wait3A_48] : memref<320000xi32, #tpu.memory_space<hbm>> -> memref<10000xi32, #tpu.memory_space<hbm>>
      %dma_wait3A_50 = arith.constant 0 : i32
      %dma_wait3A_51 = tpu.memref_slice %arg2[%dma_wait3A_50] : memref<320000xi32, #tpu.memory_space<hbm>> -> memref<10000xi32, #tpu.memory_space<hbm>>
      tpu.wait_dma2 semaphore(%arg8 : memref<!tpu.dma_semaphore, #tpu.memory_space<semaphore_mem>>) src(%dma_wait3A_51 : memref<10000xi32, #tpu.memory_space<hbm>>) dst(%arg5 : memref<10000xi32, #tpu.memory_space<vmem>>)
      %add3A_52 = arith.constant 1 : i32
      %add3A_53 = arith.addi %add3A_47, %add3A_52 : i32
      %lt3A_54 = arith.constant 32 : i32
      %lt3A_55 = arith.cmpi slt, %add3A_53, %lt3A_54 : i32
      %convert_element_type3A_56 = arith.extui %lt3A_55 : i1 to i32
      %cond3A_57 = arith.constant 0 : i32
      %cond3A_58 = arith.cmpi ne, %convert_element_type3A_56, %cond3A_57 : i32
      scf.if %cond3A_58 {
        %add3A_67 = arith.constant 1 : i32
        %add3A_68 = arith.addi %add3A_47, %add3A_67 : i32
        %mul3A_69 = arith.constant 10000 : i32
        %mul3A_70 = arith.muli %add3A_68, %mul3A_69 : i32
        %dma_start3A_71 = tpu.memref_slice %arg2[%mul3A_70] : memref<320000xi32, #tpu.memory_space<hbm>> -> memref<10000xi32, #tpu.memory_space<hbm>>
        %dma_start3A_72 = tpu.memref_slice %arg2[%mul3A_70] : memref<320000xi32, #tpu.memory_space<hbm>> -> memref<10000xi32, #tpu.memory_space<hbm>>
        tpu.enqueue_dma source(%dma_start3A_72 : memref<10000xi32, #tpu.memory_space<hbm>>) target(%arg4 : memref<10000xi32, #tpu.memory_space<vmem>>) target_semaphore(%arg7 : memref<!tpu.dma_semaphore, #tpu.memory_space<semaphore_mem>>)
      } else {
      }
      %scan3A_59 = arith.constant 0 : i32
      %scan3A_60 = arith.constant 0 : i32
      %scan3A_61 = arith.constant 125 : i32
      %scan3A_62 = arith.addi %scan3A_60, %scan3A_61 : i32
      %scan3A_63 = arith.constant 1 : i32
      %scan3A_64 = scf.for %scan3A_67 = %scan3A_60 to %scan3A_62 step %scan3A_63 iter_args(%scan3A_68 = %scan3A_59) -> (i32)  : i32 {
        %mul3A_69 = arith.constant 80 : i32
        %mul3A_70 = arith.muli %scan3A_67, %mul3A_69 : i32
        %add3A_71 = arith.constant 0 : i32
        %add3A_72 = arith.addi %mul3A_70, %add3A_71 : i32
        %get3A = arith.index_cast %add3A_72 : i32 to index
        %get3A_73 = tpu.vector_load %arg5[%get3A] {strides = array<i32>} : memref<10000xi32, #tpu.memory_space<vmem>>, vector<16xi32>,
        %sub3A = vector.broadcast %mul3A_2 : i32 to vector<16xi32>
        %sub3A_74 = arith.subi %get3A_73, %sub3A : vector<16xi32>
        %lt3A_75 = arith.constant 80000 : i32
        %lt3A_76 = vector.broadcast %lt3A_75 : i32 to vector<16xi32>
        %lt3A_77 = arith.cmpi ult, %sub3A_74, %lt3A_76 : vector<16xi32>
        %jit3A = arith.constant 0 : i32
        %jit3A_78 = arith.constant 79999 : i32
        %max3A = vector.broadcast %jit3A : i32 to vector<16xi32>
        %max3A_79 = arith.maxsi %max3A, %sub3A_74 : vector<16xi32>
        %min3A = vector.broadcast %jit3A_78 : i32 to vector<16xi32>
        %min3A_80 = arith.minsi %min3A, %max3A_79 : vector<16xi32>
        tpu.vector_store_idx %arg6[%min3A_80], %broadcast_in_dim3A_5 masked %lt3A_77 {add = true} : memref<80000xf32, #tpu.memory_space<vmem>>[vector<16xi32>], vector<16xf32>, vector<16xi1>
        %mul3A_81 = arith.constant 80 : i32
        %mul3A_82 = arith.muli %scan3A_67, %mul3A_81 : i32
        %add3A_83 = arith.constant 16 : i32
        %add3A_84 = arith.addi %mul3A_82, %add3A_83 : i32
        %get3A_85 = arith.index_cast %add3A_84 : i32 to index
        %get3A_86 = tpu.vector_load %arg5[%get3A_85] {strides = array<i32>} : memref<10000xi32, #tpu.memory_space<vmem>>, vector<16xi32>,
        %sub3A_87 = vector.broadcast %mul3A_2 : i32 to vector<16xi32>
        %sub3A_88 = arith.subi %get3A_86, %sub3A_87 : vector<16xi32>
        %lt3A_89 = arith.constant 80000 : i32
        %lt3A_90 = vector.broadcast %lt3A_89 : i32 to vector<16xi32>
        %lt3A_91 = arith.cmpi ult, %sub3A_88, %lt3A_90 : vector<16xi32>
        %jit3A_92 = arith.constant 0 : i32
        %jit3A_93 = arith.constant 79999 : i32
        %max3A_94 = vector.broadcast %jit3A_92 : i32 to vector<16xi32>
        %max3A_95 = arith.maxsi %max3A_94, %sub3A_88 : vector<16xi32>
        %min3A_96 = vector.broadcast %jit3A_93 : i32 to vector<16xi32>
        %min3A_97 = arith.minsi %min3A_96, %max3A_95 : vector<16xi32>
        tpu.vector_store_idx %arg6[%min3A_97], %broadcast_in_dim3A_5 masked %lt3A_91 {add = true} : memref<80000xf32, #tpu.memory_space<vmem>>[vector<16xi32>], vector<16xf32>, vector<16xi1>
        %mul3A_98 = arith.constant 80 : i32
        %mul3A_99 = arith.muli %scan3A_67, %mul3A_98 : i32
        %add3A_100 = arith.constant 32 : i32
        %add3A_101 = arith.addi %mul3A_99, %add3A_100 : i32
        %get3A_102 = arith.index_cast %add3A_101 : i32 to index
        %get3A_103 = tpu.vector_load %arg5[%get3A_102] {strides = array<i32>} : memref<10000xi32, #tpu.memory_space<vmem>>, vector<16xi32>,
        %sub3A_104 = vector.broadcast %mul3A_2 : i32 to vector<16xi32>
        %sub3A_105 = arith.subi %get3A_103, %sub3A_104 : vector<16xi32>
        %lt3A_106 = arith.constant 80000 : i32
        %lt3A_107 = vector.broadcast %lt3A_106 : i32 to vector<16xi32>
        %lt3A_108 = arith.cmpi ult, %sub3A_105, %lt3A_107 : vector<16xi32>
        %jit3A_109 = arith.constant 0 : i32
        %jit3A_110 = arith.constant 79999 : i32
        %max3A_111 = vector.broadcast %jit3A_109 : i32 to vector<16xi32>
        %max3A_112 = arith.maxsi %max3A_111, %sub3A_105 : vector<16xi32>
        %min3A_113 = vector.broadcast %jit3A_110 : i32 to vector<16xi32>
        %min3A_114 = arith.minsi %min3A_113, %max3A_112 : vector<16xi32>
        tpu.vector_store_idx %arg6[%min3A_114], %broadcast_in_dim3A_5 masked %lt3A_108 {add = true} : memref<80000xf32, #tpu.memory_space<vmem>>[vector<16xi32>], vector<16xf32>, vector<16xi1>
        %mul3A_115 = arith.constant 80 : i32
        %mul3A_116 = arith.muli %scan3A_67, %mul3A_115 : i32
        %add3A_117 = arith.constant 48 : i32
        %add3A_118 = arith.addi %mul3A_116, %add3A_117 : i32
        %get3A_119 = arith.index_cast %add3A_118 : i32 to index
        %get3A_120 = tpu.vector_load %arg5[%get3A_119] {strides = array<i32>} : memref<10000xi32, #tpu.memory_space<vmem>>, vector<16xi32>,
        %sub3A_121 = vector.broadcast %mul3A_2 : i32 to vector<16xi32>
        %sub3A_122 = arith.subi %get3A_120, %sub3A_121 : vector<16xi32>
        %lt3A_123 = arith.constant 80000 : i32
        %lt3A_124 = vector.broadcast %lt3A_123 : i32 to vector<16xi32>
        %lt3A_125 = arith.cmpi ult, %sub3A_122, %lt3A_124 : vector<16xi32>
        %jit3A_126 = arith.constant 0 : i32
        %jit3A_127 = arith.constant 79999 : i32
        %max3A_128 = vector.broadcast %jit3A_126 : i32 to vector<16xi32>
        %max3A_129 = arith.maxsi %max3A_128, %sub3A_122 : vector<16xi32>
        %min3A_130 = vector.broadcast %jit3A_127 : i32 to vector<16xi32>
        %min3A_131 = arith.minsi %min3A_130, %max3A_129 : vector<16xi32>
        tpu.vector_store_idx %arg6[%min3A_131], %broadcast_in_dim3A_5 masked %lt3A_125 {add = true} : memref<80000xf32, #tpu.memory_space<vmem>>[vector<16xi32>], vector<16xf32>, vector<16xi1>
        %mul3A_132 = arith.constant 80 : i32
        %mul3A_133 = arith.muli %scan3A_67, %mul3A_132 : i32
        %add3A_134 = arith.constant 64 : i32
        %add3A_135 = arith.addi %mul3A_133, %add3A_134 : i32
        %get3A_136 = arith.index_cast %add3A_135 : i32 to index
        %get3A_137 = tpu.vector_load %arg5[%get3A_136] {strides = array<i32>} : memref<10000xi32, #tpu.memory_space<vmem>>, vector<16xi32>,
        %sub3A_138 = vector.broadcast %mul3A_2 : i32 to vector<16xi32>
        %sub3A_139 = arith.subi %get3A_137, %sub3A_138 : vector<16xi32>
        %lt3A_140 = arith.constant 80000 : i32
        %lt3A_141 = vector.broadcast %lt3A_140 : i32 to vector<16xi32>
        %lt3A_142 = arith.cmpi ult, %sub3A_139, %lt3A_141 : vector<16xi32>
        %jit3A_143 = arith.constant 0 : i32
        %jit3A_144 = arith.constant 79999 : i32
        %max3A_145 = vector.broadcast %jit3A_143 : i32 to vector<16xi32>
        %max3A_146 = arith.maxsi %max3A_145, %sub3A_139 : vector<16xi32>
        %min3A_147 = vector.broadcast %jit3A_144 : i32 to vector<16xi32>
        %min3A_148 = arith.minsi %min3A_147, %max3A_146 : vector<16xi32>
        tpu.vector_store_idx %arg6[%min3A_148], %broadcast_in_dim3A_5 masked %lt3A_142 {add = true} : memref<80000xf32, #tpu.memory_space<vmem>>[vector<16xi32>], vector<16xf32>, vector<16xi1>
        %scan3A_149 = arith.constant 0 : i32
        scf.yield %scan3A_149 : i32
      }
      %scan3A_65 = arith.constant 125 : i32
      %scan3A_66 = arith.constant 0 : i32
      scf.yield %scan3A_66 : i32
    }
    %scan3A_21 = arith.constant 16 : i32
    %mul3A_22 = arith.constant 80000 : i32
    %mul3A_23 = arith.muli %add3A, %mul3A_22 : i32
    "tpu.region"() ({
      %run_scoped3A = tpu.sem_alloc : memref<!tpu.dma_semaphore, #tpu.memory_space<semaphore_mem>>
      %dma_start3A_24 = tpu.memref_slice %arg3[%mul3A_23] : memref<2560000xf32, #tpu.memory_space<hbm>> -> memref<80000xf32, #tpu.memory_space<hbm>>
      %dma_start3A_25 = tpu.memref_slice %arg3[%mul3A_23] : memref<2560000xf32, #tpu.memory_space<hbm>> -> memref<80000xf32, #tpu.memory_space<hbm>>
      tpu.enqueue_dma source(%arg6 : memref<80000xf32, #tpu.memory_space<vmem>>) target(%dma_start3A_25 : memref<80000xf32, #tpu.memory_space<hbm>>) target_semaphore(%run_scoped3A : memref<!tpu.dma_semaphore, #tpu.memory_space<semaphore_mem>>)
      %dma_wait3A = tpu.memref_slice %arg3[%mul3A_23] : memref<2560000xf32, #tpu.memory_space<hbm>> -> memref<80000xf32, #tpu.memory_space<hbm>>
      %dma_wait3A_26 = tpu.memref_slice %arg3[%mul3A_23] : memref<2560000xf32, #tpu.memory_space<hbm>> -> memref<80000xf32, #tpu.memory_space<hbm>>
      tpu.wait_dma2 semaphore(%run_scoped3A : memref<!tpu.dma_semaphore, #tpu.memory_space<semaphore_mem>>) src(%arg6 : memref<80000xf32, #tpu.memory_space<vmem>>) dst(%dma_wait3A_26 : memref<80000xf32, #tpu.memory_space<hbm>>)
      tpu.yield
    }) : () -> ()
    return
  }
}

module attributes {stable_mosaic.version = 14 : i64} {
  func.func @body(%arg0: memref<32x10000xf32, #tpu.memory_space<vmem>>, %arg1: memref<10000x128xf32, #tpu.memory_space<vmem>>, %arg2: memref<128x128xf32, #tpu.memory_space<vmem>>, %arg3: memref<10000x1xf32, #tpu.memory_space<vmem>>, %arg4: memref<10000x128xf32, #tpu.memory_space<vmem>>) attributes {dimension_semantics = [], scalar_prefetch = 0 : i64, scratch_operands = 0 : i64, tpu.core_type = #tpu.core_type<tc>} {
    %get3A = arith.constant 0 : index
    %get3A_0 = arith.constant 0 : index
    %get3A_1 = vector.load %arg0[%get3A, %get3A_0] : memref<32x10000xf32, #tpu.memory_space<vmem>>, vector<32x10000xf32>
    %broadcast_in_dim3A = arith.constant 1.000000e+00 : f32
    %broadcast_in_dim3A_2 = vector.broadcast %broadcast_in_dim3A : f32 to vector<32x1xf32>
    %dot_general3A = arith.constant dense<0.000000e+00> : vector<10000x1xf32>
    %dot_general3A_3 = tpu.matmul %get3A_1, %broadcast_in_dim3A_2, %dot_general3A {dimension_numbers = #tpu.dot_dimension_numbers<[0], [0], [1], [1], [0, 1, 1, 1], [], []>, transpose_lhs_hint = false} : vector<32x10000xf32>, vector<32x1xf32>, vector<10000x1xf32> -> vector<10000x1xf32>
    %add3A = arith.constant 1.000000e+00 : f32
    %add3A_4 = vector.broadcast %add3A : f32 to vector<10000x1xf32>
    %add3A_5 = arith.addf %dot_general3A_3, %add3A_4 : vector<10000x1xf32>
    %rsqrt3A = math.rsqrt %add3A_5 : vector<10000x1xf32>
    %swap3A = arith.constant 0 : index
    %swap3A_6 = arith.constant 0 : index
    %swap3A_7 = vector.load %arg3[%swap3A, %swap3A_6] : memref<10000x1xf32, #tpu.memory_space<vmem>>, vector<10000x1xf32>
    tpu.vector_store %arg3[%swap3A, %swap3A_6], %rsqrt3A {strides = array<i32>} : memref<10000x1xf32, #tpu.memory_space<vmem>>, vector<10000x1xf32>,
    %get3A_8 = arith.constant 0 : index
    %get3A_9 = arith.constant 0 : index
    %get3A_10 = vector.load %arg1[%get3A_8, %get3A_9] : memref<10000x128xf32, #tpu.memory_space<vmem>>, vector<10000x128xf32>
    %get3A_11 = arith.constant 0 : index
    %get3A_12 = arith.constant 0 : index
    %get3A_13 = vector.load %arg2[%get3A_11, %get3A_12] : memref<128x128xf32, #tpu.memory_space<vmem>>, vector<128x128xf32>
    %dot_general3A_14 = arith.constant dense<0.000000e+00> : vector<10000x128xf32>
    %dot_general3A_15 = tpu.matmul %get3A_10, %get3A_13, %dot_general3A_14 {dimension_numbers = #tpu.dot_dimension_numbers<[1], [0], [0], [1], [0, 0, 1, 1], [], []>, transpose_lhs_hint = false} : vector<10000x128xf32>, vector<128x128xf32>, vector<10000x128xf32> -> vector<10000x128xf32>
    %mul3A = vector.broadcast %rsqrt3A : vector<10000x1xf32> to vector<10000x128xf32>
    %mul3A_16 = arith.mulf %dot_general3A_15, %mul3A : vector<10000x128xf32>
    %swap3A_17 = arith.constant 0 : index
    %swap3A_18 = arith.constant 0 : index
    %swap3A_19 = vector.load %arg4[%swap3A_17, %swap3A_18] : memref<10000x128xf32, #tpu.memory_space<vmem>>, vector<10000x128xf32>
    tpu.vector_store %arg4[%swap3A_17, %swap3A_18], %mul3A_16 {strides = array<i32>} : memref<10000x128xf32, #tpu.memory_space<vmem>>, vector<10000x128xf32>,
    return
  }
}

module attributes {stable_mosaic.version = 14 : i64} {
  func.func @body(%arg0: memref<2x10000x128xf32, #tpu.memory_space<vmem>>, %arg1: memref<10000x128xf32, #tpu.memory_space<vmem>>, %arg2: memref<10000x1xf32, #tpu.memory_space<vmem>>, %arg3: memref<1x128xf32, #tpu.memory_space<vmem>>, %arg4: memref<128x128xf32, #tpu.memory_space<vmem>>, %arg5: memref<10000x128xf32, #tpu.memory_space<vmem>>) attributes {dimension_semantics = [], scalar_prefetch = 0 : i64, scratch_operands = 0 : i64, tpu.core_type = #tpu.core_type<tc>} {
    %get3A = arith.constant 0 : index
    %get3A_0 = arith.constant 0 : index
    %get3A_1 = vector.load %arg2[%get3A, %get3A_0] : memref<10000x1xf32, #tpu.memory_space<vmem>>, vector<10000x1xf32>
    %get3A_2 = arith.constant 0 : index
    %get3A_3 = arith.constant 0 : index
    %get3A_4 = arith.constant 0 : index
    %get3A_5 = vector.load %arg0[%get3A_2, %get3A_3, %get3A_4] : memref<2x10000x128xf32, #tpu.memory_space<vmem>>, vector<1x10000x128xf32>
    %get3A_6 = vector.shape_cast %get3A_5 : vector<1x10000x128xf32> to vector<10000x128xf32>
    %get3A_7 = arith.constant 1 : index
    %get3A_8 = arith.constant 0 : index
    %get3A_9 = arith.constant 0 : index
    %get3A_10 = vector.load %arg0[%get3A_7, %get3A_8, %get3A_9] : memref<2x10000x128xf32, #tpu.memory_space<vmem>>, vector<1x10000x128xf32>
    %get3A_11 = vector.shape_cast %get3A_10 : vector<1x10000x128xf32> to vector<10000x128xf32>
    %add3A = arith.addf %get3A_6, %get3A_11 : vector<10000x128xf32>
    %get3A_12 = arith.constant 0 : index
    %get3A_13 = arith.constant 0 : index
    %get3A_14 = vector.load %arg1[%get3A_12, %get3A_13] : memref<10000x128xf32, #tpu.memory_space<vmem>>, vector<10000x128xf32>
    %add3A_15 = arith.addf %add3A, %get3A_14 : vector<10000x128xf32>
    %mul3A = vector.broadcast %get3A_1 : vector<10000x1xf32> to vector<10000x128xf32>
    %mul3A_16 = arith.mulf %mul3A, %add3A_15 : vector<10000x128xf32>
    %get3A_17 = arith.constant 0 : index
    %get3A_18 = arith.constant 0 : index
    %get3A_19 = vector.load %arg3[%get3A_17, %get3A_18] : memref<1x128xf32, #tpu.memory_space<vmem>>, vector<1x128xf32>
    %add3A_20 = vector.broadcast %get3A_19 : vector<1x128xf32> to vector<10000x128xf32>
    %add3A_21 = arith.addf %mul3A_16, %add3A_20 : vector<10000x128xf32>
    %max3A = arith.constant 0.000000e+00 : f32
    %max3A_22 = vector.broadcast %max3A : f32 to vector<10000x128xf32>
    %max3A_23 = arith.maximumf %add3A_21, %max3A_22 : vector<10000x128xf32>
    %get3A_24 = arith.constant 0 : index
    %get3A_25 = arith.constant 0 : index
    %get3A_26 = vector.load %arg4[%get3A_24, %get3A_25] : memref<128x128xf32, #tpu.memory_space<vmem>>, vector<128x128xf32>
    %dot_general3A = arith.constant dense<0.000000e+00> : vector<10000x128xf32>
    %dot_general3A_27 = tpu.matmul %max3A_23, %get3A_26, %dot_general3A {dimension_numbers = #tpu.dot_dimension_numbers<[1], [0], [0], [1], [0, 0, 1, 1], [], []>, transpose_lhs_hint = false} : vector<10000x128xf32>, vector<128x128xf32>, vector<10000x128xf32> -> vector<10000x128xf32>
    %get3A_28 = arith.constant 0 : index
    %get3A_29 = arith.constant 0 : index
    %get3A_30 = vector.load %arg2[%get3A_28, %get3A_29] : memref<10000x1xf32, #tpu.memory_space<vmem>>, vector<10000x1xf32>
    %mul3A_31 = vector.broadcast %get3A_30 : vector<10000x1xf32> to vector<10000x128xf32>
    %mul3A_32 = arith.mulf %dot_general3A_27, %mul3A_31 : vector<10000x128xf32>
    %swap3A = arith.constant 0 : index
    %swap3A_33 = arith.constant 0 : index
    %swap3A_34 = vector.load %arg5[%swap3A, %swap3A_33] : memref<10000x128xf32, #tpu.memory_space<vmem>>, vector<10000x128xf32>
    tpu.vector_store %arg5[%swap3A, %swap3A_33], %mul3A_32 {strides = array<i32>} : memref<10000x128xf32, #tpu.memory_space<vmem>>, vector<10000x128xf32>,
    return
  }
}

module attributes {stable_mosaic.version = 14 : i64} {
  func.func @body(%arg0: memref<2x10000x128xf32, #tpu.memory_space<vmem>>, %arg1: memref<10000x128xf32, #tpu.memory_space<vmem>>, %arg2: memref<10000x1xf32, #tpu.memory_space<vmem>>, %arg3: memref<1x128xf32, #tpu.memory_space<vmem>>, %arg4: memref<10000x1xi32, #tpu.memory_space<vmem>>, %arg5: memref<10000x128xf32, #tpu.memory_space<vmem>>, %arg6: memref<10000x1xi32, #tpu.memory_space<vmem>>, %arg7: memref<11024x128xf32, #tpu.memory_space<vmem>>, %arg8: memref<11024x1xi32, #tpu.memory_space<vmem>>, %arg9: memref<11024x1xi32, #tpu.memory_space<vmem>>) attributes {dimension_semantics = [], scalar_prefetch = 0 : i64, scratch_operands = 3 : i64, tpu.core_type = #tpu.core_type<tc>} {
    %get3A = arith.constant 0 : index
    %get3A_0 = arith.constant 0 : index
    %get3A_1 = vector.load %arg2[%get3A, %get3A_0] : memref<10000x1xf32, #tpu.memory_space<vmem>>, vector<10000x1xf32>
    %get3A_2 = arith.constant 0 : index
    %get3A_3 = arith.constant 0 : index
    %get3A_4 = arith.constant 0 : index
    %get3A_5 = vector.load %arg0[%get3A_2, %get3A_3, %get3A_4] : memref<2x10000x128xf32, #tpu.memory_space<vmem>>, vector<1x10000x128xf32>
    %get3A_6 = vector.shape_cast %get3A_5 : vector<1x10000x128xf32> to vector<10000x128xf32>
    %get3A_7 = arith.constant 1 : index
    %get3A_8 = arith.constant 0 : index
    %get3A_9 = arith.constant 0 : index
    %get3A_10 = vector.load %arg0[%get3A_7, %get3A_8, %get3A_9] : memref<2x10000x128xf32, #tpu.memory_space<vmem>>, vector<1x10000x128xf32>
    %get3A_11 = vector.shape_cast %get3A_10 : vector<1x10000x128xf32> to vector<10000x128xf32>
    %add3A = arith.addf %get3A_6, %get3A_11 : vector<10000x128xf32>
    %get3A_12 = arith.constant 0 : index
    %get3A_13 = arith.constant 0 : index
    %get3A_14 = vector.load %arg1[%get3A_12, %get3A_13] : memref<10000x128xf32, #tpu.memory_space<vmem>>, vector<10000x128xf32>
    %add3A_15 = arith.addf %add3A, %get3A_14 : vector<10000x128xf32>
    %mul3A = vector.broadcast %get3A_1 : vector<10000x1xf32> to vector<10000x128xf32>
    %mul3A_16 = arith.mulf %mul3A, %add3A_15 : vector<10000x128xf32>
    %get3A_17 = arith.constant 0 : index
    %get3A_18 = arith.constant 0 : index
    %get3A_19 = vector.load %arg3[%get3A_17, %get3A_18] : memref<1x128xf32, #tpu.memory_space<vmem>>, vector<1x128xf32>
    %add3A_20 = vector.broadcast %get3A_19 : vector<1x128xf32> to vector<10000x128xf32>
    %add3A_21 = arith.addf %mul3A_16, %add3A_20 : vector<10000x128xf32>
    %swap3A = arith.constant 0 : index
    %swap3A_22 = arith.constant 0 : index
    %swap3A_23 = vector.load %arg5[%swap3A, %swap3A_22] : memref<10000x128xf32, #tpu.memory_space<vmem>>, vector<10000x128xf32>
    tpu.vector_store %arg5[%swap3A, %swap3A_22], %add3A_21 {strides = array<i32>} : memref<10000x128xf32, #tpu.memory_space<vmem>>, vector<10000x128xf32>,
    %swap3A_24 = arith.constant 0 : index
    %swap3A_25 = arith.constant 0 : index
    %swap3A_26 = vector.load %arg7[%swap3A_24, %swap3A_25] : memref<11024x128xf32, #tpu.memory_space<vmem>>, vector<10000x128xf32>
    tpu.vector_store %arg7[%swap3A_24, %swap3A_25], %add3A_21 {strides = array<i32>} : memref<11024x128xf32, #tpu.memory_space<vmem>>, vector<10000x128xf32>,
    %broadcast_in_dim3A = arith.constant 0.000000e+00 : f32
    %broadcast_in_dim3A_27 = vector.broadcast %broadcast_in_dim3A : f32 to vector<1024x128xf32>
    %swap3A_28 = arith.constant 10000 : index
    %swap3A_29 = arith.constant 0 : index
    %swap3A_30 = vector.load %arg7[%swap3A_28, %swap3A_29] : memref<11024x128xf32, #tpu.memory_space<vmem>>, vector<1024x128xf32>
    tpu.vector_store %arg7[%swap3A_28, %swap3A_29], %broadcast_in_dim3A_27 {strides = array<i32>} : memref<11024x128xf32, #tpu.memory_space<vmem>>, vector<1024x128xf32>,
    %get3A_31 = arith.constant 0 : index
    %get3A_32 = arith.constant 0 : index
    %get3A_33 = vector.load %arg4[%get3A_31, %get3A_32] : memref<10000x1xi32, #tpu.memory_space<vmem>>, vector<10000x1xi32>
    %swap3A_34 = arith.constant 0 : index
    %swap3A_35 = arith.constant 0 : index
    %swap3A_36 = vector.load %arg8[%swap3A_34, %swap3A_35] : memref<11024x1xi32, #tpu.memory_space<vmem>>, vector<10000x1xi32>
    tpu.vector_store %arg8[%swap3A_34, %swap3A_35], %get3A_33 {strides = array<i32>} : memref<11024x1xi32, #tpu.memory_space<vmem>>, vector<10000x1xi32>,
    %broadcast_in_dim3A_37 = arith.constant 16 : i32
    %broadcast_in_dim3A_38 = vector.broadcast %broadcast_in_dim3A_37 : i32 to vector<1024x1xi32>
    %swap3A_39 = arith.constant 10000 : index
    %swap3A_40 = arith.constant 0 : index
    %swap3A_41 = vector.load %arg8[%swap3A_39, %swap3A_40] : memref<11024x1xi32, #tpu.memory_space<vmem>>, vector<1024x1xi32>
    tpu.vector_store %arg8[%swap3A_39, %swap3A_40], %broadcast_in_dim3A_38 {strides = array<i32>} : memref<11024x1xi32, #tpu.memory_space<vmem>>, vector<1024x1xi32>,
    %iota3A = tpu.iota {dimensions = array<i32: 1>} : vector<1x17xi32>
    %lt3A = vector.broadcast %get3A_33 : vector<10000x1xi32> to vector<10000x17xi32>
    %lt3A_42 = vector.broadcast %iota3A : vector<1x17xi32> to vector<10000x17xi32>
    %lt3A_43 = arith.cmpi slt, %lt3A, %lt3A_42 : vector<10000x17xi32>
    %convert_element_type3A = arith.extui %lt3A_43 : vector<10000x17xi1> to vector<10000x17xi32>
    %reduce_sum3A = arith.constant dense<0> : vector<17xi32>
    %reduce_sum3A_44 = vector.multi_reduction <add>, %convert_element_type3A, %reduce_sum3A [0] : vector<10000x17xi32> to vector<17xi32>
    %broadcast_in_dim3A_45 = vector.shape_cast %reduce_sum3A_44 : vector<17xi32> to vector<1x17xi32>
    %scan3A = arith.constant 0 : i32
    %scan3A_46 = arith.constant 16 : i32
    %scan3A_47 = arith.addi %scan3A, %scan3A_46 : i32
    %scan3A_48 = arith.constant 1 : i32
    scf.for %scan3A_56 = %scan3A to %scan3A_47 step %scan3A_48  : i32 {
      %eq3A = vector.broadcast %scan3A_56 : i32 to vector<1x17xi32>
      %eq3A_57 = arith.cmpi eq, %iota3A, %eq3A : vector<1x17xi32>
      %jit3A = arith.constant 0 : i32
      %broadcast_in_dim3A_58 = vector.broadcast %jit3A : i32 to vector<1x17xi32>
      %select_n3A = arith.select %eq3A_57, %broadcast_in_dim3A_45, %broadcast_in_dim3A_58 : vector<1x17xi1>, vector<1x17xi32>
      %reduce_sum3A_59 = vector.shape_cast %select_n3A : vector<1x17xi32> to vector<1x1x17xi32>
      %reduce_sum3A_60 = arith.constant dense<0> : vector<1xi32>
      %reduce_sum3A_61 = vector.multi_reduction <add>, %reduce_sum3A_59, %reduce_sum3A_60 [1, 2] : vector<1x1x17xi32> to vector<1xi32>
      %reduce_sum3A_62 = vector.shape_cast %reduce_sum3A_61 : vector<1xi32> to vector<1x1x1xi32>
      %reduce_sum3A_63 = vector.extract %reduce_sum3A_62[0, 0, 0] : i32 from vector<1x1x1xi32>
      %add3A_64 = arith.constant 1 : i32
      %add3A_65 = arith.addi %scan3A_56, %add3A_64 : i32
      %eq3A_66 = vector.broadcast %add3A_65 : i32 to vector<1x17xi32>
      %eq3A_67 = arith.cmpi eq, %iota3A, %eq3A_66 : vector<1x17xi32>
      %jit3A_68 = arith.constant 0 : i32
      %broadcast_in_dim3A_69 = vector.broadcast %jit3A_68 : i32 to vector<1x17xi32>
      %select_n3A_70 = arith.select %eq3A_67, %broadcast_in_dim3A_45, %broadcast_in_dim3A_69 : vector<1x17xi1>, vector<1x17xi32>
      %reduce_sum3A_71 = vector.shape_cast %select_n3A_70 : vector<1x17xi32> to vector<1x1x17xi32>
      %reduce_sum3A_72 = arith.constant dense<0> : vector<1xi32>
      %reduce_sum3A_73 = vector.multi_reduction <add>, %reduce_sum3A_71, %reduce_sum3A_72 [1, 2] : vector<1x1x17xi32> to vector<1xi32>
      %reduce_sum3A_74 = vector.shape_cast %reduce_sum3A_73 : vector<1xi32> to vector<1x1x1xi32>
      %reduce_sum3A_75 = vector.extract %reduce_sum3A_74[0, 0, 0] : i32 from vector<1x1x1xi32>
      %jit3A_76 = arith.constant 8 : i32
      %div3A = arith.divsi %reduce_sum3A_63, %jit3A_76 : i32
      %sign3A = arith.constant 0 : i32
      %sign3A_77 = arith.cmpi sgt, %reduce_sum3A_63, %sign3A : i32
      %sign3A_78 = arith.extui %sign3A_77 : i1 to i32
      %sign3A_79 = arith.constant 0 : i32
      %sign3A_80 = arith.cmpi slt, %reduce_sum3A_63, %sign3A_79 : i32
      %sign3A_81 = arith.extui %sign3A_80 : i1 to i32
      %sign3A_82 = arith.subi %sign3A_78, %sign3A_81 : i32
      %sign3A_83 = arith.constant 0 : i32
      %sign3A_84 = arith.cmpi sgt, %jit3A_76, %sign3A_83 : i32
      %sign3A_85 = arith.extui %sign3A_84 : i1 to i32
      %sign3A_86 = arith.constant 0 : i32
      %sign3A_87 = arith.cmpi slt, %jit3A_76, %sign3A_86 : i32
      %sign3A_88 = arith.extui %sign3A_87 : i1 to i32
      %sign3A_89 = arith.subi %sign3A_85, %sign3A_88 : i32
      %ne3A = arith.cmpi ne, %sign3A_82, %sign3A_89 : i32
      %rem3A = arith.remsi %reduce_sum3A_63, %jit3A_76 : i32
      %ne3A_90 = arith.constant 0 : i32
      %ne3A_91 = arith.cmpi ne, %rem3A, %ne3A_90 : i32
      %and3A = arith.andi %ne3A, %ne3A_91 : i1
      %sub3A = arith.constant 1 : i32
      %sub3A_92 = arith.subi %div3A, %sub3A : i32
      %select_n3A_93 = arith.select %and3A, %sub3A_92, %div3A : i32
      %mul3A_94 = arith.constant 8 : i32
      %mul3A_95 = arith.muli %select_n3A_93, %mul3A_94 : i32
      %multiple_of3A = tpu.assume_multiple %mul3A_95, 8 : i32
      %sub3A_96 = arith.subi %reduce_sum3A_75, %multiple_of3A : i32
      %add3A_97 = arith.constant 768 : i32
      %add3A_98 = arith.addi %sub3A_96, %add3A_97 : i32
      %sub3A_99 = arith.constant 1 : i32
      %sub3A_100 = arith.subi %add3A_98, %sub3A_99 : i32
      %jit3A_101 = arith.constant 768 : i32
      %div3A_102 = arith.divsi %sub3A_100, %jit3A_101 : i32
      %sign3A_103 = arith.constant 0 : i32
      %sign3A_104 = arith.cmpi sgt, %sub3A_100, %sign3A_103 : i32
      %sign3A_105 = arith.extui %sign3A_104 : i1 to i32
      %sign3A_106 = arith.constant 0 : i32
      %sign3A_107 = arith.cmpi slt, %sub3A_100, %sign3A_106 : i32
      %sign3A_108 = arith.extui %sign3A_107 : i1 to i32
      %sign3A_109 = arith.subi %sign3A_105, %sign3A_108 : i32
      %sign3A_110 = arith.constant 0 : i32
      %sign3A_111 = arith.cmpi sgt, %jit3A_101, %sign3A_110 : i32
      %sign3A_112 = arith.extui %sign3A_111 : i1 to i32
      %sign3A_113 = arith.constant 0 : i32
      %sign3A_114 = arith.cmpi slt, %jit3A_101, %sign3A_113 : i32
      %sign3A_115 = arith.extui %sign3A_114 : i1 to i32
      %sign3A_116 = arith.subi %sign3A_112, %sign3A_115 : i32
      %ne3A_117 = arith.cmpi ne, %sign3A_109, %sign3A_116 : i32
      %rem3A_118 = arith.remsi %sub3A_100, %jit3A_101 : i32
      %ne3A_119 = arith.constant 0 : i32
      %ne3A_120 = arith.cmpi ne, %rem3A_118, %ne3A_119 : i32
      %and3A_121 = arith.andi %ne3A_117, %ne3A_120 : i1
      %sub3A_122 = arith.constant 1 : i32
      %sub3A_123 = arith.subi %div3A_102, %sub3A_122 : i32
      %select_n3A_124 = arith.select %and3A_121, %sub3A_123, %div3A_102 : i32
      %get3A_125 = arith.index_cast %reduce_sum3A_63 : i32 to index
      %get3A_126 = arith.constant 0 : index
      %get3A_127 = vector.load %arg7[%get3A_125, %get3A_126] : memref<11024x128xf32, #tpu.memory_space<vmem>>, vector<100x128xf32>
      %iota3A_128 = tpu.iota {dimensions = array<i32: 1>} : vector<768x100xi32>
      %broadcast_in_dim3A_129 = arith.constant 1.000000e+00 : f32
      %broadcast_in_dim3A_130 = vector.broadcast %broadcast_in_dim3A_129 : f32 to vector<1x128xf32>
      %broadcast_in_dim3A_131 = arith.constant 1.000000e+00 : f32
      %broadcast_in_dim3A_132 = vector.broadcast %broadcast_in_dim3A_131 : f32 to vector<768x1xf32>
      %mul3A_133 = arith.mulf %get3A_127, %get3A_127 : vector<100x128xf32>
      %dot_general3A = arith.constant dense<0.000000e+00> : vector<1x100xf32>
      %dot_general3A_134 = tpu.matmul %broadcast_in_dim3A_130, %mul3A_133, %dot_general3A {dimension_numbers = #tpu.dot_dimension_numbers<[1], [1], [0], [0], [0, 0, 1, 0], [], []>, transpose_lhs_hint = false} : vector<1x128xf32>, vector<100x128xf32>, vector<1x100xf32> -> vector<1x100xf32>
      %broadcast_in_dim3A_135 = arith.constant 0.000000e+00 : f32
      %broadcast_in_dim3A_136 = vector.broadcast %broadcast_in_dim3A_135 : f32 to vector<100x128xf32>
      %broadcast_in_dim3A_137 = arith.constant 0.000000e+00 : f32
      %broadcast_in_dim3A_138 = vector.broadcast %broadcast_in_dim3A_137 : f32 to vector<100x1xf32>
      %while3A = arith.constant 0 : i32
      %while3A_139 = arith.subi %select_n3A_124, %while3A : i32
      %while3A_140 = arith.addi %while3A, %while3A_139 : i32
      %while3A_141 = arith.constant 1 : i32
      %while3A_142 = arith.divsi %while3A_139, %while3A_141 : i32
      %while3A_143 = arith.muli %while3A_142, %while3A_141 : i32
      %while3A_144 = arith.addi %while3A, %while3A_143 : i32
      %while3A_145 = arith.constant 1 : i32
      %while3A_146:2 = scf.for %while3A_235 = %while3A to %while3A_144 step %while3A_145 iter_args(%while3A_236 = %broadcast_in_dim3A_136, %while3A_237 = %broadcast_in_dim3A_138) -> (vector<100x128xf32>, vector<100x1xf32>)  : i32 {
        %mul3A_238 = arith.constant 768 : i32
        %mul3A_239 = arith.muli %while3A_235, %mul3A_238 : i32
        %add3A_240 = arith.addi %multiple_of3A, %mul3A_239 : i32
        %get3A_241 = arith.index_cast %add3A_240 : i32 to index
        %get3A_242 = arith.constant 0 : index
        %get3A_243 = vector.load %arg7[%get3A_241, %get3A_242] : memref<11024x128xf32, #tpu.memory_space<vmem>>, vector<768x128xf32>
        %get3A_244 = arith.index_cast %add3A_240 : i32 to index
        %get3A_245 = arith.constant 0 : index
        %get3A_246 = vector.load %arg8[%get3A_244, %get3A_245] : memref<11024x1xi32, #tpu.memory_space<vmem>>, vector<768x1xi32>
        %eq3A_247 = vector.broadcast %scan3A_56 : i32 to vector<768x1xi32>
        %eq3A_248 = arith.cmpi eq, %get3A_246, %eq3A_247 : vector<768x1xi32>
        %mul3A_249 = arith.mulf %get3A_243, %get3A_243 : vector<768x128xf32>
        %reduce_sum3A_250 = arith.constant dense<0.000000e+00> : vector<768xf32>
        %reduce_sum3A_251 = vector.multi_reduction <add>, %mul3A_249, %reduce_sum3A_250 [1] : vector<768x128xf32> to vector<768xf32>
        %broadcast_in_dim3A_252 = vector.shape_cast %reduce_sum3A_251 : vector<768xf32> to vector<768x1xf32>
        %add3A_253 = vector.broadcast %broadcast_in_dim3A_252 : vector<768x1xf32> to vector<768x100xf32>
        %add3A_254 = vector.broadcast %dot_general3A_134 : vector<1x100xf32> to vector<768x100xf32>
        %add3A_255 = arith.addf %add3A_253, %add3A_254 : vector<768x100xf32>
        %dot_general3A_256 = arith.constant dense<0.000000e+00> : vector<768x100xf32>
        %dot_general3A_257 = tpu.matmul %get3A_243, %get3A_127, %dot_general3A_256 {dimension_numbers = #tpu.dot_dimension_numbers<[1], [1], [0], [0], [0, 0, 1, 0], [], []>, transpose_lhs_hint = false} : vector<768x128xf32>, vector<100x128xf32>, vector<768x100xf32> -> vector<768x100xf32>
        %mul3A_258 = arith.constant 2.000000e+00 : f32
        %mul3A_259 = vector.broadcast %mul3A_258 : f32 to vector<768x100xf32>
        %mul3A_260 = arith.mulf %mul3A_259, %dot_general3A_257 : vector<768x100xf32>
        %sub3A_261 = arith.subf %add3A_255, %mul3A_260 : vector<768x100xf32>
        %reduce_min3A = arith.constant dense<0x7F800000> : vector<768xf32>
        %reduce_min3A_262 = vector.multi_reduction <minimumf>, %sub3A_261, %reduce_min3A [1] : vector<768x100xf32> to vector<768xf32>
        %broadcast_in_dim3A_263 = vector.shape_cast %reduce_min3A_262 : vector<768xf32> to vector<768x1xf32>
        %le3A = vector.broadcast %broadcast_in_dim3A_263 : vector<768x1xf32> to vector<768x100xf32>
        %le3A_264 = arith.cmpf ole, %sub3A_261, %le3A : vector<768x100xf32>
        %jit3A_265 = arith.constant 100 : i32
        %broadcast_in_dim3A_266 = vector.broadcast %jit3A_265 : i32 to vector<768x100xi32>
        %select_n3A_267 = arith.select %le3A_264, %iota3A_128, %broadcast_in_dim3A_266 : vector<768x100xi1>, vector<768x100xi32>
        %reduce_min3A_268 = arith.constant dense<2147483647> : vector<768xi32>
        %reduce_min3A_269 = vector.multi_reduction <minsi>, %select_n3A_267, %reduce_min3A_268 [1] : vector<768x100xi32> to vector<768xi32>
        %broadcast_in_dim3A_270 = vector.shape_cast %reduce_min3A_269 : vector<768xi32> to vector<768x1xi32>
        %eq3A_271 = vector.broadcast %broadcast_in_dim3A_270 : vector<768x1xi32> to vector<768x100xi32>
        %eq3A_272 = arith.cmpi eq, %iota3A_128, %eq3A_271 : vector<768x100xi32>
        %and3A_273 = vector.broadcast %eq3A_248 : vector<768x1xi1> to vector<768x100xi1>
        %and3A_274 = arith.andi %eq3A_272, %and3A_273 : vector<768x100xi1>
        %convert_element_type3A_275 = arith.extui %and3A_274 : vector<768x100xi1> to vector<768x100xi32>
        %convert_element_type3A_276 = arith.sitofp %convert_element_type3A_275 : vector<768x100xi32> to vector<768x100xf32>
        %dot_general3A_277 = arith.constant dense<0.000000e+00> : vector<100x128xf32>
        %dot_general3A_278 = tpu.matmul %convert_element_type3A_276, %get3A_243, %dot_general3A_277 {dimension_numbers = #tpu.dot_dimension_numbers<[0], [0], [1], [1], [0, 1, 1, 1], [], []>, transpose_lhs_hint = false} : vector<768x100xf32>, vector<768x128xf32>, vector<100x128xf32> -> vector<100x128xf32>
        %add3A_279 = arith.addf %while3A_236, %dot_general3A_278 : vector<100x128xf32>
        %dot_general3A_280 = arith.constant dense<0.000000e+00> : vector<100x1xf32>
        %dot_general3A_281 = tpu.matmul %convert_element_type3A_276, %broadcast_in_dim3A_132, %dot_general3A_280 {dimension_numbers = #tpu.dot_dimension_numbers<[0], [0], [1], [1], [0, 1, 1, 1], [], []>, transpose_lhs_hint = false} : vector<768x100xf32>, vector<768x1xf32>, vector<100x1xf32> -> vector<100x1xf32>
        %add3A_282 = arith.addf %while3A_237, %dot_general3A_281 : vector<100x1xf32>
        scf.yield %add3A_279, %add3A_282 : vector<100x128xf32>, vector<100x1xf32>
      }
      %while3A_147 = arith.constant 1 : i32
      %while3A_148:2 = scf.for %while3A_235 = %while3A_144 to %while3A_140 step %while3A_147 iter_args(%while3A_236 = %while3A_146#0, %while3A_237 = %while3A_146#1) -> (vector<100x128xf32>, vector<100x1xf32>)  : i32 {
        %mul3A_238 = arith.constant 768 : i32
        %mul3A_239 = arith.muli %while3A_235, %mul3A_238 : i32
        %add3A_240 = arith.addi %multiple_of3A, %mul3A_239 : i32
        %get3A_241 = arith.index_cast %add3A_240 : i32 to index
        %get3A_242 = arith.constant 0 : index
        %get3A_243 = vector.load %arg7[%get3A_241, %get3A_242] : memref<11024x128xf32, #tpu.memory_space<vmem>>, vector<768x128xf32>
        %get3A_244 = arith.index_cast %add3A_240 : i32 to index
        %get3A_245 = arith.constant 0 : index
        %get3A_246 = vector.load %arg8[%get3A_244, %get3A_245] : memref<11024x1xi32, #tpu.memory_space<vmem>>, vector<768x1xi32>
        %eq3A_247 = vector.broadcast %scan3A_56 : i32 to vector<768x1xi32>
        %eq3A_248 = arith.cmpi eq, %get3A_246, %eq3A_247 : vector<768x1xi32>
        %mul3A_249 = arith.mulf %get3A_243, %get3A_243 : vector<768x128xf32>
        %reduce_sum3A_250 = arith.constant dense<0.000000e+00> : vector<768xf32>
        %reduce_sum3A_251 = vector.multi_reduction <add>, %mul3A_249, %reduce_sum3A_250 [1] : vector<768x128xf32> to vector<768xf32>
        %broadcast_in_dim3A_252 = vector.shape_cast %reduce_sum3A_251 : vector<768xf32> to vector<768x1xf32>
        %add3A_253 = vector.broadcast %broadcast_in_dim3A_252 : vector<768x1xf32> to vector<768x100xf32>
        %add3A_254 = vector.broadcast %dot_general3A_134 : vector<1x100xf32> to vector<768x100xf32>
        %add3A_255 = arith.addf %add3A_253, %add3A_254 : vector<768x100xf32>
        %dot_general3A_256 = arith.constant dense<0.000000e+00> : vector<768x100xf32>
        %dot_general3A_257 = tpu.matmul %get3A_243, %get3A_127, %dot_general3A_256 {dimension_numbers = #tpu.dot_dimension_numbers<[1], [1], [0], [0], [0, 0, 1, 0], [], []>, transpose_lhs_hint = false} : vector<768x128xf32>, vector<100x128xf32>, vector<768x100xf32> -> vector<768x100xf32>
        %mul3A_258 = arith.constant 2.000000e+00 : f32
        %mul3A_259 = vector.broadcast %mul3A_258 : f32 to vector<768x100xf32>
        %mul3A_260 = arith.mulf %mul3A_259, %dot_general3A_257 : vector<768x100xf32>
        %sub3A_261 = arith.subf %add3A_255, %mul3A_260 : vector<768x100xf32>
        %reduce_min3A = arith.constant dense<0x7F800000> : vector<768xf32>
        %reduce_min3A_262 = vector.multi_reduction <minimumf>, %sub3A_261, %reduce_min3A [1] : vector<768x100xf32> to vector<768xf32>
        %broadcast_in_dim3A_263 = vector.shape_cast %reduce_min3A_262 : vector<768xf32> to vector<768x1xf32>
        %le3A = vector.broadcast %broadcast_in_dim3A_263 : vector<768x1xf32> to vector<768x100xf32>
        %le3A_264 = arith.cmpf ole, %sub3A_261, %le3A : vector<768x100xf32>
        %jit3A_265 = arith.constant 100 : i32
        %broadcast_in_dim3A_266 = vector.broadcast %jit3A_265 : i32 to vector<768x100xi32>
        %select_n3A_267 = arith.select %le3A_264, %iota3A_128, %broadcast_in_dim3A_266 : vector<768x100xi1>, vector<768x100xi32>
        %reduce_min3A_268 = arith.constant dense<2147483647> : vector<768xi32>
        %reduce_min3A_269 = vector.multi_reduction <minsi>, %select_n3A_267, %reduce_min3A_268 [1] : vector<768x100xi32> to vector<768xi32>
        %broadcast_in_dim3A_270 = vector.shape_cast %reduce_min3A_269 : vector<768xi32> to vector<768x1xi32>
        %eq3A_271 = vector.broadcast %broadcast_in_dim3A_270 : vector<768x1xi32> to vector<768x100xi32>
        %eq3A_272 = arith.cmpi eq, %iota3A_128, %eq3A_271 : vector<768x100xi32>
        %and3A_273 = vector.broadcast %eq3A_248 : vector<768x1xi1> to vector<768x100xi1>
        %and3A_274 = arith.andi %eq3A_272, %and3A_273 : vector<768x100xi1>
        %convert_element_type3A_275 = arith.extui %and3A_274 : vector<768x100xi1> to vector<768x100xi32>
        %convert_element_type3A_276 = arith.sitofp %convert_element_type3A_275 : vector<768x100xi32> to vector<768x100xf32>
        %dot_general3A_277 = arith.constant dense<0.000000e+00> : vector<100x128xf32>
        %dot_general3A_278 = tpu.matmul %convert_element_type3A_276, %get3A_243, %dot_general3A_277 {dimension_numbers = #tpu.dot_dimension_numbers<[0], [0], [1], [1], [0, 1, 1, 1], [], []>, transpose_lhs_hint = false} : vector<768x100xf32>, vector<768x128xf32>, vector<100x128xf32> -> vector<100x128xf32>
        %add3A_279 = arith.addf %while3A_236, %dot_general3A_278 : vector<100x128xf32>
        %dot_general3A_280 = arith.constant dense<0.000000e+00> : vector<100x1xf32>
        %dot_general3A_281 = tpu.matmul %convert_element_type3A_276, %broadcast_in_dim3A_132, %dot_general3A_280 {dimension_numbers = #tpu.dot_dimension_numbers<[0], [0], [1], [1], [0, 1, 1, 1], [], []>, transpose_lhs_hint = false} : vector<768x100xf32>, vector<768x1xf32>, vector<100x1xf32> -> vector<100x1xf32>
        %add3A_282 = arith.addf %while3A_237, %dot_general3A_281 : vector<100x1xf32>
        scf.yield %add3A_279, %add3A_282 : vector<100x128xf32>, vector<100x1xf32>
      }
      %max3A = arith.constant 1.000000e+00 : f32
      %max3A_149 = vector.broadcast %max3A : f32 to vector<100x1xf32>
      %max3A_150 = arith.maximumf %while3A_148#1, %max3A_149 : vector<100x1xf32>
      %div3A_151 = vector.broadcast %max3A_150 : vector<100x1xf32> to vector<100x128xf32>
      %div3A_152 = arith.divf %while3A_148#0, %div3A_151 : vector<100x128xf32>
      %mul3A_153 = arith.mulf %div3A_152, %div3A_152 : vector<100x128xf32>
      %dot_general3A_154 = arith.constant dense<0.000000e+00> : vector<1x100xf32>
      %dot_general3A_155 = tpu.matmul %broadcast_in_dim3A_130, %mul3A_153, %dot_general3A_154 {dimension_numbers = #tpu.dot_dimension_numbers<[1], [1], [0], [0], [0, 0, 1, 0], [], []>, transpose_lhs_hint = false} : vector<1x128xf32>, vector<100x128xf32>, vector<1x100xf32> -> vector<1x100xf32>
      %broadcast_in_dim3A_156 = arith.constant 0.000000e+00 : f32
      %broadcast_in_dim3A_157 = vector.broadcast %broadcast_in_dim3A_156 : f32 to vector<100x128xf32>
      %broadcast_in_dim3A_158 = arith.constant 0.000000e+00 : f32
      %broadcast_in_dim3A_159 = vector.broadcast %broadcast_in_dim3A_158 : f32 to vector<100x1xf32>
      %while3A_160 = arith.constant 0 : i32
      %while3A_161 = arith.subi %select_n3A_124, %while3A_160 : i32
      %while3A_162 = arith.addi %while3A_160, %while3A_161 : i32
      %while3A_163 = arith.constant 1 : i32
      %while3A_164 = arith.divsi %while3A_161, %while3A_163 : i32
      %while3A_165 = arith.muli %while3A_164, %while3A_163 : i32
      %while3A_166 = arith.addi %while3A_160, %while3A_165 : i32
      %while3A_167 = arith.constant 1 : i32
      %while3A_168:2 = scf.for %while3A_235 = %while3A_160 to %while3A_166 step %while3A_167 iter_args(%while3A_236 = %broadcast_in_dim3A_157, %while3A_237 = %broadcast_in_dim3A_159) -> (vector<100x128xf32>, vector<100x1xf32>)  : i32 {
        %mul3A_238 = arith.constant 768 : i32
        %mul3A_239 = arith.muli %while3A_235, %mul3A_238 : i32
        %add3A_240 = arith.addi %multiple_of3A, %mul3A_239 : i32
        %get3A_241 = arith.index_cast %add3A_240 : i32 to index
        %get3A_242 = arith.constant 0 : index
        %get3A_243 = vector.load %arg7[%get3A_241, %get3A_242] : memref<11024x128xf32, #tpu.memory_space<vmem>>, vector<768x128xf32>
        %get3A_244 = arith.index_cast %add3A_240 : i32 to index
        %get3A_245 = arith.constant 0 : index
        %get3A_246 = vector.load %arg8[%get3A_244, %get3A_245] : memref<11024x1xi32, #tpu.memory_space<vmem>>, vector<768x1xi32>
        %eq3A_247 = vector.broadcast %scan3A_56 : i32 to vector<768x1xi32>
        %eq3A_248 = arith.cmpi eq, %get3A_246, %eq3A_247 : vector<768x1xi32>
        %mul3A_249 = arith.mulf %get3A_243, %get3A_243 : vector<768x128xf32>
        %reduce_sum3A_250 = arith.constant dense<0.000000e+00> : vector<768xf32>
        %reduce_sum3A_251 = vector.multi_reduction <add>, %mul3A_249, %reduce_sum3A_250 [1] : vector<768x128xf32> to vector<768xf32>
        %broadcast_in_dim3A_252 = vector.shape_cast %reduce_sum3A_251 : vector<768xf32> to vector<768x1xf32>
        %add3A_253 = vector.broadcast %broadcast_in_dim3A_252 : vector<768x1xf32> to vector<768x100xf32>
        %add3A_254 = vector.broadcast %dot_general3A_155 : vector<1x100xf32> to vector<768x100xf32>
        %add3A_255 = arith.addf %add3A_253, %add3A_254 : vector<768x100xf32>
        %dot_general3A_256 = arith.constant dense<0.000000e+00> : vector<768x100xf32>
        %dot_general3A_257 = tpu.matmul %get3A_243, %div3A_152, %dot_general3A_256 {dimension_numbers = #tpu.dot_dimension_numbers<[1], [1], [0], [0], [0, 0, 1, 0], [], []>, transpose_lhs_hint = false} : vector<768x128xf32>, vector<100x128xf32>, vector<768x100xf32> -> vector<768x100xf32>
        %mul3A_258 = arith.constant 2.000000e+00 : f32
        %mul3A_259 = vector.broadcast %mul3A_258 : f32 to vector<768x100xf32>
        %mul3A_260 = arith.mulf %mul3A_259, %dot_general3A_257 : vector<768x100xf32>
        %sub3A_261 = arith.subf %add3A_255, %mul3A_260 : vector<768x100xf32>
        %reduce_min3A = arith.constant dense<0x7F800000> : vector<768xf32>
        %reduce_min3A_262 = vector.multi_reduction <minimumf>, %sub3A_261, %reduce_min3A [1] : vector<768x100xf32> to vector<768xf32>
        %broadcast_in_dim3A_263 = vector.shape_cast %reduce_min3A_262 : vector<768xf32> to vector<768x1xf32>
        %le3A = vector.broadcast %broadcast_in_dim3A_263 : vector<768x1xf32> to vector<768x100xf32>
        %le3A_264 = arith.cmpf ole, %sub3A_261, %le3A : vector<768x100xf32>
        %jit3A_265 = arith.constant 100 : i32
        %broadcast_in_dim3A_266 = vector.broadcast %jit3A_265 : i32 to vector<768x100xi32>
        %select_n3A_267 = arith.select %le3A_264, %iota3A_128, %broadcast_in_dim3A_266 : vector<768x100xi1>, vector<768x100xi32>
        %reduce_min3A_268 = arith.constant dense<2147483647> : vector<768xi32>
        %reduce_min3A_269 = vector.multi_reduction <minsi>, %select_n3A_267, %reduce_min3A_268 [1] : vector<768x100xi32> to vector<768xi32>
        %broadcast_in_dim3A_270 = vector.shape_cast %reduce_min3A_269 : vector<768xi32> to vector<768x1xi32>
        %eq3A_271 = vector.broadcast %broadcast_in_dim3A_270 : vector<768x1xi32> to vector<768x100xi32>
        %eq3A_272 = arith.cmpi eq, %iota3A_128, %eq3A_271 : vector<768x100xi32>
        %and3A_273 = vector.broadcast %eq3A_248 : vector<768x1xi1> to vector<768x100xi1>
        %and3A_274 = arith.andi %eq3A_272, %and3A_273 : vector<768x100xi1>
        %convert_element_type3A_275 = arith.extui %and3A_274 : vector<768x100xi1> to vector<768x100xi32>
        %convert_element_type3A_276 = arith.sitofp %convert_element_type3A_275 : vector<768x100xi32> to vector<768x100xf32>
        %dot_general3A_277 = arith.constant dense<0.000000e+00> : vector<100x128xf32>
        %dot_general3A_278 = tpu.matmul %convert_element_type3A_276, %get3A_243, %dot_general3A_277 {dimension_numbers = #tpu.dot_dimension_numbers<[0], [0], [1], [1], [0, 1, 1, 1], [], []>, transpose_lhs_hint = false} : vector<768x100xf32>, vector<768x128xf32>, vector<100x128xf32> -> vector<100x128xf32>
        %add3A_279 = arith.addf %while3A_236, %dot_general3A_278 : vector<100x128xf32>
        %dot_general3A_280 = arith.constant dense<0.000000e+00> : vector<100x1xf32>
        %dot_general3A_281 = tpu.matmul %convert_element_type3A_276, %broadcast_in_dim3A_132, %dot_general3A_280 {dimension_numbers = #tpu.dot_dimension_numbers<[0], [0], [1], [1], [0, 1, 1, 1], [], []>, transpose_lhs_hint = false} : vector<768x100xf32>, vector<768x1xf32>, vector<100x1xf32> -> vector<100x1xf32>
        %add3A_282 = arith.addf %while3A_237, %dot_general3A_281 : vector<100x1xf32>
        scf.yield %add3A_279, %add3A_282 : vector<100x128xf32>, vector<100x1xf32>
      }
      %while3A_169 = arith.constant 1 : i32
      %while3A_170:2 = scf.for %while3A_235 = %while3A_166 to %while3A_162 step %while3A_169 iter_args(%while3A_236 = %while3A_168#0, %while3A_237 = %while3A_168#1) -> (vector<100x128xf32>, vector<100x1xf32>)  : i32 {
        %mul3A_238 = arith.constant 768 : i32
        %mul3A_239 = arith.muli %while3A_235, %mul3A_238 : i32
        %add3A_240 = arith.addi %multiple_of3A, %mul3A_239 : i32
        %get3A_241 = arith.index_cast %add3A_240 : i32 to index
        %get3A_242 = arith.constant 0 : index
        %get3A_243 = vector.load %arg7[%get3A_241, %get3A_242] : memref<11024x128xf32, #tpu.memory_space<vmem>>, vector<768x128xf32>
        %get3A_244 = arith.index_cast %add3A_240 : i32 to index
        %get3A_245 = arith.constant 0 : index
        %get3A_246 = vector.load %arg8[%get3A_244, %get3A_245] : memref<11024x1xi32, #tpu.memory_space<vmem>>, vector<768x1xi32>
        %eq3A_247 = vector.broadcast %scan3A_56 : i32 to vector<768x1xi32>
        %eq3A_248 = arith.cmpi eq, %get3A_246, %eq3A_247 : vector<768x1xi32>
        %mul3A_249 = arith.mulf %get3A_243, %get3A_243 : vector<768x128xf32>
        %reduce_sum3A_250 = arith.constant dense<0.000000e+00> : vector<768xf32>
        %reduce_sum3A_251 = vector.multi_reduction <add>, %mul3A_249, %reduce_sum3A_250 [1] : vector<768x128xf32> to vector<768xf32>
        %broadcast_in_dim3A_252 = vector.shape_cast %reduce_sum3A_251 : vector<768xf32> to vector<768x1xf32>
        %add3A_253 = vector.broadcast %broadcast_in_dim3A_252 : vector<768x1xf32> to vector<768x100xf32>
        %add3A_254 = vector.broadcast %dot_general3A_155 : vector<1x100xf32> to vector<768x100xf32>
        %add3A_255 = arith.addf %add3A_253, %add3A_254 : vector<768x100xf32>
        %dot_general3A_256 = arith.constant dense<0.000000e+00> : vector<768x100xf32>
        %dot_general3A_257 = tpu.matmul %get3A_243, %div3A_152, %dot_general3A_256 {dimension_numbers = #tpu.dot_dimension_numbers<[1], [1], [0], [0], [0, 0, 1, 0], [], []>, transpose_lhs_hint = false} : vector<768x128xf32>, vector<100x128xf32>, vector<768x100xf32> -> vector<768x100xf32>
        %mul3A_258 = arith.constant 2.000000e+00 : f32
        %mul3A_259 = vector.broadcast %mul3A_258 : f32 to vector<768x100xf32>
        %mul3A_260 = arith.mulf %mul3A_259, %dot_general3A_257 : vector<768x100xf32>
        %sub3A_261 = arith.subf %add3A_255, %mul3A_260 : vector<768x100xf32>
        %reduce_min3A = arith.constant dense<0x7F800000> : vector<768xf32>
        %reduce_min3A_262 = vector.multi_reduction <minimumf>, %sub3A_261, %reduce_min3A [1] : vector<768x100xf32> to vector<768xf32>
        %broadcast_in_dim3A_263 = vector.shape_cast %reduce_min3A_262 : vector<768xf32> to vector<768x1xf32>
        %le3A = vector.broadcast %broadcast_in_dim3A_263 : vector<768x1xf32> to vector<768x100xf32>
        %le3A_264 = arith.cmpf ole, %sub3A_261, %le3A : vector<768x100xf32>
        %jit3A_265 = arith.constant 100 : i32
        %broadcast_in_dim3A_266 = vector.broadcast %jit3A_265 : i32 to vector<768x100xi32>
        %select_n3A_267 = arith.select %le3A_264, %iota3A_128, %broadcast_in_dim3A_266 : vector<768x100xi1>, vector<768x100xi32>
        %reduce_min3A_268 = arith.constant dense<2147483647> : vector<768xi32>
        %reduce_min3A_269 = vector.multi_reduction <minsi>, %select_n3A_267, %reduce_min3A_268 [1] : vector<768x100xi32> to vector<768xi32>
        %broadcast_in_dim3A_270 = vector.shape_cast %reduce_min3A_269 : vector<768xi32> to vector<768x1xi32>
        %eq3A_271 = vector.broadcast %broadcast_in_dim3A_270 : vector<768x1xi32> to vector<768x100xi32>
        %eq3A_272 = arith.cmpi eq, %iota3A_128, %eq3A_271 : vector<768x100xi32>
        %and3A_273 = vector.broadcast %eq3A_248 : vector<768x1xi1> to vector<768x100xi1>
        %and3A_274 = arith.andi %eq3A_272, %and3A_273 : vector<768x100xi1>
        %convert_element_type3A_275 = arith.extui %and3A_274 : vector<768x100xi1> to vector<768x100xi32>
        %convert_element_type3A_276 = arith.sitofp %convert_element_type3A_275 : vector<768x100xi32> to vector<768x100xf32>
        %dot_general3A_277 = arith.constant dense<0.000000e+00> : vector<100x128xf32>
        %dot_general3A_278 = tpu.matmul %convert_element_type3A_276, %get3A_243, %dot_general3A_277 {dimension_numbers = #tpu.dot_dimension_numbers<[0], [0], [1], [1], [0, 1, 1, 1], [], []>, transpose_lhs_hint = false} : vector<768x100xf32>, vector<768x128xf32>, vector<100x128xf32> -> vector<100x128xf32>
        %add3A_279 = arith.addf %while3A_236, %dot_general3A_278 : vector<100x128xf32>
        %dot_general3A_280 = arith.constant dense<0.000000e+00> : vector<100x1xf32>
        %dot_general3A_281 = tpu.matmul %convert_element_type3A_276, %broadcast_in_dim3A_132, %dot_general3A_280 {dimension_numbers = #tpu.dot_dimension_numbers<[0], [0], [1], [1], [0, 1, 1, 1], [], []>, transpose_lhs_hint = false} : vector<768x100xf32>, vector<768x1xf32>, vector<100x1xf32> -> vector<100x1xf32>
        %add3A_282 = arith.addf %while3A_237, %dot_general3A_281 : vector<100x1xf32>
        scf.yield %add3A_279, %add3A_282 : vector<100x128xf32>, vector<100x1xf32>
      }
      %max3A_171 = arith.constant 1.000000e+00 : f32
      %max3A_172 = vector.broadcast %max3A_171 : f32 to vector<100x1xf32>
      %max3A_173 = arith.maximumf %while3A_170#1, %max3A_172 : vector<100x1xf32>
      %div3A_174 = vector.broadcast %max3A_173 : vector<100x1xf32> to vector<100x128xf32>
      %div3A_175 = arith.divf %while3A_170#0, %div3A_174 : vector<100x128xf32>
      %mul3A_176 = arith.mulf %div3A_175, %div3A_175 : vector<100x128xf32>
      %dot_general3A_177 = arith.constant dense<0.000000e+00> : vector<1x100xf32>
      %dot_general3A_178 = tpu.matmul %broadcast_in_dim3A_130, %mul3A_176, %dot_general3A_177 {dimension_numbers = #tpu.dot_dimension_numbers<[1], [1], [0], [0], [0, 0, 1, 0], [], []>, transpose_lhs_hint = false} : vector<1x128xf32>, vector<100x128xf32>, vector<1x100xf32> -> vector<1x100xf32>
      %broadcast_in_dim3A_179 = arith.constant 0.000000e+00 : f32
      %broadcast_in_dim3A_180 = vector.broadcast %broadcast_in_dim3A_179 : f32 to vector<100x128xf32>
      %broadcast_in_dim3A_181 = arith.constant 0.000000e+00 : f32
      %broadcast_in_dim3A_182 = vector.broadcast %broadcast_in_dim3A_181 : f32 to vector<100x1xf32>
      %while3A_183 = arith.constant 0 : i32
      %while3A_184 = arith.subi %select_n3A_124, %while3A_183 : i32
      %while3A_185 = arith.addi %while3A_183, %while3A_184 : i32
      %while3A_186 = arith.constant 1 : i32
      %while3A_187 = arith.divsi %while3A_184, %while3A_186 : i32
      %while3A_188 = arith.muli %while3A_187, %while3A_186 : i32
      %while3A_189 = arith.addi %while3A_183, %while3A_188 : i32
      %while3A_190 = arith.constant 1 : i32
      %while3A_191:2 = scf.for %while3A_235 = %while3A_183 to %while3A_189 step %while3A_190 iter_args(%while3A_236 = %broadcast_in_dim3A_180, %while3A_237 = %broadcast_in_dim3A_182) -> (vector<100x128xf32>, vector<100x1xf32>)  : i32 {
        %mul3A_238 = arith.constant 768 : i32
        %mul3A_239 = arith.muli %while3A_235, %mul3A_238 : i32
        %add3A_240 = arith.addi %multiple_of3A, %mul3A_239 : i32
        %get3A_241 = arith.index_cast %add3A_240 : i32 to index
        %get3A_242 = arith.constant 0 : index
        %get3A_243 = vector.load %arg7[%get3A_241, %get3A_242] : memref<11024x128xf32, #tpu.memory_space<vmem>>, vector<768x128xf32>
        %get3A_244 = arith.index_cast %add3A_240 : i32 to index
        %get3A_245 = arith.constant 0 : index
        %get3A_246 = vector.load %arg8[%get3A_244, %get3A_245] : memref<11024x1xi32, #tpu.memory_space<vmem>>, vector<768x1xi32>
        %eq3A_247 = vector.broadcast %scan3A_56 : i32 to vector<768x1xi32>
        %eq3A_248 = arith.cmpi eq, %get3A_246, %eq3A_247 : vector<768x1xi32>
        %mul3A_249 = arith.mulf %get3A_243, %get3A_243 : vector<768x128xf32>
        %reduce_sum3A_250 = arith.constant dense<0.000000e+00> : vector<768xf32>
        %reduce_sum3A_251 = vector.multi_reduction <add>, %mul3A_249, %reduce_sum3A_250 [1] : vector<768x128xf32> to vector<768xf32>
        %broadcast_in_dim3A_252 = vector.shape_cast %reduce_sum3A_251 : vector<768xf32> to vector<768x1xf32>
        %add3A_253 = vector.broadcast %broadcast_in_dim3A_252 : vector<768x1xf32> to vector<768x100xf32>
        %add3A_254 = vector.broadcast %dot_general3A_178 : vector<1x100xf32> to vector<768x100xf32>
        %add3A_255 = arith.addf %add3A_253, %add3A_254 : vector<768x100xf32>
        %dot_general3A_256 = arith.constant dense<0.000000e+00> : vector<768x100xf32>
        %dot_general3A_257 = tpu.matmul %get3A_243, %div3A_175, %dot_general3A_256 {dimension_numbers = #tpu.dot_dimension_numbers<[1], [1], [0], [0], [0, 0, 1, 0], [], []>, transpose_lhs_hint = false} : vector<768x128xf32>, vector<100x128xf32>, vector<768x100xf32> -> vector<768x100xf32>
        %mul3A_258 = arith.constant 2.000000e+00 : f32
        %mul3A_259 = vector.broadcast %mul3A_258 : f32 to vector<768x100xf32>
        %mul3A_260 = arith.mulf %mul3A_259, %dot_general3A_257 : vector<768x100xf32>
        %sub3A_261 = arith.subf %add3A_255, %mul3A_260 : vector<768x100xf32>
        %reduce_min3A = arith.constant dense<0x7F800000> : vector<768xf32>
        %reduce_min3A_262 = vector.multi_reduction <minimumf>, %sub3A_261, %reduce_min3A [1] : vector<768x100xf32> to vector<768xf32>
        %broadcast_in_dim3A_263 = vector.shape_cast %reduce_min3A_262 : vector<768xf32> to vector<768x1xf32>
        %le3A = vector.broadcast %broadcast_in_dim3A_263 : vector<768x1xf32> to vector<768x100xf32>
        %le3A_264 = arith.cmpf ole, %sub3A_261, %le3A : vector<768x100xf32>
        %jit3A_265 = arith.constant 100 : i32
        %broadcast_in_dim3A_266 = vector.broadcast %jit3A_265 : i32 to vector<768x100xi32>
        %select_n3A_267 = arith.select %le3A_264, %iota3A_128, %broadcast_in_dim3A_266 : vector<768x100xi1>, vector<768x100xi32>
        %reduce_min3A_268 = arith.constant dense<2147483647> : vector<768xi32>
        %reduce_min3A_269 = vector.multi_reduction <minsi>, %select_n3A_267, %reduce_min3A_268 [1] : vector<768x100xi32> to vector<768xi32>
        %broadcast_in_dim3A_270 = vector.shape_cast %reduce_min3A_269 : vector<768xi32> to vector<768x1xi32>
        %eq3A_271 = vector.broadcast %broadcast_in_dim3A_270 : vector<768x1xi32> to vector<768x100xi32>
        %eq3A_272 = arith.cmpi eq, %iota3A_128, %eq3A_271 : vector<768x100xi32>
        %and3A_273 = vector.broadcast %eq3A_248 : vector<768x1xi1> to vector<768x100xi1>
        %and3A_274 = arith.andi %eq3A_272, %and3A_273 : vector<768x100xi1>
        %convert_element_type3A_275 = arith.extui %and3A_274 : vector<768x100xi1> to vector<768x100xi32>
        %convert_element_type3A_276 = arith.sitofp %convert_element_type3A_275 : vector<768x100xi32> to vector<768x100xf32>
        %dot_general3A_277 = arith.constant dense<0.000000e+00> : vector<100x128xf32>
        %dot_general3A_278 = tpu.matmul %convert_element_type3A_276, %get3A_243, %dot_general3A_277 {dimension_numbers = #tpu.dot_dimension_numbers<[0], [0], [1], [1], [0, 1, 1, 1], [], []>, transpose_lhs_hint = false} : vector<768x100xf32>, vector<768x128xf32>, vector<100x128xf32> -> vector<100x128xf32>
        %add3A_279 = arith.addf %while3A_236, %dot_general3A_278 : vector<100x128xf32>
        %dot_general3A_280 = arith.constant dense<0.000000e+00> : vector<100x1xf32>
        %dot_general3A_281 = tpu.matmul %convert_element_type3A_276, %broadcast_in_dim3A_132, %dot_general3A_280 {dimension_numbers = #tpu.dot_dimension_numbers<[0], [0], [1], [1], [0, 1, 1, 1], [], []>, transpose_lhs_hint = false} : vector<768x100xf32>, vector<768x1xf32>, vector<100x1xf32> -> vector<100x1xf32>
        %add3A_282 = arith.addf %while3A_237, %dot_general3A_281 : vector<100x1xf32>
        scf.yield %add3A_279, %add3A_282 : vector<100x128xf32>, vector<100x1xf32>
      }
      %while3A_192 = arith.constant 1 : i32
      %while3A_193:2 = scf.for %while3A_235 = %while3A_189 to %while3A_185 step %while3A_192 iter_args(%while3A_236 = %while3A_191#0, %while3A_237 = %while3A_191#1) -> (vector<100x128xf32>, vector<100x1xf32>)  : i32 {
        %mul3A_238 = arith.constant 768 : i32
        %mul3A_239 = arith.muli %while3A_235, %mul3A_238 : i32
        %add3A_240 = arith.addi %multiple_of3A, %mul3A_239 : i32
        %get3A_241 = arith.index_cast %add3A_240 : i32 to index
        %get3A_242 = arith.constant 0 : index
        %get3A_243 = vector.load %arg7[%get3A_241, %get3A_242] : memref<11024x128xf32, #tpu.memory_space<vmem>>, vector<768x128xf32>
        %get3A_244 = arith.index_cast %add3A_240 : i32 to index
        %get3A_245 = arith.constant 0 : index
        %get3A_246 = vector.load %arg8[%get3A_244, %get3A_245] : memref<11024x1xi32, #tpu.memory_space<vmem>>, vector<768x1xi32>
        %eq3A_247 = vector.broadcast %scan3A_56 : i32 to vector<768x1xi32>
        %eq3A_248 = arith.cmpi eq, %get3A_246, %eq3A_247 : vector<768x1xi32>
        %mul3A_249 = arith.mulf %get3A_243, %get3A_243 : vector<768x128xf32>
        %reduce_sum3A_250 = arith.constant dense<0.000000e+00> : vector<768xf32>
        %reduce_sum3A_251 = vector.multi_reduction <add>, %mul3A_249, %reduce_sum3A_250 [1] : vector<768x128xf32> to vector<768xf32>
        %broadcast_in_dim3A_252 = vector.shape_cast %reduce_sum3A_251 : vector<768xf32> to vector<768x1xf32>
        %add3A_253 = vector.broadcast %broadcast_in_dim3A_252 : vector<768x1xf32> to vector<768x100xf32>
        %add3A_254 = vector.broadcast %dot_general3A_178 : vector<1x100xf32> to vector<768x100xf32>
        %add3A_255 = arith.addf %add3A_253, %add3A_254 : vector<768x100xf32>
        %dot_general3A_256 = arith.constant dense<0.000000e+00> : vector<768x100xf32>
        %dot_general3A_257 = tpu.matmul %get3A_243, %div3A_175, %dot_general3A_256 {dimension_numbers = #tpu.dot_dimension_numbers<[1], [1], [0], [0], [0, 0, 1, 0], [], []>, transpose_lhs_hint = false} : vector<768x128xf32>, vector<100x128xf32>, vector<768x100xf32> -> vector<768x100xf32>
        %mul3A_258 = arith.constant 2.000000e+00 : f32
        %mul3A_259 = vector.broadcast %mul3A_258 : f32 to vector<768x100xf32>
        %mul3A_260 = arith.mulf %mul3A_259, %dot_general3A_257 : vector<768x100xf32>
        %sub3A_261 = arith.subf %add3A_255, %mul3A_260 : vector<768x100xf32>
        %reduce_min3A = arith.constant dense<0x7F800000> : vector<768xf32>
        %reduce_min3A_262 = vector.multi_reduction <minimumf>, %sub3A_261, %reduce_min3A [1] : vector<768x100xf32> to vector<768xf32>
        %broadcast_in_dim3A_263 = vector.shape_cast %reduce_min3A_262 : vector<768xf32> to vector<768x1xf32>
        %le3A = vector.broadcast %broadcast_in_dim3A_263 : vector<768x1xf32> to vector<768x100xf32>
        %le3A_264 = arith.cmpf ole, %sub3A_261, %le3A : vector<768x100xf32>
        %jit3A_265 = arith.constant 100 : i32
        %broadcast_in_dim3A_266 = vector.broadcast %jit3A_265 : i32 to vector<768x100xi32>
        %select_n3A_267 = arith.select %le3A_264, %iota3A_128, %broadcast_in_dim3A_266 : vector<768x100xi1>, vector<768x100xi32>
        %reduce_min3A_268 = arith.constant dense<2147483647> : vector<768xi32>
        %reduce_min3A_269 = vector.multi_reduction <minsi>, %select_n3A_267, %reduce_min3A_268 [1] : vector<768x100xi32> to vector<768xi32>
        %broadcast_in_dim3A_270 = vector.shape_cast %reduce_min3A_269 : vector<768xi32> to vector<768x1xi32>
        %eq3A_271 = vector.broadcast %broadcast_in_dim3A_270 : vector<768x1xi32> to vector<768x100xi32>
        %eq3A_272 = arith.cmpi eq, %iota3A_128, %eq3A_271 : vector<768x100xi32>
        %and3A_273 = vector.broadcast %eq3A_248 : vector<768x1xi1> to vector<768x100xi1>
        %and3A_274 = arith.andi %eq3A_272, %and3A_273 : vector<768x100xi1>
        %convert_element_type3A_275 = arith.extui %and3A_274 : vector<768x100xi1> to vector<768x100xi32>
        %convert_element_type3A_276 = arith.sitofp %convert_element_type3A_275 : vector<768x100xi32> to vector<768x100xf32>
        %dot_general3A_277 = arith.constant dense<0.000000e+00> : vector<100x128xf32>
        %dot_general3A_278 = tpu.matmul %convert_element_type3A_276, %get3A_243, %dot_general3A_277 {dimension_numbers = #tpu.dot_dimension_numbers<[0], [0], [1], [1], [0, 1, 1, 1], [], []>, transpose_lhs_hint = false} : vector<768x100xf32>, vector<768x128xf32>, vector<100x128xf32> -> vector<100x128xf32>
        %add3A_279 = arith.addf %while3A_236, %dot_general3A_278 : vector<100x128xf32>
        %dot_general3A_280 = arith.constant dense<0.000000e+00> : vector<100x1xf32>
        %dot_general3A_281 = tpu.matmul %convert_element_type3A_276, %broadcast_in_dim3A_132, %dot_general3A_280 {dimension_numbers = #tpu.dot_dimension_numbers<[0], [0], [1], [1], [0, 1, 1, 1], [], []>, transpose_lhs_hint = false} : vector<768x100xf32>, vector<768x1xf32>, vector<100x1xf32> -> vector<100x1xf32>
        %add3A_282 = arith.addf %while3A_237, %dot_general3A_281 : vector<100x1xf32>
        scf.yield %add3A_279, %add3A_282 : vector<100x128xf32>, vector<100x1xf32>
      }
      %max3A_194 = arith.constant 1.000000e+00 : f32
      %max3A_195 = vector.broadcast %max3A_194 : f32 to vector<100x1xf32>
      %max3A_196 = arith.maximumf %while3A_193#1, %max3A_195 : vector<100x1xf32>
      %div3A_197 = vector.broadcast %max3A_196 : vector<100x1xf32> to vector<100x128xf32>
      %div3A_198 = arith.divf %while3A_193#0, %div3A_197 : vector<100x128xf32>
      %mul3A_199 = arith.mulf %div3A_198, %div3A_198 : vector<100x128xf32>
      %dot_general3A_200 = arith.constant dense<0.000000e+00> : vector<1x100xf32>
      %dot_general3A_201 = tpu.matmul %broadcast_in_dim3A_130, %mul3A_199, %dot_general3A_200 {dimension_numbers = #tpu.dot_dimension_numbers<[1], [1], [0], [0], [0, 0, 1, 0], [], []>, transpose_lhs_hint = false} : vector<1x128xf32>, vector<100x128xf32>, vector<1x100xf32> -> vector<1x100xf32>
      %broadcast_in_dim3A_202 = arith.constant 0.000000e+00 : f32
      %broadcast_in_dim3A_203 = vector.broadcast %broadcast_in_dim3A_202 : f32 to vector<100x128xf32>
      %broadcast_in_dim3A_204 = arith.constant 0.000000e+00 : f32
      %broadcast_in_dim3A_205 = vector.broadcast %broadcast_in_dim3A_204 : f32 to vector<100x1xf32>
      %while3A_206 = arith.constant 0 : i32
      %while3A_207 = arith.subi %select_n3A_124, %while3A_206 : i32
      %while3A_208 = arith.addi %while3A_206, %while3A_207 : i32
      %while3A_209 = arith.constant 1 : i32
      %while3A_210 = arith.divsi %while3A_207, %while3A_209 : i32
      %while3A_211 = arith.muli %while3A_210, %while3A_209 : i32
      %while3A_212 = arith.addi %while3A_206, %while3A_211 : i32
      %while3A_213 = arith.constant 1 : i32
      %while3A_214:2 = scf.for %while3A_235 = %while3A_206 to %while3A_212 step %while3A_213 iter_args(%while3A_236 = %broadcast_in_dim3A_203, %while3A_237 = %broadcast_in_dim3A_205) -> (vector<100x128xf32>, vector<100x1xf32>)  : i32 {
        %mul3A_238 = arith.constant 768 : i32
        %mul3A_239 = arith.muli %while3A_235, %mul3A_238 : i32
        %add3A_240 = arith.addi %multiple_of3A, %mul3A_239 : i32
        %get3A_241 = arith.index_cast %add3A_240 : i32 to index
        %get3A_242 = arith.constant 0 : index
        %get3A_243 = vector.load %arg7[%get3A_241, %get3A_242] : memref<11024x128xf32, #tpu.memory_space<vmem>>, vector<768x128xf32>
        %get3A_244 = arith.index_cast %add3A_240 : i32 to index
        %get3A_245 = arith.constant 0 : index
        %get3A_246 = vector.load %arg8[%get3A_244, %get3A_245] : memref<11024x1xi32, #tpu.memory_space<vmem>>, vector<768x1xi32>
        %eq3A_247 = vector.broadcast %scan3A_56 : i32 to vector<768x1xi32>
        %eq3A_248 = arith.cmpi eq, %get3A_246, %eq3A_247 : vector<768x1xi32>
        %mul3A_249 = arith.mulf %get3A_243, %get3A_243 : vector<768x128xf32>
        %reduce_sum3A_250 = arith.constant dense<0.000000e+00> : vector<768xf32>
        %reduce_sum3A_251 = vector.multi_reduction <add>, %mul3A_249, %reduce_sum3A_250 [1] : vector<768x128xf32> to vector<768xf32>
        %broadcast_in_dim3A_252 = vector.shape_cast %reduce_sum3A_251 : vector<768xf32> to vector<768x1xf32>
        %add3A_253 = vector.broadcast %broadcast_in_dim3A_252 : vector<768x1xf32> to vector<768x100xf32>
        %add3A_254 = vector.broadcast %dot_general3A_201 : vector<1x100xf32> to vector<768x100xf32>
        %add3A_255 = arith.addf %add3A_253, %add3A_254 : vector<768x100xf32>
        %dot_general3A_256 = arith.constant dense<0.000000e+00> : vector<768x100xf32>
        %dot_general3A_257 = tpu.matmul %get3A_243, %div3A_198, %dot_general3A_256 {dimension_numbers = #tpu.dot_dimension_numbers<[1], [1], [0], [0], [0, 0, 1, 0], [], []>, transpose_lhs_hint = false} : vector<768x128xf32>, vector<100x128xf32>, vector<768x100xf32> -> vector<768x100xf32>
        %mul3A_258 = arith.constant 2.000000e+00 : f32
        %mul3A_259 = vector.broadcast %mul3A_258 : f32 to vector<768x100xf32>
        %mul3A_260 = arith.mulf %mul3A_259, %dot_general3A_257 : vector<768x100xf32>
        %sub3A_261 = arith.subf %add3A_255, %mul3A_260 : vector<768x100xf32>
        %reduce_min3A = arith.constant dense<0x7F800000> : vector<768xf32>
        %reduce_min3A_262 = vector.multi_reduction <minimumf>, %sub3A_261, %reduce_min3A [1] : vector<768x100xf32> to vector<768xf32>
        %broadcast_in_dim3A_263 = vector.shape_cast %reduce_min3A_262 : vector<768xf32> to vector<768x1xf32>
        %le3A = vector.broadcast %broadcast_in_dim3A_263 : vector<768x1xf32> to vector<768x100xf32>
        %le3A_264 = arith.cmpf ole, %sub3A_261, %le3A : vector<768x100xf32>
        %jit3A_265 = arith.constant 100 : i32
        %broadcast_in_dim3A_266 = vector.broadcast %jit3A_265 : i32 to vector<768x100xi32>
        %select_n3A_267 = arith.select %le3A_264, %iota3A_128, %broadcast_in_dim3A_266 : vector<768x100xi1>, vector<768x100xi32>
        %reduce_min3A_268 = arith.constant dense<2147483647> : vector<768xi32>
        %reduce_min3A_269 = vector.multi_reduction <minsi>, %select_n3A_267, %reduce_min3A_268 [1] : vector<768x100xi32> to vector<768xi32>
        %broadcast_in_dim3A_270 = vector.shape_cast %reduce_min3A_269 : vector<768xi32> to vector<768x1xi32>
        %eq3A_271 = vector.broadcast %broadcast_in_dim3A_270 : vector<768x1xi32> to vector<768x100xi32>
        %eq3A_272 = arith.cmpi eq, %iota3A_128, %eq3A_271 : vector<768x100xi32>
        %and3A_273 = vector.broadcast %eq3A_248 : vector<768x1xi1> to vector<768x100xi1>
        %and3A_274 = arith.andi %eq3A_272, %and3A_273 : vector<768x100xi1>
        %convert_element_type3A_275 = arith.extui %and3A_274 : vector<768x100xi1> to vector<768x100xi32>
        %convert_element_type3A_276 = arith.sitofp %convert_element_type3A_275 : vector<768x100xi32> to vector<768x100xf32>
        %dot_general3A_277 = arith.constant dense<0.000000e+00> : vector<100x128xf32>
        %dot_general3A_278 = tpu.matmul %convert_element_type3A_276, %get3A_243, %dot_general3A_277 {dimension_numbers = #tpu.dot_dimension_numbers<[0], [0], [1], [1], [0, 1, 1, 1], [], []>, transpose_lhs_hint = false} : vector<768x100xf32>, vector<768x128xf32>, vector<100x128xf32> -> vector<100x128xf32>
        %add3A_279 = arith.addf %while3A_236, %dot_general3A_278 : vector<100x128xf32>
        %dot_general3A_280 = arith.constant dense<0.000000e+00> : vector<100x1xf32>
        %dot_general3A_281 = tpu.matmul %convert_element_type3A_276, %broadcast_in_dim3A_132, %dot_general3A_280 {dimension_numbers = #tpu.dot_dimension_numbers<[0], [0], [1], [1], [0, 1, 1, 1], [], []>, transpose_lhs_hint = false} : vector<768x100xf32>, vector<768x1xf32>, vector<100x1xf32> -> vector<100x1xf32>
        %add3A_282 = arith.addf %while3A_237, %dot_general3A_281 : vector<100x1xf32>
        scf.yield %add3A_279, %add3A_282 : vector<100x128xf32>, vector<100x1xf32>
      }
      %while3A_215 = arith.constant 1 : i32
      %while3A_216:2 = scf.for %while3A_235 = %while3A_212 to %while3A_208 step %while3A_215 iter_args(%while3A_236 = %while3A_214#0, %while3A_237 = %while3A_214#1) -> (vector<100x128xf32>, vector<100x1xf32>)  : i32 {
        %mul3A_238 = arith.constant 768 : i32
        %mul3A_239 = arith.muli %while3A_235, %mul3A_238 : i32
        %add3A_240 = arith.addi %multiple_of3A, %mul3A_239 : i32
        %get3A_241 = arith.index_cast %add3A_240 : i32 to index
        %get3A_242 = arith.constant 0 : index
        %get3A_243 = vector.load %arg7[%get3A_241, %get3A_242] : memref<11024x128xf32, #tpu.memory_space<vmem>>, vector<768x128xf32>
        %get3A_244 = arith.index_cast %add3A_240 : i32 to index
        %get3A_245 = arith.constant 0 : index
        %get3A_246 = vector.load %arg8[%get3A_244, %get3A_245] : memref<11024x1xi32, #tpu.memory_space<vmem>>, vector<768x1xi32>
        %eq3A_247 = vector.broadcast %scan3A_56 : i32 to vector<768x1xi32>
        %eq3A_248 = arith.cmpi eq, %get3A_246, %eq3A_247 : vector<768x1xi32>
        %mul3A_249 = arith.mulf %get3A_243, %get3A_243 : vector<768x128xf32>
        %reduce_sum3A_250 = arith.constant dense<0.000000e+00> : vector<768xf32>
        %reduce_sum3A_251 = vector.multi_reduction <add>, %mul3A_249, %reduce_sum3A_250 [1] : vector<768x128xf32> to vector<768xf32>
        %broadcast_in_dim3A_252 = vector.shape_cast %reduce_sum3A_251 : vector<768xf32> to vector<768x1xf32>
        %add3A_253 = vector.broadcast %broadcast_in_dim3A_252 : vector<768x1xf32> to vector<768x100xf32>
        %add3A_254 = vector.broadcast %dot_general3A_201 : vector<1x100xf32> to vector<768x100xf32>
        %add3A_255 = arith.addf %add3A_253, %add3A_254 : vector<768x100xf32>
        %dot_general3A_256 = arith.constant dense<0.000000e+00> : vector<768x100xf32>
        %dot_general3A_257 = tpu.matmul %get3A_243, %div3A_198, %dot_general3A_256 {dimension_numbers = #tpu.dot_dimension_numbers<[1], [1], [0], [0], [0, 0, 1, 0], [], []>, transpose_lhs_hint = false} : vector<768x128xf32>, vector<100x128xf32>, vector<768x100xf32> -> vector<768x100xf32>
        %mul3A_258 = arith.constant 2.000000e+00 : f32
        %mul3A_259 = vector.broadcast %mul3A_258 : f32 to vector<768x100xf32>
        %mul3A_260 = arith.mulf %mul3A_259, %dot_general3A_257 : vector<768x100xf32>
        %sub3A_261 = arith.subf %add3A_255, %mul3A_260 : vector<768x100xf32>
        %reduce_min3A = arith.constant dense<0x7F800000> : vector<768xf32>
        %reduce_min3A_262 = vector.multi_reduction <minimumf>, %sub3A_261, %reduce_min3A [1] : vector<768x100xf32> to vector<768xf32>
        %broadcast_in_dim3A_263 = vector.shape_cast %reduce_min3A_262 : vector<768xf32> to vector<768x1xf32>
        %le3A = vector.broadcast %broadcast_in_dim3A_263 : vector<768x1xf32> to vector<768x100xf32>
        %le3A_264 = arith.cmpf ole, %sub3A_261, %le3A : vector<768x100xf32>
        %jit3A_265 = arith.constant 100 : i32
        %broadcast_in_dim3A_266 = vector.broadcast %jit3A_265 : i32 to vector<768x100xi32>
        %select_n3A_267 = arith.select %le3A_264, %iota3A_128, %broadcast_in_dim3A_266 : vector<768x100xi1>, vector<768x100xi32>
        %reduce_min3A_268 = arith.constant dense<2147483647> : vector<768xi32>
        %reduce_min3A_269 = vector.multi_reduction <minsi>, %select_n3A_267, %reduce_min3A_268 [1] : vector<768x100xi32> to vector<768xi32>
        %broadcast_in_dim3A_270 = vector.shape_cast %reduce_min3A_269 : vector<768xi32> to vector<768x1xi32>
        %eq3A_271 = vector.broadcast %broadcast_in_dim3A_270 : vector<768x1xi32> to vector<768x100xi32>
        %eq3A_272 = arith.cmpi eq, %iota3A_128, %eq3A_271 : vector<768x100xi32>
        %and3A_273 = vector.broadcast %eq3A_248 : vector<768x1xi1> to vector<768x100xi1>
        %and3A_274 = arith.andi %eq3A_272, %and3A_273 : vector<768x100xi1>
        %convert_element_type3A_275 = arith.extui %and3A_274 : vector<768x100xi1> to vector<768x100xi32>
        %convert_element_type3A_276 = arith.sitofp %convert_element_type3A_275 : vector<768x100xi32> to vector<768x100xf32>
        %dot_general3A_277 = arith.constant dense<0.000000e+00> : vector<100x128xf32>
        %dot_general3A_278 = tpu.matmul %convert_element_type3A_276, %get3A_243, %dot_general3A_277 {dimension_numbers = #tpu.dot_dimension_numbers<[0], [0], [1], [1], [0, 1, 1, 1], [], []>, transpose_lhs_hint = false} : vector<768x100xf32>, vector<768x128xf32>, vector<100x128xf32> -> vector<100x128xf32>
        %add3A_279 = arith.addf %while3A_236, %dot_general3A_278 : vector<100x128xf32>
        %dot_general3A_280 = arith.constant dense<0.000000e+00> : vector<100x1xf32>
        %dot_general3A_281 = tpu.matmul %convert_element_type3A_276, %broadcast_in_dim3A_132, %dot_general3A_280 {dimension_numbers = #tpu.dot_dimension_numbers<[0], [0], [1], [1], [0, 1, 1, 1], [], []>, transpose_lhs_hint = false} : vector<768x100xf32>, vector<768x1xf32>, vector<100x1xf32> -> vector<100x1xf32>
        %add3A_282 = arith.addf %while3A_237, %dot_general3A_281 : vector<100x1xf32>
        scf.yield %add3A_279, %add3A_282 : vector<100x128xf32>, vector<100x1xf32>
      }
      %max3A_217 = arith.constant 1.000000e+00 : f32
      %max3A_218 = vector.broadcast %max3A_217 : f32 to vector<100x1xf32>
      %max3A_219 = arith.maximumf %while3A_216#1, %max3A_218 : vector<100x1xf32>
      %div3A_220 = vector.broadcast %max3A_219 : vector<100x1xf32> to vector<100x128xf32>
      %div3A_221 = arith.divf %while3A_216#0, %div3A_220 : vector<100x128xf32>
      %mul3A_222 = arith.mulf %div3A_221, %div3A_221 : vector<100x128xf32>
      %dot_general3A_223 = arith.constant dense<0.000000e+00> : vector<1x100xf32>
      %dot_general3A_224 = tpu.matmul %broadcast_in_dim3A_130, %mul3A_222, %dot_general3A_223 {dimension_numbers = #tpu.dot_dimension_numbers<[1], [1], [0], [0], [0, 0, 1, 0], [], []>, transpose_lhs_hint = false} : vector<1x128xf32>, vector<100x128xf32>, vector<1x100xf32> -> vector<1x100xf32>
      %while3A_225 = arith.constant 0 : i32
      %while3A_226 = arith.constant 0 : i32
      %while3A_227 = arith.subi %select_n3A_124, %while3A_226 : i32
      %while3A_228 = arith.addi %while3A_226, %while3A_227 : i32
      %while3A_229 = arith.constant 1 : i32
      %while3A_230 = arith.divsi %while3A_227, %while3A_229 : i32
      %while3A_231 = arith.muli %while3A_230, %while3A_229 : i32
      %while3A_232 = arith.addi %while3A_226, %while3A_231 : i32
      %while3A_233 = arith.constant 1 : i32
      scf.for %while3A_235 = %while3A_226 to %while3A_232 step %while3A_233  : i32 {
        %mul3A_236 = arith.constant 768 : i32
        %mul3A_237 = arith.muli %while3A_235, %mul3A_236 : i32
        %add3A_238 = arith.addi %multiple_of3A, %mul3A_237 : i32
        %get3A_239 = arith.index_cast %add3A_238 : i32 to index
        %get3A_240 = arith.constant 0 : index
        %get3A_241 = vector.load %arg7[%get3A_239, %get3A_240] : memref<11024x128xf32, #tpu.memory_space<vmem>>, vector<768x128xf32>
        %get3A_242 = arith.index_cast %add3A_238 : i32 to index
        %get3A_243 = arith.constant 0 : index
        %get3A_244 = vector.load %arg8[%get3A_242, %get3A_243] : memref<11024x1xi32, #tpu.memory_space<vmem>>, vector<768x1xi32>
        %eq3A_245 = vector.broadcast %scan3A_56 : i32 to vector<768x1xi32>
        %eq3A_246 = arith.cmpi eq, %get3A_244, %eq3A_245 : vector<768x1xi32>
        %mul3A_247 = arith.mulf %get3A_241, %get3A_241 : vector<768x128xf32>
        %reduce_sum3A_248 = arith.constant dense<0.000000e+00> : vector<768xf32>
        %reduce_sum3A_249 = vector.multi_reduction <add>, %mul3A_247, %reduce_sum3A_248 [1] : vector<768x128xf32> to vector<768xf32>
        %broadcast_in_dim3A_250 = vector.shape_cast %reduce_sum3A_249 : vector<768xf32> to vector<768x1xf32>
        %add3A_251 = vector.broadcast %broadcast_in_dim3A_250 : vector<768x1xf32> to vector<768x100xf32>
        %add3A_252 = vector.broadcast %dot_general3A_224 : vector<1x100xf32> to vector<768x100xf32>
        %add3A_253 = arith.addf %add3A_251, %add3A_252 : vector<768x100xf32>
        %dot_general3A_254 = arith.constant dense<0.000000e+00> : vector<768x100xf32>
        %dot_general3A_255 = tpu.matmul %get3A_241, %div3A_221, %dot_general3A_254 {dimension_numbers = #tpu.dot_dimension_numbers<[1], [1], [0], [0], [0, 0, 1, 0], [], []>, transpose_lhs_hint = false} : vector<768x128xf32>, vector<100x128xf32>, vector<768x100xf32> -> vector<768x100xf32>
        %mul3A_256 = arith.constant 2.000000e+00 : f32
        %mul3A_257 = vector.broadcast %mul3A_256 : f32 to vector<768x100xf32>
        %mul3A_258 = arith.mulf %mul3A_257, %dot_general3A_255 : vector<768x100xf32>
        %sub3A_259 = arith.subf %add3A_253, %mul3A_258 : vector<768x100xf32>
        %reduce_min3A = arith.constant dense<0x7F800000> : vector<768xf32>
        %reduce_min3A_260 = vector.multi_reduction <minimumf>, %sub3A_259, %reduce_min3A [1] : vector<768x100xf32> to vector<768xf32>
        %broadcast_in_dim3A_261 = vector.shape_cast %reduce_min3A_260 : vector<768xf32> to vector<768x1xf32>
        %le3A = vector.broadcast %broadcast_in_dim3A_261 : vector<768x1xf32> to vector<768x100xf32>
        %le3A_262 = arith.cmpf ole, %sub3A_259, %le3A : vector<768x100xf32>
        %jit3A_263 = arith.constant 100 : i32
        %broadcast_in_dim3A_264 = vector.broadcast %jit3A_263 : i32 to vector<768x100xi32>
        %select_n3A_265 = arith.select %le3A_262, %iota3A_128, %broadcast_in_dim3A_264 : vector<768x100xi1>, vector<768x100xi32>
        %reduce_min3A_266 = arith.constant dense<2147483647> : vector<768xi32>
        %reduce_min3A_267 = vector.multi_reduction <minsi>, %select_n3A_265, %reduce_min3A_266 [1] : vector<768x100xi32> to vector<768xi32>
        %broadcast_in_dim3A_268 = vector.shape_cast %reduce_min3A_267 : vector<768xi32> to vector<768x1xi32>
        %get3A_269 = arith.index_cast %add3A_238 : i32 to index
        %get3A_270 = arith.constant 0 : index
        %get3A_271 = vector.load %arg9[%get3A_269, %get3A_270] : memref<11024x1xi32, #tpu.memory_space<vmem>>, vector<768x1xi32>
        %mul3A_272 = arith.constant 100 : i32
        %mul3A_273 = arith.muli %scan3A_56, %mul3A_272 : i32
        %add3A_274 = vector.broadcast %mul3A_273 : i32 to vector<768x1xi32>
        %add3A_275 = arith.addi %broadcast_in_dim3A_268, %add3A_274 : vector<768x1xi32>
        %select_n3A_276 = arith.select %eq3A_246, %add3A_275, %get3A_271 : vector<768x1xi1>, vector<768x1xi32>
        %swap3A_277 = arith.index_cast %add3A_238 : i32 to index
        %swap3A_278 = arith.constant 0 : index
        %swap3A_279 = vector.load %arg9[%swap3A_277, %swap3A_278] : memref<11024x1xi32, #tpu.memory_space<vmem>>, vector<768x1xi32>
        tpu.vector_store %arg9[%swap3A_277, %swap3A_278], %select_n3A_276 {strides = array<i32>} : memref<11024x1xi32, #tpu.memory_space<vmem>>, vector<768x1xi32>,
      }
      %while3A_234 = arith.constant 1 : i32
      scf.for %while3A_235 = %while3A_232 to %while3A_228 step %while3A_234  : i32 {
        %mul3A_236 = arith.constant 768 : i32
        %mul3A_237 = arith.muli %while3A_235, %mul3A_236 : i32
        %add3A_238 = arith.addi %multiple_of3A, %mul3A_237 : i32
        %get3A_239 = arith.index_cast %add3A_238 : i32 to index
        %get3A_240 = arith.constant 0 : index
        %get3A_241 = vector.load %arg7[%get3A_239, %get3A_240] : memref<11024x128xf32, #tpu.memory_space<vmem>>, vector<768x128xf32>
        %get3A_242 = arith.index_cast %add3A_238 : i32 to index
        %get3A_243 = arith.constant 0 : index
        %get3A_244 = vector.load %arg8[%get3A_242, %get3A_243] : memref<11024x1xi32, #tpu.memory_space<vmem>>, vector<768x1xi32>
        %eq3A_245 = vector.broadcast %scan3A_56 : i32 to vector<768x1xi32>
        %eq3A_246 = arith.cmpi eq, %get3A_244, %eq3A_245 : vector<768x1xi32>
        %mul3A_247 = arith.mulf %get3A_241, %get3A_241 : vector<768x128xf32>
        %reduce_sum3A_248 = arith.constant dense<0.000000e+00> : vector<768xf32>
        %reduce_sum3A_249 = vector.multi_reduction <add>, %mul3A_247, %reduce_sum3A_248 [1] : vector<768x128xf32> to vector<768xf32>
        %broadcast_in_dim3A_250 = vector.shape_cast %reduce_sum3A_249 : vector<768xf32> to vector<768x1xf32>
        %add3A_251 = vector.broadcast %broadcast_in_dim3A_250 : vector<768x1xf32> to vector<768x100xf32>
        %add3A_252 = vector.broadcast %dot_general3A_224 : vector<1x100xf32> to vector<768x100xf32>
        %add3A_253 = arith.addf %add3A_251, %add3A_252 : vector<768x100xf32>
        %dot_general3A_254 = arith.constant dense<0.000000e+00> : vector<768x100xf32>
        %dot_general3A_255 = tpu.matmul %get3A_241, %div3A_221, %dot_general3A_254 {dimension_numbers = #tpu.dot_dimension_numbers<[1], [1], [0], [0], [0, 0, 1, 0], [], []>, transpose_lhs_hint = false} : vector<768x128xf32>, vector<100x128xf32>, vector<768x100xf32> -> vector<768x100xf32>
        %mul3A_256 = arith.constant 2.000000e+00 : f32
        %mul3A_257 = vector.broadcast %mul3A_256 : f32 to vector<768x100xf32>
        %mul3A_258 = arith.mulf %mul3A_257, %dot_general3A_255 : vector<768x100xf32>
        %sub3A_259 = arith.subf %add3A_253, %mul3A_258 : vector<768x100xf32>
        %reduce_min3A = arith.constant dense<0x7F800000> : vector<768xf32>
        %reduce_min3A_260 = vector.multi_reduction <minimumf>, %sub3A_259, %reduce_min3A [1] : vector<768x100xf32> to vector<768xf32>
        %broadcast_in_dim3A_261 = vector.shape_cast %reduce_min3A_260 : vector<768xf32> to vector<768x1xf32>
        %le3A = vector.broadcast %broadcast_in_dim3A_261 : vector<768x1xf32> to vector<768x100xf32>
        %le3A_262 = arith.cmpf ole, %sub3A_259, %le3A : vector<768x100xf32>
        %jit3A_263 = arith.constant 100 : i32
        %broadcast_in_dim3A_264 = vector.broadcast %jit3A_263 : i32 to vector<768x100xi32>
        %select_n3A_265 = arith.select %le3A_262, %iota3A_128, %broadcast_in_dim3A_264 : vector<768x100xi1>, vector<768x100xi32>
        %reduce_min3A_266 = arith.constant dense<2147483647> : vector<768xi32>
        %reduce_min3A_267 = vector.multi_reduction <minsi>, %select_n3A_265, %reduce_min3A_266 [1] : vector<768x100xi32> to vector<768xi32>
        %broadcast_in_dim3A_268 = vector.shape_cast %reduce_min3A_267 : vector<768xi32> to vector<768x1xi32>
        %get3A_269 = arith.index_cast %add3A_238 : i32 to index
        %get3A_270 = arith.constant 0 : index
        %get3A_271 = vector.load %arg9[%get3A_269, %get3A_270] : memref<11024x1xi32, #tpu.memory_space<vmem>>, vector<768x1xi32>
        %mul3A_272 = arith.constant 100 : i32
        %mul3A_273 = arith.muli %scan3A_56, %mul3A_272 : i32
        %add3A_274 = vector.broadcast %mul3A_273 : i32 to vector<768x1xi32>
        %add3A_275 = arith.addi %broadcast_in_dim3A_268, %add3A_274 : vector<768x1xi32>
        %select_n3A_276 = arith.select %eq3A_246, %add3A_275, %get3A_271 : vector<768x1xi1>, vector<768x1xi32>
        %swap3A_277 = arith.index_cast %add3A_238 : i32 to index
        %swap3A_278 = arith.constant 0 : index
        %swap3A_279 = vector.load %arg9[%swap3A_277, %swap3A_278] : memref<11024x1xi32, #tpu.memory_space<vmem>>, vector<768x1xi32>
        tpu.vector_store %arg9[%swap3A_277, %swap3A_278], %select_n3A_276 {strides = array<i32>} : memref<11024x1xi32, #tpu.memory_space<vmem>>, vector<768x1xi32>,
      }
    }
    %scan3A_49 = arith.constant 16 : i32
    %get3A_50 = arith.constant 0 : index
    %get3A_51 = arith.constant 0 : index
    %get3A_52 = vector.load %arg9[%get3A_50, %get3A_51] : memref<11024x1xi32, #tpu.memory_space<vmem>>, vector<10000x1xi32>
    %swap3A_53 = arith.constant 0 : index
    %swap3A_54 = arith.constant 0 : index
    %swap3A_55 = vector.load %arg6[%swap3A_53, %swap3A_54] : memref<10000x1xi32, #tpu.memory_space<vmem>>, vector<10000x1xi32>
    tpu.vector_store %arg6[%swap3A_53, %swap3A_54], %get3A_52 {strides = array<i32>} : memref<10000x1xi32, #tpu.memory_space<vmem>>, vector<10000x1xi32>,
    return
  }
}

module attributes {stable_mosaic.version = 14 : i64} {
  func.func @body(%arg0: memref<1600x1600xf32, #tpu.memory_space<vmem>>, %arg1: memref<2x1600x128xf32, #tpu.memory_space<vmem>>, %arg2: memref<32x1600xf32, #tpu.memory_space<vmem>>, %arg3: memref<128x128xf32, #tpu.memory_space<vmem>>, %arg4: memref<1x128xf32, #tpu.memory_space<vmem>>, %arg5: memref<128x128xf32, #tpu.memory_space<vmem>>, %arg6: memref<1x128xf32, #tpu.memory_space<vmem>>, %arg7: memref<128x128xf32, #tpu.memory_space<vmem>>, %arg8: memref<1x128xf32, #tpu.memory_space<vmem>>, %arg9: memref<128x128xf32, #tpu.memory_space<vmem>>, %arg10: memref<1x128xf32, #tpu.memory_space<vmem>>, %arg11: memref<128x16xf32, #tpu.memory_space<vmem>>, %arg12: memref<1x16xf32, #tpu.memory_space<vmem>>, %arg13: memref<16x16xf32, #tpu.memory_space<vmem>>) attributes {dimension_semantics = [], scalar_prefetch = 0 : i64, scratch_operands = 0 : i64, tpu.core_type = #tpu.core_type<tc>} {
    %get3A = arith.constant 0 : index
    %get3A_0 = arith.constant 0 : index
    %get3A_1 = vector.load %arg2[%get3A, %get3A_0] : memref<32x1600xf32, #tpu.memory_space<vmem>>, vector<32x1600xf32>
    %broadcast_in_dim3A = arith.constant 1.000000e+00 : f32
    %broadcast_in_dim3A_2 = vector.broadcast %broadcast_in_dim3A : f32 to vector<32x1xf32>
    %dot_general3A = arith.constant dense<0.000000e+00> : vector<1600x1xf32>
    %dot_general3A_3 = tpu.matmul %get3A_1, %broadcast_in_dim3A_2, %dot_general3A {dimension_numbers = #tpu.dot_dimension_numbers<[0], [0], [1], [1], [0, 1, 1, 1], [], []>, transpose_lhs_hint = false} : vector<32x1600xf32>, vector<32x1xf32>, vector<1600x1xf32> -> vector<1600x1xf32>
    %get3A_4 = arith.constant 0 : index
    %get3A_5 = arith.constant 0 : index
    %get3A_6 = arith.constant 0 : index
    %get3A_7 = vector.load %arg1[%get3A_4, %get3A_5, %get3A_6] : memref<2x1600x128xf32, #tpu.memory_space<vmem>>, vector<1x1600x128xf32>
    %get3A_8 = vector.shape_cast %get3A_7 : vector<1x1600x128xf32> to vector<1600x128xf32>
    %get3A_9 = arith.constant 1 : index
    %get3A_10 = arith.constant 0 : index
    %get3A_11 = arith.constant 0 : index
    %get3A_12 = vector.load %arg1[%get3A_9, %get3A_10, %get3A_11] : memref<2x1600x128xf32, #tpu.memory_space<vmem>>, vector<1x1600x128xf32>
    %get3A_13 = vector.shape_cast %get3A_12 : vector<1x1600x128xf32> to vector<1600x128xf32>
    %add3A = arith.addf %get3A_8, %get3A_13 : vector<1600x128xf32>
    %max3A = arith.constant 1.000000e+00 : f32
    %max3A_14 = vector.broadcast %max3A : f32 to vector<1600x1xf32>
    %max3A_15 = arith.maximumf %dot_general3A_3, %max3A_14 : vector<1600x1xf32>
    %div3A = vector.broadcast %max3A_15 : vector<1600x1xf32> to vector<1600x128xf32>
    %div3A_16 = arith.divf %add3A, %div3A : vector<1600x128xf32>
    %get3A_17 = arith.constant 0 : index
    %get3A_18 = arith.constant 0 : index
    %get3A_19 = vector.load %arg3[%get3A_17, %get3A_18] : memref<128x128xf32, #tpu.memory_space<vmem>>, vector<128x128xf32>
    %dot_general3A_20 = arith.constant dense<0.000000e+00> : vector<1600x128xf32>
    %dot_general3A_21 = tpu.matmul %div3A_16, %get3A_19, %dot_general3A_20 {dimension_numbers = #tpu.dot_dimension_numbers<[1], [0], [0], [1], [0, 0, 1, 1], [], []>, transpose_lhs_hint = false} : vector<1600x128xf32>, vector<128x128xf32>, vector<1600x128xf32> -> vector<1600x128xf32>
    %get3A_22 = arith.constant 0 : index
    %get3A_23 = arith.constant 0 : index
    %get3A_24 = vector.load %arg4[%get3A_22, %get3A_23] : memref<1x128xf32, #tpu.memory_space<vmem>>, vector<1x128xf32>
    %add3A_25 = vector.broadcast %get3A_24 : vector<1x128xf32> to vector<1600x128xf32>
    %add3A_26 = arith.addf %dot_general3A_21, %add3A_25 : vector<1600x128xf32>
    %iota3A = tpu.iota {dimensions = array<i32: 0>} : vector<1600x1xi32>
    %iota3A_27 = tpu.iota {dimensions = array<i32: 1>} : vector<1x1600xi32>
    %get3A_28 = arith.constant 0 : index
    %get3A_29 = arith.constant 0 : index
    %get3A_30 = vector.load %arg0[%get3A_28, %get3A_29] : memref<1600x1600xf32, #tpu.memory_space<vmem>>, vector<1600x1600xf32>
    %gt3A = arith.constant 0.000000e+00 : f32
    %gt3A_31 = vector.broadcast %gt3A : f32 to vector<1600x1600xf32>
    %gt3A_32 = arith.cmpf ogt, %get3A_30, %gt3A_31 : vector<1600x1600xf32>
    %ne3A = vector.broadcast %iota3A : vector<1600x1xi32> to vector<1600x1600xi32>
    %ne3A_33 = vector.broadcast %iota3A_27 : vector<1x1600xi32> to vector<1600x1600xi32>
    %ne3A_34 = arith.cmpi ne, %ne3A, %ne3A_33 : vector<1600x1600xi32>
    %and3A = arith.andi %gt3A_32, %ne3A_34 : vector<1600x1600xi1>
    %jit3A = arith.constant 1.000000e+00 : f32
    %jit3A_35 = arith.constant 0.000000e+00 : f32
    %broadcast_in_dim3A_36 = vector.broadcast %jit3A : f32 to vector<1600x1600xf32>
    %broadcast_in_dim3A_37 = vector.broadcast %jit3A_35 : f32 to vector<1600x1600xf32>
    %select_n3A = arith.select %and3A, %broadcast_in_dim3A_36, %broadcast_in_dim3A_37 : vector<1600x1600xi1>, vector<1600x1600xf32>
    %broadcast_in_dim3A_38 = arith.constant 1.000000e+00 : f32
    %broadcast_in_dim3A_39 = vector.broadcast %broadcast_in_dim3A_38 : f32 to vector<1600x1xf32>
    %dot_general3A_40 = arith.constant dense<0.000000e+00> : vector<1600x1xf32>
    %dot_general3A_41 = tpu.matmul %select_n3A, %broadcast_in_dim3A_39, %dot_general3A_40 {dimension_numbers = #tpu.dot_dimension_numbers<[0], [0], [1], [1], [0, 1, 1, 1], [], []>, transpose_lhs_hint = false} : vector<1600x1600xf32>, vector<1600x1xf32>, vector<1600x1xf32> -> vector<1600x1xf32>
    %add3A_42 = arith.constant 1.000000e+00 : f32
    %add3A_43 = vector.broadcast %add3A_42 : f32 to vector<1600x1xf32>
    %add3A_44 = arith.addf %dot_general3A_41, %add3A_43 : vector<1600x1xf32>
    %rsqrt3A = math.rsqrt %add3A_44 : vector<1600x1xf32>
    %get3A_45 = arith.constant 0 : index
    %get3A_46 = arith.constant 0 : index
    %get3A_47 = vector.load %arg5[%get3A_45, %get3A_46] : memref<128x128xf32, #tpu.memory_space<vmem>>, vector<128x128xf32>
    %dot_general3A_48 = arith.constant dense<0.000000e+00> : vector<1600x128xf32>
    %dot_general3A_49 = tpu.matmul %add3A_26, %get3A_47, %dot_general3A_48 {dimension_numbers = #tpu.dot_dimension_numbers<[1], [0], [0], [1], [0, 0, 1, 1], [], []>, transpose_lhs_hint = false} : vector<1600x128xf32>, vector<128x128xf32>, vector<1600x128xf32> -> vector<1600x128xf32>
    %mul3A = vector.broadcast %rsqrt3A : vector<1600x1xf32> to vector<1600x128xf32>
    %mul3A_50 = arith.mulf %dot_general3A_49, %mul3A : vector<1600x128xf32>
    %dot_general3A_51 = arith.constant dense<0.000000e+00> : vector<1600x128xf32>
    %dot_general3A_52 = tpu.matmul %select_n3A, %mul3A_50, %dot_general3A_51 {dimension_numbers = #tpu.dot_dimension_numbers<[0], [0], [1], [1], [0, 1, 1, 1], [], []>, transpose_lhs_hint = false} : vector<1600x1600xf32>, vector<1600x128xf32>, vector<1600x128xf32> -> vector<1600x128xf32>
    %add3A_53 = arith.addf %dot_general3A_52, %mul3A_50 : vector<1600x128xf32>
    %mul3A_54 = vector.broadcast %rsqrt3A : vector<1600x1xf32> to vector<1600x128xf32>
    %mul3A_55 = arith.mulf %mul3A_54, %add3A_53 : vector<1600x128xf32>
    %get3A_56 = arith.constant 0 : index
    %get3A_57 = arith.constant 0 : index
    %get3A_58 = vector.load %arg6[%get3A_56, %get3A_57] : memref<1x128xf32, #tpu.memory_space<vmem>>, vector<1x128xf32>
    %add3A_59 = vector.broadcast %get3A_58 : vector<1x128xf32> to vector<1600x128xf32>
    %add3A_60 = arith.addf %mul3A_55, %add3A_59 : vector<1600x128xf32>
    %max3A_61 = arith.constant 0.000000e+00 : f32
    %max3A_62 = vector.broadcast %max3A_61 : f32 to vector<1600x128xf32>
    %max3A_63 = arith.maximumf %add3A_60, %max3A_62 : vector<1600x128xf32>
    %get3A_64 = arith.constant 0 : index
    %get3A_65 = arith.constant 0 : index
    %get3A_66 = vector.load %arg7[%get3A_64, %get3A_65] : memref<128x128xf32, #tpu.memory_space<vmem>>, vector<128x128xf32>
    %dot_general3A_67 = arith.constant dense<0.000000e+00> : vector<1600x128xf32>
    %dot_general3A_68 = tpu.matmul %max3A_63, %get3A_66, %dot_general3A_67 {dimension_numbers = #tpu.dot_dimension_numbers<[1], [0], [0], [1], [0, 0, 1, 1], [], []>, transpose_lhs_hint = false} : vector<1600x128xf32>, vector<128x128xf32>, vector<1600x128xf32> -> vector<1600x128xf32>
    %mul3A_69 = vector.broadcast %rsqrt3A : vector<1600x1xf32> to vector<1600x128xf32>
    %mul3A_70 = arith.mulf %dot_general3A_68, %mul3A_69 : vector<1600x128xf32>
    %dot_general3A_71 = arith.constant dense<0.000000e+00> : vector<1600x128xf32>
    %dot_general3A_72 = tpu.matmul %select_n3A, %mul3A_70, %dot_general3A_71 {dimension_numbers = #tpu.dot_dimension_numbers<[0], [0], [1], [1], [0, 1, 1, 1], [], []>, transpose_lhs_hint = false} : vector<1600x1600xf32>, vector<1600x128xf32>, vector<1600x128xf32> -> vector<1600x128xf32>
    %add3A_73 = arith.addf %dot_general3A_72, %mul3A_70 : vector<1600x128xf32>
    %mul3A_74 = vector.broadcast %rsqrt3A : vector<1600x1xf32> to vector<1600x128xf32>
    %mul3A_75 = arith.mulf %mul3A_74, %add3A_73 : vector<1600x128xf32>
    %get3A_76 = arith.constant 0 : index
    %get3A_77 = arith.constant 0 : index
    %get3A_78 = vector.load %arg8[%get3A_76, %get3A_77] : memref<1x128xf32, #tpu.memory_space<vmem>>, vector<1x128xf32>
    %add3A_79 = vector.broadcast %get3A_78 : vector<1x128xf32> to vector<1600x128xf32>
    %add3A_80 = arith.addf %mul3A_75, %add3A_79 : vector<1600x128xf32>
    %iota3A_81 = tpu.iota {dimensions = array<i32: 0>} : vector<16x1600xi32>
    %iota3A_82 = tpu.iota {dimensions = array<i32: 1>} : vector<16x1600xi32>
    %jit3A_83 = arith.constant 100 : i32
    %div3A_84 = vector.broadcast %jit3A_83 : i32 to vector<16x1600xi32>
    %div3A_85 = arith.divsi %iota3A_82, %div3A_84 : vector<16x1600xi32>
    %sign3A = arith.constant 0 : i32
    %sign3A_86 = vector.broadcast %sign3A : i32 to vector<16x1600xi32>
    %sign3A_87 = arith.cmpi sgt, %iota3A_82, %sign3A_86 : vector<16x1600xi32>
    %sign3A_88 = arith.extui %sign3A_87 : vector<16x1600xi1> to vector<16x1600xi32>
    %sign3A_89 = arith.constant 0 : i32
    %sign3A_90 = vector.broadcast %sign3A_89 : i32 to vector<16x1600xi32>
    %sign3A_91 = arith.cmpi slt, %iota3A_82, %sign3A_90 : vector<16x1600xi32>
    %sign3A_92 = arith.extui %sign3A_91 : vector<16x1600xi1> to vector<16x1600xi32>
    %sign3A_93 = arith.subi %sign3A_88, %sign3A_92 : vector<16x1600xi32>
    %sign3A_94 = arith.constant 0 : i32
    %sign3A_95 = arith.cmpi sgt, %jit3A_83, %sign3A_94 : i32
    %sign3A_96 = arith.extui %sign3A_95 : i1 to i32
    %sign3A_97 = arith.constant 0 : i32
    %sign3A_98 = arith.cmpi slt, %jit3A_83, %sign3A_97 : i32
    %sign3A_99 = arith.extui %sign3A_98 : i1 to i32
    %sign3A_100 = arith.subi %sign3A_96, %sign3A_99 : i32
    %ne3A_101 = vector.broadcast %sign3A_100 : i32 to vector<16x1600xi32>
    %ne3A_102 = arith.cmpi ne, %sign3A_93, %ne3A_101 : vector<16x1600xi32>
    %rem3A = vector.broadcast %jit3A_83 : i32 to vector<16x1600xi32>
    %rem3A_103 = arith.remsi %iota3A_82, %rem3A : vector<16x1600xi32>
    %ne3A_104 = arith.constant 0 : i32
    %ne3A_105 = vector.broadcast %ne3A_104 : i32 to vector<16x1600xi32>
    %ne3A_106 = arith.cmpi ne, %rem3A_103, %ne3A_105 : vector<16x1600xi32>
    %and3A_107 = arith.andi %ne3A_102, %ne3A_106 : vector<16x1600xi1>
    %sub3A = arith.constant 1 : i32
    %sub3A_108 = vector.broadcast %sub3A : i32 to vector<16x1600xi32>
    %sub3A_109 = arith.subi %div3A_85, %sub3A_108 : vector<16x1600xi32>
    %select_n3A_110 = arith.select %and3A_107, %sub3A_109, %div3A_85 : vector<16x1600xi1>, vector<16x1600xi32>
    %eq3A = arith.cmpi eq, %select_n3A_110, %iota3A_81 : vector<16x1600xi32>
    %convert_element_type3A = arith.extui %eq3A : vector<16x1600xi1> to vector<16x1600xi32>
    %convert_element_type3A_111 = arith.sitofp %convert_element_type3A : vector<16x1600xi32> to vector<16x1600xf32>
    %dot_general3A_112 = arith.constant dense<0.000000e+00> : vector<16x128xf32>
    %dot_general3A_113 = tpu.matmul %convert_element_type3A_111, %add3A_80, %dot_general3A_112 {dimension_numbers = #tpu.dot_dimension_numbers<[1], [0], [0], [1], [0, 0, 1, 1], [], []>, transpose_lhs_hint = false} : vector<16x1600xf32>, vector<1600x128xf32>, vector<16x128xf32> -> vector<16x128xf32>
    %div3A_114 = arith.constant 1.000000e+02 : f32
    %div3A_115 = vector.broadcast %div3A_114 : f32 to vector<16x128xf32>
    %div3A_116 = arith.divf %dot_general3A_113, %div3A_115 : vector<16x128xf32>
    %get3A_117 = arith.constant 0 : index
    %get3A_118 = arith.constant 0 : index
    %get3A_119 = vector.load %arg9[%get3A_117, %get3A_118] : memref<128x128xf32, #tpu.memory_space<vmem>>, vector<128x128xf32>
    %dot_general3A_120 = arith.constant dense<0.000000e+00> : vector<16x128xf32>
    %dot_general3A_121 = tpu.matmul %div3A_116, %get3A_119, %dot_general3A_120 {dimension_numbers = #tpu.dot_dimension_numbers<[1], [0], [0], [1], [0, 0, 1, 1], [], []>, transpose_lhs_hint = false} : vector<16x128xf32>, vector<128x128xf32>, vector<16x128xf32> -> vector<16x128xf32>
    %get3A_122 = arith.constant 0 : index
    %get3A_123 = arith.constant 0 : index
    %get3A_124 = vector.load %arg10[%get3A_122, %get3A_123] : memref<1x128xf32, #tpu.memory_space<vmem>>, vector<1x128xf32>
    %add3A_125 = vector.broadcast %get3A_124 : vector<1x128xf32> to vector<16x128xf32>
    %add3A_126 = arith.addf %dot_general3A_121, %add3A_125 : vector<16x128xf32>
    %mul3A_127 = arith.constant 5.000000e-01 : f32
    %mul3A_128 = vector.broadcast %mul3A_127 : f32 to vector<16x128xf32>
    %mul3A_129 = arith.mulf %mul3A_128, %add3A_126 : vector<16x128xf32>
    %mul3A_130 = arith.constant 0.707106769 : f32
    %mul3A_131 = vector.broadcast %mul3A_130 : f32 to vector<16x128xf32>
    %mul3A_132 = arith.mulf %add3A_126, %mul3A_131 : vector<16x128xf32>
    %erf3A = math.erf %mul3A_132 : vector<16x128xf32>
    %add3A_133 = arith.constant 1.000000e+00 : f32
    %add3A_134 = vector.broadcast %add3A_133 : f32 to vector<16x128xf32>
    %add3A_135 = arith.addf %add3A_134, %erf3A : vector<16x128xf32>
    %mul3A_136 = arith.mulf %mul3A_129, %add3A_135 : vector<16x128xf32>
    %get3A_137 = arith.constant 0 : index
    %get3A_138 = arith.constant 0 : index
    %get3A_139 = vector.load %arg11[%get3A_137, %get3A_138] : memref<128x16xf32, #tpu.memory_space<vmem>>, vector<128x16xf32>
    %dot_general3A_140 = arith.constant dense<0.000000e+00> : vector<16x16xf32>
    %dot_general3A_141 = tpu.matmul %mul3A_136, %get3A_139, %dot_general3A_140 {dimension_numbers = #tpu.dot_dimension_numbers<[1], [0], [0], [1], [0, 0, 1, 1], [], []>, transpose_lhs_hint = false} : vector<16x128xf32>, vector<128x16xf32>, vector<16x16xf32> -> vector<16x16xf32>
    %get3A_142 = arith.constant 0 : index
    %get3A_143 = arith.constant 0 : index
    %get3A_144 = vector.load %arg12[%get3A_142, %get3A_143] : memref<1x16xf32, #tpu.memory_space<vmem>>, vector<1x16xf32>
    %add3A_145 = vector.broadcast %get3A_144 : vector<1x16xf32> to vector<16x16xf32>
    %add3A_146 = arith.addf %dot_general3A_141, %add3A_145 : vector<16x16xf32>
    %swap3A = arith.constant 0 : index
    %swap3A_147 = arith.constant 0 : index
    %swap3A_148 = vector.load %arg13[%swap3A, %swap3A_147] : memref<16x16xf32, #tpu.memory_space<vmem>>, vector<16x16xf32>
    tpu.vector_store %arg13[%swap3A, %swap3A_147], %add3A_146 {strides = array<i32>} : memref<16x16xf32, #tpu.memory_space<vmem>>, vector<16x16xf32>,
    return
  }
}

</mosaic_0001>

<sc_bundles>
// kernel: kernel.11.cloned.1.call-start
scs
__scs_entry_jumppad:
0x0: {  	(pc) =	sbr.rel $0x88, $3  }
0x1: {  	(tag) =	ssettag $0x0;
	lr =	simm.s32 $0x1  }
0x2: {  	[smem:$0x3F90] =	sst lr;
	_ =	strace $0xD0000000  }
0x3: {  	_ = 	snop  }
0x4: {  	_ = 	snop  }
0x5: {  	_ = 	snop  }
0x6: {  	_ = 	snop  }
0x7: {  	_ = 	snop  }
__scs_overlays_trampoline_lowered:
0x8: {  	[smem:$0x3F9F] =	sst s0  }
0x9: {  	[smem:$0x3FA0] =	sst s1  }
0xa: {  	[smem:$0x3FA1] =	sst s2  }
0xb: {  	[smem:$0x3FA2] =	sst s3  }
0xc: {  	[smem:$0x3FA3] =	sst s4  }
0xd: {  	[smem:$0x3FA4] =	sst s5  }
0xe: {  	[smem:$0x3FA5] =	sst s6  }
0xf: {  	[smem:$0x3FA6] =	sst s7  }
0x10: {  	[smem:$0x3FA7] =	sst s8  }
0x11: {  	[smem:$0x3FA8] =	sst s9;
	s0 =	simm.s32 @!p0 $0x0  }
0x12: {  	s1 =	sld [smem:$0x3F8E];
	s0 =	simm.s32 @p0 $0x1  }
0x13: {  	[smem:$0x3FA9] =	sst s0;
	s0 =	simm.s32 @!p1 $0x0  }
0x14: {  	s2 =	sld [smem:$0x3F8D];
	s0 =	simm.s32 @p1 $0x1  }
0x15: {  	[smem:$0x3FAA] =	sst s0;
	s0 =	simm.s32 @!p2 $0x0  }
0x16: {  	s3 =	sld [smem:$0x3FDB];
	s0 =	simm.s32 @p2 $0x1  }
0x17: {  	s4 =	simm.s32 $0x1BF5;
	[smem:$0x3FAC] =	sst s0  }
0x18: {  	s0 =	sld [smem:$0x3F8F];
	_ =	swait.ge [sflag:s4], $0x0  }
0x19: {  	s7 =	sld [smem:$0x3F90]  }
0x1a: {  	s8 =	sadd.s32 $0xFFFFE003, lr  }
0x1b: {  	s9 =	sadd.s32 $0xFFFFFEF7, lr;
	s5 =	simm.s32 $0xFFFFFFFF;
	p2 =	slt.u32 s8, $0xFFFFF086  }
0x1c: {  	p1 =	slt.u32 s9, $0xF7A;
	s5 =	simm.s32 @!p2 $0x0  }
0x1d: {  	s5 =	simm.s32 @p1 $0x1;
	p0 =	seq.s32 s7, s2  }
0x1e: {  	s7 =	smul.u32 @!p0 $0xF7A, s2;
	p2 =	seq.s32 @!p0 s5, $0x0  }
0x1f: {  	s9 =	smul.u32 $0xF7A, s1;
	s8 =	simm.s32 @!p0 $0x1BF5;
	p2 =	por !p2, p0  }
0x20: {  	[sflag:s8] =	ssyncset.s32 @!p0 $0xFFFFF086;
	s6 =	sadd.s32 @!p0 s3, s7;
	s7 =	simm.s32 @!p0 $0x108  }
0x21: {  	s3 =	sadd.s32 s3, s9;
	s6 =	sadd.s32 @!p0 $0x88, s6;
	s7 =	simm.s32 @p2 $0x1082  }
0x22: {  	[simem:s7], [sflag:s8] =	dma.local @!p0 [hbm:s6], $0xF7A  }
0x23: {  	s9 =	sor.u32 $0xD0000000, s2;
	s6 =	simm.s32 $0x108;
	_ =	swait.ge @!p0 [sflag:s8], $0x0  }
0x24: {  	s3 =	sadd.s32 $0x88, s3;
	s6 =	simm.s32 @!p1 $0x1082;
	[sflag:s4] =	ssyncset.s32 $0xFFFFF086  }
0x25: {  	[simem:s6], [sflag:s4] =	dma.local [hbm:s3], $0xF7A  }
0x26: {  	[smem:$0x3F90] =	sst s1;
	(tag) =	ssettag s2;
	_ =	strace s9  }
0x27: {  	s1 =	sld [smem:$0x3FA0]  }
0x28: {  	s2 =	sld [smem:$0x3FA1]  }
0x29: {  	s4 =	sld [smem:$0x3FA3]  }
0x2a: {  	p0 =	seq.s32 s5, $0x0;
	s5 =	sld [smem:$0x3FA4]  }
0x2b: {  	s6 =	sld [smem:$0x3FA5]  }
0x2c: {  	s7 =	sld [smem:$0x3FA6]  }
0x2d: {  	s3 =	simm.s32 $0x108;
	s8 =	sld [smem:$0x3FA7]  }
0x2e: {  	s3 =	simm.s32 @!p0 $0x1082;
	s9 =	sld [smem:$0x3FA8]  }
0x2f: {  	lr =	sadd.s32 s0, s3;
	s0 =	sld [smem:$0x3F9F]  }
0x30: {  	s3 =	sld [smem:$0x3FA2]  }
0x31: {  	[smem:$0x3FAB] =	sst s10  }
0x32: {  	s10 =	sld [smem:$0x3FA9];
	_ =	sdelay $0x3  }
0x33: {  	p0 =	seq.s32 s10, $0x1;
	s10 =	sld [smem:$0x3FAB];
	_ =	sdelay $0x3  }
0x34: {  	[smem:$0x3FAB] =	sst s10  }
0x35: {  	s10 =	sld [smem:$0x3FAA];
	_ =	sdelay $0x3  }
0x36: {  	p1 =	seq.s32 s10, $0x1;
	s10 =	sld [smem:$0x3FAB];
	_ =	sdelay $0x3  }
0x37: {  	[smem:$0x3FAB] =	sst s10  }
0x38: {  	s10 =	sld [smem:$0x3FAC]  }
0x39: {  	_ = 	snop;
	(pc) =	sbr.ind lr, $3  }
0x3a: {  	_ = 	snop  }
0x3b: {  	_ = 	snop  }
0x3c: {  	p2 =	seq.s32 s10, $0x1;
	s10 =	sld [smem:$0x3FAB]  }
0x3d: {  	_ =	shalt  }
0x3e: {  	_ =	shalt  }
0x3f: {  	_ =	shalt  }
0x40: {  	_ =	shalt  }
0x41: {  	_ =	shalt  }
0x42: {  	_ =	shalt  }
0x43: {  	_ =	shalt  }
0x44: {  	_ =	shalt  }
0x45: {  	_ =	shalt  }
0x46: {  	_ =	shalt  }
0x47: {  	_ =	shalt  }
0x48: {  	_ =	shalt  }
0x49: {  	_ =	shalt  }
0x4a: {  	_ =	shalt  }
0x4b: {  	_ =	shalt  }
0x4c: {  	_ =	shalt  }
0x4d: {  	_ =	shalt  }
0x4e: {  	_ =	shalt  }
0x4f: {  	_ =	shalt  }
0x50: {  	_ =	shalt  }
0x51: {  	_ =	shalt  }
0x52: {  	_ =	shalt  }
0x53: {  	_ =	shalt  }
0x54: {  	_ =	shalt  }
0x55: {  	_ =	shalt  }
0x56: {  	_ =	shalt  }
0x57: {  	_ =	shalt  }
0x58: {  	_ =	shalt  }
0x59: {  	_ =	shalt  }
0x5a: {  	_ =	shalt  }
0x5b: {  	_ =	shalt  }
0x5c: {  	_ =	shalt  }
0x5d: {  	_ =	shalt  }
0x5e: {  	_ =	shalt  }
0x5f: {  	_ =	shalt  }
0x60: {  	_ =	shalt  }
0x61: {  	_ =	shalt  }
0x62: {  	_ =	shalt  }
0x63: {  	_ =	shalt  }
0x64: {  	_ =	shalt  }
0x65: {  	_ =	shalt  }
0x66: {  	_ =	shalt  }
0x67: {  	_ =	shalt  }
0x68: {  	_ =	shalt  }
0x69: {  	_ =	shalt  }
0x6a: {  	_ =	shalt  }
0x6b: {  	_ =	shalt  }
0x6c: {  	_ =	shalt  }
0x6d: {  	_ =	shalt  }
0x6e: {  	_ =	shalt  }
0x6f: {  	_ =	shalt  }
0x70: {  	_ =	shalt  }
0x71: {  	_ =	shalt  }
0x72: {  	_ =	shalt  }
0x73: {  	_ =	shalt  }
0x74: {  	_ =	shalt  }
0x75: {  	_ =	shalt  }
0x76: {  	_ =	shalt  }
0x77: {  	_ =	shalt  }
0x78: {  	_ =	shalt  }
0x79: {  	_ =	shalt  }
0x7a: {  	_ =	shalt  }
0x7b: {  	_ =	shalt  }
0x7c: {  	_ =	shalt  }
0x7d: {  	_ =	shalt  }
0x7e: {  	_ =	shalt  }
0x7f: {  	_ =	shalt  }
0x80: {  	_ =	shalt  }
0x81: {  	_ =	shalt  }
0x82: {  	_ =	shalt  }
0x83: {  	_ =	shalt  }
0x84: {  	_ =	shalt  }
0x85: {  	_ =	shalt  }
0x86: {  	_ =	shalt  }
0x87: {  	_ =	shalt  }
.Lfunc_end0:
.L_simem_size_0:
called_computation_lowered:
.L_overlay_start_0:
0x88: {  	s2 =	sld [smem:$0x3FD9]  }
0x89: {  	s3 =	sld [smem:$0x3FFE];
	_ =	sdelay $0x1  }
0x8a: {  	s1 =	srdreg.scid  }
0x8b: {  	s0 =	sand.u32 $0x1, s1  }
0x8c: {  	s16 =	sshll.u32 s0, $0xA;
	s2 =	sadd.s32 s3, s2  }
0x8d: {  	s2 =	sadd.s32 s2, s16  }
0x8e: {  	[smem:$0x3FB7] =	sst s2  }
0x8f: {  	_ = 	snop  }
0x90: {  	(tm) =	ssettm $0x1  }
0x91: {  	s17 =	sld [smem:$0x3FFB];
	_ =	sdelay $0x3  }
0x92: {  	_ =	strace s17  }
0x93: {  	s2 =	sld [smem:$0x3FFC];
	_ =	sdelay $0x3  }
0x94: {  	_ =	strace s2  }
0x95: {  	s2 =	sld [smem:$0x3FFD];
	_ =	sdelay $0x3  }
0x96: {  	_ =	strace s2  }
0x97: {  	_ =	strace $0x8FFFFFFF  }
0x98: {  	s18 =	sld [smem:$0x3FDB];
	_ =	sdelay $0x1  }
0x99: {  	s19 =	simm.s32 $_scs_section_size  }
0x9a: {  	s4 =	simm.s32 $_size__tile_overlayer_lowered;
	s5 =	simm.s32 $_tile_overlayer_lowered  }
0x9b: {  	s22 =	simm.s32 $0x1BFF;
	s21 =	sshll.u32 s5, $0x1;
	s2 =	sadd.s32 s19, s18  }
0x9c: {  	s6 =	simm.s32 $0x0;
	s20 =	sshll.u32 s4, $0x1;
	s4 =	sadd.s32 s21, s2  }
0x9d: {  	[timem:s6], [sflag:s22] =	dma.local [hbm:s4], s20  }
0x9e: {  	_ =	swait.ge [sflag:s22], s20  }
0x9f: {  	s3 =	ssub.s32 $0x0, s20;
	[sflag:s22] =	ssyncset.done $0x0  }
0xa0: {  	[sflag:s22] =	ssyncadd.s32 s3;
	_ =	sdelay $0x1  }
0xa1: {  	s23 =	simm.s32 $0x1B8B  }
0xa2: {  	_ =	swait.ge [sflag:s23], $0x1  }
0xa3: {  	[sflag:s23] =	ssyncset.done $0x0  }
0xa4: {  	s25 =	simm.s32 $0x1B8E;
	s24 =	sld [smem:$0x3FFE];
	[sflag:s23] =	ssyncadd.s32 $0xFFFFFFFF  }
0xa5: {  	s26 =	simm.s32 $execute0_lowered;
	[smem:$0x3FD2] =	sst s25  }
0xa6: {  	s4 =	sshll.u32 s26, $0x1;
	_ =	strace $0x80000046;
	[dreg:$0x1] =	wrdreg $0xFFFFFFFF  }
0xa7: {  	s28 =	simm.s32 $_size_execute0_lowered;
	s2 =	sadd.s32 s2, s4;
	[dreg:$0x0] =	wrdreg $0x0  }
0xa8: {  	s4 =	sshll.u32 s28, $0x1;
	[dreg:$0x2] =	wrdreg s2  }
0xa9: {  	[dreg:$0x3] =	wrdreg s4  }
0xaa: {  	[dreg:$0x4] =	wrdreg $0xC0  }
0xab: {  	_ =	task [dreg:s6], $0x5FFFF  }
0xac: {  	[dreg:$0x1] =	wrdreg $0xFFFFFFFF  }
0xad: {  	[dreg:$0x0] =	wrdreg $0x60  }
0xae: {  	[dreg:$0x2] =	wrdreg s24  }
0xaf: {  	[dreg:$0x3] =	wrdreg $0x9  }
0xb0: {  	_ =	task.clear_ibuf [dreg:s6], $0x4FFFF;
	_ =	strace $0x90000046  }
0xb1: {  	s29 =	simm.s32 $0x9;
	_ =	strace $0x80000048  }
0xb2: {  	_ =	swait.ge [sflag:s29], $0x1  }
0xb3: {  	[sflag:s29] =	ssyncadd.s32 $0xFFFFFFFF  }
0xb4: {  	_ =	strace $0x90000048  }
0xb5: {  	_ =	sfence  }
0xb6: {  	s30 =	sld [smem:$0x0];
	_ =	sdelay $0x2  }
0xb7: {  	s31 =	sshll.u32 s1, $0xD;
	s1 =	sshrl.u32 s1, $0x2  }
0xb8: {  	s3 =	sand.u32 $0x4000, s31;
	s1 =	sadd.s32 s1, s30  }
0xb9: {  	s0 =	sor.u32 s3, s0;
	s1 =	sshll.u32 s1, $0x11  }
0xba: {  	s0 =	sor.u32 s1, s0  }
0xbb: {  	s0 =	sadd.s32 $0x8F2B, s0  }
0xbc: {  	[sflag:s0] =	ssyncadd.remote.s32 $0x1  }
0xbd: {  	_ =	sfence.sel $0xFFFF  }
0xbe: {  	[dreg:$0x0] =	wrdreg $0xFFFFFFFF;
	(pc) =	sbr.abs _section_cstart, $3  }
0xbf: {  	[dreg:$0x1] =	wrdreg $0xFFFFFFFF  }
0xc0: {  	_ =	task.clear_ibuf [dreg:s6], $0x2FFFF;
	_ =	strace $0x9FFFFFFF  }
0xc1: {  	(tm) =	ssettm $0x7FFFFFFF  }
tec
execute0_lowered:
.L_overlay_start_1:
0x0: {  	(tag) =	ssettag $0x1  }
0x1: {  	s1 =	srdreg.scid;
	s0 =	stileid.u32  }
0x2: {  	s3 =	rddreg [dreg:$0x0];
	s2 =	simm.s32 $0x0;
	s8 =	simm.s32 $0x0  }
0x3: {  	s4 =	sand.u32 $0x1, s1;
	s5 =	sshll.u32 s0, $0x1;
	s1 =	rddreg [dreg:$0x1]  }
0x4: {  	[smem:$0x7FF] =	sst s2;
	s5 =	sor.u32 s4, s5;
	s4 =	ssub.s32 $0x2, s4  }
0x5: {  	s6 =	smul.u32 $0x4E2, s5;
	s5 =	sshll.u32 s5, $0xB;
	s7 =	sshrl.u32 s4, $0x1  }
0x6: {  	_ =	strace $0x80000047;
	s5 =	sadd.s32 s5, s3;
	s7 =	ssub.s32 s4, s7  }
0x7: {  	s6 =	sadd.s32 s6, s3;
	s3 =	sadd.s32 $0x4400, s5;
	s5 =	smax.u32 s7, $0x1  }
0x8: {  	v0 =	vimm.f32 $0.0e+00;
	v1 =	vimm.f32 $1.000000000e+00;
	s7 =	simm.s32 $0x4000;
	s4 =	sadd.s32 $0x14400, s6;
	s6 =	simm.s32 $0x1  }
.LBB2_1:
0x9: {  	s9 =	simm.s32 $0x40;
	s10 =	simm.s32 $0x0  }
.LBB2_2:
0xa: {  	p0 =	sne.s32 s9, $0x9C00;
	[tilespmem:s10+$0x4000] =	vst v0;
	s10 =	smov.u32 s9;
	s9 =	sadd.s32 $0x40, s9  }
.Ltmp0:
0xb: {  	(pc) =	sbr.rel @p0 .LBB2_2-.Ltmp0, $2  }
0xc: {  	_ =	sdelay $0x2  }
0xd: {  	s10 =	sshra.s32 s10, $0x2  }
0xe: {  	[tilespmem:s10+$0x4000] =	vst v0;
	s9 =	simm.s32 $0x0  }
0xf: {  	[tilespmem:s9], [sflag:$0x1] =	stream.linear.gather [hbm4b:s3+s9], $0x3E80, $0x38;
	[tilespmem:$0x6780] =	vst v63  }
0x10: {  	_ =	swait.ge [sflag:s6], $0x3E80  }
0x11: {  	[sflag:s6] =	ssyncset.done $0x0  }
0x12: {  	[sflag:s6] =	ssyncadd.s32 $0xFFFFC180  }
.LBB2_4:
0x13: {  	s10 =	sshra.s32 s9, $0x2  }
0x14: {  	v2 =	vld [tilespmem:s10+$0x0];
	_ =	sdelay $0x7  }
0x15: {  	[tilespmem:v2+s7+$0x0] =	vst.idx.add.f32.msk $0xffff, v1  }
0x16: {  	v2 =	vld [tilespmem:s10+$0x10];
	_ =	sdelay $0x7  }
0x17: {  	[tilespmem:v2+s7+$0x0] =	vst.idx.add.f32.msk $0xffff, v1  }
0x18: {  	v2 =	vld [tilespmem:s10+$0x20];
	_ =	sdelay $0x7  }
0x19: {  	[tilespmem:v2+s7+$0x0] =	vst.idx.add.f32.msk $0xffff, v1  }
0x1a: {  	v2 =	vld [tilespmem:s10+$0x30];
	_ =	sdelay $0x7  }
0x1b: {  	[tilespmem:v2+s7+$0x0] =	vst.idx.add.f32.msk $0xffff, v1  }
0x1c: {  	v2 =	vld [tilespmem:s10+$0x40];
	_ =	sdelay $0x2  }
0x1d: {  	p0 =	sne.s32 s9, $0xF800  }
.Ltmp1:
0x1e: {  	_ = 	snop;
	(pc) =	sbr.rel @p0 .LBB2_4-.Ltmp1, $2  }
0x1f: {  	_ =	sdelay $0x2  }
0x20: {  	s9 =	sadd.s32 $0x200, s9;
	[tilespmem:v2+s7+$0x0] =	vst.idx.add.f32.msk $0xffff, v1  }
0x21: {  	s8 =	sadd.s32 $0x1, s8  }
0x22: {  	p0 =	sne.s32 s8, s5  }
.Ltmp2:
0x23: {  	_ = 	snop;
	(pc) =	sbr.rel @p0 .LBB2_1-.Ltmp2, $4  }
0x24: {  	[hbm4b:s4+s2] =	stream.linear.scatter [tilespmem:s7], [sflag:$0x1], $0x2710, $0x38;
	[tilespmem:$0x6780] =	vst v63  }
0x25: {  	_ =	swait.ge [sflag:s6], $0x2710  }
0x26: {  	[sflag:s6] =	ssyncset.done $0x0  }
0x27: {  	[sflag:s6] =	ssyncadd.s32 $0xFFFFD8F0  }
0x28: {  	_ =	sfence.sel $0x180000  }
0x29: {  	[bflag:$0x0] =	sbarrier.arrive $0xFFFF  }
0x2a: {  	p0 =	sne.s32 s0, $0x0;
	_ =	strace $0x90000047  }
0x2b: {  	s0 =	sadd.s32 @!p0 $0x100000, s1;
	[bflag:$0x2] =	sbarrier.arrive $0xFFFF  }
0x2c: {  	[sflag:s0] =	ssyncadd.tile.s32 @!p0 $0x1;
	_ =	shalt  }
.Lfunc_end2:
_tile_overlayer_lowered:
.L_overlay_start_2:
0x2d: {  	(tag) =	ssettag $0x2  }
0x2e: {  	s0 =	rddreg [dreg:$0x0];
	s2 =	stileid.u32  }
0x2f: {  	s1 =	rddreg [dreg:$0x1];
	p0 =	sne.s32 s2, $0x0  }
0x30: {  	s3 =	rddreg [dreg:$0x2];
	[bflag:$0x3] =	sbarrier.arrive $0xFFFF;
	s2 =	simm.s32 @!p0 $0x1C01  }
0x31: {  	[timem:s3], [sflag:s2] =	dma.local @!p0 [hbm:s0], s1  }
0x32: {  	s0 =	simm.s32 @!p0 $0x1  }
0x33: {  	_ =	swait.ge @!p0 [sflag:s0], s1  }
0x34: {  	s1 =	ssub.s32 @!p0 $0x0, s1;
	[sflag:s0] =	ssyncset.done @!p0 $0x0  }
0x35: {  	[sflag:s0] =	ssyncadd.s32 @!p0 s1  }
0x36: {  	[bflag:$0x3] =	sbarrier.arrive $0xFFFF  }
0x37: {  	_ =	shalt  }

// kernel: kernel.14.cloned.1.call-start
scs
__scs_entry_jumppad:
0x0: {  	(pc) =	sbr.rel $0x88, $3  }
0x1: {  	(tag) =	ssettag $0x0;
	lr =	simm.s32 $0x1  }
0x2: {  	[smem:$0x3F90] =	sst lr;
	_ =	strace $0xD0000000  }
0x3: {  	_ = 	snop  }
0x4: {  	_ = 	snop  }
0x5: {  	_ = 	snop  }
0x6: {  	_ = 	snop  }
0x7: {  	_ = 	snop  }
__scs_overlays_trampoline_lowered:
0x8: {  	[smem:$0x3F9F] =	sst s0  }
0x9: {  	[smem:$0x3FA0] =	sst s1  }
0xa: {  	[smem:$0x3FA1] =	sst s2  }
0xb: {  	[smem:$0x3FA2] =	sst s3  }
0xc: {  	[smem:$0x3FA3] =	sst s4  }
0xd: {  	[smem:$0x3FA4] =	sst s5  }
0xe: {  	[smem:$0x3FA5] =	sst s6  }
0xf: {  	[smem:$0x3FA6] =	sst s7  }
0x10: {  	[smem:$0x3FA7] =	sst s8  }
0x11: {  	[smem:$0x3FA8] =	sst s9;
	s0 =	simm.s32 @!p0 $0x0  }
0x12: {  	s1 =	sld [smem:$0x3F8E];
	s0 =	simm.s32 @p0 $0x1  }
0x13: {  	[smem:$0x3FA9] =	sst s0;
	s0 =	simm.s32 @!p1 $0x0  }
0x14: {  	s2 =	sld [smem:$0x3F8D];
	s0 =	simm.s32 @p1 $0x1  }
0x15: {  	[smem:$0x3FAA] =	sst s0;
	s0 =	simm.s32 @!p2 $0x0  }
0x16: {  	s3 =	sld [smem:$0x3FDB];
	s0 =	simm.s32 @p2 $0x1  }
0x17: {  	s4 =	simm.s32 $0x1BF5;
	[smem:$0x3FAC] =	sst s0  }
0x18: {  	s0 =	sld [smem:$0x3F8F];
	_ =	swait.ge [sflag:s4], $0x0  }
0x19: {  	s7 =	sld [smem:$0x3F90]  }
0x1a: {  	s8 =	sadd.s32 $0xFFFFE003, lr  }
0x1b: {  	s9 =	sadd.s32 $0xFFFFFEF7, lr;
	s5 =	simm.s32 $0xFFFFFFFF;
	p2 =	slt.u32 s8, $0xFFFFF086  }
0x1c: {  	p1 =	slt.u32 s9, $0xF7A;
	s5 =	simm.s32 @!p2 $0x0  }
0x1d: {  	s5 =	simm.s32 @p1 $0x1;
	p0 =	seq.s32 s7, s2  }
0x1e: {  	s7 =	smul.u32 @!p0 $0xF7A, s2;
	p2 =	seq.s32 @!p0 s5, $0x0  }
0x1f: {  	s9 =	smul.u32 $0xF7A, s1;
	s8 =	simm.s32 @!p0 $0x1BF5;
	p2 =	por !p2, p0  }
0x20: {  	[sflag:s8] =	ssyncset.s32 @!p0 $0xFFFFF086;
	s6 =	sadd.s32 @!p0 s3, s7;
	s7 =	simm.s32 @!p0 $0x108  }
0x21: {  	s3 =	sadd.s32 s3, s9;
	s6 =	sadd.s32 @!p0 $0x88, s6;
	s7 =	simm.s32 @p2 $0x1082  }
0x22: {  	[simem:s7], [sflag:s8] =	dma.local @!p0 [hbm:s6], $0xF7A  }
0x23: {  	s9 =	sor.u32 $0xD0000000, s2;
	s6 =	simm.s32 $0x108;
	_ =	swait.ge @!p0 [sflag:s8], $0x0  }
0x24: {  	s3 =	sadd.s32 $0x88, s3;
	s6 =	simm.s32 @!p1 $0x1082;
	[sflag:s4] =	ssyncset.s32 $0xFFFFF086  }
0x25: {  	[simem:s6], [sflag:s4] =	dma.local [hbm:s3], $0xF7A  }
0x26: {  	[smem:$0x3F90] =	sst s1;
	(tag) =	ssettag s2;
	_ =	strace s9  }
0x27: {  	s1 =	sld [smem:$0x3FA0]  }
0x28: {  	s2 =	sld [smem:$0x3FA1]  }
0x29: {  	s4 =	sld [smem:$0x3FA3]  }
0x2a: {  	p0 =	seq.s32 s5, $0x0;
	s5 =	sld [smem:$0x3FA4]  }
0x2b: {  	s6 =	sld [smem:$0x3FA5]  }
0x2c: {  	s7 =	sld [smem:$0x3FA6]  }
0x2d: {  	s3 =	simm.s32 $0x108;
	s8 =	sld [smem:$0x3FA7]  }
0x2e: {  	s3 =	simm.s32 @!p0 $0x1082;
	s9 =	sld [smem:$0x3FA8]  }
0x2f: {  	lr =	sadd.s32 s0, s3;
	s0 =	sld [smem:$0x3F9F]  }
0x30: {  	s3 =	sld [smem:$0x3FA2]  }
0x31: {  	[smem:$0x3FAB] =	sst s10  }
0x32: {  	s10 =	sld [smem:$0x3FA9];
	_ =	sdelay $0x3  }
0x33: {  	p0 =	seq.s32 s10, $0x1;
	s10 =	sld [smem:$0x3FAB];
	_ =	sdelay $0x3  }
0x34: {  	[smem:$0x3FAB] =	sst s10  }
0x35: {  	s10 =	sld [smem:$0x3FAA];
	_ =	sdelay $0x3  }
0x36: {  	p1 =	seq.s32 s10, $0x1;
	s10 =	sld [smem:$0x3FAB];
	_ =	sdelay $0x3  }
0x37: {  	[smem:$0x3FAB] =	sst s10  }
0x38: {  	s10 =	sld [smem:$0x3FAC]  }
0x39: {  	_ = 	snop;
	(pc) =	sbr.ind lr, $3  }
0x3a: {  	_ = 	snop  }
0x3b: {  	_ = 	snop  }
0x3c: {  	p2 =	seq.s32 s10, $0x1;
	s10 =	sld [smem:$0x3FAB]  }
0x3d: {  	_ =	shalt  }
0x3e: {  	_ =	shalt  }
0x3f: {  	_ =	shalt  }
0x40: {  	_ =	shalt  }
0x41: {  	_ =	shalt  }
0x42: {  	_ =	shalt  }
0x43: {  	_ =	shalt  }
0x44: {  	_ =	shalt  }
0x45: {  	_ =	shalt  }
0x46: {  	_ =	shalt  }
0x47: {  	_ =	shalt  }
0x48: {  	_ =	shalt  }
0x49: {  	_ =	shalt  }
0x4a: {  	_ =	shalt  }
0x4b: {  	_ =	shalt  }
0x4c: {  	_ =	shalt  }
0x4d: {  	_ =	shalt  }
0x4e: {  	_ =	shalt  }
0x4f: {  	_ =	shalt  }
0x50: {  	_ =	shalt  }
0x51: {  	_ =	shalt  }
0x52: {  	_ =	shalt  }
0x53: {  	_ =	shalt  }
0x54: {  	_ =	shalt  }
0x55: {  	_ =	shalt  }
0x56: {  	_ =	shalt  }
0x57: {  	_ =	shalt  }
0x58: {  	_ =	shalt  }
0x59: {  	_ =	shalt  }
0x5a: {  	_ =	shalt  }
0x5b: {  	_ =	shalt  }
0x5c: {  	_ =	shalt  }
0x5d: {  	_ =	shalt  }
0x5e: {  	_ =	shalt  }
0x5f: {  	_ =	shalt  }
0x60: {  	_ =	shalt  }
0x61: {  	_ =	shalt  }
0x62: {  	_ =	shalt  }
0x63: {  	_ =	shalt  }
0x64: {  	_ =	shalt  }
0x65: {  	_ =	shalt  }
0x66: {  	_ =	shalt  }
0x67: {  	_ =	shalt  }
0x68: {  	_ =	shalt  }
0x69: {  	_ =	shalt  }
0x6a: {  	_ =	shalt  }
0x6b: {  	_ =	shalt  }
0x6c: {  	_ =	shalt  }
0x6d: {  	_ =	shalt  }
0x6e: {  	_ =	shalt  }
0x6f: {  	_ =	shalt  }
0x70: {  	_ =	shalt  }
0x71: {  	_ =	shalt  }
0x72: {  	_ =	shalt  }
0x73: {  	_ =	shalt  }
0x74: {  	_ =	shalt  }
0x75: {  	_ =	shalt  }
0x76: {  	_ =	shalt  }
0x77: {  	_ =	shalt  }
0x78: {  	_ =	shalt  }
0x79: {  	_ =	shalt  }
0x7a: {  	_ =	shalt  }
0x7b: {  	_ =	shalt  }
0x7c: {  	_ =	shalt  }
0x7d: {  	_ =	shalt  }
0x7e: {  	_ =	shalt  }
0x7f: {  	_ =	shalt  }
0x80: {  	_ =	shalt  }
0x81: {  	_ =	shalt  }
0x82: {  	_ =	shalt  }
0x83: {  	_ =	shalt  }
0x84: {  	_ =	shalt  }
0x85: {  	_ =	shalt  }
0x86: {  	_ =	shalt  }
0x87: {  	_ =	shalt  }
.Lfunc_end0:
.L_simem_size_0:
called_computation.1_lowered:
.L_overlay_start_0:
0x88: {  	s2 =	sld [smem:$0x3FD9]  }
0x89: {  	s3 =	sld [smem:$0x3FFE];
	_ =	sdelay $0x1  }
0x8a: {  	s1 =	srdreg.scid  }
0x8b: {  	s0 =	sand.u32 $0x1, s1  }
0x8c: {  	s16 =	sshll.u32 s0, $0xA;
	s2 =	sadd.s32 s3, s2  }
0x8d: {  	s2 =	sadd.s32 s2, s16  }
0x8e: {  	[smem:$0x3FB7] =	sst s2  }
0x8f: {  	_ = 	snop  }
0x90: {  	(tm) =	ssettm $0x1  }
0x91: {  	s17 =	sld [smem:$0x3FFB];
	_ =	sdelay $0x3  }
0x92: {  	_ =	strace s17  }
0x93: {  	s2 =	sld [smem:$0x3FFC];
	_ =	sdelay $0x3  }
0x94: {  	_ =	strace s2  }
0x95: {  	s2 =	sld [smem:$0x3FFD];
	_ =	sdelay $0x3  }
0x96: {  	_ =	strace s2  }
0x97: {  	_ =	strace $0x8FFFFFFF  }
0x98: {  	s18 =	sld [smem:$0x3FDB];
	_ =	sdelay $0x1  }
0x99: {  	s19 =	simm.s32 $_scs_section_size  }
0x9a: {  	s4 =	simm.s32 $_size__tile_overlayer_lowered;
	s5 =	simm.s32 $_tile_overlayer_lowered  }
0x9b: {  	s22 =	simm.s32 $0x1BFF;
	s21 =	sshll.u32 s5, $0x1;
	s2 =	sadd.s32 s19, s18  }
0x9c: {  	s6 =	simm.s32 $0x0;
	s20 =	sshll.u32 s4, $0x1;
	s4 =	sadd.s32 s21, s2  }
0x9d: {  	[timem:s6], [sflag:s22] =	dma.local [hbm:s4], s20  }
0x9e: {  	_ =	swait.ge [sflag:s22], s20  }
0x9f: {  	s3 =	ssub.s32 $0x0, s20;
	[sflag:s22] =	ssyncset.done $0x0  }
0xa0: {  	[sflag:s22] =	ssyncadd.s32 s3;
	_ =	sdelay $0x1  }
0xa1: {  	s23 =	simm.s32 $0x1B8B  }
0xa2: {  	_ =	swait.ge [sflag:s23], $0x1  }
0xa3: {  	[sflag:s23] =	ssyncset.done $0x0  }
0xa4: {  	s25 =	simm.s32 $0x1B8E;
	s24 =	sld [smem:$0x3FFE];
	[sflag:s23] =	ssyncadd.s32 $0xFFFFFFFF  }
0xa5: {  	s26 =	simm.s32 $execute0_lowered;
	[smem:$0x3FD2] =	sst s25  }
0xa6: {  	s4 =	sshll.u32 s26, $0x1;
	_ =	strace $0x80000049;
	[dreg:$0x1] =	wrdreg $0xFFFFFFFF  }
0xa7: {  	s28 =	simm.s32 $_size_execute0_lowered;
	s2 =	sadd.s32 s2, s4;
	[dreg:$0x0] =	wrdreg $0x0  }
0xa8: {  	s4 =	sshll.u32 s28, $0x1;
	[dreg:$0x2] =	wrdreg s2  }
0xa9: {  	[dreg:$0x3] =	wrdreg s4  }
0xaa: {  	[dreg:$0x4] =	wrdreg $0xC0  }
0xab: {  	_ =	task [dreg:s6], $0x5FFFF  }
0xac: {  	[dreg:$0x1] =	wrdreg $0xFFFFFFFF  }
0xad: {  	[dreg:$0x0] =	wrdreg $0x60  }
0xae: {  	[dreg:$0x2] =	wrdreg s24  }
0xaf: {  	[dreg:$0x3] =	wrdreg $0x9C000  }
0xb0: {  	[dreg:$0x4] =	wrdreg $0x9  }
0xb1: {  	_ =	task.clear_ibuf [dreg:s6], $0x5FFFF;
	_ =	strace $0x90000049  }
0xb2: {  	s29 =	simm.s32 $0x9;
	_ =	strace $0x8000004B  }
0xb3: {  	_ =	swait.ge [sflag:s29], $0x1  }
0xb4: {  	[sflag:s29] =	ssyncadd.s32 $0xFFFFFFFF  }
0xb5: {  	_ =	strace $0x9000004B  }
0xb6: {  	_ =	sfence  }
0xb7: {  	s30 =	sld [smem:$0x0];
	_ =	sdelay $0x2  }
0xb8: {  	s31 =	sshll.u32 s1, $0xD;
	s1 =	sshrl.u32 s1, $0x2  }
0xb9: {  	s3 =	sand.u32 $0x4000, s31;
	s1 =	sadd.s32 s1, s30  }
0xba: {  	s0 =	sor.u32 s3, s0;
	s1 =	sshll.u32 s1, $0x11  }
0xbb: {  	s0 =	sor.u32 s1, s0  }
0xbc: {  	s0 =	sadd.s32 $0x8F2B, s0  }
0xbd: {  	[sflag:s0] =	ssyncadd.remote.s32 $0x1  }
0xbe: {  	_ =	sfence.sel $0xFFFF  }
0xbf: {  	[dreg:$0x0] =	wrdreg $0xFFFFFFFF;
	(pc) =	sbr.abs _section_cstart, $3  }
0xc0: {  	[dreg:$0x1] =	wrdreg $0xFFFFFFFF  }
0xc1: {  	_ =	task.clear_ibuf [dreg:s6], $0x2FFFF;
	_ =	strace $0x9FFFFFFF  }
0xc2: {  	(tm) =	ssettm $0x7FFFFFFF  }
0xc3: {  	_ =	shalt  }
tec
execute0_lowered:
.L_overlay_start_1:
0x0: {  	(tag) =	ssettag $0x1  }
0x1: {  	s0 =	rddreg [dreg:$0x0]  }
0x2: {  	s1 =	rddreg [dreg:$0x1];
	s2 =	simm.s32 $0x0;
	s3 =	srdreg.scid  }
0x3: {  	s13 =	simm.s32 $0x32;
	s14 =	simm.s32 $0x2800;
	s15 =	simm.s32 $0x80  }
0x4: {  	s16 =	simm.s32 $0x4400;
	s17 =	simm.s32 $0x100;
	s18 =	simm.s32 $0x6000  }
0x5: {  	s19 =	simm.s32 $0x180;
	s20 =	simm.s32 $0x7C00;
	s21 =	simm.s32 $0x1  }
0x6: {  	s22 =	simm.s32 $0x2;
	s23 =	simm.s32 $0x3;
	s24 =	simm.s32 $0x4  }
0x7: {  	s25 =	simm.s32 $0x2600;
	s26 =	simm.s32 $0x2680;
	s28 =	simm.s32 $0x2700  }
0x8: {  	s29 =	simm.s32 $0x2780;
	[smem:$0x7FF] =	sst s2;
	s7 =	sand.u32 $0x1, s3  }
0x9: {  	s4 =	sadd.s32 $0x50200, s0;
	s5 =	sadd.s32 $0x37200, s0;
	s6 =	sadd.s32 $0x1E200, s0  }
0xa: {  	s3 =	stileid.u32;
	_ =	strace $0x8000004A;
	s8 =	smul.u32 $0x138800, s7  }
0xb: {  	s9 =	sshll.u32 s3, $0xA;
	s10 =	ssub.s32 $0x2, s7;
	s11 =	sshll.u32 s3, $0x1  }
0xc: {  	s12 =	sshrl.u32 s10, $0x1;
	s7 =	sor.u32 s7, s11;
	s8 =	sadd.s32 s9, s8  }
0xd: {  	s31 =	ssub.s32 s10, s12;
	s9 =	sadd.s32 s9, s1;
	s8 =	sshrl.u32 s8, $0x3  }
0xe: {  	[dreg:$0x5] =	wrdreg s9;
	s0 =	sadd.s32 s8, s0;
	s8 =	smax.u32 s31, $0x1  }
0xf: {  	s11 =	simm.s32 $0x5;
	[dreg:$0x4] =	wrdreg s8;
	s0 =	sadd.s32 $0x9E600, s0  }
0x10: {  	v0 =	vimm.f32 $0.0e+00;
	s7 =	smul.u32 $0x6400, s7;
	s12 =	simm.s32 $0x1400;
	[dreg:$0x6] =	wrdreg s0  }
.LBB2_1:
0x11: {  	s0 =	simm.s32 $0x0;
	s8 =	simm.s32 $0x0  }
.LBB2_2:
0x12: {  	p0 =	sne.s32 s8, $0xFC0  }
.Ltmp0:
0x13: {  	_ = 	snop;
	(pc) =	sbr.rel @p0 .LBB2_2-.Ltmp0, $4  }
0x14: {  	s10 =	sand.u32 $0xE00, s8  }
0x15: {  	s30 =	sand.u32 $0x70, s0;
	s10 =	sshrl.u32 s10, $0x2  }
0x16: {  	s10 =	sor.u32 s30, s10  }
0x17: {  	s0 =	sadd.s32 $0x10, s0;
	s8 =	sadd.s32 $0x40, s8;
	[tilespmem:s10+$0x9800] =	vst v0  }
0x18: {  	s0 =	sadd.s32 $0x0, s3  }
0x19: {  	p0 =	sgt.u32 s0, $0x4E1  }
0x1a: {  	s0 =	simm.s32 @!p0 $0x9800;
	s31 =	simm.s32 @!p0 $0x5  }
0x1b: {  	[spmem:s9] =	stream.linear.scatter @!p0 [tilespmem:s0], [sflag:$0x5], $0x400, $0x38;
	[tilespmem:$0x1D480] =	vst v63  }
0x1c: {  	s8 =	simm.s32 $0x10;
	_ =	swait.ge @!p0 [sflag:s31], $0x400  }
0x1d: {  	s30 =	simm.s32 $0x20;
	s0 =	sadd.s32 $0x4000, s9;
	[sflag:s31] =	ssyncset.done @!p0 $0x0  }
.LBB2_4:
0x1e: {  	s10 =	sadd.s32 s8, s3;
	s8 =	smov.u32 s30;
	s30 =	sadd.s32 $0x10, s30  }
0x1f: {  	[sflag:s31] =	ssyncadd.s32 @!p0 $0xFFFFFC00;
	p1 =	sne.s32 s30, $0x4F0  }
.Ltmp1:
0x20: {  	p0 =	sgt.u32 s10, $0x4E1;
	(pc) =	sbr.rel @p1 .LBB2_4-.Ltmp1, $4  }
0x21: {  	s10 =	simm.s32 @!p0 $0x9800;
	s31 =	simm.s32 @!p0 $0x5  }
0x22: {  	[spmem:s0] =	stream.linear.scatter @!p0 [tilespmem:s10], [sflag:$0x5], $0x400, $0x38;
	[tilespmem:$0x1D480] =	vst v63  }
0x23: {  	_ =	swait.ge @!p0 [sflag:s31], $0x400  }
0x24: {  	s0 =	sadd.s32 $0x4000, s0;
	[sflag:s31] =	ssyncset.done @!p0 $0x0  }
0x25: {  	s8 =	sadd.s32 s8, s3  }
0x26: {  	p1 =	sgt.u32 s8, $0x4E1  }
0x27: {  	[sflag:s31] =	ssyncadd.s32 @!p0 $0xFFFFFC00;
	s8 =	simm.s32 @!p1 $0x9800;
	s10 =	simm.s32 @!p1 $0x5  }
0x28: {  	[spmem:s0] =	stream.linear.scatter @!p1 [tilespmem:s8], [sflag:$0x5], $0x400, $0x38;
	[tilespmem:$0x1D480] =	vst v63  }
0x29: {  	_ =	swait.ge @!p1 [sflag:s10], $0x400  }
0x2a: {  	[sflag:s10] =	ssyncset.done @!p1 $0x0  }
0x2b: {  	[sflag:s10] =	ssyncadd.s32 @!p1 $0xFFFFFC00  }
0x2c: {  	s30 =	simm.s32 $0x0;
	s31 =	simm.s32 $0x0;
	[bflag:$0x0] =	sbarrier.arrive $0xFFFF  }
.LBB2_6:
0x2d: {  	s0 =	smul.u32 $0x1400, s31;
	_ =	sdelay $0x1  }
0x2e: {  	s0 =	sadd.s32 s7, s0  }
0x2f: {  	s0 =	sshrl.u32 s0, $0x3  }
0x30: {  	s8 =	sadd.s32 s5, s0  }
0x31: {  	[tilespmem:s30], [sflag:$0x5] =	stream.linear.gather [hbm4b:s8+s30], $0x1400, $0x38;
	[tilespmem:$0x1D480] =	vst v63  }
0x32: {  	_ =	swait.ge [sflag:s11], $0x1400  }
0x33: {  	[sflag:s11] =	ssyncset.done $0x0  }
0x34: {  	s0 =	sadd.s32 s6, s0;
	[sflag:s11] =	ssyncadd.s32 $0xFFFFEC00  }
0x35: {  	[tilespmem:s12], [sflag:$0x5] =	stream.linear.gather [hbm4b:s0+s30], $0x1400, $0x38;
	[tilespmem:$0x1D480] =	vst v63  }
0x36: {  	_ =	swait.ge [sflag:s11], $0x1400  }
0x37: {  	[sflag:s11] =	ssyncset.done $0x0  }
0x38: {  	[sflag:s11] =	ssyncadd.s32 $0xFFFFEC00  }
0x39: {  	[tilespmem:s14], [sflag:$0x1] =	stream.indirect.gather [hbm4b:s4+s13], $0x80, s30, s13, $0xb8;
	[tilespmem:$0x1D480] =	vst v63  }
0x3a: {  	_ = 	snop  }
0x3b: {  	[tilespmem:s16], [sflag:$0x2] =	stream.indirect.gather [hbm4b:s4+s13], $0x80, s15, s13, $0xb8;
	[tilespmem:$0x1D480] =	vst v63  }
0x3c: {  	_ = 	snop  }
0x3d: {  	[tilespmem:s18], [sflag:$0x3] =	stream.indirect.gather [hbm4b:s4+s13], $0x80, s17, s13, $0xb8;
	[tilespmem:$0x1D480] =	vst v63  }
0x3e: {  	_ = 	snop  }
0x3f: {  	[tilespmem:s20], [sflag:$0x4] =	stream.indirect.gather [hbm4b:s4+s13], $0x80, s19, s13, $0xb8;
	[tilespmem:$0x1D480] =	vst v63  }
0x40: {  	_ =	swait.ge [sflag:s21], $0x1900  }
0x41: {  	[sflag:s21] =	ssyncset.done $0x0  }
0x42: {  	s10 =	simm.s32 $0x1400;
	[sflag:s21] =	ssyncadd.s32 $0xFFFFE700  }
0x43: {  	[spmem:s1] =	stream.indirect.scatter.add.f32 [tilespmem:s14], [sflag:$0x5], $0x80, s10, s13, $0xb8;
	[tilespmem:$0x1D480] =	vst v63  }
0x44: {  	_ =	swait.ge [sflag:s11], $0x1900  }
0x45: {  	[sflag:s11] =	ssyncset.done $0x0  }
0x46: {  	s8 =	simm.s32 $0x200;
	[sflag:s11] =	ssyncadd.s32 $0xFFFFE700  }
0x47: {  	[tilespmem:s14], [sflag:$0x1] =	stream.indirect.gather [hbm4b:s4+s13], $0x80, s8, s13, $0xb8;
	[tilespmem:$0x1D480] =	vst v63  }
0x48: {  	_ =	swait.ge [sflag:s22], $0x1900  }
0x49: {  	[sflag:s22] =	ssyncset.done $0x0  }
0x4a: {  	s10 =	simm.s32 $0x1480;
	[sflag:s22] =	ssyncadd.s32 $0xFFFFE700  }
0x4b: {  	[spmem:s1] =	stream.indirect.scatter.add.f32 [tilespmem:s16], [sflag:$0x5], $0x80, s10, s13, $0xb8;
	[tilespmem:$0x1D480] =	vst v63  }
0x4c: {  	_ =	swait.ge [sflag:s11], $0x1900  }
0x4d: {  	[sflag:s11] =	ssyncset.done $0x0  }
0x4e: {  	s8 =	simm.s32 $0x280;
	[sflag:s11] =	ssyncadd.s32 $0xFFFFE700  }
0x4f: {  	[tilespmem:s16], [sflag:$0x2] =	stream.indirect.gather [hbm4b:s4+s13], $0x80, s8, s13, $0xb8;
	[tilespmem:$0x1D480] =	vst v63  }
0x50: {  	_ =	swait.ge [sflag:s23], $0x1900  }
0x51: {  	[sflag:s23] =	ssyncset.done $0x0  }
0x52: {  	s10 =	simm.s32 $0x1500;
	[sflag:s23] =	ssyncadd.s32 $0xFFFFE700  }
0x53: {  	[spmem:s1] =	stream.indirect.scatter.add.f32 [tilespmem:s18], [sflag:$0x5], $0x80, s10, s13, $0xb8;
	[tilespmem:$0x1D480] =	vst v63  }
0x54: {  	_ =	swait.ge [sflag:s11], $0x1900  }
0x55: {  	[sflag:s11] =	ssyncset.done $0x0  }
0x56: {  	s8 =	simm.s32 $0x300;
	[sflag:s11] =	ssyncadd.s32 $0xFFFFE700  }
0x57: {  	[tilespmem:s18], [sflag:$0x3] =	stream.indirect.gather [hbm4b:s4+s13], $0x80, s8, s13, $0xb8;
	[tilespmem:$0x1D480] =	vst v63  }
0x58: {  	_ =	swait.ge [sflag:s24], $0x1900  }
0x59: {  	[sflag:s24] =	ssyncset.done $0x0  }
0x5a: {  	s10 =	simm.s32 $0x1580;
	[sflag:s24] =	ssyncadd.s32 $0xFFFFE700  }
0x5b: {  	[spmem:s1] =	stream.indirect.scatter.add.f32 [tilespmem:s20], [sflag:$0x5], $0x80, s10, s13, $0xb8;
	[tilespmem:$0x1D480] =	vst v63  }
0x5c: {  	_ =	swait.ge [sflag:s11], $0x1900  }
0x5d: {  	[sflag:s11] =	ssyncset.done $0x0  }
0x5e: {  	s0 =	simm.s32 $0x800;
	s8 =	simm.s32 $0x380;
	[sflag:s11] =	ssyncadd.s32 $0xFFFFE700  }
.LBB2_7:
0x5f: {  	[tilespmem:s20], [sflag:$0x4] =	stream.indirect.gather [hbm4b:s4+s13], $0x80, s8, s13, $0xb8;
	[tilespmem:$0x1D480] =	vst v63  }
0x60: {  	s8 =	smov.u32 s0  }
0x61: {  	p0 =	sne.s32 s0, $0x4000;
	s0 =	sadd.s32 $0x800, s0;
	_ =	swait.ge [sflag:s21], $0x1900  }
0x62: {  	s8 =	sshra.s32 s8, $0x2;
	[sflag:s21] =	ssyncset.done $0x0  }
0x63: {  	s10 =	sadd.s32 $0x1400, s8;
	[sflag:s21] =	ssyncadd.s32 $0xFFFFE700  }
0x64: {  	[spmem:s1] =	stream.indirect.scatter.add.f32 [tilespmem:s14], [sflag:$0x5], $0x80, s10, s13, $0xb8;
	[tilespmem:$0x1D480] =	vst v63  }
0x65: {  	_ =	swait.ge [sflag:s11], $0x1900  }
0x66: {  	[sflag:s11] =	ssyncset.done $0x0  }
0x67: {  	s10 =	sadd.s32 $0x200, s8;
	[sflag:s11] =	ssyncadd.s32 $0xFFFFE700  }
0x68: {  	[tilespmem:s14], [sflag:$0x1] =	stream.indirect.gather [hbm4b:s4+s13], $0x80, s10, s13, $0xb8;
	[tilespmem:$0x1D480] =	vst v63  }
0x69: {  	_ =	swait.ge [sflag:s22], $0x1900  }
0x6a: {  	[sflag:s22] =	ssyncset.done $0x0  }
0x6b: {  	s10 =	sadd.s32 $0x1480, s8;
	[sflag:s22] =	ssyncadd.s32 $0xFFFFE700  }
0x6c: {  	[spmem:s1] =	stream.indirect.scatter.add.f32 [tilespmem:s16], [sflag:$0x5], $0x80, s10, s13, $0xb8;
	[tilespmem:$0x1D480] =	vst v63  }
0x6d: {  	_ =	swait.ge [sflag:s11], $0x1900  }
0x6e: {  	[sflag:s11] =	ssyncset.done $0x0  }
0x6f: {  	s10 =	sadd.s32 $0x280, s8;
	[sflag:s11] =	ssyncadd.s32 $0xFFFFE700  }
0x70: {  	[tilespmem:s16], [sflag:$0x2] =	stream.indirect.gather [hbm4b:s4+s13], $0x80, s10, s13, $0xb8;
	[tilespmem:$0x1D480] =	vst v63  }
0x71: {  	_ =	swait.ge [sflag:s23], $0x1900  }
0x72: {  	[sflag:s23] =	ssyncset.done $0x0  }
0x73: {  	s10 =	sadd.s32 $0x1500, s8;
	[sflag:s23] =	ssyncadd.s32 $0xFFFFE700  }
0x74: {  	[spmem:s1] =	stream.indirect.scatter.add.f32 [tilespmem:s18], [sflag:$0x5], $0x80, s10, s13, $0xb8;
	[tilespmem:$0x1D480] =	vst v63  }
0x75: {  	_ =	swait.ge [sflag:s11], $0x1900  }
0x76: {  	[sflag:s11] =	ssyncset.done $0x0  }
0x77: {  	s10 =	sadd.s32 $0x300, s8;
	[sflag:s11] =	ssyncadd.s32 $0xFFFFE700  }
0x78: {  	[tilespmem:s18], [sflag:$0x3] =	stream.indirect.gather [hbm4b:s4+s13], $0x80, s10, s13, $0xb8;
	[tilespmem:$0x1D480] =	vst v63  }
0x79: {  	_ =	swait.ge [sflag:s24], $0x1900  }
0x7a: {  	[sflag:s24] =	ssyncset.done $0x0  }
.Ltmp2:
0x7b: {  	s10 =	sadd.s32 $0x1580, s8;
	[sflag:s24] =	ssyncadd.s32 $0xFFFFE700;
	(pc) =	sbr.rel @p0 .LBB2_7-.Ltmp2, $4  }
0x7c: {  	[spmem:s1] =	stream.indirect.scatter.add.f32 [tilespmem:s20], [sflag:$0x5], $0x80, s10, s13, $0xb8;
	[tilespmem:$0x1D480] =	vst v63  }
0x7d: {  	_ =	swait.ge [sflag:s11], $0x1900  }
0x7e: {  	[sflag:s11] =	ssyncset.done $0x0  }
0x7f: {  	s8 =	sadd.s32 $0x380, s8;
	[sflag:s11] =	ssyncadd.s32 $0xFFFFE700  }
0x80: {  	[tilespmem:s20], [sflag:$0x4] =	stream.indirect.gather [hbm4b:s4+s13], $0x80, s8, s13, $0xb8;
	[tilespmem:$0x1D480] =	vst v63  }
0x81: {  	_ =	swait.ge [sflag:s21], $0x1900  }
0x82: {  	[sflag:s21] =	ssyncset.done $0x0  }
0x83: {  	[sflag:s21] =	ssyncadd.s32 $0xFFFFE700  }
0x84: {  	[spmem:s1] =	stream.indirect.scatter.add.f32 [tilespmem:s14], [sflag:$0x5], $0x80, s25, s13, $0xb8;
	[tilespmem:$0x1D480] =	vst v63  }
0x85: {  	_ =	swait.ge [sflag:s11], $0x1900  }
0x86: {  	[sflag:s11] =	ssyncset.done $0x0  }
0x87: {  	[sflag:s11] =	ssyncadd.s32 $0xFFFFE700  }
0x88: {  	_ =	swait.ge [sflag:s22], $0x1900  }
0x89: {  	[sflag:s22] =	ssyncset.done $0x0  }
0x8a: {  	[sflag:s22] =	ssyncadd.s32 $0xFFFFE700  }
0x8b: {  	[spmem:s1] =	stream.indirect.scatter.add.f32 [tilespmem:s16], [sflag:$0x5], $0x80, s26, s13, $0xb8;
	[tilespmem:$0x1D480] =	vst v63  }
0x8c: {  	_ =	swait.ge [sflag:s11], $0x1900  }
0x8d: {  	[sflag:s11] =	ssyncset.done $0x0  }
0x8e: {  	[sflag:s11] =	ssyncadd.s32 $0xFFFFE700  }
0x8f: {  	_ =	swait.ge [sflag:s23], $0x1900  }
0x90: {  	[sflag:s23] =	ssyncset.done $0x0  }
0x91: {  	[sflag:s23] =	ssyncadd.s32 $0xFFFFE700  }
0x92: {  	[spmem:s1] =	stream.indirect.scatter.add.f32 [tilespmem:s18], [sflag:$0x5], $0x80, s28, s13, $0xb8;
	[tilespmem:$0x1D480] =	vst v63  }
0x93: {  	_ =	swait.ge [sflag:s11], $0x1900  }
0x94: {  	[sflag:s11] =	ssyncset.done $0x0  }
0x95: {  	[sflag:s11] =	ssyncadd.s32 $0xFFFFE700  }
0x96: {  	s31 =	sadd.s32 $0x1, s31;
	_ =	swait.ge [sflag:s24], $0x1900  }
0x97: {  	p0 =	sne.s32 s31, $0x5;
	[sflag:s24] =	ssyncset.done $0x0  }
.Ltmp3:
0x98: {  	[sflag:s24] =	ssyncadd.s32 $0xFFFFE700;
	(pc) =	sbr.rel @p0 .LBB2_6-.Ltmp3, $4  }
0x99: {  	[spmem:s1] =	stream.indirect.scatter.add.f32 [tilespmem:s20], [sflag:$0x5], $0x80, s29, s13, $0xb8;
	[tilespmem:$0x1D480] =	vst v63  }
0x9a: {  	_ =	swait.ge [sflag:s11], $0x1900  }
0x9b: {  	[sflag:s11] =	ssyncset.done $0x0  }
0x9c: {  	[sflag:s11] =	ssyncadd.s32 $0xFFFFE700  }
0x9d: {  	s0 =	sadd.s32 $0x0, s3  }
0x9e: {  	[dreg:$0x3] =	wrdreg s2;
	p0 =	sgt.u32 s0, $0x4E1  }
0x9f: {  	[bflag:$0x0] =	sbarrier.arrive $0xFFFF;
	s0 =	sshll.u32 @!p0 s3, $0x6;
	s8 =	sshrl.u32 @!p0 s9, $0x3  }
0xa0: {  	s31 =	simm.s32 @!p0 $0x5;
	s2 =	rddreg [dreg:$0x6];
	s0 =	sor.u32 @!p0 $0x1C05, s0  }
0xa1: {  	[hbm:s2], [sflag:s0] =	dma.local @!p0 [spmem:s8], $0x80  }
0xa2: {  	s30 =	simm.s32 $0x20;
	s10 =	sadd.s32 $0x10, s3;
	_ =	swait.ge @!p0 [sflag:s31], $0x80  }
0xa3: {  	s0 =	sadd.s32 $0x4000, s9;
	s8 =	sadd.s32 $0x800, s2;
	[sflag:s31] =	ssyncset.done @!p0 $0x0  }
.LBB2_10:
0xa4: {  	[sflag:s31] =	ssyncadd.s32 @!p0 $0xFFFFFF80  }
0xa5: {  	p0 =	sgt.u32 s10, $0x4E1;
	s10 =	smov.u32 s30;
	s30 =	sadd.s32 $0x10, s30  }
0xa6: {  	p1 =	sne.s32 s30, $0x4F0  }
.Ltmp4:
0xa7: {  	s31 =	sshll.u32 @!p0 s3, $0x6;
	s9 =	sshrl.u32 @!p0 s0, $0x3;
	(pc) =	sbr.rel @p1 .LBB2_10-.Ltmp4, $4  }
0xa8: {  	s2 =	sor.u32 @!p0 $0x1C05, s31;
	s31 =	simm.s32 @!p0 $0x5  }
0xa9: {  	[hbm:s8], [sflag:s2] =	dma.local @!p0 [spmem:s9], $0x80  }
0xaa: {  	s0 =	sadd.s32 $0x4000, s0;
	_ =	swait.ge @!p0 [sflag:s31], $0x80  }
0xab: {  	s10 =	sadd.s32 s10, s3;
	s8 =	sadd.s32 $0x800, s8;
	[sflag:s31] =	ssyncset.done @!p0 $0x0  }
0xac: {  	p1 =	sgt.u32 s10, $0x4E1  }
0xad: {  	[sflag:s31] =	ssyncadd.s32 @!p0 $0xFFFFFF80;
	s2 =	sshll.u32 @!p1 s3, $0x6  }
0xae: {  	s0 =	sshrl.u32 @!p1 s0, $0x3;
	s9 =	simm.s32 @!p1 $0x5;
	s2 =	sor.u32 @!p1 $0x1C05, s2  }
0xaf: {  	[hbm:s8], [sflag:s2] =	dma.local @!p1 [spmem:s0], $0x80  }
0xb0: {  	_ =	swait.ge @!p1 [sflag:s9], $0x80  }
0xb1: {  	s30 =	rddreg [dreg:$0x3]  }
0xb2: {  	s31 =	rddreg [dreg:$0x4];
	s2 =	sadd.s32 $0x1, s30  }
0xb3: {  	p0 =	sne.s32 s2, s31  }
.Ltmp5:
0xb4: {  	_ = 	snop;
	(pc) =	sbr.rel @p0 .LBB2_1-.Ltmp5, $3  }
0xb5: {  	_ =	sdelay $0x1  }
0xb6: {  	[sflag:s9] =	ssyncset.done @!p1 $0x0  }
0xb7: {  	[sflag:s9] =	ssyncadd.s32 @!p1 $0xFFFFFF80;
	s9 =	rddreg [dreg:$0x5]  }
0xb8: {  	_ =	sfence.sel $0x180000  }
0xb9: {  	[bflag:$0x0] =	sbarrier.arrive $0xFFFF  }
0xba: {  	_ =	strace $0x9000004A  }
0xbb: {  	[bflag:$0x2] =	sbarrier.arrive $0xFFFF  }
0xbc: {  	p0 =	sne.s32 s3, $0x0;
	s0 =	rddreg [dreg:$0x2]  }
0xbd: {  	s0 =	sadd.s32 @!p0 $0x100000, s0  }
0xbe: {  	[sflag:s0] =	ssyncadd.tile.s32 @!p0 $0x1;
	_ =	shalt  }
.Lfunc_end2:
_tile_overlayer_lowered:
.L_overlay_start_2:
0xbf: {  	(tag) =	ssettag $0x2  }
0xc0: {  	s0 =	rddreg [dreg:$0x0];
	s2 =	stileid.u32  }
0xc1: {  	s1 =	rddreg [dreg:$0x1];
	p0 =	sne.s32 s2, $0x0  }
0xc2: {  	s3 =	rddreg [dreg:$0x2];
	[bflag:$0x3] =	sbarrier.arrive $0xFFFF;
	s2 =	simm.s32 @!p0 $0x1C05  }
0xc3: {  	[timem:s3], [sflag:s2] =	dma.local @!p0 [hbm:s0], s1  }
0xc4: {  	s0 =	simm.s32 @!p0 $0x5  }
0xc5: {  	_ =	swait.ge @!p0 [sflag:s0], s1  }
0xc6: {  	s1 =	ssub.s32 @!p0 $0x0, s1;
	[sflag:s0] =	ssyncset.done @!p0 $0x0  }
0xc7: {  	[sflag:s0] =	ssyncadd.s32 @!p0 s1  }
0xc8: {  	[bflag:$0x3] =	sbarrier.arrive $0xFFFF  }
0xc9: {  	_ =	shalt  }

// kernel: kernel.17.cloned.1.call-start
scs
__scs_entry_jumppad:
0x0: {  	(pc) =	sbr.rel $0x88, $3  }
0x1: {  	(tag) =	ssettag $0x0;
	lr =	simm.s32 $0x1  }
0x2: {  	[smem:$0x3F90] =	sst lr;
	_ =	strace $0xD0000000  }
0x3: {  	_ = 	snop  }
0x4: {  	_ = 	snop  }
0x5: {  	_ = 	snop  }
0x6: {  	_ = 	snop  }
0x7: {  	_ = 	snop  }
__scs_overlays_trampoline_lowered:
0x8: {  	[smem:$0x3F9F] =	sst s0  }
0x9: {  	[smem:$0x3FA0] =	sst s1  }
0xa: {  	[smem:$0x3FA1] =	sst s2  }
0xb: {  	[smem:$0x3FA2] =	sst s3  }
0xc: {  	[smem:$0x3FA3] =	sst s4  }
0xd: {  	[smem:$0x3FA4] =	sst s5  }
0xe: {  	[smem:$0x3FA5] =	sst s6  }
0xf: {  	[smem:$0x3FA6] =	sst s7  }
0x10: {  	[smem:$0x3FA7] =	sst s8  }
0x11: {  	[smem:$0x3FA8] =	sst s9;
	s0 =	simm.s32 @!p0 $0x0  }
0x12: {  	s1 =	sld [smem:$0x3F8E];
	s0 =	simm.s32 @p0 $0x1  }
0x13: {  	[smem:$0x3FA9] =	sst s0;
	s0 =	simm.s32 @!p1 $0x0  }
0x14: {  	s2 =	sld [smem:$0x3F8D];
	s0 =	simm.s32 @p1 $0x1  }
0x15: {  	[smem:$0x3FAA] =	sst s0;
	s0 =	simm.s32 @!p2 $0x0  }
0x16: {  	s3 =	sld [smem:$0x3FDB];
	s0 =	simm.s32 @p2 $0x1  }
0x17: {  	s4 =	simm.s32 $0x1BF5;
	[smem:$0x3FAC] =	sst s0  }
0x18: {  	s0 =	sld [smem:$0x3F8F];
	_ =	swait.ge [sflag:s4], $0x0  }
0x19: {  	s7 =	sld [smem:$0x3F90]  }
0x1a: {  	s8 =	sadd.s32 $0xFFFFE003, lr  }
0x1b: {  	s9 =	sadd.s32 $0xFFFFFEF7, lr;
	s5 =	simm.s32 $0xFFFFFFFF;
	p2 =	slt.u32 s8, $0xFFFFF086  }
0x1c: {  	p1 =	slt.u32 s9, $0xF7A;
	s5 =	simm.s32 @!p2 $0x0  }
0x1d: {  	s5 =	simm.s32 @p1 $0x1;
	p0 =	seq.s32 s7, s2  }
0x1e: {  	s7 =	smul.u32 @!p0 $0xF7A, s2;
	p2 =	seq.s32 @!p0 s5, $0x0  }
0x1f: {  	s9 =	smul.u32 $0xF7A, s1;
	s8 =	simm.s32 @!p0 $0x1BF5;
	p2 =	por !p2, p0  }
0x20: {  	[sflag:s8] =	ssyncset.s32 @!p0 $0xFFFFF086;
	s6 =	sadd.s32 @!p0 s3, s7;
	s7 =	simm.s32 @!p0 $0x108  }
0x21: {  	s3 =	sadd.s32 s3, s9;
	s6 =	sadd.s32 @!p0 $0x88, s6;
	s7 =	simm.s32 @p2 $0x1082  }
0x22: {  	[simem:s7], [sflag:s8] =	dma.local @!p0 [hbm:s6], $0xF7A  }
0x23: {  	s9 =	sor.u32 $0xD0000000, s2;
	s6 =	simm.s32 $0x108;
	_ =	swait.ge @!p0 [sflag:s8], $0x0  }
0x24: {  	s3 =	sadd.s32 $0x88, s3;
	s6 =	simm.s32 @!p1 $0x1082;
	[sflag:s4] =	ssyncset.s32 $0xFFFFF086  }
0x25: {  	[simem:s6], [sflag:s4] =	dma.local [hbm:s3], $0xF7A  }
0x26: {  	[smem:$0x3F90] =	sst s1;
	(tag) =	ssettag s2;
	_ =	strace s9  }
0x27: {  	s1 =	sld [smem:$0x3FA0]  }
0x28: {  	s2 =	sld [smem:$0x3FA1]  }
0x29: {  	s4 =	sld [smem:$0x3FA3]  }
0x2a: {  	p0 =	seq.s32 s5, $0x0;
	s5 =	sld [smem:$0x3FA4]  }
0x2b: {  	s6 =	sld [smem:$0x3FA5]  }
0x2c: {  	s7 =	sld [smem:$0x3FA6]  }
0x2d: {  	s3 =	simm.s32 $0x108;
	s8 =	sld [smem:$0x3FA7]  }
0x2e: {  	s3 =	simm.s32 @!p0 $0x1082;
	s9 =	sld [smem:$0x3FA8]  }
0x2f: {  	lr =	sadd.s32 s0, s3;
	s0 =	sld [smem:$0x3F9F]  }
0x30: {  	s3 =	sld [smem:$0x3FA2]  }
0x31: {  	[smem:$0x3FAB] =	sst s10  }
0x32: {  	s10 =	sld [smem:$0x3FA9];
	_ =	sdelay $0x3  }
0x33: {  	p0 =	seq.s32 s10, $0x1;
	s10 =	sld [smem:$0x3FAB];
	_ =	sdelay $0x3  }
0x34: {  	[smem:$0x3FAB] =	sst s10  }
0x35: {  	s10 =	sld [smem:$0x3FAA];
	_ =	sdelay $0x3  }
0x36: {  	p1 =	seq.s32 s10, $0x1;
	s10 =	sld [smem:$0x3FAB];
	_ =	sdelay $0x3  }
0x37: {  	[smem:$0x3FAB] =	sst s10  }
0x38: {  	s10 =	sld [smem:$0x3FAC]  }
0x39: {  	_ = 	snop;
	(pc) =	sbr.ind lr, $3  }
0x3a: {  	_ = 	snop  }
0x3b: {  	_ = 	snop  }
0x3c: {  	p2 =	seq.s32 s10, $0x1;
	s10 =	sld [smem:$0x3FAB]  }
0x3d: {  	_ =	shalt  }
0x3e: {  	_ =	shalt  }
0x3f: {  	_ =	shalt  }
0x40: {  	_ =	shalt  }
0x41: {  	_ =	shalt  }
0x42: {  	_ =	shalt  }
0x43: {  	_ =	shalt  }
0x44: {  	_ =	shalt  }
0x45: {  	_ =	shalt  }
0x46: {  	_ =	shalt  }
0x47: {  	_ =	shalt  }
0x48: {  	_ =	shalt  }
0x49: {  	_ =	shalt  }
0x4a: {  	_ =	shalt  }
0x4b: {  	_ =	shalt  }
0x4c: {  	_ =	shalt  }
0x4d: {  	_ =	shalt  }
0x4e: {  	_ =	shalt  }
0x4f: {  	_ =	shalt  }
0x50: {  	_ =	shalt  }
0x51: {  	_ =	shalt  }
0x52: {  	_ =	shalt  }
0x53: {  	_ =	shalt  }
0x54: {  	_ =	shalt  }
0x55: {  	_ =	shalt  }
0x56: {  	_ =	shalt  }
0x57: {  	_ =	shalt  }
0x58: {  	_ =	shalt  }
0x59: {  	_ =	shalt  }
0x5a: {  	_ =	shalt  }
0x5b: {  	_ =	shalt  }
0x5c: {  	_ =	shalt  }
0x5d: {  	_ =	shalt  }
0x5e: {  	_ =	shalt  }
0x5f: {  	_ =	shalt  }
0x60: {  	_ =	shalt  }
0x61: {  	_ =	shalt  }
0x62: {  	_ =	shalt  }
0x63: {  	_ =	shalt  }
0x64: {  	_ =	shalt  }
0x65: {  	_ =	shalt  }
0x66: {  	_ =	shalt  }
0x67: {  	_ =	shalt  }
0x68: {  	_ =	shalt  }
0x69: {  	_ =	shalt  }
0x6a: {  	_ =	shalt  }
0x6b: {  	_ =	shalt  }
0x6c: {  	_ =	shalt  }
0x6d: {  	_ =	shalt  }
0x6e: {  	_ =	shalt  }
0x6f: {  	_ =	shalt  }
0x70: {  	_ =	shalt  }
0x71: {  	_ =	shalt  }
0x72: {  	_ =	shalt  }
0x73: {  	_ =	shalt  }
0x74: {  	_ =	shalt  }
0x75: {  	_ =	shalt  }
0x76: {  	_ =	shalt  }
0x77: {  	_ =	shalt  }
0x78: {  	_ =	shalt  }
0x79: {  	_ =	shalt  }
0x7a: {  	_ =	shalt  }
0x7b: {  	_ =	shalt  }
0x7c: {  	_ =	shalt  }
0x7d: {  	_ =	shalt  }
0x7e: {  	_ =	shalt  }
0x7f: {  	_ =	shalt  }
0x80: {  	_ =	shalt  }
0x81: {  	_ =	shalt  }
0x82: {  	_ =	shalt  }
0x83: {  	_ =	shalt  }
0x84: {  	_ =	shalt  }
0x85: {  	_ =	shalt  }
0x86: {  	_ =	shalt  }
0x87: {  	_ =	shalt  }
.Lfunc_end0:
.L_simem_size_0:
called_computation.2_lowered:
.L_overlay_start_0:
0x88: {  	s2 =	sld [smem:$0x3FD9]  }
0x89: {  	s3 =	sld [smem:$0x3FFE];
	_ =	sdelay $0x1  }
0x8a: {  	s1 =	srdreg.scid  }
0x8b: {  	s0 =	sand.u32 $0x1, s1  }
0x8c: {  	s16 =	sshll.u32 s0, $0xA;
	s2 =	sadd.s32 s3, s2  }
0x8d: {  	s2 =	sadd.s32 s2, s16  }
0x8e: {  	[smem:$0x3FB7] =	sst s2  }
0x8f: {  	_ = 	snop  }
0x90: {  	(tm) =	ssettm $0x1  }
0x91: {  	s17 =	sld [smem:$0x3FFB];
	_ =	sdelay $0x3  }
0x92: {  	_ =	strace s17  }
0x93: {  	s2 =	sld [smem:$0x3FFC];
	_ =	sdelay $0x3  }
0x94: {  	_ =	strace s2  }
0x95: {  	s2 =	sld [smem:$0x3FFD];
	_ =	sdelay $0x3  }
0x96: {  	_ =	strace s2  }
0x97: {  	_ =	strace $0x8FFFFFFF  }
0x98: {  	s18 =	sld [smem:$0x3FDB];
	_ =	sdelay $0x1  }
0x99: {  	s19 =	simm.s32 $_scs_section_size  }
0x9a: {  	s4 =	simm.s32 $_size__tile_overlayer_lowered;
	s5 =	simm.s32 $_tile_overlayer_lowered  }
0x9b: {  	s22 =	simm.s32 $0x1BFF;
	s21 =	sshll.u32 s5, $0x1;
	s2 =	sadd.s32 s19, s18  }
0x9c: {  	s6 =	simm.s32 $0x0;
	s20 =	sshll.u32 s4, $0x1;
	s4 =	sadd.s32 s21, s2  }
0x9d: {  	[timem:s6], [sflag:s22] =	dma.local [hbm:s4], s20  }
0x9e: {  	_ =	swait.ge [sflag:s22], s20  }
0x9f: {  	s3 =	ssub.s32 $0x0, s20;
	[sflag:s22] =	ssyncset.done $0x0  }
0xa0: {  	[sflag:s22] =	ssyncadd.s32 s3;
	_ =	sdelay $0x1  }
0xa1: {  	s23 =	simm.s32 $0x1B8B  }
0xa2: {  	_ =	swait.ge [sflag:s23], $0x1  }
0xa3: {  	[sflag:s23] =	ssyncset.done $0x0  }
0xa4: {  	s25 =	simm.s32 $0x1B8E;
	s24 =	sld [smem:$0x3FFE];
	[sflag:s23] =	ssyncadd.s32 $0xFFFFFFFF  }
0xa5: {  	s26 =	simm.s32 $execute0_lowered;
	[smem:$0x3FD2] =	sst s25  }
0xa6: {  	s4 =	sshll.u32 s26, $0x1;
	_ =	strace $0x8000004C;
	[dreg:$0x1] =	wrdreg $0xFFFFFFFF  }
0xa7: {  	s28 =	simm.s32 $_size_execute0_lowered;
	s2 =	sadd.s32 s2, s4;
	[dreg:$0x0] =	wrdreg $0x0  }
0xa8: {  	s4 =	sshll.u32 s28, $0x1;
	[dreg:$0x2] =	wrdreg s2  }
0xa9: {  	[dreg:$0x3] =	wrdreg s4  }
0xaa: {  	[dreg:$0x4] =	wrdreg $0xC0  }
0xab: {  	_ =	task [dreg:s6], $0x5FFFF  }
0xac: {  	[dreg:$0x1] =	wrdreg $0xFFFFFFFF  }
0xad: {  	[dreg:$0x0] =	wrdreg $0x60  }
0xae: {  	[dreg:$0x2] =	wrdreg s24  }
0xaf: {  	[dreg:$0x3] =	wrdreg $0x9C000  }
0xb0: {  	[dreg:$0x4] =	wrdreg $0x9  }
0xb1: {  	_ =	task.clear_ibuf [dreg:s6], $0x5FFFF;
	_ =	strace $0x9000004C  }
0xb2: {  	s29 =	simm.s32 $0x9;
	_ =	strace $0x8000004E  }
0xb3: {  	_ =	swait.ge [sflag:s29], $0x1  }
0xb4: {  	[sflag:s29] =	ssyncadd.s32 $0xFFFFFFFF  }
0xb5: {  	_ =	strace $0x9000004E  }
0xb6: {  	_ =	sfence  }
0xb7: {  	s30 =	sld [smem:$0x0];
	_ =	sdelay $0x2  }
0xb8: {  	s31 =	sshll.u32 s1, $0xD;
	s1 =	sshrl.u32 s1, $0x2  }
0xb9: {  	s3 =	sand.u32 $0x4000, s31;
	s1 =	sadd.s32 s1, s30  }
0xba: {  	s0 =	sor.u32 s3, s0;
	s1 =	sshll.u32 s1, $0x11  }
0xbb: {  	s0 =	sor.u32 s1, s0  }
0xbc: {  	s0 =	sadd.s32 $0x8F2B, s0  }
0xbd: {  	[sflag:s0] =	ssyncadd.remote.s32 $0x1  }
0xbe: {  	_ =	sfence.sel $0xFFFF  }
0xbf: {  	[dreg:$0x0] =	wrdreg $0xFFFFFFFF;
	(pc) =	sbr.abs _section_cstart, $3  }
0xc0: {  	[dreg:$0x1] =	wrdreg $0xFFFFFFFF  }
0xc1: {  	_ =	task.clear_ibuf [dreg:s6], $0x2FFFF;
	_ =	strace $0x9FFFFFFF  }
0xc2: {  	(tm) =	ssettm $0x7FFFFFFF  }
0xc3: {  	_ =	shalt  }
tec
execute0_lowered:
.L_overlay_start_1:
0x0: {  	(tag) =	ssettag $0x1  }
0x1: {  	s0 =	rddreg [dreg:$0x0]  }
0x2: {  	s1 =	rddreg [dreg:$0x1];
	s2 =	simm.s32 $0x0;
	s3 =	srdreg.scid  }
0x3: {  	s13 =	simm.s32 $0x32;
	s14 =	simm.s32 $0x2800;
	s15 =	simm.s32 $0x80  }
0x4: {  	s16 =	simm.s32 $0x4400;
	s17 =	simm.s32 $0x100;
	s18 =	simm.s32 $0x6000  }
0x5: {  	s19 =	simm.s32 $0x180;
	s20 =	simm.s32 $0x7C00;
	s21 =	simm.s32 $0x1  }
0x6: {  	s22 =	simm.s32 $0x2;
	s23 =	simm.s32 $0x3;
	s24 =	simm.s32 $0x4  }
0x7: {  	s25 =	simm.s32 $0x2600;
	s26 =	simm.s32 $0x2680;
	s28 =	simm.s32 $0x2700  }
0x8: {  	s29 =	simm.s32 $0x2780;
	[smem:$0x7FF] =	sst s2;
	s7 =	sand.u32 $0x1, s3  }
0x9: {  	s4 =	sadd.s32 $0x50200, s0;
	s5 =	sadd.s32 $0x37200, s0;
	s6 =	sadd.s32 $0x1E200, s0  }
0xa: {  	s3 =	stileid.u32;
	_ =	strace $0x8000004D;
	s8 =	smul.u32 $0x138800, s7  }
0xb: {  	s9 =	sshll.u32 s3, $0xA;
	s10 =	ssub.s32 $0x2, s7;
	s11 =	sshll.u32 s3, $0x1  }
0xc: {  	s12 =	sshrl.u32 s10, $0x1;
	s7 =	sor.u32 s7, s11;
	s8 =	sadd.s32 s9, s8  }
0xd: {  	s31 =	ssub.s32 s10, s12;
	s9 =	sadd.s32 s9, s1;
	s8 =	sshrl.u32 s8, $0x3  }
0xe: {  	[dreg:$0x5] =	wrdreg s9;
	s0 =	sadd.s32 s8, s0;
	s8 =	smax.u32 s31, $0x1  }
0xf: {  	s11 =	simm.s32 $0x5;
	[dreg:$0x4] =	wrdreg s8;
	s0 =	sadd.s32 $0x9E600, s0  }
0x10: {  	v0 =	vimm.f32 $0.0e+00;
	s7 =	smul.u32 $0x6400, s7;
	s12 =	simm.s32 $0x1400;
	[dreg:$0x6] =	wrdreg s0  }
.LBB2_1:
0x11: {  	s0 =	simm.s32 $0x0;
	s8 =	simm.s32 $0x0  }
.LBB2_2:
0x12: {  	p0 =	sne.s32 s8, $0xFC0  }
.Ltmp0:
0x13: {  	_ = 	snop;
	(pc) =	sbr.rel @p0 .LBB2_2-.Ltmp0, $4  }
0x14: {  	s10 =	sand.u32 $0xE00, s8  }
0x15: {  	s30 =	sand.u32 $0x70, s0;
	s10 =	sshrl.u32 s10, $0x2  }
0x16: {  	s10 =	sor.u32 s30, s10  }
0x17: {  	s0 =	sadd.s32 $0x10, s0;
	s8 =	sadd.s32 $0x40, s8;
	[tilespmem:s10+$0x9800] =	vst v0  }
0x18: {  	s0 =	sadd.s32 $0x0, s3  }
0x19: {  	p0 =	sgt.u32 s0, $0x4E1  }
0x1a: {  	s0 =	simm.s32 @!p0 $0x9800;
	s31 =	simm.s32 @!p0 $0x5  }
0x1b: {  	[spmem:s9] =	stream.linear.scatter @!p0 [tilespmem:s0], [sflag:$0x5], $0x400, $0x38;
	[tilespmem:$0x1D480] =	vst v63  }
0x1c: {  	s8 =	simm.s32 $0x10;
	_ =	swait.ge @!p0 [sflag:s31], $0x400  }
0x1d: {  	s30 =	simm.s32 $0x20;
	s0 =	sadd.s32 $0x4000, s9;
	[sflag:s31] =	ssyncset.done @!p0 $0x0  }
.LBB2_4:
0x1e: {  	s10 =	sadd.s32 s8, s3;
	s8 =	smov.u32 s30;
	s30 =	sadd.s32 $0x10, s30  }
0x1f: {  	[sflag:s31] =	ssyncadd.s32 @!p0 $0xFFFFFC00;
	p1 =	sne.s32 s30, $0x4F0  }
.Ltmp1:
0x20: {  	p0 =	sgt.u32 s10, $0x4E1;
	(pc) =	sbr.rel @p1 .LBB2_4-.Ltmp1, $4  }
0x21: {  	s10 =	simm.s32 @!p0 $0x9800;
	s31 =	simm.s32 @!p0 $0x5  }
0x22: {  	[spmem:s0] =	stream.linear.scatter @!p0 [tilespmem:s10], [sflag:$0x5], $0x400, $0x38;
	[tilespmem:$0x1D480] =	vst v63  }
0x23: {  	_ =	swait.ge @!p0 [sflag:s31], $0x400  }
0x24: {  	s0 =	sadd.s32 $0x4000, s0;
	[sflag:s31] =	ssyncset.done @!p0 $0x0  }
0x25: {  	s8 =	sadd.s32 s8, s3  }
0x26: {  	p1 =	sgt.u32 s8, $0x4E1  }
0x27: {  	[sflag:s31] =	ssyncadd.s32 @!p0 $0xFFFFFC00;
	s8 =	simm.s32 @!p1 $0x9800;
	s10 =	simm.s32 @!p1 $0x5  }
0x28: {  	[spmem:s0] =	stream.linear.scatter @!p1 [tilespmem:s8], [sflag:$0x5], $0x400, $0x38;
	[tilespmem:$0x1D480] =	vst v63  }
0x29: {  	_ =	swait.ge @!p1 [sflag:s10], $0x400  }
0x2a: {  	[sflag:s10] =	ssyncset.done @!p1 $0x0  }
0x2b: {  	[sflag:s10] =	ssyncadd.s32 @!p1 $0xFFFFFC00  }
0x2c: {  	s30 =	simm.s32 $0x0;
	s31 =	simm.s32 $0x0;
	[bflag:$0x0] =	sbarrier.arrive $0xFFFF  }
.LBB2_6:
0x2d: {  	s0 =	smul.u32 $0x1400, s31;
	_ =	sdelay $0x1  }
0x2e: {  	s0 =	sadd.s32 s7, s0  }
0x2f: {  	s0 =	sshrl.u32 s0, $0x3  }
0x30: {  	s8 =	sadd.s32 s5, s0  }
0x31: {  	[tilespmem:s30], [sflag:$0x5] =	stream.linear.gather [hbm4b:s8+s30], $0x1400, $0x38;
	[tilespmem:$0x1D480] =	vst v63  }
0x32: {  	_ =	swait.ge [sflag:s11], $0x1400  }
0x33: {  	[sflag:s11] =	ssyncset.done $0x0  }
0x34: {  	s0 =	sadd.s32 s6, s0;
	[sflag:s11] =	ssyncadd.s32 $0xFFFFEC00  }
0x35: {  	[tilespmem:s12], [sflag:$0x5] =	stream.linear.gather [hbm4b:s0+s30], $0x1400, $0x38;
	[tilespmem:$0x1D480] =	vst v63  }
0x36: {  	_ =	swait.ge [sflag:s11], $0x1400  }
0x37: {  	[sflag:s11] =	ssyncset.done $0x0  }
0x38: {  	[sflag:s11] =	ssyncadd.s32 $0xFFFFEC00  }
0x39: {  	[tilespmem:s14], [sflag:$0x1] =	stream.indirect.gather [hbm4b:s4+s13], $0x80, s30, s13, $0xb8;
	[tilespmem:$0x1D480] =	vst v63  }
0x3a: {  	_ = 	snop  }
0x3b: {  	[tilespmem:s16], [sflag:$0x2] =	stream.indirect.gather [hbm4b:s4+s13], $0x80, s15, s13, $0xb8;
	[tilespmem:$0x1D480] =	vst v63  }
0x3c: {  	_ = 	snop  }
0x3d: {  	[tilespmem:s18], [sflag:$0x3] =	stream.indirect.gather [hbm4b:s4+s13], $0x80, s17, s13, $0xb8;
	[tilespmem:$0x1D480] =	vst v63  }
0x3e: {  	_ = 	snop  }
0x3f: {  	[tilespmem:s20], [sflag:$0x4] =	stream.indirect.gather [hbm4b:s4+s13], $0x80, s19, s13, $0xb8;
	[tilespmem:$0x1D480] =	vst v63  }
0x40: {  	_ =	swait.ge [sflag:s21], $0x1900  }
0x41: {  	[sflag:s21] =	ssyncset.done $0x0  }
0x42: {  	s10 =	simm.s32 $0x1400;
	[sflag:s21] =	ssyncadd.s32 $0xFFFFE700  }
0x43: {  	[spmem:s1] =	stream.indirect.scatter.add.f32 [tilespmem:s14], [sflag:$0x5], $0x80, s10, s13, $0xb8;
	[tilespmem:$0x1D480] =	vst v63  }
0x44: {  	_ =	swait.ge [sflag:s11], $0x1900  }
0x45: {  	[sflag:s11] =	ssyncset.done $0x0  }
0x46: {  	s8 =	simm.s32 $0x200;
	[sflag:s11] =	ssyncadd.s32 $0xFFFFE700  }
0x47: {  	[tilespmem:s14], [sflag:$0x1] =	stream.indirect.gather [hbm4b:s4+s13], $0x80, s8, s13, $0xb8;
	[tilespmem:$0x1D480] =	vst v63  }
0x48: {  	_ =	swait.ge [sflag:s22], $0x1900  }
0x49: {  	[sflag:s22] =	ssyncset.done $0x0  }
0x4a: {  	s10 =	simm.s32 $0x1480;
	[sflag:s22] =	ssyncadd.s32 $0xFFFFE700  }
0x4b: {  	[spmem:s1] =	stream.indirect.scatter.add.f32 [tilespmem:s16], [sflag:$0x5], $0x80, s10, s13, $0xb8;
	[tilespmem:$0x1D480] =	vst v63  }
0x4c: {  	_ =	swait.ge [sflag:s11], $0x1900  }
0x4d: {  	[sflag:s11] =	ssyncset.done $0x0  }
0x4e: {  	s8 =	simm.s32 $0x280;
	[sflag:s11] =	ssyncadd.s32 $0xFFFFE700  }
0x4f: {  	[tilespmem:s16], [sflag:$0x2] =	stream.indirect.gather [hbm4b:s4+s13], $0x80, s8, s13, $0xb8;
	[tilespmem:$0x1D480] =	vst v63  }
0x50: {  	_ =	swait.ge [sflag:s23], $0x1900  }
0x51: {  	[sflag:s23] =	ssyncset.done $0x0  }
0x52: {  	s10 =	simm.s32 $0x1500;
	[sflag:s23] =	ssyncadd.s32 $0xFFFFE700  }
0x53: {  	[spmem:s1] =	stream.indirect.scatter.add.f32 [tilespmem:s18], [sflag:$0x5], $0x80, s10, s13, $0xb8;
	[tilespmem:$0x1D480] =	vst v63  }
0x54: {  	_ =	swait.ge [sflag:s11], $0x1900  }
0x55: {  	[sflag:s11] =	ssyncset.done $0x0  }
0x56: {  	s8 =	simm.s32 $0x300;
	[sflag:s11] =	ssyncadd.s32 $0xFFFFE700  }
0x57: {  	[tilespmem:s18], [sflag:$0x3] =	stream.indirect.gather [hbm4b:s4+s13], $0x80, s8, s13, $0xb8;
	[tilespmem:$0x1D480] =	vst v63  }
0x58: {  	_ =	swait.ge [sflag:s24], $0x1900  }
0x59: {  	[sflag:s24] =	ssyncset.done $0x0  }
0x5a: {  	s10 =	simm.s32 $0x1580;
	[sflag:s24] =	ssyncadd.s32 $0xFFFFE700  }
0x5b: {  	[spmem:s1] =	stream.indirect.scatter.add.f32 [tilespmem:s20], [sflag:$0x5], $0x80, s10, s13, $0xb8;
	[tilespmem:$0x1D480] =	vst v63  }
0x5c: {  	_ =	swait.ge [sflag:s11], $0x1900  }
0x5d: {  	[sflag:s11] =	ssyncset.done $0x0  }
0x5e: {  	s0 =	simm.s32 $0x800;
	s8 =	simm.s32 $0x380;
	[sflag:s11] =	ssyncadd.s32 $0xFFFFE700  }
.LBB2_7:
0x5f: {  	[tilespmem:s20], [sflag:$0x4] =	stream.indirect.gather [hbm4b:s4+s13], $0x80, s8, s13, $0xb8;
	[tilespmem:$0x1D480] =	vst v63  }
0x60: {  	s8 =	smov.u32 s0  }
0x61: {  	p0 =	sne.s32 s0, $0x4000;
	s0 =	sadd.s32 $0x800, s0;
	_ =	swait.ge [sflag:s21], $0x1900  }
0x62: {  	s8 =	sshra.s32 s8, $0x2;
	[sflag:s21] =	ssyncset.done $0x0  }
0x63: {  	s10 =	sadd.s32 $0x1400, s8;
	[sflag:s21] =	ssyncadd.s32 $0xFFFFE700  }
0x64: {  	[spmem:s1] =	stream.indirect.scatter.add.f32 [tilespmem:s14], [sflag:$0x5], $0x80, s10, s13, $0xb8;
	[tilespmem:$0x1D480] =	vst v63  }
0x65: {  	_ =	swait.ge [sflag:s11], $0x1900  }
0x66: {  	[sflag:s11] =	ssyncset.done $0x0  }
0x67: {  	s10 =	sadd.s32 $0x200, s8;
	[sflag:s11] =	ssyncadd.s32 $0xFFFFE700  }
0x68: {  	[tilespmem:s14], [sflag:$0x1] =	stream.indirect.gather [hbm4b:s4+s13], $0x80, s10, s13, $0xb8;
	[tilespmem:$0x1D480] =	vst v63  }
0x69: {  	_ =	swait.ge [sflag:s22], $0x1900  }
0x6a: {  	[sflag:s22] =	ssyncset.done $0x0  }
0x6b: {  	s10 =	sadd.s32 $0x1480, s8;
	[sflag:s22] =	ssyncadd.s32 $0xFFFFE700  }
0x6c: {  	[spmem:s1] =	stream.indirect.scatter.add.f32 [tilespmem:s16], [sflag:$0x5], $0x80, s10, s13, $0xb8;
	[tilespmem:$0x1D480] =	vst v63  }
0x6d: {  	_ =	swait.ge [sflag:s11], $0x1900  }
0x6e: {  	[sflag:s11] =	ssyncset.done $0x0  }
0x6f: {  	s10 =	sadd.s32 $0x280, s8;
	[sflag:s11] =	ssyncadd.s32 $0xFFFFE700  }
0x70: {  	[tilespmem:s16], [sflag:$0x2] =	stream.indirect.gather [hbm4b:s4+s13], $0x80, s10, s13, $0xb8;
	[tilespmem:$0x1D480] =	vst v63  }
0x71: {  	_ =	swait.ge [sflag:s23], $0x1900  }
0x72: {  	[sflag:s23] =	ssyncset.done $0x0  }
0x73: {  	s10 =	sadd.s32 $0x1500, s8;
	[sflag:s23] =	ssyncadd.s32 $0xFFFFE700  }
0x74: {  	[spmem:s1] =	stream.indirect.scatter.add.f32 [tilespmem:s18], [sflag:$0x5], $0x80, s10, s13, $0xb8;
	[tilespmem:$0x1D480] =	vst v63  }
0x75: {  	_ =	swait.ge [sflag:s11], $0x1900  }
0x76: {  	[sflag:s11] =	ssyncset.done $0x0  }
0x77: {  	s10 =	sadd.s32 $0x300, s8;
	[sflag:s11] =	ssyncadd.s32 $0xFFFFE700  }
0x78: {  	[tilespmem:s18], [sflag:$0x3] =	stream.indirect.gather [hbm4b:s4+s13], $0x80, s10, s13, $0xb8;
	[tilespmem:$0x1D480] =	vst v63  }
0x79: {  	_ =	swait.ge [sflag:s24], $0x1900  }
0x7a: {  	[sflag:s24] =	ssyncset.done $0x0  }
.Ltmp2:
0x7b: {  	s10 =	sadd.s32 $0x1580, s8;
	[sflag:s24] =	ssyncadd.s32 $0xFFFFE700;
	(pc) =	sbr.rel @p0 .LBB2_7-.Ltmp2, $4  }
0x7c: {  	[spmem:s1] =	stream.indirect.scatter.add.f32 [tilespmem:s20], [sflag:$0x5], $0x80, s10, s13, $0xb8;
	[tilespmem:$0x1D480] =	vst v63  }
0x7d: {  	_ =	swait.ge [sflag:s11], $0x1900  }
0x7e: {  	[sflag:s11] =	ssyncset.done $0x0  }
0x7f: {  	s8 =	sadd.s32 $0x380, s8;
	[sflag:s11] =	ssyncadd.s32 $0xFFFFE700  }
0x80: {  	[tilespmem:s20], [sflag:$0x4] =	stream.indirect.gather [hbm4b:s4+s13], $0x80, s8, s13, $0xb8;
	[tilespmem:$0x1D480] =	vst v63  }
0x81: {  	_ =	swait.ge [sflag:s21], $0x1900  }
0x82: {  	[sflag:s21] =	ssyncset.done $0x0  }
0x83: {  	[sflag:s21] =	ssyncadd.s32 $0xFFFFE700  }
0x84: {  	[spmem:s1] =	stream.indirect.scatter.add.f32 [tilespmem:s14], [sflag:$0x5], $0x80, s25, s13, $0xb8;
	[tilespmem:$0x1D480] =	vst v63  }
0x85: {  	_ =	swait.ge [sflag:s11], $0x1900  }
0x86: {  	[sflag:s11] =	ssyncset.done $0x0  }
0x87: {  	[sflag:s11] =	ssyncadd.s32 $0xFFFFE700  }
0x88: {  	_ =	swait.ge [sflag:s22], $0x1900  }
0x89: {  	[sflag:s22] =	ssyncset.done $0x0  }
0x8a: {  	[sflag:s22] =	ssyncadd.s32 $0xFFFFE700  }
0x8b: {  	[spmem:s1] =	stream.indirect.scatter.add.f32 [tilespmem:s16], [sflag:$0x5], $0x80, s26, s13, $0xb8;
	[tilespmem:$0x1D480] =	vst v63  }
0x8c: {  	_ =	swait.ge [sflag:s11], $0x1900  }
0x8d: {  	[sflag:s11] =	ssyncset.done $0x0  }
0x8e: {  	[sflag:s11] =	ssyncadd.s32 $0xFFFFE700  }
0x8f: {  	_ =	swait.ge [sflag:s23], $0x1900  }
0x90: {  	[sflag:s23] =	ssyncset.done $0x0  }
0x91: {  	[sflag:s23] =	ssyncadd.s32 $0xFFFFE700  }
0x92: {  	[spmem:s1] =	stream.indirect.scatter.add.f32 [tilespmem:s18], [sflag:$0x5], $0x80, s28, s13, $0xb8;
	[tilespmem:$0x1D480] =	vst v63  }
0x93: {  	_ =	swait.ge [sflag:s11], $0x1900  }
0x94: {  	[sflag:s11] =	ssyncset.done $0x0  }
0x95: {  	[sflag:s11] =	ssyncadd.s32 $0xFFFFE700  }
0x96: {  	s31 =	sadd.s32 $0x1, s31;
	_ =	swait.ge [sflag:s24], $0x1900  }
0x97: {  	p0 =	sne.s32 s31, $0x5;
	[sflag:s24] =	ssyncset.done $0x0  }
.Ltmp3:
0x98: {  	[sflag:s24] =	ssyncadd.s32 $0xFFFFE700;
	(pc) =	sbr.rel @p0 .LBB2_6-.Ltmp3, $4  }
0x99: {  	[spmem:s1] =	stream.indirect.scatter.add.f32 [tilespmem:s20], [sflag:$0x5], $0x80, s29, s13, $0xb8;
	[tilespmem:$0x1D480] =	vst v63  }
0x9a: {  	_ =	swait.ge [sflag:s11], $0x1900  }
0x9b: {  	[sflag:s11] =	ssyncset.done $0x0  }
0x9c: {  	[sflag:s11] =	ssyncadd.s32 $0xFFFFE700  }
0x9d: {  	s0 =	sadd.s32 $0x0, s3  }
0x9e: {  	[dreg:$0x3] =	wrdreg s2;
	p0 =	sgt.u32 s0, $0x4E1  }
0x9f: {  	[bflag:$0x0] =	sbarrier.arrive $0xFFFF;
	s0 =	sshll.u32 @!p0 s3, $0x6;
	s8 =	sshrl.u32 @!p0 s9, $0x3  }
0xa0: {  	s31 =	simm.s32 @!p0 $0x5;
	s2 =	rddreg [dreg:$0x6];
	s0 =	sor.u32 @!p0 $0x1C05, s0  }
0xa1: {  	[hbm:s2], [sflag:s0] =	dma.local @!p0 [spmem:s8], $0x80  }
0xa2: {  	s30 =	simm.s32 $0x20;
	s10 =	sadd.s32 $0x10, s3;
	_ =	swait.ge @!p0 [sflag:s31], $0x80  }
0xa3: {  	s0 =	sadd.s32 $0x4000, s9;
	s8 =	sadd.s32 $0x800, s2;
	[sflag:s31] =	ssyncset.done @!p0 $0x0  }
.LBB2_10:
0xa4: {  	[sflag:s31] =	ssyncadd.s32 @!p0 $0xFFFFFF80  }
0xa5: {  	p0 =	sgt.u32 s10, $0x4E1;
	s10 =	smov.u32 s30;
	s30 =	sadd.s32 $0x10, s30  }
0xa6: {  	p1 =	sne.s32 s30, $0x4F0  }
.Ltmp4:
0xa7: {  	s31 =	sshll.u32 @!p0 s3, $0x6;
	s9 =	sshrl.u32 @!p0 s0, $0x3;
	(pc) =	sbr.rel @p1 .LBB2_10-.Ltmp4, $4  }
0xa8: {  	s2 =	sor.u32 @!p0 $0x1C05, s31;
	s31 =	simm.s32 @!p0 $0x5  }
0xa9: {  	[hbm:s8], [sflag:s2] =	dma.local @!p0 [spmem:s9], $0x80  }
0xaa: {  	s0 =	sadd.s32 $0x4000, s0;
	_ =	swait.ge @!p0 [sflag:s31], $0x80  }
0xab: {  	s10 =	sadd.s32 s10, s3;
	s8 =	sadd.s32 $0x800, s8;
	[sflag:s31] =	ssyncset.done @!p0 $0x0  }
0xac: {  	p1 =	sgt.u32 s10, $0x4E1  }
0xad: {  	[sflag:s31] =	ssyncadd.s32 @!p0 $0xFFFFFF80;
	s2 =	sshll.u32 @!p1 s3, $0x6  }
0xae: {  	s0 =	sshrl.u32 @!p1 s0, $0x3;
	s9 =	simm.s32 @!p1 $0x5;
	s2 =	sor.u32 @!p1 $0x1C05, s2  }
0xaf: {  	[hbm:s8], [sflag:s2] =	dma.local @!p1 [spmem:s0], $0x80  }
0xb0: {  	_ =	swait.ge @!p1 [sflag:s9], $0x80  }
0xb1: {  	s30 =	rddreg [dreg:$0x3]  }
0xb2: {  	s31 =	rddreg [dreg:$0x4];
	s2 =	sadd.s32 $0x1, s30  }
0xb3: {  	p0 =	sne.s32 s2, s31  }
.Ltmp5:
0xb4: {  	_ = 	snop;
	(pc) =	sbr.rel @p0 .LBB2_1-.Ltmp5, $3  }
0xb5: {  	_ =	sdelay $0x1  }
0xb6: {  	[sflag:s9] =	ssyncset.done @!p1 $0x0  }
0xb7: {  	[sflag:s9] =	ssyncadd.s32 @!p1 $0xFFFFFF80;
	s9 =	rddreg [dreg:$0x5]  }
0xb8: {  	_ =	sfence.sel $0x180000  }
0xb9: {  	[bflag:$0x0] =	sbarrier.arrive $0xFFFF  }
0xba: {  	_ =	strace $0x9000004D  }
0xbb: {  	[bflag:$0x2] =	sbarrier.arrive $0xFFFF  }
0xbc: {  	p0 =	sne.s32 s3, $0x0;
	s0 =	rddreg [dreg:$0x2]  }
0xbd: {  	s0 =	sadd.s32 @!p0 $0x100000, s0  }
0xbe: {  	[sflag:s0] =	ssyncadd.tile.s32 @!p0 $0x1;
	_ =	shalt  }
.Lfunc_end2:
_tile_overlayer_lowered:
.L_overlay_start_2:
0xbf: {  	(tag) =	ssettag $0x2  }
0xc0: {  	s0 =	rddreg [dreg:$0x0];
	s2 =	stileid.u32  }
0xc1: {  	s1 =	rddreg [dreg:$0x1];
	p0 =	sne.s32 s2, $0x0  }
0xc2: {  	s3 =	rddreg [dreg:$0x2];
	[bflag:$0x3] =	sbarrier.arrive $0xFFFF;
	s2 =	simm.s32 @!p0 $0x1C05  }
0xc3: {  	[timem:s3], [sflag:s2] =	dma.local @!p0 [hbm:s0], s1  }
0xc4: {  	s0 =	simm.s32 @!p0 $0x5  }
0xc5: {  	_ =	swait.ge @!p0 [sflag:s0], s1  }
0xc6: {  	s1 =	ssub.s32 @!p0 $0x0, s1;
	[sflag:s0] =	ssyncset.done @!p0 $0x0  }
0xc7: {  	[sflag:s0] =	ssyncadd.s32 @!p0 s1  }
0xc8: {  	[bflag:$0x3] =	sbarrier.arrive $0xFFFF  }
0xc9: {  	_ =	shalt  }

// kernel: kernel.20.cloned.1.call-start
scs
__scs_entry_jumppad:
0x0: {  	(pc) =	sbr.rel $0x88, $3  }
0x1: {  	(tag) =	ssettag $0x0;
	lr =	simm.s32 $0x1  }
0x2: {  	[smem:$0x3F90] =	sst lr;
	_ =	strace $0xD0000000  }
0x3: {  	_ = 	snop  }
0x4: {  	_ = 	snop  }
0x5: {  	_ = 	snop  }
0x6: {  	_ = 	snop  }
0x7: {  	_ = 	snop  }
__scs_overlays_trampoline_lowered:
0x8: {  	[smem:$0x3F9F] =	sst s0  }
0x9: {  	[smem:$0x3FA0] =	sst s1  }
0xa: {  	[smem:$0x3FA1] =	sst s2  }
0xb: {  	[smem:$0x3FA2] =	sst s3  }
0xc: {  	[smem:$0x3FA3] =	sst s4  }
0xd: {  	[smem:$0x3FA4] =	sst s5  }
0xe: {  	[smem:$0x3FA5] =	sst s6  }
0xf: {  	[smem:$0x3FA6] =	sst s7  }
0x10: {  	[smem:$0x3FA7] =	sst s8  }
0x11: {  	[smem:$0x3FA8] =	sst s9;
	s0 =	simm.s32 @!p0 $0x0  }
0x12: {  	s1 =	sld [smem:$0x3F8E];
	s0 =	simm.s32 @p0 $0x1  }
0x13: {  	[smem:$0x3FA9] =	sst s0;
	s0 =	simm.s32 @!p1 $0x0  }
0x14: {  	s2 =	sld [smem:$0x3F8D];
	s0 =	simm.s32 @p1 $0x1  }
0x15: {  	[smem:$0x3FAA] =	sst s0;
	s0 =	simm.s32 @!p2 $0x0  }
0x16: {  	s3 =	sld [smem:$0x3FDB];
	s0 =	simm.s32 @p2 $0x1  }
0x17: {  	s4 =	simm.s32 $0x1BF5;
	[smem:$0x3FAC] =	sst s0  }
0x18: {  	s0 =	sld [smem:$0x3F8F];
	_ =	swait.ge [sflag:s4], $0x0  }
0x19: {  	s7 =	sld [smem:$0x3F90]  }
0x1a: {  	s8 =	sadd.s32 $0xFFFFE003, lr  }
0x1b: {  	s9 =	sadd.s32 $0xFFFFFEF7, lr;
	s5 =	simm.s32 $0xFFFFFFFF;
	p2 =	slt.u32 s8, $0xFFFFF086  }
0x1c: {  	p1 =	slt.u32 s9, $0xF7A;
	s5 =	simm.s32 @!p2 $0x0  }
0x1d: {  	s5 =	simm.s32 @p1 $0x1;
	p0 =	seq.s32 s7, s2  }
0x1e: {  	s7 =	smul.u32 @!p0 $0xF7A, s2;
	p2 =	seq.s32 @!p0 s5, $0x0  }
0x1f: {  	s9 =	smul.u32 $0xF7A, s1;
	s8 =	simm.s32 @!p0 $0x1BF5;
	p2 =	por !p2, p0  }
0x20: {  	[sflag:s8] =	ssyncset.s32 @!p0 $0xFFFFF086;
	s6 =	sadd.s32 @!p0 s3, s7;
	s7 =	simm.s32 @!p0 $0x108  }
0x21: {  	s3 =	sadd.s32 s3, s9;
	s6 =	sadd.s32 @!p0 $0x88, s6;
	s7 =	simm.s32 @p2 $0x1082  }
0x22: {  	[simem:s7], [sflag:s8] =	dma.local @!p0 [hbm:s6], $0xF7A  }
0x23: {  	s9 =	sor.u32 $0xD0000000, s2;
	s6 =	simm.s32 $0x108;
	_ =	swait.ge @!p0 [sflag:s8], $0x0  }
0x24: {  	s3 =	sadd.s32 $0x88, s3;
	s6 =	simm.s32 @!p1 $0x1082;
	[sflag:s4] =	ssyncset.s32 $0xFFFFF086  }
0x25: {  	[simem:s6], [sflag:s4] =	dma.local [hbm:s3], $0xF7A  }
0x26: {  	[smem:$0x3F90] =	sst s1;
	(tag) =	ssettag s2;
	_ =	strace s9  }
0x27: {  	s1 =	sld [smem:$0x3FA0]  }
0x28: {  	s2 =	sld [smem:$0x3FA1]  }
0x29: {  	s4 =	sld [smem:$0x3FA3]  }
0x2a: {  	p0 =	seq.s32 s5, $0x0;
	s5 =	sld [smem:$0x3FA4]  }
0x2b: {  	s6 =	sld [smem:$0x3FA5]  }
0x2c: {  	s7 =	sld [smem:$0x3FA6]  }
0x2d: {  	s3 =	simm.s32 $0x108;
	s8 =	sld [smem:$0x3FA7]  }
0x2e: {  	s3 =	simm.s32 @!p0 $0x1082;
	s9 =	sld [smem:$0x3FA8]  }
0x2f: {  	lr =	sadd.s32 s0, s3;
	s0 =	sld [smem:$0x3F9F]  }
0x30: {  	s3 =	sld [smem:$0x3FA2]  }
0x31: {  	[smem:$0x3FAB] =	sst s10  }
0x32: {  	s10 =	sld [smem:$0x3FA9];
	_ =	sdelay $0x3  }
0x33: {  	p0 =	seq.s32 s10, $0x1;
	s10 =	sld [smem:$0x3FAB];
	_ =	sdelay $0x3  }
0x34: {  	[smem:$0x3FAB] =	sst s10  }
0x35: {  	s10 =	sld [smem:$0x3FAA];
	_ =	sdelay $0x3  }
0x36: {  	p1 =	seq.s32 s10, $0x1;
	s10 =	sld [smem:$0x3FAB];
	_ =	sdelay $0x3  }
0x37: {  	[smem:$0x3FAB] =	sst s10  }
0x38: {  	s10 =	sld [smem:$0x3FAC]  }
0x39: {  	_ = 	snop;
	(pc) =	sbr.ind lr, $3  }
0x3a: {  	_ = 	snop  }
0x3b: {  	_ = 	snop  }
0x3c: {  	p2 =	seq.s32 s10, $0x1;
	s10 =	sld [smem:$0x3FAB]  }
0x3d: {  	_ =	shalt  }
0x3e: {  	_ =	shalt  }
0x3f: {  	_ =	shalt  }
0x40: {  	_ =	shalt  }
0x41: {  	_ =	shalt  }
0x42: {  	_ =	shalt  }
0x43: {  	_ =	shalt  }
0x44: {  	_ =	shalt  }
0x45: {  	_ =	shalt  }
0x46: {  	_ =	shalt  }
0x47: {  	_ =	shalt  }
0x48: {  	_ =	shalt  }
0x49: {  	_ =	shalt  }
0x4a: {  	_ =	shalt  }
0x4b: {  	_ =	shalt  }
0x4c: {  	_ =	shalt  }
0x4d: {  	_ =	shalt  }
0x4e: {  	_ =	shalt  }
0x4f: {  	_ =	shalt  }
0x50: {  	_ =	shalt  }
0x51: {  	_ =	shalt  }
0x52: {  	_ =	shalt  }
0x53: {  	_ =	shalt  }
0x54: {  	_ =	shalt  }
0x55: {  	_ =	shalt  }
0x56: {  	_ =	shalt  }
0x57: {  	_ =	shalt  }
0x58: {  	_ =	shalt  }
0x59: {  	_ =	shalt  }
0x5a: {  	_ =	shalt  }
0x5b: {  	_ =	shalt  }
0x5c: {  	_ =	shalt  }
0x5d: {  	_ =	shalt  }
0x5e: {  	_ =	shalt  }
0x5f: {  	_ =	shalt  }
0x60: {  	_ =	shalt  }
0x61: {  	_ =	shalt  }
0x62: {  	_ =	shalt  }
0x63: {  	_ =	shalt  }
0x64: {  	_ =	shalt  }
0x65: {  	_ =	shalt  }
0x66: {  	_ =	shalt  }
0x67: {  	_ =	shalt  }
0x68: {  	_ =	shalt  }
0x69: {  	_ =	shalt  }
0x6a: {  	_ =	shalt  }
0x6b: {  	_ =	shalt  }
0x6c: {  	_ =	shalt  }
0x6d: {  	_ =	shalt  }
0x6e: {  	_ =	shalt  }
0x6f: {  	_ =	shalt  }
0x70: {  	_ =	shalt  }
0x71: {  	_ =	shalt  }
0x72: {  	_ =	shalt  }
0x73: {  	_ =	shalt  }
0x74: {  	_ =	shalt  }
0x75: {  	_ =	shalt  }
0x76: {  	_ =	shalt  }
0x77: {  	_ =	shalt  }
0x78: {  	_ =	shalt  }
0x79: {  	_ =	shalt  }
0x7a: {  	_ =	shalt  }
0x7b: {  	_ =	shalt  }
0x7c: {  	_ =	shalt  }
0x7d: {  	_ =	shalt  }
0x7e: {  	_ =	shalt  }
0x7f: {  	_ =	shalt  }
0x80: {  	_ =	shalt  }
0x81: {  	_ =	shalt  }
0x82: {  	_ =	shalt  }
0x83: {  	_ =	shalt  }
0x84: {  	_ =	shalt  }
0x85: {  	_ =	shalt  }
0x86: {  	_ =	shalt  }
0x87: {  	_ =	shalt  }
.Lfunc_end0:
.L_simem_size_0:
called_computation.3_lowered:
.L_overlay_start_0:
0x88: {  	s2 =	sld [smem:$0x3FD9]  }
0x89: {  	s3 =	sld [smem:$0x3FFE];
	_ =	sdelay $0x1  }
0x8a: {  	s1 =	srdreg.scid  }
0x8b: {  	s0 =	sand.u32 $0x1, s1  }
0x8c: {  	s16 =	sshll.u32 s0, $0xA;
	s2 =	sadd.s32 s3, s2  }
0x8d: {  	s2 =	sadd.s32 s2, s16  }
0x8e: {  	[smem:$0x3FB7] =	sst s2  }
0x8f: {  	_ = 	snop  }
0x90: {  	(tm) =	ssettm $0x1  }
0x91: {  	s17 =	sld [smem:$0x3FFB];
	_ =	sdelay $0x3  }
0x92: {  	_ =	strace s17  }
0x93: {  	s2 =	sld [smem:$0x3FFC];
	_ =	sdelay $0x3  }
0x94: {  	_ =	strace s2  }
0x95: {  	s2 =	sld [smem:$0x3FFD];
	_ =	sdelay $0x3  }
0x96: {  	_ =	strace s2  }
0x97: {  	_ =	strace $0x8FFFFFFF  }
0x98: {  	s18 =	sld [smem:$0x3FDB];
	_ =	sdelay $0x1  }
0x99: {  	s19 =	simm.s32 $_scs_section_size  }
0x9a: {  	s4 =	simm.s32 $_size__tile_overlayer_lowered;
	s5 =	simm.s32 $_tile_overlayer_lowered  }
0x9b: {  	s22 =	simm.s32 $0x1BFF;
	s21 =	sshll.u32 s5, $0x1;
	s2 =	sadd.s32 s19, s18  }
0x9c: {  	s6 =	simm.s32 $0x0;
	s20 =	sshll.u32 s4, $0x1;
	s4 =	sadd.s32 s21, s2  }
0x9d: {  	[timem:s6], [sflag:s22] =	dma.local [hbm:s4], s20  }
0x9e: {  	_ =	swait.ge [sflag:s22], s20  }
0x9f: {  	s3 =	ssub.s32 $0x0, s20;
	[sflag:s22] =	ssyncset.done $0x0  }
0xa0: {  	[sflag:s22] =	ssyncadd.s32 s3;
	_ =	sdelay $0x1  }
0xa1: {  	s23 =	simm.s32 $0x1B8B  }
0xa2: {  	_ =	swait.ge [sflag:s23], $0x1  }
0xa3: {  	[sflag:s23] =	ssyncset.done $0x0  }
0xa4: {  	s25 =	simm.s32 $0x1B8E;
	s24 =	sld [smem:$0x3FFE];
	[sflag:s23] =	ssyncadd.s32 $0xFFFFFFFF  }
0xa5: {  	s26 =	simm.s32 $execute0_lowered;
	[smem:$0x3FD2] =	sst s25  }
0xa6: {  	s4 =	sshll.u32 s26, $0x1;
	_ =	strace $0x8000004F;
	[dreg:$0x1] =	wrdreg $0xFFFFFFFF  }
0xa7: {  	s28 =	simm.s32 $_size_execute0_lowered;
	s2 =	sadd.s32 s2, s4;
	[dreg:$0x0] =	wrdreg $0x0  }
0xa8: {  	s4 =	sshll.u32 s28, $0x1;
	[dreg:$0x2] =	wrdreg s2  }
0xa9: {  	[dreg:$0x3] =	wrdreg s4  }
0xaa: {  	[dreg:$0x4] =	wrdreg $0xC0  }
0xab: {  	_ =	task [dreg:s6], $0x5FFFF  }
0xac: {  	[dreg:$0x1] =	wrdreg $0xFFFFFFFF  }
0xad: {  	[dreg:$0x0] =	wrdreg $0x60  }
0xae: {  	[dreg:$0x2] =	wrdreg s24  }
0xaf: {  	[dreg:$0x3] =	wrdreg $0xFE800  }
0xb0: {  	[dreg:$0x4] =	wrdreg $0x9  }
0xb1: {  	_ =	task.clear_ibuf [dreg:s6], $0x5FFFF;
	_ =	strace $0x9000004F  }
0xb2: {  	s29 =	simm.s32 $0x9;
	_ =	strace $0x80000051  }
0xb3: {  	_ =	swait.ge [sflag:s29], $0x1  }
0xb4: {  	[sflag:s29] =	ssyncadd.s32 $0xFFFFFFFF  }
0xb5: {  	_ =	strace $0x90000051  }
0xb6: {  	_ =	sfence  }
0xb7: {  	s30 =	sld [smem:$0x0];
	_ =	sdelay $0x2  }
0xb8: {  	s31 =	sshll.u32 s1, $0xD;
	s1 =	sshrl.u32 s1, $0x2  }
0xb9: {  	s3 =	sand.u32 $0x4000, s31;
	s1 =	sadd.s32 s1, s30  }
0xba: {  	s0 =	sor.u32 s3, s0;
	s1 =	sshll.u32 s1, $0x11  }
0xbb: {  	s0 =	sor.u32 s1, s0  }
0xbc: {  	s0 =	sadd.s32 $0x8F2B, s0  }
0xbd: {  	[sflag:s0] =	ssyncadd.remote.s32 $0x1  }
0xbe: {  	_ =	sfence.sel $0xFFFF  }
0xbf: {  	[dreg:$0x0] =	wrdreg $0xFFFFFFFF;
	(pc) =	sbr.abs _section_cstart, $3  }
0xc0: {  	[dreg:$0x1] =	wrdreg $0xFFFFFFFF  }
0xc1: {  	_ =	task.clear_ibuf [dreg:s6], $0x2FFFF;
	_ =	strace $0x9FFFFFFF  }
0xc2: {  	(tm) =	ssettm $0x7FFFFFFF  }
0xc3: {  	_ =	shalt  }
tec
execute0_lowered:
.L_overlay_start_1:
0x0: {  	(tag) =	ssettag $0x1  }
0x1: {  	s1 =	srdreg.scid  }
0x2: {  	s0 =	stileid.u32;
	s5 =	rddreg [dreg:$0x0]  }
0x3: {  	s2 =	rddreg [dreg:$0x1];
	s22 =	simm.s32 $0x80;
	s28 =	smul.u32 $0xFA, s0  }
0x4: {  	s23 =	simm.s32 $0x50;
	s24 =	simm.s32 $0x5680;
	s17 =	smul.u32 $0xA000, s0  }
0x5: {  	s25 =	simm.s32 $0x9680;
	s6 =	sand.u32 $0x1, s1;
	s20 =	smul.u32 $0x2800, s0  }
0x6: {  	s26 =	simm.s32 $0x0;
	s1 =	rddreg [dreg:$0x2];
	s3 =	smul.u32 $0x7D, s6  }
0x7: {  	s7 =	sshll.u32 s0, $0x1;
	s18 =	sor.u32 $0x10, s0;
	s14 =	smul.u32 $0x32000, s6  }
0x8: {  	s15 =	sadd.s32 $0x10E800, s5;
	s7 =	sor.u32 s6, s7;
	s19 =	smul.u32 $0xA000, s18  }
0x9: {  	s9 =	ssub.s32 $0x2, s6;
	s30 =	smul.u32 $0x2800, s18;
	p0 =	sgt.u32 s18, $0x13  }
0xa: {  	s18 =	simm.s32 $0xD680;
	s8 =	smul.u32 $0xC8, s7;
	s10 =	sshll.u32 s7, $0xB  }
0xb: {  	s11 =	sshrl.u32 s9, $0x1;
	s7 =	smul.u32 $0x7D, s7;
	s29 =	sshrl.u32 s17, $0x2  }
0xc: {  	s4 =	sadd.s32 s3, s28;
	s3 =	simm.s32 $0x0;
	s10 =	sadd.s32 s10, s5  }
0xd: {  	s11 =	ssub.s32 s9, s11;
	s19 =	sshrl.u32 s19, $0x2;
	s20 =	sadd.s32 s14, s20  }
0xe: {  	s17 =	sadd.s32 s14, s30;
	s13 =	sshrl.u32 s4, $0x5;
	[smem:$0x7FF] =	sst s3  }
0xf: {  	s12 =	sadd.s32 s8, s5;
	s8 =	sadd.s32 $0x4400, s10;
	s9 =	sadd.s32 $0xFCE00, s10  }
0x10: {  	s11 =	smax.u32 s11, $0x1;
	s20 =	sshrl.u32 s20, $0x3;
	s4 =	smul.u32 $0x500, s13  }
0x11: {  	s17 =	sshrl.u32 s17, $0x3;
	_ =	strace $0x80000050;
	s21 =	smul.u32 $0x140, s13  }
0x12: {  	s13 =	sadd.s32 s19, s2;
	s14 =	sadd.s32 s15, s20;
	s15 =	sadd.s32 s15, s17  }
0x13: {  	s19 =	simm.s32 $0x1;
	s20 =	simm.s32 $0x2F00;
	s16 =	sadd.s32 s4, s5  }
0x14: {  	s4 =	sadd.s32 $0xFC800, s5;
	s5 =	sshrl.u32 s7, $0x5;
	s7 =	sadd.s32 $0x7D, s7  }
0x15: {  	s31 =	sshrl.u32 s21, $0x2;
	s21 =	simm.s32 $0x2880;
	s6 =	sshrl.u32 s7, $0x5  }
0x16: {  	s7 =	sadd.s32 $0xEC800, s10;
	s10 =	sadd.s32 $0x10CE00, s12;
	s12 =	sadd.s32 s29, s2  }
0x17: {  	v0 =	vimm.f32 $0.0e+00;
	v1 =	vimm.f32 $1.000000000e+00;
	s16 =	sadd.s32 $0x123A00, s16;
	s17 =	sadd.s32 $0x2F20, s31;
	p1 =	sge.u32 s5, s6  }
.LBB2_1:
0x18: {  	s28 =	sand.u32 $0xFE00, s3  }
0x19: {  	s29 =	sand.u32 $0x70, s3;
	s30 =	sshrl.u32 s28, $0x2  }
0x1a: {  	s28 =	simm.s32 $0x40;
	s30 =	sor.u32 s29, s30;
	s29 =	simm.s32 $0x0  }
.LBB2_2:
0x1b: {  	p2 =	sne.s32 s28, $0x9FC0  }
0x1c: {  	[tilespmem:s30+$0xD680] =	vst v0;
	s29 =	sadd.s32 $0x10, s29;
	s30 =	smov.u32 s28;
	s28 =	sadd.s32 $0x40, s28  }
.Ltmp0:
0x1d: {  	(pc) =	sbr.rel @p2 .LBB2_2-.Ltmp0, $4  }
0x1e: {  	_ = 	snop  }
0x1f: {  	s30 =	sand.u32 $0xFE00, s30  }
0x20: {  	s31 =	sand.u32 $0x70, s29;
	s30 =	sshrl.u32 s30, $0x2  }
0x21: {  	s30 =	sor.u32 s31, s30  }
0x22: {  	[tilespmem:s30+$0xD680] =	vst v0  }
0x23: {  	[spmem:s12] =	stream.linear.scatter [tilespmem:s18], [sflag:$0x1], $0x2800, $0x38;
	[tilespmem:$0x13080] =	vst v63  }
0x24: {  	_ =	swait.ge [sflag:s19], $0x2800  }
0x25: {  	[sflag:s19] =	ssyncset.done $0x0  }
0x26: {  	s28 =	simm.s32 @!p0 $0xD680;
	[sflag:s19] =	ssyncadd.s32 $0xFFFFD800  }
0x27: {  	[spmem:s13] =	stream.linear.scatter @!p0 [tilespmem:s28], [sflag:$0x1], $0x2800, $0x38;
	[tilespmem:$0x13080] =	vst v63  }
0x28: {  	s28 =	simm.s32 @!p0 $0x1  }
0x29: {  	_ =	swait.ge @!p0 [sflag:s28], $0x2800  }
0x2a: {  	[sflag:s28] =	ssyncset.done @!p0 $0x0  }
0x2b: {  	s29 =	simm.s32 $0x0;
	[sflag:s28] =	ssyncadd.s32 @!p0 $0xFFFFD800;
	s28 =	simm.s32 $0x40  }
.LBB2_4:
0x2c: {  	p2 =	sne.s32 s28, $0x18C0;
	[tilespmem:s29+$0x2880] =	vst v0;
	s29 =	smov.u32 s28;
	s28 =	sadd.s32 $0x40, s28  }
.Ltmp1:
0x2d: {  	(pc) =	sbr.rel @p2 .LBB2_4-.Ltmp1, $2  }
0x2e: {  	_ =	sdelay $0x2  }
0x2f: {  	s29 =	sshra.s32 s29, $0x2  }
0x30: {  	[tilespmem:s29+$0x2880] =	vst v0  }
0x31: {  	[tilespmem:s20], [sflag:$0x1] =	stream.linear.gather [hbm4b:s4+s3], $0x2780, $0x38;
	[tilespmem:$0x13080] =	vst v63  }
.Ltmp2:
0x32: {  	_ =	swait.ge [sflag:s19], $0x2780;
	(pc) =	sbr.rel @p1 .LBB2_7-.Ltmp2, $4  }
0x33: {  	[sflag:s19] =	ssyncset.done $0x0  }
0x34: {  	[sflag:s19] =	ssyncadd.s32 $0xFFFFD880  }
0x35: {  	[bflag:$0x0] =	sbarrier.arrive $0xFFFF  }
0x36: {  	s28 =	smov.u32 s17;
	s29 =	smov.u32 s16;
	s30 =	smov.u32 s5  }
.LBB2_6:
0x37: {  	v2 =	vld [tilespmem:s28+$0xFFFFFFE0];
	_ =	sdelay $0x6  }
0x38: {  	[tilespmem:$0x0] =	vst v2  }
0x39: {  	[tilespmem:v2+s21+$0x0] =	vst.idx.add.f32.msk $0xffff, v1  }
0x3a: {  	v2 =	vld [tilespmem:s28+$0xFFFFFFF0];
	_ =	sdelay $0x6  }
0x3b: {  	[tilespmem:$0x10] =	vst v2  }
0x3c: {  	[tilespmem:v2+s21+$0x0] =	vst.idx.add.f32.msk $0xffff, v1  }
0x3d: {  	v2 =	vld [tilespmem:s28+$0x0];
	_ =	sdelay $0x6  }
0x3e: {  	[tilespmem:$0x20] =	vst v2  }
0x3f: {  	[tilespmem:v2+s21+$0x0] =	vst.idx.add.f32.msk $0xffff, v1  }
0x40: {  	v2 =	vld [tilespmem:s28+$0x10];
	_ =	sdelay $0x6  }
0x41: {  	[tilespmem:$0x30] =	vst v2  }
0x42: {  	[tilespmem:v2+s21+$0x0] =	vst.idx.add.f32.msk $0xffff, v1  }
0x43: {  	v2 =	vld [tilespmem:s28+$0x20];
	_ =	sdelay $0x6  }
0x44: {  	[tilespmem:$0x40] =	vst v2  }
0x45: {  	[tilespmem:v2+s21+$0x0] =	vst.idx.add.f32.msk $0xffff, v1  }
0x46: {  	[tilespmem:s22], [sflag:$0x1] =	stream.linear.gather [hbm4b:s29+s3], $0x2800, $0x38;
	[tilespmem:$0x13080] =	vst v63  }
0x47: {  	s30 =	sadd.s32 $0x1, s30;
	_ =	swait.ge [sflag:s19], $0x2800  }
0x48: {  	p2 =	slt.u32 s30, s6;
	[sflag:s19] =	ssyncset.done $0x0  }
.Ltmp3:
0x49: {  	[sflag:s19] =	ssyncadd.s32 $0xFFFFD800;
	(pc) =	sbr.rel @p2 .LBB2_6-.Ltmp3, $4  }
0x4a: {  	[spmem:s2] =	stream.indirect.scatter.add.f32 [tilespmem:s22], [sflag:$0x1], $0x80, s3, s23, $0xb8;
	[tilespmem:$0x13080] =	vst v63  }
0x4b: {  	_ =	swait.ge [sflag:s19], $0x2800  }
0x4c: {  	[sflag:s19] =	ssyncset.done $0x0  }
0x4d: {  	s28 =	sadd.s32 $0x50, s28;
	s29 =	sadd.s32 $0x500, s29;
	[sflag:s19] =	ssyncadd.s32 $0xFFFFD800  }
.LBB2_7:
0x4e: {  	s28 =	simm.s32 $0x0  }
0x4f: {  	[tilespmem:s24], [sflag:$0x1] =	stream.linear.gather [hbm4b:s7+s28], $0x3E80, $0x38;
	[tilespmem:$0x13080] =	vst v63  }
0x50: {  	_ =	swait.ge [sflag:s19], $0x3E80  }
0x51: {  	[sflag:s19] =	ssyncset.done $0x0  }
0x52: {  	[sflag:s19] =	ssyncadd.s32 $0xFFFFC180  }
0x53: {  	[tilespmem:s25], [sflag:$0x1] =	stream.linear.gather [hbm4b:s8+s28], $0x3E80, $0x38;
	[tilespmem:$0x13080] =	vst v63  }
0x54: {  	_ =	swait.ge [sflag:s19], $0x3E80  }
0x55: {  	[sflag:s19] =	ssyncset.done $0x0  }
0x56: {  	s28 =	simm.s32 $0x0;
	[sflag:s19] =	ssyncadd.s32 $0xFFFFC180  }
0x57: {  	v2 =	vld [tilespmem:s28+$0x5680];
	_ =	sdelay $0x1  }
0x58: {  	v3 =	vld [tilespmem:s28+$0x9680];
	_ =	sdelay $0x5  }
0x59: {  	v2 =	vld.idx.msk [tilespmem:v2+s20+$0x0], $0xffff  }
0x5a: {  	v4 =	vld [tilespmem:s28+$0x5690]  }
0x5b: {  	v3 =	vld.idx.msk [tilespmem:v3+s20+$0x0], $0xffff  }
0x5c: {  	v5 =	vld [tilespmem:s28+$0x9690];
	_ =	sdelay $0x1  }
0x5d: {  	v2 =	vmul.u32 $0x640, v2;
	_ =	sdelay $0x1  }
0x5e: {  	v2 =	vadd.s32 v3, v2  }
0x5f: {  	[tilespmem:s28+$0x5680] =	vst v2  }
0x60: {  	v2 =	vld.idx.msk [tilespmem:v4+s20+$0x0], $0xffff  }
0x61: {  	v3 =	vld [tilespmem:s28+$0x56A0]  }
0x62: {  	v4 =	vld.idx.msk [tilespmem:v5+s20+$0x0], $0xffff  }
0x63: {  	v5 =	vld [tilespmem:s28+$0x96A0];
	_ =	sdelay $0x1  }
0x64: {  	v2 =	vmul.u32 $0x640, v2;
	_ =	sdelay $0x1  }
0x65: {  	v2 =	vadd.s32 v4, v2  }
0x66: {  	[tilespmem:s28+$0x5690] =	vst v2  }
0x67: {  	v2 =	vld.idx.msk [tilespmem:v3+s20+$0x0], $0xffff  }
0x68: {  	v3 =	vld [tilespmem:s28+$0x56B0]  }
0x69: {  	v4 =	vld.idx.msk [tilespmem:v5+s20+$0x0], $0xffff  }
0x6a: {  	v5 =	vld [tilespmem:s28+$0x96B0];
	_ =	sdelay $0x1  }
0x6b: {  	v2 =	vmul.u32 $0x640, v2;
	_ =	sdelay $0x1  }
0x6c: {  	v2 =	vadd.s32 v4, v2  }
0x6d: {  	[tilespmem:s28+$0x56A0] =	vst v2  }
0x6e: {  	v2 =	vld.idx.msk [tilespmem:v3+s20+$0x0], $0xffff  }
0x6f: {  	v3 =	vld [tilespmem:s28+$0x56C0]  }
0x70: {  	v4 =	vld.idx.msk [tilespmem:v5+s20+$0x0], $0xffff  }
0x71: {  	v5 =	vld [tilespmem:s28+$0x96C0];
	_ =	sdelay $0x2  }
0x72: {  	v2 =	vmul.u32 $0x640, v2;
	_ =	sdelay $0x1  }
0x73: {  	v2 =	vadd.s32 v4, v2  }
0x74: {  	[tilespmem:s28+$0x56B0] =	vst v2  }
0x75: {  	v2 =	vld.idx.msk [tilespmem:v3+s20+$0x0], $0xffff  }
0x76: {  	s30 =	simm.s32 $0x80;
	s29 =	simm.s32 $0x400;
	v3 =	vld.idx.msk [tilespmem:v5+s20+$0x0], $0xffff  }
.LBB2_8:
0x77: {  	p2 =	sne.s32 s29, $0xF800;
	v4 =	vld [tilespmem:s30+$0x5680]  }
0x78: {  	v5 =	vld [tilespmem:s30+$0x9680];
	_ =	sdelay $0x2  }
0x79: {  	v2 =	vmul.u32 $0x640, v2;
	_ =	sdelay $0x1  }
0x7a: {  	v2 =	vadd.s32 v3, v2  }
0x7b: {  	[tilespmem:s28+$0x56C0] =	vst v2;
	s28 =	smov.u32 s30  }
0x7c: {  	v2 =	vld.idx.msk [tilespmem:v4+s20+$0x0], $0xffff  }
0x7d: {  	v3 =	vld.idx.msk [tilespmem:v5+s20+$0x0], $0xffff  }
0x7e: {  	v4 =	vld [tilespmem:s28+$0x5690];
	_ =	sdelay $0x1  }
0x7f: {  	v5 =	vld [tilespmem:s28+$0x9690];
	_ =	sdelay $0x1  }
0x80: {  	v2 =	vmul.u32 $0x640, v2;
	_ =	sdelay $0x1  }
0x81: {  	v2 =	vadd.s32 v3, v2  }
0x82: {  	[tilespmem:s28+$0x5680] =	vst v2  }
0x83: {  	v2 =	vld.idx.msk [tilespmem:v4+s20+$0x0], $0xffff  }
0x84: {  	v3 =	vld [tilespmem:s28+$0x56A0]  }
0x85: {  	v4 =	vld.idx.msk [tilespmem:v5+s20+$0x0], $0xffff;
	_ =	sdelay $0x1  }
0x86: {  	v5 =	vld [tilespmem:s28+$0x96A0];
	_ =	sdelay $0x1  }
0x87: {  	v2 =	vmul.u32 $0x640, v2;
	_ =	sdelay $0x1  }
0x88: {  	v2 =	vadd.s32 v4, v2  }
0x89: {  	[tilespmem:s28+$0x5690] =	vst v2  }
0x8a: {  	v2 =	vld.idx.msk [tilespmem:v3+s20+$0x0], $0xffff  }
0x8b: {  	v3 =	vld [tilespmem:s28+$0x56B0]  }
0x8c: {  	v4 =	vld.idx.msk [tilespmem:v5+s20+$0x0], $0xffff;
	_ =	sdelay $0x1  }
0x8d: {  	v5 =	vld [tilespmem:s28+$0x96B0];
	_ =	sdelay $0x1  }
0x8e: {  	v2 =	vmul.u32 $0x640, v2;
	_ =	sdelay $0x1  }
0x8f: {  	v2 =	vadd.s32 v4, v2  }
0x90: {  	[tilespmem:s28+$0x56A0] =	vst v2  }
0x91: {  	v2 =	vld.idx.msk [tilespmem:v3+s20+$0x0], $0xffff  }
0x92: {  	v3 =	vld [tilespmem:s28+$0x56C0]  }
0x93: {  	v4 =	vld.idx.msk [tilespmem:v5+s20+$0x0], $0xffff  }
0x94: {  	v5 =	vld [tilespmem:s28+$0x96C0];
	_ =	sdelay $0x2  }
0x95: {  	v2 =	vmul.u32 $0x640, v2  }
.Ltmp4:
0x96: {  	(pc) =	sbr.rel @p2 .LBB2_8-.Ltmp4, $4  }
0x97: {  	v2 =	vadd.s32 v4, v2  }
0x98: {  	[tilespmem:s28+$0x56B0] =	vst v2  }
0x99: {  	v2 =	vld.idx.msk [tilespmem:v3+s20+$0x0], $0xffff  }
0x9a: {  	s30 =	sshra.s32 s29, $0x2;
	s29 =	sadd.s32 $0x200, s29;
	v3 =	vld.idx.msk [tilespmem:v5+s20+$0x0], $0xffff  }
0x9b: {  	v4 =	vld [tilespmem:s30+$0x5680];
	_ =	sdelay $0x1  }
0x9c: {  	v5 =	vld [tilespmem:s30+$0x9680];
	_ =	sdelay $0x1  }
0x9d: {  	v2 =	vmul.u32 $0x640, v2;
	_ =	sdelay $0x1  }
0x9e: {  	v2 =	vadd.s32 v3, v2  }
0x9f: {  	[tilespmem:s28+$0x56C0] =	vst v2  }
0xa0: {  	v2 =	vld.idx.msk [tilespmem:v4+s20+$0x0], $0xffff  }
0xa1: {  	v3 =	vld [tilespmem:s30+$0x5690]  }
0xa2: {  	v56 =	vld.idx.msk [tilespmem:v5+s20+$0x0], $0xffff  }
0xa3: {  	v57 =	vld [tilespmem:s30+$0x9690];
	_ =	sdelay $0x1  }
0xa4: {  	v2 =	vmul.u32 $0x640, v2;
	_ =	sdelay $0x1  }
0xa5: {  	v2 =	vadd.s32 v56, v2  }
0xa6: {  	[tilespmem:s30+$0x5680] =	vst v2  }
0xa7: {  	v2 =	vld.idx.msk [tilespmem:v3+s20+$0x0], $0xffff  }
0xa8: {  	v3 =	vld [tilespmem:s30+$0x56A0]  }
0xa9: {  	v58 =	vld.idx.msk [tilespmem:v57+s20+$0x0], $0xffff  }
0xaa: {  	v59 =	vld [tilespmem:s30+$0x96A0];
	_ =	sdelay $0x1  }
0xab: {  	v2 =	vmul.u32 $0x640, v2;
	_ =	sdelay $0x1  }
0xac: {  	v2 =	vadd.s32 v58, v2  }
0xad: {  	[tilespmem:s30+$0x5690] =	vst v2  }
0xae: {  	v2 =	vld.idx.msk [tilespmem:v3+s20+$0x0], $0xffff  }
0xaf: {  	v3 =	vld [tilespmem:s30+$0x56B0]  }
0xb0: {  	v60 =	vld.idx.msk [tilespmem:v59+s20+$0x0], $0xffff  }
0xb1: {  	v61 =	vld [tilespmem:s30+$0x96B0];
	_ =	sdelay $0x1  }
0xb2: {  	v2 =	vmul.u32 $0x640, v2;
	_ =	sdelay $0x1  }
0xb3: {  	v2 =	vadd.s32 v60, v2  }
0xb4: {  	[tilespmem:s30+$0x56A0] =	vst v2  }
0xb5: {  	v2 =	vld.idx.msk [tilespmem:v3+s20+$0x0], $0xffff  }
0xb6: {  	v3 =	vld [tilespmem:s30+$0x56C0]  }
0xb7: {  	v62 =	vld.idx.msk [tilespmem:v61+s20+$0x0], $0xffff  }
0xb8: {  	v63 =	vld [tilespmem:s30+$0x96C0];
	_ =	sdelay $0x1  }
0xb9: {  	v2 =	vmul.u32 $0x640, v2;
	_ =	sdelay $0x1  }
0xba: {  	v2 =	vadd.s32 v62, v2  }
0xbb: {  	[tilespmem:s30+$0x56B0] =	vst v2  }
0xbc: {  	v2 =	vld.idx.msk [tilespmem:v3+s20+$0x0], $0xffff;
	_ =	sdelay $0x1  }
0xbd: {  	v3 =	vld.idx.msk [tilespmem:v63+s20+$0x0], $0xffff;
	_ =	sdelay $0x2  }
0xbe: {  	v2 =	vmul.u32 $0x640, v2;
	_ =	sdelay $0x1  }
0xbf: {  	v2 =	vadd.s32 v3, v2  }
0xc0: {  	[tilespmem:s30+$0x56C0] =	vst v2  }
0xc1: {  	[hbm4b:s9+s3] =	stream.linear.scatter [tilespmem:s24], [sflag:$0x1], $0x3E80, $0x38;
	[tilespmem:$0x13080] =	vst v63  }
0xc2: {  	_ =	swait.ge [sflag:s19], $0x3E80  }
0xc3: {  	[sflag:s19] =	ssyncset.done $0x0  }
0xc4: {  	[sflag:s19] =	ssyncadd.s32 $0xFFFFC180  }
0xc5: {  	[hbm4b:s10+s3] =	stream.linear.scatter [tilespmem:s21], [sflag:$0x1], $0x640, $0x38;
	[tilespmem:$0x13080] =	vst v63  }
0xc6: {  	_ =	swait.ge [sflag:s19], $0x640  }
0xc7: {  	[sflag:s19] =	ssyncset.done $0x0  }
0xc8: {  	s31 =	sshll.u32 s0, $0x6;
	[sflag:s19] =	ssyncadd.s32 $0xFFFFF9C0  }
0xc9: {  	s29 =	sshrl.u32 s12, $0x3;
	s28 =	sor.u32 $0x1C01, s31;
	[bflag:$0x0] =	sbarrier.arrive $0xFFFF  }
0xca: {  	[hbm:s14], [sflag:s28] =	dma.local [spmem:s29], $0x500  }
0xcb: {  	_ =	swait.ge [sflag:s19], $0x500  }
0xcc: {  	s26 =	sadd.s32 $0x1, s26;
	[sflag:s19] =	ssyncset.done $0x0  }
0xcd: {  	p2 =	sne.s32 s26, s11;
	s29 =	sshrl.u32 @!p0 s13, $0x3;
	[sflag:s19] =	ssyncadd.s32 $0xFFFFFB00  }
0xce: {  	[hbm:s15], [sflag:s28] =	dma.local @!p0 [spmem:s29], $0x500  }
.Ltmp5:
0xcf: {  	_ = 	snop;
	(pc) =	sbr.rel @p2 .LBB2_1-.Ltmp5, $4  }
0xd0: {  	s28 =	simm.s32 @!p0 $0x1  }
0xd1: {  	_ =	swait.ge @!p0 [sflag:s28], $0x500  }
0xd2: {  	[sflag:s28] =	ssyncset.done @!p0 $0x0  }
0xd3: {  	[sflag:s28] =	ssyncadd.s32 @!p0 $0xFFFFFB00  }
0xd4: {  	_ =	sfence.sel $0x180000  }
0xd5: {  	[bflag:$0x0] =	sbarrier.arrive $0xFFFF  }
0xd6: {  	p0 =	sne.s32 s0, $0x0;
	_ =	strace $0x90000050  }
0xd7: {  	s0 =	sadd.s32 @!p0 $0x100000, s1;
	[bflag:$0x2] =	sbarrier.arrive $0xFFFF  }
0xd8: {  	[sflag:s0] =	ssyncadd.tile.s32 @!p0 $0x1;
	_ =	shalt  }
.Lfunc_end2:
_tile_overlayer_lowered:
.L_overlay_start_2:
0xd9: {  	(tag) =	ssettag $0x2  }
0xda: {  	s0 =	rddreg [dreg:$0x0];
	s2 =	stileid.u32  }
0xdb: {  	s1 =	rddreg [dreg:$0x1];
	p0 =	sne.s32 s2, $0x0  }
0xdc: {  	s3 =	rddreg [dreg:$0x2];
	[bflag:$0x3] =	sbarrier.arrive $0xFFFF;
	s2 =	simm.s32 @!p0 $0x1C01  }
0xdd: {  	[timem:s3], [sflag:s2] =	dma.local @!p0 [hbm:s0], s1  }
0xde: {  	s0 =	simm.s32 @!p0 $0x1  }
0xdf: {  	_ =	swait.ge @!p0 [sflag:s0], s1  }
0xe0: {  	s1 =	ssub.s32 @!p0 $0x0, s1;
	[sflag:s0] =	ssyncset.done @!p0 $0x0  }
0xe1: {  	[sflag:s0] =	ssyncadd.s32 @!p0 s1  }
0xe2: {  	[bflag:$0x3] =	sbarrier.arrive $0xFFFF  }
0xe3: {  	_ =	shalt  }

// kernel: kernel.23.cloned.1.call-start
scs
__scs_entry_jumppad:
0x0: {  	(pc) =	sbr.rel $0x88, $3  }
0x1: {  	(tag) =	ssettag $0x0;
	lr =	simm.s32 $0x1  }
0x2: {  	[smem:$0x3F90] =	sst lr;
	_ =	strace $0xD0000000  }
0x3: {  	_ = 	snop  }
0x4: {  	_ = 	snop  }
0x5: {  	_ = 	snop  }
0x6: {  	_ = 	snop  }
0x7: {  	_ = 	snop  }
__scs_overlays_trampoline_lowered:
0x8: {  	[smem:$0x3F9F] =	sst s0  }
0x9: {  	[smem:$0x3FA0] =	sst s1  }
0xa: {  	[smem:$0x3FA1] =	sst s2  }
0xb: {  	[smem:$0x3FA2] =	sst s3  }
0xc: {  	[smem:$0x3FA3] =	sst s4  }
0xd: {  	[smem:$0x3FA4] =	sst s5  }
0xe: {  	[smem:$0x3FA5] =	sst s6  }
0xf: {  	[smem:$0x3FA6] =	sst s7  }
0x10: {  	[smem:$0x3FA7] =	sst s8  }
0x11: {  	[smem:$0x3FA8] =	sst s9;
	s0 =	simm.s32 @!p0 $0x0  }
0x12: {  	s1 =	sld [smem:$0x3F8E];
	s0 =	simm.s32 @p0 $0x1  }
0x13: {  	[smem:$0x3FA9] =	sst s0;
	s0 =	simm.s32 @!p1 $0x0  }
0x14: {  	s2 =	sld [smem:$0x3F8D];
	s0 =	simm.s32 @p1 $0x1  }
0x15: {  	[smem:$0x3FAA] =	sst s0;
	s0 =	simm.s32 @!p2 $0x0  }
0x16: {  	s3 =	sld [smem:$0x3FDB];
	s0 =	simm.s32 @p2 $0x1  }
0x17: {  	s4 =	simm.s32 $0x1BF5;
	[smem:$0x3FAC] =	sst s0  }
0x18: {  	s0 =	sld [smem:$0x3F8F];
	_ =	swait.ge [sflag:s4], $0x0  }
0x19: {  	s7 =	sld [smem:$0x3F90]  }
0x1a: {  	s8 =	sadd.s32 $0xFFFFE003, lr  }
0x1b: {  	s9 =	sadd.s32 $0xFFFFFEF7, lr;
	s5 =	simm.s32 $0xFFFFFFFF;
	p2 =	slt.u32 s8, $0xFFFFF086  }
0x1c: {  	p1 =	slt.u32 s9, $0xF7A;
	s5 =	simm.s32 @!p2 $0x0  }
0x1d: {  	s5 =	simm.s32 @p1 $0x1;
	p0 =	seq.s32 s7, s2  }
0x1e: {  	s7 =	smul.u32 @!p0 $0xF7A, s2;
	p2 =	seq.s32 @!p0 s5, $0x0  }
0x1f: {  	s9 =	smul.u32 $0xF7A, s1;
	s8 =	simm.s32 @!p0 $0x1BF5;
	p2 =	por !p2, p0  }
0x20: {  	[sflag:s8] =	ssyncset.s32 @!p0 $0xFFFFF086;
	s6 =	sadd.s32 @!p0 s3, s7;
	s7 =	simm.s32 @!p0 $0x108  }
0x21: {  	s3 =	sadd.s32 s3, s9;
	s6 =	sadd.s32 @!p0 $0x88, s6;
	s7 =	simm.s32 @p2 $0x1082  }
0x22: {  	[simem:s7], [sflag:s8] =	dma.local @!p0 [hbm:s6], $0xF7A  }
0x23: {  	s9 =	sor.u32 $0xD0000000, s2;
	s6 =	simm.s32 $0x108;
	_ =	swait.ge @!p0 [sflag:s8], $0x0  }
0x24: {  	s3 =	sadd.s32 $0x88, s3;
	s6 =	simm.s32 @!p1 $0x1082;
	[sflag:s4] =	ssyncset.s32 $0xFFFFF086  }
0x25: {  	[simem:s6], [sflag:s4] =	dma.local [hbm:s3], $0xF7A  }
0x26: {  	[smem:$0x3F90] =	sst s1;
	(tag) =	ssettag s2;
	_ =	strace s9  }
0x27: {  	s1 =	sld [smem:$0x3FA0]  }
0x28: {  	s2 =	sld [smem:$0x3FA1]  }
0x29: {  	s4 =	sld [smem:$0x3FA3]  }
0x2a: {  	p0 =	seq.s32 s5, $0x0;
	s5 =	sld [smem:$0x3FA4]  }
0x2b: {  	s6 =	sld [smem:$0x3FA5]  }
0x2c: {  	s7 =	sld [smem:$0x3FA6]  }
0x2d: {  	s3 =	simm.s32 $0x108;
	s8 =	sld [smem:$0x3FA7]  }
0x2e: {  	s3 =	simm.s32 @!p0 $0x1082;
	s9 =	sld [smem:$0x3FA8]  }
0x2f: {  	lr =	sadd.s32 s0, s3;
	s0 =	sld [smem:$0x3F9F]  }
0x30: {  	s3 =	sld [smem:$0x3FA2]  }
0x31: {  	[smem:$0x3FAB] =	sst s10  }
0x32: {  	s10 =	sld [smem:$0x3FA9];
	_ =	sdelay $0x3  }
0x33: {  	p0 =	seq.s32 s10, $0x1;
	s10 =	sld [smem:$0x3FAB];
	_ =	sdelay $0x3  }
0x34: {  	[smem:$0x3FAB] =	sst s10  }
0x35: {  	s10 =	sld [smem:$0x3FAA];
	_ =	sdelay $0x3  }
0x36: {  	p1 =	seq.s32 s10, $0x1;
	s10 =	sld [smem:$0x3FAB];
	_ =	sdelay $0x3  }
0x37: {  	[smem:$0x3FAB] =	sst s10  }
0x38: {  	s10 =	sld [smem:$0x3FAC]  }
0x39: {  	_ = 	snop;
	(pc) =	sbr.ind lr, $3  }
0x3a: {  	_ = 	snop  }
0x3b: {  	_ = 	snop  }
0x3c: {  	p2 =	seq.s32 s10, $0x1;
	s10 =	sld [smem:$0x3FAB]  }
0x3d: {  	_ =	shalt  }
0x3e: {  	_ =	shalt  }
0x3f: {  	_ =	shalt  }
0x40: {  	_ =	shalt  }
0x41: {  	_ =	shalt  }
0x42: {  	_ =	shalt  }
0x43: {  	_ =	shalt  }
0x44: {  	_ =	shalt  }
0x45: {  	_ =	shalt  }
0x46: {  	_ =	shalt  }
0x47: {  	_ =	shalt  }
0x48: {  	_ =	shalt  }
0x49: {  	_ =	shalt  }
0x4a: {  	_ =	shalt  }
0x4b: {  	_ =	shalt  }
0x4c: {  	_ =	shalt  }
0x4d: {  	_ =	shalt  }
0x4e: {  	_ =	shalt  }
0x4f: {  	_ =	shalt  }
0x50: {  	_ =	shalt  }
0x51: {  	_ =	shalt  }
0x52: {  	_ =	shalt  }
0x53: {  	_ =	shalt  }
0x54: {  	_ =	shalt  }
0x55: {  	_ =	shalt  }
0x56: {  	_ =	shalt  }
0x57: {  	_ =	shalt  }
0x58: {  	_ =	shalt  }
0x59: {  	_ =	shalt  }
0x5a: {  	_ =	shalt  }
0x5b: {  	_ =	shalt  }
0x5c: {  	_ =	shalt  }
0x5d: {  	_ =	shalt  }
0x5e: {  	_ =	shalt  }
0x5f: {  	_ =	shalt  }
0x60: {  	_ =	shalt  }
0x61: {  	_ =	shalt  }
0x62: {  	_ =	shalt  }
0x63: {  	_ =	shalt  }
0x64: {  	_ =	shalt  }
0x65: {  	_ =	shalt  }
0x66: {  	_ =	shalt  }
0x67: {  	_ =	shalt  }
0x68: {  	_ =	shalt  }
0x69: {  	_ =	shalt  }
0x6a: {  	_ =	shalt  }
0x6b: {  	_ =	shalt  }
0x6c: {  	_ =	shalt  }
0x6d: {  	_ =	shalt  }
0x6e: {  	_ =	shalt  }
0x6f: {  	_ =	shalt  }
0x70: {  	_ =	shalt  }
0x71: {  	_ =	shalt  }
0x72: {  	_ =	shalt  }
0x73: {  	_ =	shalt  }
0x74: {  	_ =	shalt  }
0x75: {  	_ =	shalt  }
0x76: {  	_ =	shalt  }
0x77: {  	_ =	shalt  }
0x78: {  	_ =	shalt  }
0x79: {  	_ =	shalt  }
0x7a: {  	_ =	shalt  }
0x7b: {  	_ =	shalt  }
0x7c: {  	_ =	shalt  }
0x7d: {  	_ =	shalt  }
0x7e: {  	_ =	shalt  }
0x7f: {  	_ =	shalt  }
0x80: {  	_ =	shalt  }
0x81: {  	_ =	shalt  }
0x82: {  	_ =	shalt  }
0x83: {  	_ =	shalt  }
0x84: {  	_ =	shalt  }
0x85: {  	_ =	shalt  }
0x86: {  	_ =	shalt  }
0x87: {  	_ =	shalt  }
.Lfunc_end0:
.L_simem_size_0:
called_computation.4_lowered:
.L_overlay_start_0:
0x88: {  	s2 =	sld [smem:$0x3FD9]  }
0x89: {  	s3 =	sld [smem:$0x3FFE];
	_ =	sdelay $0x1  }
0x8a: {  	s1 =	srdreg.scid  }
0x8b: {  	s0 =	sand.u32 $0x1, s1  }
0x8c: {  	s16 =	sshll.u32 s0, $0xA;
	s2 =	sadd.s32 s3, s2  }
0x8d: {  	s2 =	sadd.s32 s2, s16  }
0x8e: {  	[smem:$0x3FB7] =	sst s2  }
0x8f: {  	_ = 	snop  }
0x90: {  	(tm) =	ssettm $0x1  }
0x91: {  	s17 =	sld [smem:$0x3FFB];
	_ =	sdelay $0x3  }
0x92: {  	_ =	strace s17  }
0x93: {  	s2 =	sld [smem:$0x3FFC];
	_ =	sdelay $0x3  }
0x94: {  	_ =	strace s2  }
0x95: {  	s2 =	sld [smem:$0x3FFD];
	_ =	sdelay $0x3  }
0x96: {  	_ =	strace s2  }
0x97: {  	_ =	strace $0x8FFFFFFF  }
0x98: {  	s18 =	sld [smem:$0x3FDB];
	_ =	sdelay $0x1  }
0x99: {  	s19 =	simm.s32 $_scs_section_size  }
0x9a: {  	s4 =	simm.s32 $_size__tile_overlayer_lowered;
	s5 =	simm.s32 $_tile_overlayer_lowered  }
0x9b: {  	s22 =	simm.s32 $0x1BFF;
	s21 =	sshll.u32 s5, $0x1;
	s2 =	sadd.s32 s19, s18  }
0x9c: {  	s6 =	simm.s32 $0x0;
	s20 =	sshll.u32 s4, $0x1;
	s4 =	sadd.s32 s21, s2  }
0x9d: {  	[timem:s6], [sflag:s22] =	dma.local [hbm:s4], s20  }
0x9e: {  	_ =	swait.ge [sflag:s22], s20  }
0x9f: {  	s3 =	ssub.s32 $0x0, s20;
	[sflag:s22] =	ssyncset.done $0x0  }
0xa0: {  	[sflag:s22] =	ssyncadd.s32 s3;
	_ =	sdelay $0x1  }
0xa1: {  	s23 =	simm.s32 $0x1B8B  }
0xa2: {  	_ =	swait.ge [sflag:s23], $0x1  }
0xa3: {  	[sflag:s23] =	ssyncset.done $0x0  }
0xa4: {  	s25 =	simm.s32 $0x1B8E;
	s24 =	sld [smem:$0x3FFE];
	[sflag:s23] =	ssyncadd.s32 $0xFFFFFFFF  }
0xa5: {  	s26 =	simm.s32 $execute0_lowered;
	[smem:$0x3FD2] =	sst s25  }
0xa6: {  	s4 =	sshll.u32 s26, $0x1;
	_ =	strace $0x80000052;
	[dreg:$0x1] =	wrdreg $0xFFFFFFFF  }
0xa7: {  	s28 =	simm.s32 $_size_execute0_lowered;
	s2 =	sadd.s32 s2, s4;
	[dreg:$0x0] =	wrdreg $0x0  }
0xa8: {  	s4 =	sshll.u32 s28, $0x1;
	[dreg:$0x2] =	wrdreg s2  }
0xa9: {  	[dreg:$0x3] =	wrdreg s4  }
0xaa: {  	[dreg:$0x4] =	wrdreg $0xC0  }
0xab: {  	_ =	task [dreg:s6], $0x5FFFF  }
0xac: {  	[dreg:$0x1] =	wrdreg $0xFFFFFFFF  }
0xad: {  	[dreg:$0x0] =	wrdreg $0x60  }
0xae: {  	[dreg:$0x2] =	wrdreg s24  }
0xaf: {  	[dreg:$0x3] =	wrdreg $0x9  }
0xb0: {  	_ =	task.clear_ibuf [dreg:s6], $0x4FFFF;
	_ =	strace $0x90000052  }
0xb1: {  	s29 =	simm.s32 $0x9;
	_ =	strace $0x80000054  }
0xb2: {  	_ =	swait.ge [sflag:s29], $0x1  }
0xb3: {  	[sflag:s29] =	ssyncadd.s32 $0xFFFFFFFF  }
0xb4: {  	_ =	strace $0x90000054  }
0xb5: {  	_ =	sfence  }
0xb6: {  	s30 =	sld [smem:$0x0];
	_ =	sdelay $0x2  }
0xb7: {  	s31 =	sshll.u32 s1, $0xD;
	s1 =	sshrl.u32 s1, $0x2  }
0xb8: {  	s3 =	sand.u32 $0x4000, s31;
	s1 =	sadd.s32 s1, s30  }
0xb9: {  	s0 =	sor.u32 s3, s0;
	s1 =	sshll.u32 s1, $0x11  }
0xba: {  	s0 =	sor.u32 s1, s0  }
0xbb: {  	s0 =	sadd.s32 $0x8F2B, s0  }
0xbc: {  	[sflag:s0] =	ssyncadd.remote.s32 $0x1  }
0xbd: {  	_ =	sfence.sel $0xFFFF  }
0xbe: {  	[dreg:$0x0] =	wrdreg $0xFFFFFFFF;
	(pc) =	sbr.abs _section_cstart, $3  }
0xbf: {  	[dreg:$0x1] =	wrdreg $0xFFFFFFFF  }
0xc0: {  	_ =	task.clear_ibuf [dreg:s6], $0x2FFFF;
	_ =	strace $0x9FFFFFFF  }
0xc1: {  	(tm) =	ssettm $0x7FFFFFFF  }
tec
execute0_lowered:
.L_overlay_start_1:
0x0: {  	(tag) =	ssettag $0x1  }
0x1: {  	s1 =	srdreg.scid  }
0x2: {  	s0 =	stileid.u32;
	s4 =	rddreg [dreg:$0x0];
	s2 =	simm.s32 $0x0  }
0x3: {  	s7 =	simm.s32 $0x2780;
	s3 =	sand.u32 $0x1, s1;
	s31 =	sshll.u32 s0, $0x1  }
0x4: {  	s8 =	simm.s32 $0x4F00;
	s10 =	simm.s32 $0x3;
	s1 =	sor.u32 s3, s31  }
0x5: {  	[smem:$0x7FF] =	sst s2;
	s3 =	ssub.s32 $0x2, s3;
	s9 =	smul.u32 $0x13880, s1  }
0x6: {  	s11 =	simm.s32 $0x0;
	s1 =	rddreg [dreg:$0x1];
	s6 =	sshrl.u32 s3, $0x1  }
0x7: {  	_ =	strace $0x80000053;
	s6 =	ssub.s32 s3, s6;
	s5 =	sshrl.u32 s9, $0x3  }
0x8: {  	s3 =	sadd.s32 $0x4400, s4;
	v0 =	vmov s9;
	s9 =	simm.s32 $0x2;
	s5 =	sadd.s32 s5, s4  }
0x9: {  	v1 =	vimm.f32 $0.0e+00;
	v2 =	vimm.f32 $1.000000000e+00;
	s4 =	sadd.s32 $0xE200, s5;
	s5 =	smax.u32 s6, $0x1;
	s6 =	simm.s32 $0x1  }
.LBB2_1:
0xa: {  	s12 =	simm.s32 $0x40;
	s13 =	simm.s32 $0x0  }
.LBB2_2:
0xb: {  	p0 =	sne.s32 s12, $0x4E1C0;
	[tilespmem:s13+$0x4F00] =	vst v1;
	s13 =	smov.u32 s12;
	s12 =	sadd.s32 $0x40, s12  }
.Ltmp0:
0xc: {  	(pc) =	sbr.rel @p0 .LBB2_2-.Ltmp0, $2  }
0xd: {  	_ =	sdelay $0x2  }
0xe: {  	s13 =	sshra.s32 s13, $0x2  }
0xf: {  	[tilespmem:s13+$0x4F00] =	vst v1;
	s12 =	simm.s32 $0x0;
	s13 =	simm.s32 $0x0  }
0x10: {  	[tilespmem:s12], [sflag:$0x1] =	stream.linear.gather [hbm4b:s3+s12], $0x2710, $0x38;
	[tilespmem:$0x18780] =	vst v63  }
.LBB2_4:
0x11: {  	s14 =	smul.u32 $0x4E20, s13;
	_ =	sdelay $0x1  }
0x12: {  	_ =	swait.ge [sflag:s6], $0x2710;
	s15 =	sshrl.u32 s14, $0x3  }
0x13: {  	[sflag:s6] =	ssyncset.done $0x0;
	s15 =	sadd.s32 s3, s15  }
0x14: {  	[sflag:s6] =	ssyncadd.s32 $0xFFFFD8F0;
	s15 =	sadd.s32 $0x4E2, s15  }
0x15: {  	[tilespmem:s7], [sflag:$0x2] =	stream.linear.gather [hbm4b:s15+s12], $0x2710, $0x38;
	[tilespmem:$0x18780] =	vst v63  }
0x16: {  	s15 =	simm.s32 $0x0  }
.LBB2_5:
0x17: {  	s16 =	sshra.s32 s15, $0x2  }
0x18: {  	v3 =	vld [tilespmem:s16+$0x0];
	_ =	sdelay $0x4  }
0x19: {  	v3 =	vsub.s32 v3, v0  }
0x1a: {  	vm0 =	vgt.s32 v3, $0x0  }
0x1b: {  	vm1 =	vlt.u32 v3, $0x13880;
	v3 =	vnsel vm0, $0x0, v3  }
0x1c: {  	v3 =	vmin.u32 v3, $0x1387F;
	_ =	sdelay $0x4  }
0x1d: {  	[tilespmem:v3+s8+$0x0] =	vst.idx.add.f32.msk vm1, v2  }
0x1e: {  	v3 =	vld [tilespmem:s16+$0x10];
	_ =	sdelay $0x4  }
0x1f: {  	v3 =	vsub.s32 v3, v0  }
0x20: {  	vm8 =	vgt.s32 v3, $0x0  }
0x21: {  	vm9 =	vlt.u32 v3, $0x13880;
	v3 =	vnsel vm8, $0x0, v3  }
0x22: {  	v3 =	vmin.u32 v3, $0x1387F;
	_ =	sdelay $0x4  }
0x23: {  	[tilespmem:v3+s8+$0x0] =	vst.idx.add.f32.msk vm9, v2  }
0x24: {  	v3 =	vld [tilespmem:s16+$0x20];
	_ =	sdelay $0x4  }
0x25: {  	v3 =	vsub.s32 v3, v0  }
0x26: {  	vm10 =	vgt.s32 v3, $0x0  }
0x27: {  	vm11 =	vlt.u32 v3, $0x13880;
	v3 =	vnsel vm10, $0x0, v3  }
0x28: {  	v3 =	vmin.u32 v3, $0x1387F;
	_ =	sdelay $0x4  }
0x29: {  	[tilespmem:v3+s8+$0x0] =	vst.idx.add.f32.msk vm11, v2  }
0x2a: {  	v3 =	vld [tilespmem:s16+$0x30];
	_ =	sdelay $0x4  }
0x2b: {  	v3 =	vsub.s32 v3, v0  }
0x2c: {  	vm12 =	vgt.s32 v3, $0x0  }
0x2d: {  	vm13 =	vlt.u32 v3, $0x13880;
	v3 =	vnsel vm12, $0x0, v3  }
0x2e: {  	v3 =	vmin.u32 v3, $0x1387F;
	_ =	sdelay $0x4  }
0x2f: {  	[tilespmem:v3+s8+$0x0] =	vst.idx.add.f32.msk vm13, v2  }
0x30: {  	v3 =	vld [tilespmem:s16+$0x40];
	_ =	sdelay $0x4  }
0x31: {  	v3 =	vsub.s32 v3, v0  }
0x32: {  	vm14 =	vgt.s32 v3, $0x0  }
0x33: {  	vm15 =	vlt.u32 v3, $0x13880;
	v3 =	vnsel vm14, $0x0, v3  }
0x34: {  	p0 =	sne.s32 s15, $0x9B00;
	v3 =	vmin.u32 v3, $0x1387F  }
.Ltmp1:
0x35: {  	_ = 	snop;
	(pc) =	sbr.rel @p0 .LBB2_5-.Ltmp1, $2  }
0x36: {  	_ =	sdelay $0x2  }
0x37: {  	s15 =	sadd.s32 $0x140, s15;
	[tilespmem:v3+s8+$0x0] =	vst.idx.add.f32.msk vm15, v2  }
0x38: {  	p0 =	seq.s32 s13, $0xF  }
0x39: {  	_ =	swait.ge [sflag:s9], $0x2710;
	s14 =	sshrl.u32 @!p0 s14, $0x3  }
0x3a: {  	[sflag:s9] =	ssyncset.done $0x0;
	s14 =	sadd.s32 @!p0 s3, s14  }
0x3b: {  	s15 =	simm.s32 @!p0 $0x0;
	[sflag:s9] =	ssyncadd.s32 $0xFFFFD8F0;
	s14 =	sadd.s32 @!p0 $0x9C4, s14  }
0x3c: {  	[tilespmem:s15], [sflag:$0x1] =	stream.linear.gather @!p0 [hbm4b:s14+s15], $0x2710, $0x38;
	[tilespmem:$0x18780] =	vst v63  }
0x3d: {  	s14 =	simm.s32 $0x0  }
.LBB2_7:
0x3e: {  	s15 =	sshra.s32 s14, $0x2  }
0x3f: {  	v3 =	vld [tilespmem:s15+$0x2780];
	_ =	sdelay $0x4  }
0x40: {  	v3 =	vsub.s32 v3, v0  }
0x41: {  	vm0 =	vgt.s32 v3, $0x0  }
0x42: {  	vm1 =	vlt.u32 v3, $0x13880;
	v3 =	vnsel vm0, $0x0, v3  }
0x43: {  	v3 =	vmin.u32 v3, $0x1387F;
	_ =	sdelay $0x4  }
0x44: {  	[tilespmem:v3+s8+$0x0] =	vst.idx.add.f32.msk vm1, v2  }
0x45: {  	v3 =	vld [tilespmem:s15+$0x2790];
	_ =	sdelay $0x4  }
0x46: {  	v3 =	vsub.s32 v3, v0  }
0x47: {  	vm8 =	vgt.s32 v3, $0x0  }
0x48: {  	vm9 =	vlt.u32 v3, $0x13880;
	v3 =	vnsel vm8, $0x0, v3  }
0x49: {  	v3 =	vmin.u32 v3, $0x1387F;
	_ =	sdelay $0x4  }
0x4a: {  	[tilespmem:v3+s8+$0x0] =	vst.idx.add.f32.msk vm9, v2  }
0x4b: {  	v3 =	vld [tilespmem:s15+$0x27A0];
	_ =	sdelay $0x4  }
0x4c: {  	v3 =	vsub.s32 v3, v0  }
0x4d: {  	vm10 =	vgt.s32 v3, $0x0  }
0x4e: {  	vm11 =	vlt.u32 v3, $0x13880;
	v3 =	vnsel vm10, $0x0, v3  }
0x4f: {  	v3 =	vmin.u32 v3, $0x1387F;
	_ =	sdelay $0x4  }
0x50: {  	[tilespmem:v3+s8+$0x0] =	vst.idx.add.f32.msk vm11, v2  }
0x51: {  	v3 =	vld [tilespmem:s15+$0x27B0];
	_ =	sdelay $0x4  }
0x52: {  	v3 =	vsub.s32 v3, v0  }
0x53: {  	vm12 =	vgt.s32 v3, $0x0  }
0x54: {  	vm13 =	vlt.u32 v3, $0x13880;
	v3 =	vnsel vm12, $0x0, v3  }
0x55: {  	v3 =	vmin.u32 v3, $0x1387F;
	_ =	sdelay $0x4  }
0x56: {  	[tilespmem:v3+s8+$0x0] =	vst.idx.add.f32.msk vm13, v2  }
0x57: {  	v3 =	vld [tilespmem:s15+$0x27C0];
	_ =	sdelay $0x4  }
0x58: {  	v3 =	vsub.s32 v3, v0  }
0x59: {  	vm14 =	vgt.s32 v3, $0x0  }
0x5a: {  	vm15 =	vlt.u32 v3, $0x13880;
	v3 =	vnsel vm14, $0x0, v3  }
0x5b: {  	p0 =	sne.s32 s14, $0x9B00;
	v3 =	vmin.u32 v3, $0x1387F  }
.Ltmp2:
0x5c: {  	_ = 	snop;
	(pc) =	sbr.rel @p0 .LBB2_7-.Ltmp2, $2  }
0x5d: {  	_ =	sdelay $0x2  }
0x5e: {  	s14 =	sadd.s32 $0x140, s14;
	[tilespmem:v3+s8+$0x0] =	vst.idx.add.f32.msk vm15, v2  }
0x5f: {  	s13 =	sadd.s32 $0x1, s13  }
0x60: {  	p0 =	sne.s32 s13, $0x10  }
.Ltmp3:
0x61: {  	_ = 	snop;
	(pc) =	sbr.rel @p0 .LBB2_4-.Ltmp3, $1  }
0x62: {  	_ =	sdelay $0x3  }
0x63: {  	s11 =	sadd.s32 $0x1, s11  }
0x64: {  	p0 =	sne.s32 s11, s5  }
.Ltmp4:
0x65: {  	_ = 	snop;
	(pc) =	sbr.rel @p0 .LBB2_1-.Ltmp4, $4  }
0x66: {  	[hbm4b:s4+s2] =	stream.linear.scatter [tilespmem:s8], [sflag:$0x3], $0x13880, $0x38;
	[tilespmem:$0x18780] =	vst v63  }
0x67: {  	_ =	swait.ge [sflag:s10], $0x13880  }
0x68: {  	[sflag:s10] =	ssyncset.done $0x0  }
0x69: {  	[sflag:s10] =	ssyncadd.s32 $0xFFFEC780  }
0x6a: {  	_ =	sfence.sel $0x180000  }
0x6b: {  	[bflag:$0x0] =	sbarrier.arrive $0xFFFF  }
0x6c: {  	p0 =	sne.s32 s0, $0x0;
	_ =	strace $0x90000053  }
0x6d: {  	s0 =	sadd.s32 @!p0 $0x100000, s1;
	[bflag:$0x2] =	sbarrier.arrive $0xFFFF  }
0x6e: {  	[sflag:s0] =	ssyncadd.tile.s32 @!p0 $0x1;
	_ =	shalt  }
.Lfunc_end2:
_tile_overlayer_lowered:
.L_overlay_start_2:
0x6f: {  	(tag) =	ssettag $0x2  }
0x70: {  	s0 =	rddreg [dreg:$0x0];
	s2 =	stileid.u32  }
0x71: {  	s1 =	rddreg [dreg:$0x1];
	p0 =	sne.s32 s2, $0x0  }
0x72: {  	s3 =	rddreg [dreg:$0x2];
	[bflag:$0x3] =	sbarrier.arrive $0xFFFF;
	s2 =	simm.s32 @!p0 $0x1C03  }
0x73: {  	[timem:s3], [sflag:s2] =	dma.local @!p0 [hbm:s0], s1  }
0x74: {  	s0 =	simm.s32 @!p0 $0x3  }
0x75: {  	_ =	swait.ge @!p0 [sflag:s0], s1  }
0x76: {  	s1 =	ssub.s32 @!p0 $0x0, s1;
	[sflag:s0] =	ssyncset.done @!p0 $0x0  }
0x77: {  	[sflag:s0] =	ssyncadd.s32 @!p0 s1  }
0x78: {  	[bflag:$0x3] =	sbarrier.arrive $0xFFFF  }
0x79: {  	_ =	shalt  }

</sc_bundles>
